<compile_context>
chip_gen: v7x
topology: tpu7x:2x2x1
jax: 0.10.2.dev20260603
libtpu: 0.0.44.dev20260713+nightly
codegen_flags: <defaults>
</compile_context>

<pallas_src>
import functools

import jax
import jax.numpy as jnp
from jax import lax
from jax.experimental import pallas as pl
from jax.experimental.pallas import tpu as pltpu
from jax.experimental.pallas import tpu_sc as plsc

_N_TAGS = 64
_NUM_WORKERS = 32
_LANE = 128
_P = 2
_BW = 1024
_TILE = 8 * _LANE


@functools.lru_cache(maxsize=None)
def _make_gather(nb: int, nt: int):
    n_btiles = nb // _LANE
    n_gtiles = _N_TAGS // 8
    n_chunks = nt // _P
    assert n_btiles == _NUM_WORKERS and n_chunks % 2 == 0
    mesh = plsc.VectorSubcoreMesh(core_axis_name="c", subcore_axis_name="s")

    @functools.partial(
        pl.kernel,
        out_type=jax.ShapeDtypeStruct((nt, n_gtiles, n_btiles, _TILE),
                                      jnp.float32),
        mesh=mesh,
        scratch_types=[
            pltpu.VMEM((nt, _LANE), jnp.int32),
            pltpu.VMEM((2, _P, _LANE, _N_TAGS), jnp.float32),
            pltpu.VMEM((2, _P, _N_TAGS * _LANE), jnp.float32),
            pltpu.SemaphoreType.DMA,
            pltpu.SemaphoreType.DMA,
            pltpu.SemaphoreType.DMA,
            pltpu.SemaphoreType.DMA,
        ],
        compiler_params=pltpu.CompilerParams(use_tc_tiling_on_sc=False,
                                             needs_layout_passes=False),
    )
    def gather(table_hbm, idx_hbm, out_hbm, idx_v, rows_v, y_v, g0, g1, s0, s1):
        gsem = (g0, g1)
        ssem = (s0, s1)
        wid = lax.axis_index("s") * 2 + lax.axis_index("c")
        pltpu.sync_copy(
            idx_hbm.at[:, pl.ds(pl.multiple_of(wid * _LANE, _LANE), _LANE)],
            idx_v,
        )
        iota = lax.iota(jnp.int32, 16)
        rvecs = [iota + 16 * bb for bb in range(8)]

        def fire_gather(g, p):
            for tl in range(_P):
                pltpu.async_copy(
                    table_hbm.at[idx_v.at[g * _P + tl]],
                    rows_v.at[p, tl],
                    gsem[p],
                )

        def wait_gather(p):
            for tl in range(_P):
                pltpu.make_async_copy(
                    table_hbm.at[pl.ds(0, _LANE)], rows_v.at[p, tl], gsem[p]
                ).wait()

        def transpose_chunk(p):
            @plsc.parallel_loop(0, _N_TAGS, unroll=4)
            def body(ns):
                cvec = lax.broadcast(ns, (16,))
                for tl in range(_P):
                    for bb in range(8):
                        vals = plsc.load_gather(
                            rows_v.at[p, tl], [rvecs[bb], cvec]
                        )
                        y_v[p, tl, pl.ds(ns * _LANE + 16 * bb, 16)] = vals

        def fire_store(g, p):
            for tl in range(_P):
                for ng in range(n_gtiles):
                    pltpu.async_copy(
                        y_v.at[p, tl].at[pl.ds(ng * _TILE, _TILE)],
                        out_hbm.at[g * _P + tl, ng, wid],
                        ssem[p],
                    )

        def wait_store(p):
            for tl in range(_P):
                for ng in range(n_gtiles):
                    pltpu.make_async_copy(
                        y_v.at[p, tl].at[pl.ds(ng * _TILE, _TILE)],
                        out_hbm.at[0, 0, 0],
                        ssem[p],
                    ).wait()

        fire_gather(0, 0)

        def outer(i, carry):
            for b in range(2):
                g = i * 2 + b
                p = b
                q = 1 - b

                @pl.when(g + 1 < n_chunks)
                def _():
                    fire_gather(g + 1, q)

                wait_gather(p)

                @pl.when(g >= 2)
                def _():
                    wait_store(p)

                transpose_chunk(p)
                fire_store(g, p)
            return carry

        lax.fori_loop(0, n_chunks // 2, outer, 0)
        wait_store(0)
        wait_store(1)

    return gather


def _tpose_body(x_ref, o_ref):
    t = x_ref[...].T
    o_ref[...] = jnp.concatenate([t, t], axis=1)


def _pack_table(emits):
    n_tags, n_words = emits.shape
    grid = pl.cdiv(n_words, _BW)
    return pl.pallas_call(
        _tpose_body,
        grid=(grid,),
        in_specs=[pl.BlockSpec((n_tags, _BW), lambda i: (0, i))],
        out_specs=pl.BlockSpec((_BW, 2 * n_tags), lambda i: (i, 0)),
        out_shape=jax.ShapeDtypeStruct((n_words, 2 * n_tags), jnp.float32),
    )(emits)


def kernel(words, emits):
    nb, nt = words.shape
    n_tags = emits.shape[0]
    table = _pack_table(emits).reshape(-1, n_tags)
    idx_t = (words * 2).T
    out5 = _make_gather(nb, nt)(table, idx_t)
    out = (
        out5.reshape(nt, n_tags // 8, nb // _LANE, 8, _LANE)
        .transpose(2, 4, 0, 1, 3)
        .reshape(nb, nt, n_tags)
    )
    return out

# --- scband reference (transcript-rebuilt; emitter-appended) ---
"""Pipeline reference for scband-tagger-88923002896448 (READ-ONLY COPY).

The authoritative reference and input builder live on the scoring server;
editing this copy changes nothing except your own understanding.
"""

import jax, jax.numpy as jnp
import numpy as np

N_TAGS = 64
N_WORDS = 100000
BATCH = 4096
SEQ_LEN = 200


def setup_inputs(seed: int = 0) -> dict:
    key = jax.random.key(seed)
    k_words, k_emits = jax.random.split(key)
    words = jax.random.randint(k_words, (BATCH, SEQ_LEN), 0, N_WORDS, dtype=jnp.int32)
    # learned parameter: emission table [n_tags, n_words]
    emits = jax.random.uniform(k_emits, (N_TAGS, N_WORDS), dtype=jnp.float32, minval=0.01, maxval=1.0)
    return {"words": words, "emits": emits}


def reference(words, emits):
    # Original torch forward:
    #   x = emits.unsqueeze(0).repeat(B,1,1).gather(-1, words.unsqueeze(1).repeat(1, n_tags, 1))
    #   return x.transpose(1, 2)
    # Mathematically: out[b, t, n] = emits[n, words[b, t]]
    x = jnp.take(emits, words, axis=1)          # [n_tags, B, T]
    return jnp.transpose(x, (1, 2, 0))           # [B, T, n_tags]

if __name__ == "__main__":
    import jax
    _d = setup_inputs()
    print(jax.jit(kernel)(*tuple(_d.values())))

</pallas_src>

<mosaic_0001>
#map = affine_map<(d0, d1) -> (0, 0)>
#map1 = affine_map<(d0, d1) -> (0, 0, 0, 0)>
module attributes {stable_mosaic.version = 14 : i64} {
  func.func @gather(%arg0: i32, %arg1: i32, %arg2: memref<200000x64xf32, #tpu.memory_space<hbm>>, %arg3: memref<200x4096xi32, #tpu.memory_space<hbm>>, %arg4: memref<200x8x32x1024xf32, #tpu.memory_space<hbm>>, %arg5: memref<200x128xi32, #tpu.memory_space<vmem>>, %arg6: memref<2x2x128x64xf32, #tpu.memory_space<vmem>>, %arg7: memref<2x2x8192xf32, #tpu.memory_space<vmem>>, %arg8: memref<!tpu.dma_semaphore, #tpu.memory_space<semaphore_mem>>, %arg9: memref<!tpu.dma_semaphore, #tpu.memory_space<semaphore_mem>>, %arg10: memref<!tpu.dma_semaphore, #tpu.memory_space<semaphore_mem>>, %arg11: memref<!tpu.dma_semaphore, #tpu.memory_space<semaphore_mem>>) attributes {dimension_semantics = [#tpu.dimension_semantics<core_parallel>, #tpu.dimension_semantics<subcore_parallel>], iteration_bounds = array<i64: 2, 16>, scalar_prefetch = 0 : i64, scratch_operands = 7 : i64, tpu.core_type = #tpu.core_type<sc_vector_subcore>, window_params = [{transform_indices = #map}, {transform_indices = #map}, {transform_indices = #map1}]} {
    %mul3A = arith.constant 2 : i32
    %mul3A_0 = arith.muli %arg1, %mul3A : i32
    %add3A = arith.addi %mul3A_0, %arg0 : i32
    %mul3A_1 = arith.constant 128 : i32
    %mul3A_2 = arith.muli %add3A, %mul3A_1 : i32
    %multiple_of3A = tpu.assume_multiple %mul3A_2, 128 : i32
    "tpu.region"() ({
      %run_scoped3A = tpu.sem_alloc : memref<!tpu.dma_semaphore, #tpu.memory_space<semaphore_mem>>
      %dma_start3A_728 = arith.constant 0 : i32
      %dma_start3A_729 = tpu.memref_slice %arg3[%dma_start3A_728, %multiple_of3A] : memref<200x4096xi32, #tpu.memory_space<hbm>> -> memref<200x128xi32, #tpu.memory_space<hbm>>
      %dma_start3A_730 = arith.constant 0 : i32
      %dma_start3A_731 = tpu.memref_slice %arg3[%dma_start3A_730, %multiple_of3A] : memref<200x4096xi32, #tpu.memory_space<hbm>> -> memref<200x128xi32, #tpu.memory_space<hbm>>
      tpu.enqueue_dma source(%dma_start3A_731 : memref<200x128xi32, #tpu.memory_space<hbm>>) target(%arg5 : memref<200x128xi32, #tpu.memory_space<vmem>>) target_semaphore(%run_scoped3A : memref<!tpu.dma_semaphore, #tpu.memory_space<semaphore_mem>>)
      %dma_wait3A_732 = arith.constant 0 : i32
      %dma_wait3A_733 = tpu.memref_slice %arg3[%dma_wait3A_732, %multiple_of3A] : memref<200x4096xi32, #tpu.memory_space<hbm>> -> memref<200x128xi32, #tpu.memory_space<hbm>>
      %dma_wait3A_734 = arith.constant 0 : i32
      %dma_wait3A_735 = tpu.memref_slice %arg3[%dma_wait3A_734, %multiple_of3A] : memref<200x4096xi32, #tpu.memory_space<hbm>> -> memref<200x128xi32, #tpu.memory_space<hbm>>
      tpu.wait_dma2 semaphore(%run_scoped3A : memref<!tpu.dma_semaphore, #tpu.memory_space<semaphore_mem>>) src(%dma_wait3A_735 : memref<200x128xi32, #tpu.memory_space<hbm>>) dst(%arg5 : memref<200x128xi32, #tpu.memory_space<vmem>>)
      tpu.yield
    }) : () -> ()
    %iota3A = tpu.iota {dimensions = array<i32: 0>} : vector<16xi32>
    %add3A_3 = arith.constant 0 : i32
    %add3A_4 = vector.broadcast %add3A_3 : i32 to vector<16xi32>
    %add3A_5 = arith.addi %iota3A, %add3A_4 : vector<16xi32>
    %add3A_6 = arith.constant 16 : i32
    %add3A_7 = vector.broadcast %add3A_6 : i32 to vector<16xi32>
    %add3A_8 = arith.addi %iota3A, %add3A_7 : vector<16xi32>
    %add3A_9 = arith.constant 32 : i32
    %add3A_10 = vector.broadcast %add3A_9 : i32 to vector<16xi32>
    %add3A_11 = arith.addi %iota3A, %add3A_10 : vector<16xi32>
    %add3A_12 = arith.constant 48 : i32
    %add3A_13 = vector.broadcast %add3A_12 : i32 to vector<16xi32>
    %add3A_14 = arith.addi %iota3A, %add3A_13 : vector<16xi32>
    %add3A_15 = arith.constant 64 : i32
    %add3A_16 = vector.broadcast %add3A_15 : i32 to vector<16xi32>
    %add3A_17 = arith.addi %iota3A, %add3A_16 : vector<16xi32>
    %add3A_18 = arith.constant 80 : i32
    %add3A_19 = vector.broadcast %add3A_18 : i32 to vector<16xi32>
    %add3A_20 = arith.addi %iota3A, %add3A_19 : vector<16xi32>
    %add3A_21 = arith.constant 96 : i32
    %add3A_22 = vector.broadcast %add3A_21 : i32 to vector<16xi32>
    %add3A_23 = arith.addi %iota3A, %add3A_22 : vector<16xi32>
    %add3A_24 = arith.constant 112 : i32
    %add3A_25 = vector.broadcast %add3A_24 : i32 to vector<16xi32>
    %add3A_26 = arith.addi %iota3A, %add3A_25 : vector<16xi32>
    %dma_start3A = arith.constant 0 : i32
    %dma_start3A_27 = arith.constant 0 : i32
    %dma_start3A_28 = arith.constant 0 : i32
    %dma_start3A_29 = arith.constant 0 : i32
    %dma_start3A_30 = arith.constant 0 : i32
    %dma_start3A_31 = tpu.memref_slice %arg6[%dma_start3A_27, %dma_start3A_28, %dma_start3A_29, %dma_start3A_30] : memref<2x2x128x64xf32, #tpu.memory_space<vmem>> -> memref<1x1x128x64xf32, #tpu.memory_space<vmem>>
    %dma_start3A_32 = tpu.memref_squeeze %dma_start3A_31 : memref<1x1x128x64xf32, #tpu.memory_space<vmem>> -> memref<128x64xf32, #tpu.memory_space<vmem>>
    %dma_start3A_33 = arith.constant 0 : i32
    %dma_start3A_34 = tpu.memref_slice %arg5[%dma_start3A, %dma_start3A_33] : memref<200x128xi32, #tpu.memory_space<vmem>> -> memref<1x128xi32, #tpu.memory_space<vmem>>
    %dma_start3A_35 = tpu.memref_squeeze %dma_start3A_34 : memref<1x128xi32, #tpu.memory_space<vmem>> -> memref<128xi32, #tpu.memory_space<vmem>>
    %dma_start3A_36 = arith.constant 0 : i32
    %dma_start3A_37 = arith.constant 0 : i32
    %dma_start3A_38 = tpu.memref_slice %arg2[%dma_start3A_36, %dma_start3A_37] : memref<200000x64xf32, #tpu.memory_space<hbm>> -> memref<200000x64xf32, #tpu.memory_space<hbm>>
    tpu.enqueue_indirect_dma source(%dma_start3A_38 : memref<200000x64xf32, #tpu.memory_space<hbm>>) target(%dma_start3A_32 : memref<128x64xf32, #tpu.memory_space<vmem>>) offsets(%dma_start3A_35 : memref<128xi32, #tpu.memory_space<vmem>>) semaphore(%arg8 : memref<!tpu.dma_semaphore, #tpu.memory_space<semaphore_mem>>)
    %dma_start3A_39 = arith.constant 1 : i32
    %dma_start3A_40 = arith.constant 0 : i32
    %dma_start3A_41 = arith.constant 1 : i32
    %dma_start3A_42 = arith.constant 0 : i32
    %dma_start3A_43 = arith.constant 0 : i32
    %dma_start3A_44 = tpu.memref_slice %arg6[%dma_start3A_40, %dma_start3A_41, %dma_start3A_42, %dma_start3A_43] : memref<2x2x128x64xf32, #tpu.memory_space<vmem>> -> memref<1x1x128x64xf32, #tpu.memory_space<vmem>>
    %dma_start3A_45 = tpu.memref_squeeze %dma_start3A_44 : memref<1x1x128x64xf32, #tpu.memory_space<vmem>> -> memref<128x64xf32, #tpu.memory_space<vmem>>
    %dma_start3A_46 = arith.constant 0 : i32
    %dma_start3A_47 = tpu.memref_slice %arg5[%dma_start3A_39, %dma_start3A_46] : memref<200x128xi32, #tpu.memory_space<vmem>> -> memref<1x128xi32, #tpu.memory_space<vmem>>
    %dma_start3A_48 = tpu.memref_squeeze %dma_start3A_47 : memref<1x128xi32, #tpu.memory_space<vmem>> -> memref<128xi32, #tpu.memory_space<vmem>>
    %dma_start3A_49 = arith.constant 0 : i32
    %dma_start3A_50 = arith.constant 0 : i32
    %dma_start3A_51 = tpu.memref_slice %arg2[%dma_start3A_49, %dma_start3A_50] : memref<200000x64xf32, #tpu.memory_space<hbm>> -> memref<200000x64xf32, #tpu.memory_space<hbm>>
    tpu.enqueue_indirect_dma source(%dma_start3A_51 : memref<200000x64xf32, #tpu.memory_space<hbm>>) target(%dma_start3A_45 : memref<128x64xf32, #tpu.memory_space<vmem>>) offsets(%dma_start3A_48 : memref<128xi32, #tpu.memory_space<vmem>>) semaphore(%arg8 : memref<!tpu.dma_semaphore, #tpu.memory_space<semaphore_mem>>)
    %scan3A = arith.constant 0 : i32
    %scan3A_52 = arith.constant 0 : i32
    %scan3A_53 = arith.constant 50 : i32
    %scan3A_54 = arith.addi %scan3A_52, %scan3A_53 : i32
    %scan3A_55 = arith.constant 1 : i32
    scf.for %scan3A_728 = %scan3A_52 to %scan3A_54 step %scan3A_55  : i32 {
      %mul3A_729 = arith.constant 2 : i32
      %mul3A_730 = arith.muli %scan3A_728, %mul3A_729 : i32
      %add3A_731 = arith.constant 0 : i32
      %add3A_732 = arith.addi %mul3A_730, %add3A_731 : i32
      %add3A_733 = arith.constant 1 : i32
      %add3A_734 = arith.addi %add3A_732, %add3A_733 : i32
      %lt3A = arith.constant 100 : i32
      %lt3A_735 = arith.cmpi slt, %add3A_734, %lt3A : i32
      %convert_element_type3A = arith.extui %lt3A_735 : i1 to i32
      %cond3A = arith.constant 0 : i32
      %cond3A_736 = arith.cmpi ne, %convert_element_type3A, %cond3A : i32
      scf.if %cond3A_736 {
        %add3A_1562 = arith.constant 1 : i32
        %add3A_1563 = arith.addi %add3A_732, %add3A_1562 : i32
        %mul3A_1564 = arith.constant 2 : i32
        %mul3A_1565 = arith.muli %add3A_1563, %mul3A_1564 : i32
        %add3A_1566 = arith.constant 0 : i32
        %add3A_1567 = arith.addi %mul3A_1565, %add3A_1566 : i32
        %dma_start3A_1568 = arith.constant 1 : i32
        %dma_start3A_1569 = arith.constant 0 : i32
        %dma_start3A_1570 = arith.constant 0 : i32
        %dma_start3A_1571 = arith.constant 0 : i32
        %dma_start3A_1572 = tpu.memref_slice %arg6[%dma_start3A_1568, %dma_start3A_1569, %dma_start3A_1570, %dma_start3A_1571] : memref<2x2x128x64xf32, #tpu.memory_space<vmem>> -> memref<1x1x128x64xf32, #tpu.memory_space<vmem>>
        %dma_start3A_1573 = tpu.memref_squeeze %dma_start3A_1572 : memref<1x1x128x64xf32, #tpu.memory_space<vmem>> -> memref<128x64xf32, #tpu.memory_space<vmem>>
        %dma_start3A_1574 = arith.constant 0 : i32
        %dma_start3A_1575 = tpu.memref_slice %arg5[%add3A_1567, %dma_start3A_1574] : memref<200x128xi32, #tpu.memory_space<vmem>> -> memref<1x128xi32, #tpu.memory_space<vmem>>
        %dma_start3A_1576 = tpu.memref_squeeze %dma_start3A_1575 : memref<1x128xi32, #tpu.memory_space<vmem>> -> memref<128xi32, #tpu.memory_space<vmem>>
        %dma_start3A_1577 = arith.constant 0 : i32
        %dma_start3A_1578 = arith.constant 0 : i32
        %dma_start3A_1579 = tpu.memref_slice %arg2[%dma_start3A_1577, %dma_start3A_1578] : memref<200000x64xf32, #tpu.memory_space<hbm>> -> memref<200000x64xf32, #tpu.memory_space<hbm>>
        tpu.enqueue_indirect_dma source(%dma_start3A_1579 : memref<200000x64xf32, #tpu.memory_space<hbm>>) target(%dma_start3A_1573 : memref<128x64xf32, #tpu.memory_space<vmem>>) offsets(%dma_start3A_1576 : memref<128xi32, #tpu.memory_space<vmem>>) semaphore(%arg9 : memref<!tpu.dma_semaphore, #tpu.memory_space<semaphore_mem>>)
        %mul3A_1580 = arith.constant 2 : i32
        %mul3A_1581 = arith.muli %add3A_1563, %mul3A_1580 : i32
        %add3A_1582 = arith.constant 1 : i32
        %add3A_1583 = arith.addi %mul3A_1581, %add3A_1582 : i32
        %dma_start3A_1584 = arith.constant 1 : i32
        %dma_start3A_1585 = arith.constant 1 : i32
        %dma_start3A_1586 = arith.constant 0 : i32
        %dma_start3A_1587 = arith.constant 0 : i32
        %dma_start3A_1588 = tpu.memref_slice %arg6[%dma_start3A_1584, %dma_start3A_1585, %dma_start3A_1586, %dma_start3A_1587] : memref<2x2x128x64xf32, #tpu.memory_space<vmem>> -> memref<1x1x128x64xf32, #tpu.memory_space<vmem>>
        %dma_start3A_1589 = tpu.memref_squeeze %dma_start3A_1588 : memref<1x1x128x64xf32, #tpu.memory_space<vmem>> -> memref<128x64xf32, #tpu.memory_space<vmem>>
        %dma_start3A_1590 = arith.constant 0 : i32
        %dma_start3A_1591 = tpu.memref_slice %arg5[%add3A_1583, %dma_start3A_1590] : memref<200x128xi32, #tpu.memory_space<vmem>> -> memref<1x128xi32, #tpu.memory_space<vmem>>
        %dma_start3A_1592 = tpu.memref_squeeze %dma_start3A_1591 : memref<1x128xi32, #tpu.memory_space<vmem>> -> memref<128xi32, #tpu.memory_space<vmem>>
        %dma_start3A_1593 = arith.constant 0 : i32
        %dma_start3A_1594 = arith.constant 0 : i32
        %dma_start3A_1595 = tpu.memref_slice %arg2[%dma_start3A_1593, %dma_start3A_1594] : memref<200000x64xf32, #tpu.memory_space<hbm>> -> memref<200000x64xf32, #tpu.memory_space<hbm>>
        tpu.enqueue_indirect_dma source(%dma_start3A_1595 : memref<200000x64xf32, #tpu.memory_space<hbm>>) target(%dma_start3A_1589 : memref<128x64xf32, #tpu.memory_space<vmem>>) offsets(%dma_start3A_1592 : memref<128xi32, #tpu.memory_space<vmem>>) semaphore(%arg9 : memref<!tpu.dma_semaphore, #tpu.memory_space<semaphore_mem>>)
      } else {
      }
      %dma_wait3A_737 = arith.constant 0 : i32
      %dma_wait3A_738 = arith.constant 0 : i32
      %dma_wait3A_739 = arith.constant 0 : i32
      %dma_wait3A_740 = arith.constant 0 : i32
      %dma_wait3A_741 = tpu.memref_slice %arg6[%dma_wait3A_737, %dma_wait3A_738, %dma_wait3A_739, %dma_wait3A_740] : memref<2x2x128x64xf32, #tpu.memory_space<vmem>> -> memref<1x1x128x64xf32, #tpu.memory_space<vmem>>
      %dma_wait3A_742 = tpu.memref_squeeze %dma_wait3A_741 : memref<1x1x128x64xf32, #tpu.memory_space<vmem>> -> memref<128x64xf32, #tpu.memory_space<vmem>>
      %dma_wait3A_743 = arith.constant 0 : i32
      %dma_wait3A_744 = arith.constant 0 : i32
      %dma_wait3A_745 = tpu.memref_slice %arg2[%dma_wait3A_743, %dma_wait3A_744] : memref<200000x64xf32, #tpu.memory_space<hbm>> -> memref<128x64xf32, #tpu.memory_space<hbm>>
      %dma_wait3A_746 = arith.constant 0 : i32
      %dma_wait3A_747 = arith.constant 0 : i32
      %dma_wait3A_748 = tpu.memref_slice %arg6[%dma_wait3A_737, %dma_wait3A_738, %dma_wait3A_746, %dma_wait3A_747] : memref<2x2x128x64xf32, #tpu.memory_space<vmem>> -> memref<1x1x128x64xf32, #tpu.memory_space<vmem>>
      %dma_wait3A_749 = tpu.memref_squeeze %dma_wait3A_748 : memref<1x1x128x64xf32, #tpu.memory_space<vmem>> -> memref<128x64xf32, #tpu.memory_space<vmem>>
      %dma_wait3A_750 = arith.constant 0 : i32
      %dma_wait3A_751 = arith.constant 0 : i32
      %dma_wait3A_752 = tpu.memref_slice %arg2[%dma_wait3A_750, %dma_wait3A_751] : memref<200000x64xf32, #tpu.memory_space<hbm>> -> memref<128x64xf32, #tpu.memory_space<hbm>>
      tpu.wait_dma2 semaphore(%arg8 : memref<!tpu.dma_semaphore, #tpu.memory_space<semaphore_mem>>) src(%dma_wait3A_752 : memref<128x64xf32, #tpu.memory_space<hbm>>) dst(%dma_wait3A_749 : memref<128x64xf32, #tpu.memory_space<vmem>>)
      %dma_wait3A_753 = arith.constant 0 : i32
      %dma_wait3A_754 = arith.constant 1 : i32
      %dma_wait3A_755 = arith.constant 0 : i32
      %dma_wait3A_756 = arith.constant 0 : i32
      %dma_wait3A_757 = tpu.memref_slice %arg6[%dma_wait3A_753, %dma_wait3A_754, %dma_wait3A_755, %dma_wait3A_756] : memref<2x2x128x64xf32, #tpu.memory_space<vmem>> -> memref<1x1x128x64xf32, #tpu.memory_space<vmem>>
      %dma_wait3A_758 = tpu.memref_squeeze %dma_wait3A_757 : memref<1x1x128x64xf32, #tpu.memory_space<vmem>> -> memref<128x64xf32, #tpu.memory_space<vmem>>
      %dma_wait3A_759 = arith.constant 0 : i32
      %dma_wait3A_760 = arith.constant 0 : i32
      %dma_wait3A_761 = tpu.memref_slice %arg2[%dma_wait3A_759, %dma_wait3A_760] : memref<200000x64xf32, #tpu.memory_space<hbm>> -> memref<128x64xf32, #tpu.memory_space<hbm>>
      %dma_wait3A_762 = arith.constant 0 : i32
      %dma_wait3A_763 = arith.constant 0 : i32
      %dma_wait3A_764 = tpu.memref_slice %arg6[%dma_wait3A_753, %dma_wait3A_754, %dma_wait3A_762, %dma_wait3A_763] : memref<2x2x128x64xf32, #tpu.memory_space<vmem>> -> memref<1x1x128x64xf32, #tpu.memory_space<vmem>>
      %dma_wait3A_765 = tpu.memref_squeeze %dma_wait3A_764 : memref<1x1x128x64xf32, #tpu.memory_space<vmem>> -> memref<128x64xf32, #tpu.memory_space<vmem>>
      %dma_wait3A_766 = arith.constant 0 : i32
      %dma_wait3A_767 = arith.constant 0 : i32
      %dma_wait3A_768 = tpu.memref_slice %arg2[%dma_wait3A_766, %dma_wait3A_767] : memref<200000x64xf32, #tpu.memory_space<hbm>> -> memref<128x64xf32, #tpu.memory_space<hbm>>
      tpu.wait_dma2 semaphore(%arg8 : memref<!tpu.dma_semaphore, #tpu.memory_space<semaphore_mem>>) src(%dma_wait3A_768 : memref<128x64xf32, #tpu.memory_space<hbm>>) dst(%dma_wait3A_765 : memref<128x64xf32, #tpu.memory_space<vmem>>)
      %ge3A = arith.constant 2 : i32
      %ge3A_769 = arith.cmpi sge, %add3A_732, %ge3A : i32
      %convert_element_type3A_770 = arith.extui %ge3A_769 : i1 to i32
      %cond3A_771 = arith.constant 0 : i32
      %cond3A_772 = arith.cmpi ne, %convert_element_type3A_770, %cond3A_771 : i32
      scf.if %cond3A_772 {
        %dma_wait3A_1562 = arith.constant 0 : i32
        %dma_wait3A_1563 = arith.constant 0 : i32
        %dma_wait3A_1564 = arith.constant 0 : i32
        %dma_wait3A_1565 = arith.constant 0 : i32
        %dma_wait3A_1566 = arith.constant 0 : i32
        %dma_wait3A_1567 = arith.constant 0 : i32
        %dma_wait3A_1568 = tpu.memref_slice %arg7[%dma_wait3A_1562, %dma_wait3A_1563, %dma_wait3A_1567] : memref<2x2x8192xf32, #tpu.memory_space<vmem>> -> memref<1x1x8192xf32, #tpu.memory_space<vmem>>
        %dma_wait3A_1569 = tpu.memref_squeeze %dma_wait3A_1568 : memref<1x1x8192xf32, #tpu.memory_space<vmem>> -> memref<8192xf32, #tpu.memory_space<vmem>>
        %dma_wait3A_1570 = arith.constant 0 : i32
        %dma_wait3A_1571 = tpu.memref_slice %dma_wait3A_1569[%dma_wait3A_1570] : memref<8192xf32, #tpu.memory_space<vmem>> -> memref<1024xf32, #tpu.memory_space<vmem>>
        %dma_wait3A_1572 = arith.constant 0 : i32
        %dma_wait3A_1573 = tpu.memref_slice %arg4[%dma_wait3A_1564, %dma_wait3A_1565, %dma_wait3A_1566, %dma_wait3A_1572] : memref<200x8x32x1024xf32, #tpu.memory_space<hbm>> -> memref<1x1x1x1024xf32, #tpu.memory_space<hbm>>
        %dma_wait3A_1574 = tpu.memref_squeeze %dma_wait3A_1573 : memref<1x1x1x1024xf32, #tpu.memory_space<hbm>> -> memref<1024xf32, #tpu.memory_space<hbm>>
        %dma_wait3A_1575 = arith.constant 0 : i32
        %dma_wait3A_1576 = tpu.memref_slice %arg4[%dma_wait3A_1564, %dma_wait3A_1565, %dma_wait3A_1566, %dma_wait3A_1575] : memref<200x8x32x1024xf32, #tpu.memory_space<hbm>> -> memref<1x1x1x1024xf32, #tpu.memory_space<hbm>>
        %dma_wait3A_1577 = tpu.memref_squeeze %dma_wait3A_1576 : memref<1x1x1x1024xf32, #tpu.memory_space<hbm>> -> memref<1024xf32, #tpu.memory_space<hbm>>
        %dma_wait3A_1578 = arith.constant 0 : i32
        %dma_wait3A_1579 = tpu.memref_slice %arg7[%dma_wait3A_1562, %dma_wait3A_1563, %dma_wait3A_1578] : memref<2x2x8192xf32, #tpu.memory_space<vmem>> -> memref<1x1x8192xf32, #tpu.memory_space<vmem>>
        %dma_wait3A_1580 = tpu.memref_squeeze %dma_wait3A_1579 : memref<1x1x8192xf32, #tpu.memory_space<vmem>> -> memref<8192xf32, #tpu.memory_space<vmem>>
        %dma_wait3A_1581 = arith.constant 0 : i32
        %dma_wait3A_1582 = tpu.memref_slice %dma_wait3A_1580[%dma_wait3A_1581] : memref<8192xf32, #tpu.memory_space<vmem>> -> memref<1024xf32, #tpu.memory_space<vmem>>
        tpu.wait_dma2 semaphore(%arg10 : memref<!tpu.dma_semaphore, #tpu.memory_space<semaphore_mem>>) src(%dma_wait3A_1582 : memref<1024xf32, #tpu.memory_space<vmem>>) dst(%dma_wait3A_1577 : memref<1024xf32, #tpu.memory_space<hbm>>)
        %dma_wait3A_1583 = arith.constant 0 : i32
        %dma_wait3A_1584 = arith.constant 0 : i32
        %dma_wait3A_1585 = arith.constant 0 : i32
        %dma_wait3A_1586 = arith.constant 0 : i32
        %dma_wait3A_1587 = arith.constant 0 : i32
        %dma_wait3A_1588 = arith.constant 0 : i32
        %dma_wait3A_1589 = tpu.memref_slice %arg7[%dma_wait3A_1583, %dma_wait3A_1584, %dma_wait3A_1588] : memref<2x2x8192xf32, #tpu.memory_space<vmem>> -> memref<1x1x8192xf32, #tpu.memory_space<vmem>>
        %dma_wait3A_1590 = tpu.memref_squeeze %dma_wait3A_1589 : memref<1x1x8192xf32, #tpu.memory_space<vmem>> -> memref<8192xf32, #tpu.memory_space<vmem>>
        %dma_wait3A_1591 = arith.constant 1024 : i32
        %dma_wait3A_1592 = tpu.memref_slice %dma_wait3A_1590[%dma_wait3A_1591] : memref<8192xf32, #tpu.memory_space<vmem>> -> memref<1024xf32, #tpu.memory_space<vmem>>
        %dma_wait3A_1593 = arith.constant 0 : i32
        %dma_wait3A_1594 = tpu.memref_slice %arg4[%dma_wait3A_1585, %dma_wait3A_1586, %dma_wait3A_1587, %dma_wait3A_1593] : memref<200x8x32x1024xf32, #tpu.memory_space<hbm>> -> memref<1x1x1x1024xf32, #tpu.memory_space<hbm>>
        %dma_wait3A_1595 = tpu.memref_squeeze %dma_wait3A_1594 : memref<1x1x1x1024xf32, #tpu.memory_space<hbm>> -> memref<1024xf32, #tpu.memory_space<hbm>>
        %dma_wait3A_1596 = arith.constant 0 : i32
        %dma_wait3A_1597 = tpu.memref_slice %arg4[%dma_wait3A_1585, %dma_wait3A_1586, %dma_wait3A_1587, %dma_wait3A_1596] : memref<200x8x32x1024xf32, #tpu.memory_space<hbm>> -> memref<1x1x1x1024xf32, #tpu.memory_space<hbm>>
        %dma_wait3A_1598 = tpu.memref_squeeze %dma_wait3A_1597 : memref<1x1x1x1024xf32, #tpu.memory_space<hbm>> -> memref<1024xf32, #tpu.memory_space<hbm>>
        %dma_wait3A_1599 = arith.constant 0 : i32
        %dma_wait3A_1600 = tpu.memref_slice %arg7[%dma_wait3A_1583, %dma_wait3A_1584, %dma_wait3A_1599] : memref<2x2x8192xf32, #tpu.memory_space<vmem>> -> memref<1x1x8192xf32, #tpu.memory_space<vmem>>
        %dma_wait3A_1601 = tpu.memref_squeeze %dma_wait3A_1600 : memref<1x1x8192xf32, #tpu.memory_space<vmem>> -> memref<8192xf32, #tpu.memory_space<vmem>>
        %dma_wait3A_1602 = arith.constant 1024 : i32
        %dma_wait3A_1603 = tpu.memref_slice %dma_wait3A_1601[%dma_wait3A_1602] : memref<8192xf32, #tpu.memory_space<vmem>> -> memref<1024xf32, #tpu.memory_space<vmem>>
        tpu.wait_dma2 semaphore(%arg10 : memref<!tpu.dma_semaphore, #tpu.memory_space<semaphore_mem>>) src(%dma_wait3A_1603 : memref<1024xf32, #tpu.memory_space<vmem>>) dst(%dma_wait3A_1598 : memref<1024xf32, #tpu.memory_space<hbm>>)
        %dma_wait3A_1604 = arith.constant 0 : i32
        %dma_wait3A_1605 = arith.constant 0 : i32
        %dma_wait3A_1606 = arith.constant 0 : i32
        %dma_wait3A_1607 = arith.constant 0 : i32
        %dma_wait3A_1608 = arith.constant 0 : i32
        %dma_wait3A_1609 = arith.constant 0 : i32
        %dma_wait3A_1610 = tpu.memref_slice %arg7[%dma_wait3A_1604, %dma_wait3A_1605, %dma_wait3A_1609] : memref<2x2x8192xf32, #tpu.memory_space<vmem>> -> memref<1x1x8192xf32, #tpu.memory_space<vmem>>
        %dma_wait3A_1611 = tpu.memref_squeeze %dma_wait3A_1610 : memref<1x1x8192xf32, #tpu.memory_space<vmem>> -> memref<8192xf32, #tpu.memory_space<vmem>>
        %dma_wait3A_1612 = arith.constant 2048 : i32
        %dma_wait3A_1613 = tpu.memref_slice %dma_wait3A_1611[%dma_wait3A_1612] : memref<8192xf32, #tpu.memory_space<vmem>> -> memref<1024xf32, #tpu.memory_space<vmem>>
        %dma_wait3A_1614 = arith.constant 0 : i32
        %dma_wait3A_1615 = tpu.memref_slice %arg4[%dma_wait3A_1606, %dma_wait3A_1607, %dma_wait3A_1608, %dma_wait3A_1614] : memref<200x8x32x1024xf32, #tpu.memory_space<hbm>> -> memref<1x1x1x1024xf32, #tpu.memory_space<hbm>>
        %dma_wait3A_1616 = tpu.memref_squeeze %dma_wait3A_1615 : memref<1x1x1x1024xf32, #tpu.memory_space<hbm>> -> memref<1024xf32, #tpu.memory_space<hbm>>
        %dma_wait3A_1617 = arith.constant 0 : i32
        %dma_wait3A_1618 = tpu.memref_slice %arg4[%dma_wait3A_1606, %dma_wait3A_1607, %dma_wait3A_1608, %dma_wait3A_1617] : memref<200x8x32x1024xf32, #tpu.memory_space<hbm>> -> memref<1x1x1x1024xf32, #tpu.memory_space<hbm>>
        %dma_wait3A_1619 = tpu.memref_squeeze %dma_wait3A_1618 : memref<1x1x1x1024xf32, #tpu.memory_space<hbm>> -> memref<1024xf32, #tpu.memory_space<hbm>>
        %dma_wait3A_1620 = arith.constant 0 : i32
        %dma_wait3A_1621 = tpu.memref_slice %arg7[%dma_wait3A_1604, %dma_wait3A_1605, %dma_wait3A_1620] : memref<2x2x8192xf32, #tpu.memory_space<vmem>> -> memref<1x1x8192xf32, #tpu.memory_space<vmem>>
        %dma_wait3A_1622 = tpu.memref_squeeze %dma_wait3A_1621 : memref<1x1x8192xf32, #tpu.memory_space<vmem>> -> memref<8192xf32, #tpu.memory_space<vmem>>
        %dma_wait3A_1623 = arith.constant 2048 : i32
        %dma_wait3A_1624 = tpu.memref_slice %dma_wait3A_1622[%dma_wait3A_1623] : memref<8192xf32, #tpu.memory_space<vmem>> -> memref<1024xf32, #tpu.memory_space<vmem>>
        tpu.wait_dma2 semaphore(%arg10 : memref<!tpu.dma_semaphore, #tpu.memory_space<semaphore_mem>>) src(%dma_wait3A_1624 : memref<1024xf32, #tpu.memory_space<vmem>>) dst(%dma_wait3A_1619 : memref<1024xf32, #tpu.memory_space<hbm>>)
        %dma_wait3A_1625 = arith.constant 0 : i32
        %dma_wait3A_1626 = arith.constant 0 : i32
        %dma_wait3A_1627 = arith.constant 0 : i32
        %dma_wait3A_1628 = arith.constant 0 : i32
        %dma_wait3A_1629 = arith.constant 0 : i32
        %dma_wait3A_1630 = arith.constant 0 : i32
        %dma_wait3A_1631 = tpu.memref_slice %arg7[%dma_wait3A_1625, %dma_wait3A_1626, %dma_wait3A_1630] : memref<2x2x8192xf32, #tpu.memory_space<vmem>> -> memref<1x1x8192xf32, #tpu.memory_space<vmem>>
        %dma_wait3A_1632 = tpu.memref_squeeze %dma_wait3A_1631 : memref<1x1x8192xf32, #tpu.memory_space<vmem>> -> memref<8192xf32, #tpu.memory_space<vmem>>
        %dma_wait3A_1633 = arith.constant 3072 : i32
        %dma_wait3A_1634 = tpu.memref_slice %dma_wait3A_1632[%dma_wait3A_1633] : memref<8192xf32, #tpu.memory_space<vmem>> -> memref<1024xf32, #tpu.memory_space<vmem>>
        %dma_wait3A_1635 = arith.constant 0 : i32
        %dma_wait3A_1636 = tpu.memref_slice %arg4[%dma_wait3A_1627, %dma_wait3A_1628, %dma_wait3A_1629, %dma_wait3A_1635] : memref<200x8x32x1024xf32, #tpu.memory_space<hbm>> -> memref<1x1x1x1024xf32, #tpu.memory_space<hbm>>
        %dma_wait3A_1637 = tpu.memref_squeeze %dma_wait3A_1636 : memref<1x1x1x1024xf32, #tpu.memory_space<hbm>> -> memref<1024xf32, #tpu.memory_space<hbm>>
        %dma_wait3A_1638 = arith.constant 0 : i32
        %dma_wait3A_1639 = tpu.memref_slice %arg4[%dma_wait3A_1627, %dma_wait3A_1628, %dma_wait3A_1629, %dma_wait3A_1638] : memref<200x8x32x1024xf32, #tpu.memory_space<hbm>> -> memref<1x1x1x1024xf32, #tpu.memory_space<hbm>>
        %dma_wait3A_1640 = tpu.memref_squeeze %dma_wait3A_1639 : memref<1x1x1x1024xf32, #tpu.memory_space<hbm>> -> memref<1024xf32, #tpu.memory_space<hbm>>
        %dma_wait3A_1641 = arith.constant 0 : i32
        %dma_wait3A_1642 = tpu.memref_slice %arg7[%dma_wait3A_1625, %dma_wait3A_1626, %dma_wait3A_1641] : memref<2x2x8192xf32, #tpu.memory_space<vmem>> -> memref<1x1x8192xf32, #tpu.memory_space<vmem>>
        %dma_wait3A_1643 = tpu.memref_squeeze %dma_wait3A_1642 : memref<1x1x8192xf32, #tpu.memory_space<vmem>> -> memref<8192xf32, #tpu.memory_space<vmem>>
        %dma_wait3A_1644 = arith.constant 3072 : i32
        %dma_wait3A_1645 = tpu.memref_slice %dma_wait3A_1643[%dma_wait3A_1644] : memref<8192xf32, #tpu.memory_space<vmem>> -> memref<1024xf32, #tpu.memory_space<vmem>>
        tpu.wait_dma2 semaphore(%arg10 : memref<!tpu.dma_semaphore, #tpu.memory_space<semaphore_mem>>) src(%dma_wait3A_1645 : memref<1024xf32, #tpu.memory_space<vmem>>) dst(%dma_wait3A_1640 : memref<1024xf32, #tpu.memory_space<hbm>>)
        %dma_wait3A_1646 = arith.constant 0 : i32
        %dma_wait3A_1647 = arith.constant 0 : i32
        %dma_wait3A_1648 = arith.constant 0 : i32
        %dma_wait3A_1649 = arith.constant 0 : i32
        %dma_wait3A_1650 = arith.constant 0 : i32
        %dma_wait3A_1651 = arith.constant 0 : i32
        %dma_wait3A_1652 = tpu.memref_slice %arg7[%dma_wait3A_1646, %dma_wait3A_1647, %dma_wait3A_1651] : memref<2x2x8192xf32, #tpu.memory_space<vmem>> -> memref<1x1x8192xf32, #tpu.memory_space<vmem>>
        %dma_wait3A_1653 = tpu.memref_squeeze %dma_wait3A_1652 : memref<1x1x8192xf32, #tpu.memory_space<vmem>> -> memref<8192xf32, #tpu.memory_space<vmem>>
        %dma_wait3A_1654 = arith.constant 4096 : i32
        %dma_wait3A_1655 = tpu.memref_slice %dma_wait3A_1653[%dma_wait3A_1654] : memref<8192xf32, #tpu.memory_space<vmem>> -> memref<1024xf32, #tpu.memory_space<vmem>>
        %dma_wait3A_1656 = arith.constant 0 : i32
        %dma_wait3A_1657 = tpu.memref_slice %arg4[%dma_wait3A_1648, %dma_wait3A_1649, %dma_wait3A_1650, %dma_wait3A_1656] : memref<200x8x32x1024xf32, #tpu.memory_space<hbm>> -> memref<1x1x1x1024xf32, #tpu.memory_space<hbm>>
        %dma_wait3A_1658 = tpu.memref_squeeze %dma_wait3A_1657 : memref<1x1x1x1024xf32, #tpu.memory_space<hbm>> -> memref<1024xf32, #tpu.memory_space<hbm>>
        %dma_wait3A_1659 = arith.constant 0 : i32
        %dma_wait3A_1660 = tpu.memref_slice %arg4[%dma_wait3A_1648, %dma_wait3A_1649, %dma_wait3A_1650, %dma_wait3A_1659] : memref<200x8x32x1024xf32, #tpu.memory_space<hbm>> -> memref<1x1x1x1024xf32, #tpu.memory_space<hbm>>
        %dma_wait3A_1661 = tpu.memref_squeeze %dma_wait3A_1660 : memref<1x1x1x1024xf32, #tpu.memory_space<hbm>> -> memref<1024xf32, #tpu.memory_space<hbm>>
        %dma_wait3A_1662 = arith.constant 0 : i32
        %dma_wait3A_1663 = tpu.memref_slice %arg7[%dma_wait3A_1646, %dma_wait3A_1647, %dma_wait3A_1662] : memref<2x2x8192xf32, #tpu.memory_space<vmem>> -> memref<1x1x8192xf32, #tpu.memory_space<vmem>>
        %dma_wait3A_1664 = tpu.memref_squeeze %dma_wait3A_1663 : memref<1x1x8192xf32, #tpu.memory_space<vmem>> -> memref<8192xf32, #tpu.memory_space<vmem>>
        %dma_wait3A_1665 = arith.constant 4096 : i32
        %dma_wait3A_1666 = tpu.memref_slice %dma_wait3A_1664[%dma_wait3A_1665] : memref<8192xf32, #tpu.memory_space<vmem>> -> memref<1024xf32, #tpu.memory_space<vmem>>
        tpu.wait_dma2 semaphore(%arg10 : memref<!tpu.dma_semaphore, #tpu.memory_space<semaphore_mem>>) src(%dma_wait3A_1666 : memref<1024xf32, #tpu.memory_space<vmem>>) dst(%dma_wait3A_1661 : memref<1024xf32, #tpu.memory_space<hbm>>)
        %dma_wait3A_1667 = arith.constant 0 : i32
        %dma_wait3A_1668 = arith.constant 0 : i32
        %dma_wait3A_1669 = arith.constant 0 : i32
        %dma_wait3A_1670 = arith.constant 0 : i32
        %dma_wait3A_1671 = arith.constant 0 : i32
        %dma_wait3A_1672 = arith.constant 0 : i32
        %dma_wait3A_1673 = tpu.memref_slice %arg7[%dma_wait3A_1667, %dma_wait3A_1668, %dma_wait3A_1672] : memref<2x2x8192xf32, #tpu.memory_space<vmem>> -> memref<1x1x8192xf32, #tpu.memory_space<vmem>>
        %dma_wait3A_1674 = tpu.memref_squeeze %dma_wait3A_1673 : memref<1x1x8192xf32, #tpu.memory_space<vmem>> -> memref<8192xf32, #tpu.memory_space<vmem>>
        %dma_wait3A_1675 = arith.constant 5120 : i32
        %dma_wait3A_1676 = tpu.memref_slice %dma_wait3A_1674[%dma_wait3A_1675] : memref<8192xf32, #tpu.memory_space<vmem>> -> memref<1024xf32, #tpu.memory_space<vmem>>
        %dma_wait3A_1677 = arith.constant 0 : i32
        %dma_wait3A_1678 = tpu.memref_slice %arg4[%dma_wait3A_1669, %dma_wait3A_1670, %dma_wait3A_1671, %dma_wait3A_1677] : memref<200x8x32x1024xf32, #tpu.memory_space<hbm>> -> memref<1x1x1x1024xf32, #tpu.memory_space<hbm>>
        %dma_wait3A_1679 = tpu.memref_squeeze %dma_wait3A_1678 : memref<1x1x1x1024xf32, #tpu.memory_space<hbm>> -> memref<1024xf32, #tpu.memory_space<hbm>>
        %dma_wait3A_1680 = arith.constant 0 : i32
        %dma_wait3A_1681 = tpu.memref_slice %arg4[%dma_wait3A_1669, %dma_wait3A_1670, %dma_wait3A_1671, %dma_wait3A_1680] : memref<200x8x32x1024xf32, #tpu.memory_space<hbm>> -> memref<1x1x1x1024xf32, #tpu.memory_space<hbm>>
        %dma_wait3A_1682 = tpu.memref_squeeze %dma_wait3A_1681 : memref<1x1x1x1024xf32, #tpu.memory_space<hbm>> -> memref<1024xf32, #tpu.memory_space<hbm>>
        %dma_wait3A_1683 = arith.constant 0 : i32
        %dma_wait3A_1684 = tpu.memref_slice %arg7[%dma_wait3A_1667, %dma_wait3A_1668, %dma_wait3A_1683] : memref<2x2x8192xf32, #tpu.memory_space<vmem>> -> memref<1x1x8192xf32, #tpu.memory_space<vmem>>
        %dma_wait3A_1685 = tpu.memref_squeeze %dma_wait3A_1684 : memref<1x1x8192xf32, #tpu.memory_space<vmem>> -> memref<8192xf32, #tpu.memory_space<vmem>>
        %dma_wait3A_1686 = arith.constant 5120 : i32
        %dma_wait3A_1687 = tpu.memref_slice %dma_wait3A_1685[%dma_wait3A_1686] : memref<8192xf32, #tpu.memory_space<vmem>> -> memref<1024xf32, #tpu.memory_space<vmem>>
        tpu.wait_dma2 semaphore(%arg10 : memref<!tpu.dma_semaphore, #tpu.memory_space<semaphore_mem>>) src(%dma_wait3A_1687 : memref<1024xf32, #tpu.memory_space<vmem>>) dst(%dma_wait3A_1682 : memref<1024xf32, #tpu.memory_space<hbm>>)
        %dma_wait3A_1688 = arith.constant 0 : i32
        %dma_wait3A_1689 = arith.constant 0 : i32
        %dma_wait3A_1690 = arith.constant 0 : i32
        %dma_wait3A_1691 = arith.constant 0 : i32
        %dma_wait3A_1692 = arith.constant 0 : i32
        %dma_wait3A_1693 = arith.constant 0 : i32
        %dma_wait3A_1694 = tpu.memref_slice %arg7[%dma_wait3A_1688, %dma_wait3A_1689, %dma_wait3A_1693] : memref<2x2x8192xf32, #tpu.memory_space<vmem>> -> memref<1x1x8192xf32, #tpu.memory_space<vmem>>
        %dma_wait3A_1695 = tpu.memref_squeeze %dma_wait3A_1694 : memref<1x1x8192xf32, #tpu.memory_space<vmem>> -> memref<8192xf32, #tpu.memory_space<vmem>>
        %dma_wait3A_1696 = arith.constant 6144 : i32
        %dma_wait3A_1697 = tpu.memref_slice %dma_wait3A_1695[%dma_wait3A_1696] : memref<8192xf32, #tpu.memory_space<vmem>> -> memref<1024xf32, #tpu.memory_space<vmem>>
        %dma_wait3A_1698 = arith.constant 0 : i32
        %dma_wait3A_1699 = tpu.memref_slice %arg4[%dma_wait3A_1690, %dma_wait3A_1691, %dma_wait3A_1692, %dma_wait3A_1698] : memref<200x8x32x1024xf32, #tpu.memory_space<hbm>> -> memref<1x1x1x1024xf32, #tpu.memory_space<hbm>>
        %dma_wait3A_1700 = tpu.memref_squeeze %dma_wait3A_1699 : memref<1x1x1x1024xf32, #tpu.memory_space<hbm>> -> memref<1024xf32, #tpu.memory_space<hbm>>
        %dma_wait3A_1701 = arith.constant 0 : i32
        %dma_wait3A_1702 = tpu.memref_slice %arg4[%dma_wait3A_1690, %dma_wait3A_1691, %dma_wait3A_1692, %dma_wait3A_1701] : memref<200x8x32x1024xf32, #tpu.memory_space<hbm>> -> memref<1x1x1x1024xf32, #tpu.memory_space<hbm>>
        %dma_wait3A_1703 = tpu.memref_squeeze %dma_wait3A_1702 : memref<1x1x1x1024xf32, #tpu.memory_space<hbm>> -> memref<1024xf32, #tpu.memory_space<hbm>>
        %dma_wait3A_1704 = arith.constant 0 : i32
        %dma_wait3A_1705 = tpu.memref_slice %arg7[%dma_wait3A_1688, %dma_wait3A_1689, %dma_wait3A_1704] : memref<2x2x8192xf32, #tpu.memory_space<vmem>> -> memref<1x1x8192xf32, #tpu.memory_space<vmem>>
        %dma_wait3A_1706 = tpu.memref_squeeze %dma_wait3A_1705 : memref<1x1x8192xf32, #tpu.memory_space<vmem>> -> memref<8192xf32, #tpu.memory_space<vmem>>
        %dma_wait3A_1707 = arith.constant 6144 : i32
        %dma_wait3A_1708 = tpu.memref_slice %dma_wait3A_1706[%dma_wait3A_1707] : memref<8192xf32, #tpu.memory_space<vmem>> -> memref<1024xf32, #tpu.memory_space<vmem>>
        tpu.wait_dma2 semaphore(%arg10 : memref<!tpu.dma_semaphore, #tpu.memory_space<semaphore_mem>>) src(%dma_wait3A_1708 : memref<1024xf32, #tpu.memory_space<vmem>>) dst(%dma_wait3A_1703 : memref<1024xf32, #tpu.memory_space<hbm>>)
        %dma_wait3A_1709 = arith.constant 0 : i32
        %dma_wait3A_1710 = arith.constant 0 : i32
        %dma_wait3A_1711 = arith.constant 0 : i32
        %dma_wait3A_1712 = arith.constant 0 : i32
        %dma_wait3A_1713 = arith.constant 0 : i32
        %dma_wait3A_1714 = arith.constant 0 : i32
        %dma_wait3A_1715 = tpu.memref_slice %arg7[%dma_wait3A_1709, %dma_wait3A_1710, %dma_wait3A_1714] : memref<2x2x8192xf32, #tpu.memory_space<vmem>> -> memref<1x1x8192xf32, #tpu.memory_space<vmem>>
        %dma_wait3A_1716 = tpu.memref_squeeze %dma_wait3A_1715 : memref<1x1x8192xf32, #tpu.memory_space<vmem>> -> memref<8192xf32, #tpu.memory_space<vmem>>
        %dma_wait3A_1717 = arith.constant 7168 : i32
        %dma_wait3A_1718 = tpu.memref_slice %dma_wait3A_1716[%dma_wait3A_1717] : memref<8192xf32, #tpu.memory_space<vmem>> -> memref<1024xf32, #tpu.memory_space<vmem>>
        %dma_wait3A_1719 = arith.constant 0 : i32
        %dma_wait3A_1720 = tpu.memref_slice %arg4[%dma_wait3A_1711, %dma_wait3A_1712, %dma_wait3A_1713, %dma_wait3A_1719] : memref<200x8x32x1024xf32, #tpu.memory_space<hbm>> -> memref<1x1x1x1024xf32, #tpu.memory_space<hbm>>
        %dma_wait3A_1721 = tpu.memref_squeeze %dma_wait3A_1720 : memref<1x1x1x1024xf32, #tpu.memory_space<hbm>> -> memref<1024xf32, #tpu.memory_space<hbm>>
        %dma_wait3A_1722 = arith.constant 0 : i32
        %dma_wait3A_1723 = tpu.memref_slice %arg4[%dma_wait3A_1711, %dma_wait3A_1712, %dma_wait3A_1713, %dma_wait3A_1722] : memref<200x8x32x1024xf32, #tpu.memory_space<hbm>> -> memref<1x1x1x1024xf32, #tpu.memory_space<hbm>>
        %dma_wait3A_1724 = tpu.memref_squeeze %dma_wait3A_1723 : memref<1x1x1x1024xf32, #tpu.memory_space<hbm>> -> memref<1024xf32, #tpu.memory_space<hbm>>
        %dma_wait3A_1725 = arith.constant 0 : i32
        %dma_wait3A_1726 = tpu.memref_slice %arg7[%dma_wait3A_1709, %dma_wait3A_1710, %dma_wait3A_1725] : memref<2x2x8192xf32, #tpu.memory_space<vmem>> -> memref<1x1x8192xf32, #tpu.memory_space<vmem>>
        %dma_wait3A_1727 = tpu.memref_squeeze %dma_wait3A_1726 : memref<1x1x8192xf32, #tpu.memory_space<vmem>> -> memref<8192xf32, #tpu.memory_space<vmem>>
        %dma_wait3A_1728 = arith.constant 7168 : i32
        %dma_wait3A_1729 = tpu.memref_slice %dma_wait3A_1727[%dma_wait3A_1728] : memref<8192xf32, #tpu.memory_space<vmem>> -> memref<1024xf32, #tpu.memory_space<vmem>>
        tpu.wait_dma2 semaphore(%arg10 : memref<!tpu.dma_semaphore, #tpu.memory_space<semaphore_mem>>) src(%dma_wait3A_1729 : memref<1024xf32, #tpu.memory_space<vmem>>) dst(%dma_wait3A_1724 : memref<1024xf32, #tpu.memory_space<hbm>>)
        %dma_wait3A_1730 = arith.constant 0 : i32
        %dma_wait3A_1731 = arith.constant 1 : i32
        %dma_wait3A_1732 = arith.constant 0 : i32
        %dma_wait3A_1733 = arith.constant 0 : i32
        %dma_wait3A_1734 = arith.constant 0 : i32
        %dma_wait3A_1735 = arith.constant 0 : i32
        %dma_wait3A_1736 = tpu.memref_slice %arg7[%dma_wait3A_1730, %dma_wait3A_1731, %dma_wait3A_1735] : memref<2x2x8192xf32, #tpu.memory_space<vmem>> -> memref<1x1x8192xf32, #tpu.memory_space<vmem>>
        %dma_wait3A_1737 = tpu.memref_squeeze %dma_wait3A_1736 : memref<1x1x8192xf32, #tpu.memory_space<vmem>> -> memref<8192xf32, #tpu.memory_space<vmem>>
        %dma_wait3A_1738 = arith.constant 0 : i32
        %dma_wait3A_1739 = tpu.memref_slice %dma_wait3A_1737[%dma_wait3A_1738] : memref<8192xf32, #tpu.memory_space<vmem>> -> memref<1024xf32, #tpu.memory_space<vmem>>
        %dma_wait3A_1740 = arith.constant 0 : i32
        %dma_wait3A_1741 = tpu.memref_slice %arg4[%dma_wait3A_1732, %dma_wait3A_1733, %dma_wait3A_1734, %dma_wait3A_1740] : memref<200x8x32x1024xf32, #tpu.memory_space<hbm>> -> memref<1x1x1x1024xf32, #tpu.memory_space<hbm>>
        %dma_wait3A_1742 = tpu.memref_squeeze %dma_wait3A_1741 : memref<1x1x1x1024xf32, #tpu.memory_space<hbm>> -> memref<1024xf32, #tpu.memory_space<hbm>>
        %dma_wait3A_1743 = arith.constant 0 : i32
        %dma_wait3A_1744 = tpu.memref_slice %arg4[%dma_wait3A_1732, %dma_wait3A_1733, %dma_wait3A_1734, %dma_wait3A_1743] : memref<200x8x32x1024xf32, #tpu.memory_space<hbm>> -> memref<1x1x1x1024xf32, #tpu.memory_space<hbm>>
        %dma_wait3A_1745 = tpu.memref_squeeze %dma_wait3A_1744 : memref<1x1x1x1024xf32, #tpu.memory_space<hbm>> -> memref<1024xf32, #tpu.memory_space<hbm>>
        %dma_wait3A_1746 = arith.constant 0 : i32
        %dma_wait3A_1747 = tpu.memref_slice %arg7[%dma_wait3A_1730, %dma_wait3A_1731, %dma_wait3A_1746] : memref<2x2x8192xf32, #tpu.memory_space<vmem>> -> memref<1x1x8192xf32, #tpu.memory_space<vmem>>
        %dma_wait3A_1748 = tpu.memref_squeeze %dma_wait3A_1747 : memref<1x1x8192xf32, #tpu.memory_space<vmem>> -> memref<8192xf32, #tpu.memory_space<vmem>>
        %dma_wait3A_1749 = arith.constant 0 : i32
        %dma_wait3A_1750 = tpu.memref_slice %dma_wait3A_1748[%dma_wait3A_1749] : memref<8192xf32, #tpu.memory_space<vmem>> -> memref<1024xf32, #tpu.memory_space<vmem>>
        tpu.wait_dma2 semaphore(%arg10 : memref<!tpu.dma_semaphore, #tpu.memory_space<semaphore_mem>>) src(%dma_wait3A_1750 : memref<1024xf32, #tpu.memory_space<vmem>>) dst(%dma_wait3A_1745 : memref<1024xf32, #tpu.memory_space<hbm>>)
        %dma_wait3A_1751 = arith.constant 0 : i32
        %dma_wait3A_1752 = arith.constant 1 : i32
        %dma_wait3A_1753 = arith.constant 0 : i32
        %dma_wait3A_1754 = arith.constant 0 : i32
        %dma_wait3A_1755 = arith.constant 0 : i32
        %dma_wait3A_1756 = arith.constant 0 : i32
        %dma_wait3A_1757 = tpu.memref_slice %arg7[%dma_wait3A_1751, %dma_wait3A_1752, %dma_wait3A_1756] : memref<2x2x8192xf32, #tpu.memory_space<vmem>> -> memref<1x1x8192xf32, #tpu.memory_space<vmem>>
        %dma_wait3A_1758 = tpu.memref_squeeze %dma_wait3A_1757 : memref<1x1x8192xf32, #tpu.memory_space<vmem>> -> memref<8192xf32, #tpu.memory_space<vmem>>
        %dma_wait3A_1759 = arith.constant 1024 : i32
        %dma_wait3A_1760 = tpu.memref_slice %dma_wait3A_1758[%dma_wait3A_1759] : memref<8192xf32, #tpu.memory_space<vmem>> -> memref<1024xf32, #tpu.memory_space<vmem>>
        %dma_wait3A_1761 = arith.constant 0 : i32
        %dma_wait3A_1762 = tpu.memref_slice %arg4[%dma_wait3A_1753, %dma_wait3A_1754, %dma_wait3A_1755, %dma_wait3A_1761] : memref<200x8x32x1024xf32, #tpu.memory_space<hbm>> -> memref<1x1x1x1024xf32, #tpu.memory_space<hbm>>
        %dma_wait3A_1763 = tpu.memref_squeeze %dma_wait3A_1762 : memref<1x1x1x1024xf32, #tpu.memory_space<hbm>> -> memref<1024xf32, #tpu.memory_space<hbm>>
        %dma_wait3A_1764 = arith.constant 0 : i32
        %dma_wait3A_1765 = tpu.memref_slice %arg4[%dma_wait3A_1753, %dma_wait3A_1754, %dma_wait3A_1755, %dma_wait3A_1764] : memref<200x8x32x1024xf32, #tpu.memory_space<hbm>> -> memref<1x1x1x1024xf32, #tpu.memory_space<hbm>>
        %dma_wait3A_1766 = tpu.memref_squeeze %dma_wait3A_1765 : memref<1x1x1x1024xf32, #tpu.memory_space<hbm>> -> memref<1024xf32, #tpu.memory_space<hbm>>
        %dma_wait3A_1767 = arith.constant 0 : i32
        %dma_wait3A_1768 = tpu.memref_slice %arg7[%dma_wait3A_1751, %dma_wait3A_1752, %dma_wait3A_1767] : memref<2x2x8192xf32, #tpu.memory_space<vmem>> -> memref<1x1x8192xf32, #tpu.memory_space<vmem>>
        %dma_wait3A_1769 = tpu.memref_squeeze %dma_wait3A_1768 : memref<1x1x8192xf32, #tpu.memory_space<vmem>> -> memref<8192xf32, #tpu.memory_space<vmem>>
        %dma_wait3A_1770 = arith.constant 1024 : i32
        %dma_wait3A_1771 = tpu.memref_slice %dma_wait3A_1769[%dma_wait3A_1770] : memref<8192xf32, #tpu.memory_space<vmem>> -> memref<1024xf32, #tpu.memory_space<vmem>>
        tpu.wait_dma2 semaphore(%arg10 : memref<!tpu.dma_semaphore, #tpu.memory_space<semaphore_mem>>) src(%dma_wait3A_1771 : memref<1024xf32, #tpu.memory_space<vmem>>) dst(%dma_wait3A_1766 : memref<1024xf32, #tpu.memory_space<hbm>>)
        %dma_wait3A_1772 = arith.constant 0 : i32
        %dma_wait3A_1773 = arith.constant 1 : i32
        %dma_wait3A_1774 = arith.constant 0 : i32
        %dma_wait3A_1775 = arith.constant 0 : i32
        %dma_wait3A_1776 = arith.constant 0 : i32
        %dma_wait3A_1777 = arith.constant 0 : i32
        %dma_wait3A_1778 = tpu.memref_slice %arg7[%dma_wait3A_1772, %dma_wait3A_1773, %dma_wait3A_1777] : memref<2x2x8192xf32, #tpu.memory_space<vmem>> -> memref<1x1x8192xf32, #tpu.memory_space<vmem>>
        %dma_wait3A_1779 = tpu.memref_squeeze %dma_wait3A_1778 : memref<1x1x8192xf32, #tpu.memory_space<vmem>> -> memref<8192xf32, #tpu.memory_space<vmem>>
        %dma_wait3A_1780 = arith.constant 2048 : i32
        %dma_wait3A_1781 = tpu.memref_slice %dma_wait3A_1779[%dma_wait3A_1780] : memref<8192xf32, #tpu.memory_space<vmem>> -> memref<1024xf32, #tpu.memory_space<vmem>>
        %dma_wait3A_1782 = arith.constant 0 : i32
        %dma_wait3A_1783 = tpu.memref_slice %arg4[%dma_wait3A_1774, %dma_wait3A_1775, %dma_wait3A_1776, %dma_wait3A_1782] : memref<200x8x32x1024xf32, #tpu.memory_space<hbm>> -> memref<1x1x1x1024xf32, #tpu.memory_space<hbm>>
        %dma_wait3A_1784 = tpu.memref_squeeze %dma_wait3A_1783 : memref<1x1x1x1024xf32, #tpu.memory_space<hbm>> -> memref<1024xf32, #tpu.memory_space<hbm>>
        %dma_wait3A_1785 = arith.constant 0 : i32
        %dma_wait3A_1786 = tpu.memref_slice %arg4[%dma_wait3A_1774, %dma_wait3A_1775, %dma_wait3A_1776, %dma_wait3A_1785] : memref<200x8x32x1024xf32, #tpu.memory_space<hbm>> -> memref<1x1x1x1024xf32, #tpu.memory_space<hbm>>
        %dma_wait3A_1787 = tpu.memref_squeeze %dma_wait3A_1786 : memref<1x1x1x1024xf32, #tpu.memory_space<hbm>> -> memref<1024xf32, #tpu.memory_space<hbm>>
        %dma_wait3A_1788 = arith.constant 0 : i32
        %dma_wait3A_1789 = tpu.memref_slice %arg7[%dma_wait3A_1772, %dma_wait3A_1773, %dma_wait3A_1788] : memref<2x2x8192xf32, #tpu.memory_space<vmem>> -> memref<1x1x8192xf32, #tpu.memory_space<vmem>>
        %dma_wait3A_1790 = tpu.memref_squeeze %dma_wait3A_1789 : memref<1x1x8192xf32, #tpu.memory_space<vmem>> -> memref<8192xf32, #tpu.memory_space<vmem>>
        %dma_wait3A_1791 = arith.constant 2048 : i32
        %dma_wait3A_1792 = tpu.memref_slice %dma_wait3A_1790[%dma_wait3A_1791] : memref<8192xf32, #tpu.memory_space<vmem>> -> memref<1024xf32, #tpu.memory_space<vmem>>
        tpu.wait_dma2 semaphore(%arg10 : memref<!tpu.dma_semaphore, #tpu.memory_space<semaphore_mem>>) src(%dma_wait3A_1792 : memref<1024xf32, #tpu.memory_space<vmem>>) dst(%dma_wait3A_1787 : memref<1024xf32, #tpu.memory_space<hbm>>)
        %dma_wait3A_1793 = arith.constant 0 : i32
        %dma_wait3A_1794 = arith.constant 1 : i32
        %dma_wait3A_1795 = arith.constant 0 : i32
        %dma_wait3A_1796 = arith.constant 0 : i32
        %dma_wait3A_1797 = arith.constant 0 : i32
        %dma_wait3A_1798 = arith.constant 0 : i32
        %dma_wait3A_1799 = tpu.memref_slice %arg7[%dma_wait3A_1793, %dma_wait3A_1794, %dma_wait3A_1798] : memref<2x2x8192xf32, #tpu.memory_space<vmem>> -> memref<1x1x8192xf32, #tpu.memory_space<vmem>>
        %dma_wait3A_1800 = tpu.memref_squeeze %dma_wait3A_1799 : memref<1x1x8192xf32, #tpu.memory_space<vmem>> -> memref<8192xf32, #tpu.memory_space<vmem>>
        %dma_wait3A_1801 = arith.constant 3072 : i32
        %dma_wait3A_1802 = tpu.memref_slice %dma_wait3A_1800[%dma_wait3A_1801] : memref<8192xf32, #tpu.memory_space<vmem>> -> memref<1024xf32, #tpu.memory_space<vmem>>
        %dma_wait3A_1803 = arith.constant 0 : i32
        %dma_wait3A_1804 = tpu.memref_slice %arg4[%dma_wait3A_1795, %dma_wait3A_1796, %dma_wait3A_1797, %dma_wait3A_1803] : memref<200x8x32x1024xf32, #tpu.memory_space<hbm>> -> memref<1x1x1x1024xf32, #tpu.memory_space<hbm>>
        %dma_wait3A_1805 = tpu.memref_squeeze %dma_wait3A_1804 : memref<1x1x1x1024xf32, #tpu.memory_space<hbm>> -> memref<1024xf32, #tpu.memory_space<hbm>>
        %dma_wait3A_1806 = arith.constant 0 : i32
        %dma_wait3A_1807 = tpu.memref_slice %arg4[%dma_wait3A_1795, %dma_wait3A_1796, %dma_wait3A_1797, %dma_wait3A_1806] : memref<200x8x32x1024xf32, #tpu.memory_space<hbm>> -> memref<1x1x1x1024xf32, #tpu.memory_space<hbm>>
        %dma_wait3A_1808 = tpu.memref_squeeze %dma_wait3A_1807 : memref<1x1x1x1024xf32, #tpu.memory_space<hbm>> -> memref<1024xf32, #tpu.memory_space<hbm>>
        %dma_wait3A_1809 = arith.constant 0 : i32
        %dma_wait3A_1810 = tpu.memref_slice %arg7[%dma_wait3A_1793, %dma_wait3A_1794, %dma_wait3A_1809] : memref<2x2x8192xf32, #tpu.memory_space<vmem>> -> memref<1x1x8192xf32, #tpu.memory_space<vmem>>
        %dma_wait3A_1811 = tpu.memref_squeeze %dma_wait3A_1810 : memref<1x1x8192xf32, #tpu.memory_space<vmem>> -> memref<8192xf32, #tpu.memory_space<vmem>>
        %dma_wait3A_1812 = arith.constant 3072 : i32
        %dma_wait3A_1813 = tpu.memref_slice %dma_wait3A_1811[%dma_wait3A_1812] : memref<8192xf32, #tpu.memory_space<vmem>> -> memref<1024xf32, #tpu.memory_space<vmem>>
        tpu.wait_dma2 semaphore(%arg10 : memref<!tpu.dma_semaphore, #tpu.memory_space<semaphore_mem>>) src(%dma_wait3A_1813 : memref<1024xf32, #tpu.memory_space<vmem>>) dst(%dma_wait3A_1808 : memref<1024xf32, #tpu.memory_space<hbm>>)
        %dma_wait3A_1814 = arith.constant 0 : i32
        %dma_wait3A_1815 = arith.constant 1 : i32
        %dma_wait3A_1816 = arith.constant 0 : i32
        %dma_wait3A_1817 = arith.constant 0 : i32
        %dma_wait3A_1818 = arith.constant 0 : i32
        %dma_wait3A_1819 = arith.constant 0 : i32
        %dma_wait3A_1820 = tpu.memref_slice %arg7[%dma_wait3A_1814, %dma_wait3A_1815, %dma_wait3A_1819] : memref<2x2x8192xf32, #tpu.memory_space<vmem>> -> memref<1x1x8192xf32, #tpu.memory_space<vmem>>
        %dma_wait3A_1821 = tpu.memref_squeeze %dma_wait3A_1820 : memref<1x1x8192xf32, #tpu.memory_space<vmem>> -> memref<8192xf32, #tpu.memory_space<vmem>>
        %dma_wait3A_1822 = arith.constant 4096 : i32
        %dma_wait3A_1823 = tpu.memref_slice %dma_wait3A_1821[%dma_wait3A_1822] : memref<8192xf32, #tpu.memory_space<vmem>> -> memref<1024xf32, #tpu.memory_space<vmem>>
        %dma_wait3A_1824 = arith.constant 0 : i32
        %dma_wait3A_1825 = tpu.memref_slice %arg4[%dma_wait3A_1816, %dma_wait3A_1817, %dma_wait3A_1818, %dma_wait3A_1824] : memref<200x8x32x1024xf32, #tpu.memory_space<hbm>> -> memref<1x1x1x1024xf32, #tpu.memory_space<hbm>>
        %dma_wait3A_1826 = tpu.memref_squeeze %dma_wait3A_1825 : memref<1x1x1x1024xf32, #tpu.memory_space<hbm>> -> memref<1024xf32, #tpu.memory_space<hbm>>
        %dma_wait3A_1827 = arith.constant 0 : i32
        %dma_wait3A_1828 = tpu.memref_slice %arg4[%dma_wait3A_1816, %dma_wait3A_1817, %dma_wait3A_1818, %dma_wait3A_1827] : memref<200x8x32x1024xf32, #tpu.memory_space<hbm>> -> memref<1x1x1x1024xf32, #tpu.memory_space<hbm>>
        %dma_wait3A_1829 = tpu.memref_squeeze %dma_wait3A_1828 : memref<1x1x1x1024xf32, #tpu.memory_space<hbm>> -> memref<1024xf32, #tpu.memory_space<hbm>>
        %dma_wait3A_1830 = arith.constant 0 : i32
        %dma_wait3A_1831 = tpu.memref_slice %arg7[%dma_wait3A_1814, %dma_wait3A_1815, %dma_wait3A_1830] : memref<2x2x8192xf32, #tpu.memory_space<vmem>> -> memref<1x1x8192xf32, #tpu.memory_space<vmem>>
        %dma_wait3A_1832 = tpu.memref_squeeze %dma_wait3A_1831 : memref<1x1x8192xf32, #tpu.memory_space<vmem>> -> memref<8192xf32, #tpu.memory_space<vmem>>
        %dma_wait3A_1833 = arith.constant 4096 : i32
        %dma_wait3A_1834 = tpu.memref_slice %dma_wait3A_1832[%dma_wait3A_1833] : memref<8192xf32, #tpu.memory_space<vmem>> -> memref<1024xf32, #tpu.memory_space<vmem>>
        tpu.wait_dma2 semaphore(%arg10 : memref<!tpu.dma_semaphore, #tpu.memory_space<semaphore_mem>>) src(%dma_wait3A_1834 : memref<1024xf32, #tpu.memory_space<vmem>>) dst(%dma_wait3A_1829 : memref<1024xf32, #tpu.memory_space<hbm>>)
        %dma_wait3A_1835 = arith.constant 0 : i32
        %dma_wait3A_1836 = arith.constant 1 : i32
        %dma_wait3A_1837 = arith.constant 0 : i32
        %dma_wait3A_1838 = arith.constant 0 : i32
        %dma_wait3A_1839 = arith.constant 0 : i32
        %dma_wait3A_1840 = arith.constant 0 : i32
        %dma_wait3A_1841 = tpu.memref_slice %arg7[%dma_wait3A_1835, %dma_wait3A_1836, %dma_wait3A_1840] : memref<2x2x8192xf32, #tpu.memory_space<vmem>> -> memref<1x1x8192xf32, #tpu.memory_space<vmem>>
        %dma_wait3A_1842 = tpu.memref_squeeze %dma_wait3A_1841 : memref<1x1x8192xf32, #tpu.memory_space<vmem>> -> memref<8192xf32, #tpu.memory_space<vmem>>
        %dma_wait3A_1843 = arith.constant 5120 : i32
        %dma_wait3A_1844 = tpu.memref_slice %dma_wait3A_1842[%dma_wait3A_1843] : memref<8192xf32, #tpu.memory_space<vmem>> -> memref<1024xf32, #tpu.memory_space<vmem>>
        %dma_wait3A_1845 = arith.constant 0 : i32
        %dma_wait3A_1846 = tpu.memref_slice %arg4[%dma_wait3A_1837, %dma_wait3A_1838, %dma_wait3A_1839, %dma_wait3A_1845] : memref<200x8x32x1024xf32, #tpu.memory_space<hbm>> -> memref<1x1x1x1024xf32, #tpu.memory_space<hbm>>
        %dma_wait3A_1847 = tpu.memref_squeeze %dma_wait3A_1846 : memref<1x1x1x1024xf32, #tpu.memory_space<hbm>> -> memref<1024xf32, #tpu.memory_space<hbm>>
        %dma_wait3A_1848 = arith.constant 0 : i32
        %dma_wait3A_1849 = tpu.memref_slice %arg4[%dma_wait3A_1837, %dma_wait3A_1838, %dma_wait3A_1839, %dma_wait3A_1848] : memref<200x8x32x1024xf32, #tpu.memory_space<hbm>> -> memref<1x1x1x1024xf32, #tpu.memory_space<hbm>>
        %dma_wait3A_1850 = tpu.memref_squeeze %dma_wait3A_1849 : memref<1x1x1x1024xf32, #tpu.memory_space<hbm>> -> memref<1024xf32, #tpu.memory_space<hbm>>
        %dma_wait3A_1851 = arith.constant 0 : i32
        %dma_wait3A_1852 = tpu.memref_slice %arg7[%dma_wait3A_1835, %dma_wait3A_1836, %dma_wait3A_1851] : memref<2x2x8192xf32, #tpu.memory_space<vmem>> -> memref<1x1x8192xf32, #tpu.memory_space<vmem>>
        %dma_wait3A_1853 = tpu.memref_squeeze %dma_wait3A_1852 : memref<1x1x8192xf32, #tpu.memory_space<vmem>> -> memref<8192xf32, #tpu.memory_space<vmem>>
        %dma_wait3A_1854 = arith.constant 5120 : i32
        %dma_wait3A_1855 = tpu.memref_slice %dma_wait3A_1853[%dma_wait3A_1854] : memref<8192xf32, #tpu.memory_space<vmem>> -> memref<1024xf32, #tpu.memory_space<vmem>>
        tpu.wait_dma2 semaphore(%arg10 : memref<!tpu.dma_semaphore, #tpu.memory_space<semaphore_mem>>) src(%dma_wait3A_1855 : memref<1024xf32, #tpu.memory_space<vmem>>) dst(%dma_wait3A_1850 : memref<1024xf32, #tpu.memory_space<hbm>>)
        %dma_wait3A_1856 = arith.constant 0 : i32
        %dma_wait3A_1857 = arith.constant 1 : i32
        %dma_wait3A_1858 = arith.constant 0 : i32
        %dma_wait3A_1859 = arith.constant 0 : i32
        %dma_wait3A_1860 = arith.constant 0 : i32
        %dma_wait3A_1861 = arith.constant 0 : i32
        %dma_wait3A_1862 = tpu.memref_slice %arg7[%dma_wait3A_1856, %dma_wait3A_1857, %dma_wait3A_1861] : memref<2x2x8192xf32, #tpu.memory_space<vmem>> -> memref<1x1x8192xf32, #tpu.memory_space<vmem>>
        %dma_wait3A_1863 = tpu.memref_squeeze %dma_wait3A_1862 : memref<1x1x8192xf32, #tpu.memory_space<vmem>> -> memref<8192xf32, #tpu.memory_space<vmem>>
        %dma_wait3A_1864 = arith.constant 6144 : i32
        %dma_wait3A_1865 = tpu.memref_slice %dma_wait3A_1863[%dma_wait3A_1864] : memref<8192xf32, #tpu.memory_space<vmem>> -> memref<1024xf32, #tpu.memory_space<vmem>>
        %dma_wait3A_1866 = arith.constant 0 : i32
        %dma_wait3A_1867 = tpu.memref_slice %arg4[%dma_wait3A_1858, %dma_wait3A_1859, %dma_wait3A_1860, %dma_wait3A_1866] : memref<200x8x32x1024xf32, #tpu.memory_space<hbm>> -> memref<1x1x1x1024xf32, #tpu.memory_space<hbm>>
        %dma_wait3A_1868 = tpu.memref_squeeze %dma_wait3A_1867 : memref<1x1x1x1024xf32, #tpu.memory_space<hbm>> -> memref<1024xf32, #tpu.memory_space<hbm>>
        %dma_wait3A_1869 = arith.constant 0 : i32
        %dma_wait3A_1870 = tpu.memref_slice %arg4[%dma_wait3A_1858, %dma_wait3A_1859, %dma_wait3A_1860, %dma_wait3A_1869] : memref<200x8x32x1024xf32, #tpu.memory_space<hbm>> -> memref<1x1x1x1024xf32, #tpu.memory_space<hbm>>
        %dma_wait3A_1871 = tpu.memref_squeeze %dma_wait3A_1870 : memref<1x1x1x1024xf32, #tpu.memory_space<hbm>> -> memref<1024xf32, #tpu.memory_space<hbm>>
        %dma_wait3A_1872 = arith.constant 0 : i32
        %dma_wait3A_1873 = tpu.memref_slice %arg7[%dma_wait3A_1856, %dma_wait3A_1857, %dma_wait3A_1872] : memref<2x2x8192xf32, #tpu.memory_space<vmem>> -> memref<1x1x8192xf32, #tpu.memory_space<vmem>>
        %dma_wait3A_1874 = tpu.memref_squeeze %dma_wait3A_1873 : memref<1x1x8192xf32, #tpu.memory_space<vmem>> -> memref<8192xf32, #tpu.memory_space<vmem>>
        %dma_wait3A_1875 = arith.constant 6144 : i32
        %dma_wait3A_1876 = tpu.memref_slice %dma_wait3A_1874[%dma_wait3A_1875] : memref<8192xf32, #tpu.memory_space<vmem>> -> memref<1024xf32, #tpu.memory_space<vmem>>
        tpu.wait_dma2 semaphore(%arg10 : memref<!tpu.dma_semaphore, #tpu.memory_space<semaphore_mem>>) src(%dma_wait3A_1876 : memref<1024xf32, #tpu.memory_space<vmem>>) dst(%dma_wait3A_1871 : memref<1024xf32, #tpu.memory_space<hbm>>)
        %dma_wait3A_1877 = arith.constant 0 : i32
        %dma_wait3A_1878 = arith.constant 1 : i32
        %dma_wait3A_1879 = arith.constant 0 : i32
        %dma_wait3A_1880 = arith.constant 0 : i32
        %dma_wait3A_1881 = arith.constant 0 : i32
        %dma_wait3A_1882 = arith.constant 0 : i32
        %dma_wait3A_1883 = tpu.memref_slice %arg7[%dma_wait3A_1877, %dma_wait3A_1878, %dma_wait3A_1882] : memref<2x2x8192xf32, #tpu.memory_space<vmem>> -> memref<1x1x8192xf32, #tpu.memory_space<vmem>>
        %dma_wait3A_1884 = tpu.memref_squeeze %dma_wait3A_1883 : memref<1x1x8192xf32, #tpu.memory_space<vmem>> -> memref<8192xf32, #tpu.memory_space<vmem>>
        %dma_wait3A_1885 = arith.constant 7168 : i32
        %dma_wait3A_1886 = tpu.memref_slice %dma_wait3A_1884[%dma_wait3A_1885] : memref<8192xf32, #tpu.memory_space<vmem>> -> memref<1024xf32, #tpu.memory_space<vmem>>
        %dma_wait3A_1887 = arith.constant 0 : i32
        %dma_wait3A_1888 = tpu.memref_slice %arg4[%dma_wait3A_1879, %dma_wait3A_1880, %dma_wait3A_1881, %dma_wait3A_1887] : memref<200x8x32x1024xf32, #tpu.memory_space<hbm>> -> memref<1x1x1x1024xf32, #tpu.memory_space<hbm>>
        %dma_wait3A_1889 = tpu.memref_squeeze %dma_wait3A_1888 : memref<1x1x1x1024xf32, #tpu.memory_space<hbm>> -> memref<1024xf32, #tpu.memory_space<hbm>>
        %dma_wait3A_1890 = arith.constant 0 : i32
        %dma_wait3A_1891 = tpu.memref_slice %arg4[%dma_wait3A_1879, %dma_wait3A_1880, %dma_wait3A_1881, %dma_wait3A_1890] : memref<200x8x32x1024xf32, #tpu.memory_space<hbm>> -> memref<1x1x1x1024xf32, #tpu.memory_space<hbm>>
        %dma_wait3A_1892 = tpu.memref_squeeze %dma_wait3A_1891 : memref<1x1x1x1024xf32, #tpu.memory_space<hbm>> -> memref<1024xf32, #tpu.memory_space<hbm>>
        %dma_wait3A_1893 = arith.constant 0 : i32
        %dma_wait3A_1894 = tpu.memref_slice %arg7[%dma_wait3A_1877, %dma_wait3A_1878, %dma_wait3A_1893] : memref<2x2x8192xf32, #tpu.memory_space<vmem>> -> memref<1x1x8192xf32, #tpu.memory_space<vmem>>
        %dma_wait3A_1895 = tpu.memref_squeeze %dma_wait3A_1894 : memref<1x1x8192xf32, #tpu.memory_space<vmem>> -> memref<8192xf32, #tpu.memory_space<vmem>>
        %dma_wait3A_1896 = arith.constant 7168 : i32
        %dma_wait3A_1897 = tpu.memref_slice %dma_wait3A_1895[%dma_wait3A_1896] : memref<8192xf32, #tpu.memory_space<vmem>> -> memref<1024xf32, #tpu.memory_space<vmem>>
        tpu.wait_dma2 semaphore(%arg10 : memref<!tpu.dma_semaphore, #tpu.memory_space<semaphore_mem>>) src(%dma_wait3A_1897 : memref<1024xf32, #tpu.memory_space<vmem>>) dst(%dma_wait3A_1892 : memref<1024xf32, #tpu.memory_space<hbm>>)
      } else {
      }
      %parallel_loop3A = arith.constant 0 : i32
      %parallel_loop3A_773 = arith.constant 64 : i32
      %parallel_loop3A_774 = arith.constant 1 : i32
      scf.for %parallel_loop3A_1562 = %parallel_loop3A to %parallel_loop3A_773 step %parallel_loop3A_774  : i32 {
        %parallel_loop3A_1563 = vector.broadcast %parallel_loop3A_1562 : i32 to vector<16xi32>
        %parallel_loop3A_1564 = arith.constant 0 : i32
        %parallel_loop3A_1565 = arith.constant 0 : i32
        %parallel_loop3A_1566 = arith.constant 0 : i32
        %parallel_loop3A_1567 = arith.constant 0 : i32
        %parallel_loop3A_1568 = tpu.memref_slice %arg6[%parallel_loop3A_1564, %parallel_loop3A_1565, %parallel_loop3A_1566, %parallel_loop3A_1567] : memref<2x2x128x64xf32, #tpu.memory_space<vmem>> -> memref<1x1x128x64xf32, #tpu.memory_space<vmem>>
        %parallel_loop3A_1569 = tpu.memref_squeeze %parallel_loop3A_1568 : memref<1x1x128x64xf32, #tpu.memory_space<vmem>> -> memref<128x64xf32, #tpu.memory_space<vmem>>
        %parallel_loop3A_1570 = tpu.vector_load_idx %parallel_loop3A_1569[%add3A_5, %parallel_loop3A_1563] : memref<128x64xf32, #tpu.memory_space<vmem>>[vector<16xi32>, vector<16xi32>], vector<16xf32>,
        %parallel_loop3A_1571 = arith.constant 128 : i32
        %parallel_loop3A_1572 = arith.muli %parallel_loop3A_1562, %parallel_loop3A_1571 : i32
        %parallel_loop3A_1573 = arith.constant 0 : i32
        %parallel_loop3A_1574 = arith.addi %parallel_loop3A_1572, %parallel_loop3A_1573 : i32
        %parallel_loop3A_1575 = arith.constant 0 : i32
        %parallel_loop3A_1576 = arith.constant 0 : i32
        %parallel_loop3A_1577 = arith.index_cast %parallel_loop3A_1575 : i32 to index
        %parallel_loop3A_1578 = arith.index_cast %parallel_loop3A_1576 : i32 to index
        %parallel_loop3A_1579 = arith.index_cast %parallel_loop3A_1574 : i32 to index
        %parallel_loop3A_1580 = tpu.vector_load %arg7[%parallel_loop3A_1577, %parallel_loop3A_1578, %parallel_loop3A_1579] {strides = array<i32>} : memref<2x2x8192xf32, #tpu.memory_space<vmem>>, vector<16xf32>,
        tpu.vector_store %arg7[%parallel_loop3A_1577, %parallel_loop3A_1578, %parallel_loop3A_1579], %parallel_loop3A_1570 {strides = array<i32>} : memref<2x2x8192xf32, #tpu.memory_space<vmem>>, vector<16xf32>,
        %parallel_loop3A_1581 = arith.constant 0 : i32
        %parallel_loop3A_1582 = arith.constant 0 : i32
        %parallel_loop3A_1583 = arith.constant 0 : i32
        %parallel_loop3A_1584 = arith.constant 0 : i32
        %parallel_loop3A_1585 = tpu.memref_slice %arg6[%parallel_loop3A_1581, %parallel_loop3A_1582, %parallel_loop3A_1583, %parallel_loop3A_1584] : memref<2x2x128x64xf32, #tpu.memory_space<vmem>> -> memref<1x1x128x64xf32, #tpu.memory_space<vmem>>
        %parallel_loop3A_1586 = tpu.memref_squeeze %parallel_loop3A_1585 : memref<1x1x128x64xf32, #tpu.memory_space<vmem>> -> memref<128x64xf32, #tpu.memory_space<vmem>>
        %parallel_loop3A_1587 = tpu.vector_load_idx %parallel_loop3A_1586[%add3A_8, %parallel_loop3A_1563] : memref<128x64xf32, #tpu.memory_space<vmem>>[vector<16xi32>, vector<16xi32>], vector<16xf32>,
        %parallel_loop3A_1588 = arith.constant 128 : i32
        %parallel_loop3A_1589 = arith.muli %parallel_loop3A_1562, %parallel_loop3A_1588 : i32
        %parallel_loop3A_1590 = arith.constant 16 : i32
        %parallel_loop3A_1591 = arith.addi %parallel_loop3A_1589, %parallel_loop3A_1590 : i32
        %parallel_loop3A_1592 = arith.constant 0 : i32
        %parallel_loop3A_1593 = arith.constant 0 : i32
        %parallel_loop3A_1594 = arith.index_cast %parallel_loop3A_1592 : i32 to index
        %parallel_loop3A_1595 = arith.index_cast %parallel_loop3A_1593 : i32 to index
        %parallel_loop3A_1596 = arith.index_cast %parallel_loop3A_1591 : i32 to index
        %parallel_loop3A_1597 = tpu.vector_load %arg7[%parallel_loop3A_1594, %parallel_loop3A_1595, %parallel_loop3A_1596] {strides = array<i32>} : memref<2x2x8192xf32, #tpu.memory_space<vmem>>, vector<16xf32>,
        tpu.vector_store %arg7[%parallel_loop3A_1594, %parallel_loop3A_1595, %parallel_loop3A_1596], %parallel_loop3A_1587 {strides = array<i32>} : memref<2x2x8192xf32, #tpu.memory_space<vmem>>, vector<16xf32>,
        %parallel_loop3A_1598 = arith.constant 0 : i32
        %parallel_loop3A_1599 = arith.constant 0 : i32
        %parallel_loop3A_1600 = arith.constant 0 : i32
        %parallel_loop3A_1601 = arith.constant 0 : i32
        %parallel_loop3A_1602 = tpu.memref_slice %arg6[%parallel_loop3A_1598, %parallel_loop3A_1599, %parallel_loop3A_1600, %parallel_loop3A_1601] : memref<2x2x128x64xf32, #tpu.memory_space<vmem>> -> memref<1x1x128x64xf32, #tpu.memory_space<vmem>>
        %parallel_loop3A_1603 = tpu.memref_squeeze %parallel_loop3A_1602 : memref<1x1x128x64xf32, #tpu.memory_space<vmem>> -> memref<128x64xf32, #tpu.memory_space<vmem>>
        %parallel_loop3A_1604 = tpu.vector_load_idx %parallel_loop3A_1603[%add3A_11, %parallel_loop3A_1563] : memref<128x64xf32, #tpu.memory_space<vmem>>[vector<16xi32>, vector<16xi32>], vector<16xf32>,
        %parallel_loop3A_1605 = arith.constant 128 : i32
        %parallel_loop3A_1606 = arith.muli %parallel_loop3A_1562, %parallel_loop3A_1605 : i32
        %parallel_loop3A_1607 = arith.constant 32 : i32
        %parallel_loop3A_1608 = arith.addi %parallel_loop3A_1606, %parallel_loop3A_1607 : i32
        %parallel_loop3A_1609 = arith.constant 0 : i32
        %parallel_loop3A_1610 = arith.constant 0 : i32
        %parallel_loop3A_1611 = arith.index_cast %parallel_loop3A_1609 : i32 to index
        %parallel_loop3A_1612 = arith.index_cast %parallel_loop3A_1610 : i32 to index
        %parallel_loop3A_1613 = arith.index_cast %parallel_loop3A_1608 : i32 to index
        %parallel_loop3A_1614 = tpu.vector_load %arg7[%parallel_loop3A_1611, %parallel_loop3A_1612, %parallel_loop3A_1613] {strides = array<i32>} : memref<2x2x8192xf32, #tpu.memory_space<vmem>>, vector<16xf32>,
        tpu.vector_store %arg7[%parallel_loop3A_1611, %parallel_loop3A_1612, %parallel_loop3A_1613], %parallel_loop3A_1604 {strides = array<i32>} : memref<2x2x8192xf32, #tpu.memory_space<vmem>>, vector<16xf32>,
        %parallel_loop3A_1615 = arith.constant 0 : i32
        %parallel_loop3A_1616 = arith.constant 0 : i32
        %parallel_loop3A_1617 = arith.constant 0 : i32
        %parallel_loop3A_1618 = arith.constant 0 : i32
        %parallel_loop3A_1619 = tpu.memref_slice %arg6[%parallel_loop3A_1615, %parallel_loop3A_1616, %parallel_loop3A_1617, %parallel_loop3A_1618] : memref<2x2x128x64xf32, #tpu.memory_space<vmem>> -> memref<1x1x128x64xf32, #tpu.memory_space<vmem>>
        %parallel_loop3A_1620 = tpu.memref_squeeze %parallel_loop3A_1619 : memref<1x1x128x64xf32, #tpu.memory_space<vmem>> -> memref<128x64xf32, #tpu.memory_space<vmem>>
        %parallel_loop3A_1621 = tpu.vector_load_idx %parallel_loop3A_1620[%add3A_14, %parallel_loop3A_1563] : memref<128x64xf32, #tpu.memory_space<vmem>>[vector<16xi32>, vector<16xi32>], vector<16xf32>,
        %parallel_loop3A_1622 = arith.constant 128 : i32
        %parallel_loop3A_1623 = arith.muli %parallel_loop3A_1562, %parallel_loop3A_1622 : i32
        %parallel_loop3A_1624 = arith.constant 48 : i32
        %parallel_loop3A_1625 = arith.addi %parallel_loop3A_1623, %parallel_loop3A_1624 : i32
        %parallel_loop3A_1626 = arith.constant 0 : i32
        %parallel_loop3A_1627 = arith.constant 0 : i32
        %parallel_loop3A_1628 = arith.index_cast %parallel_loop3A_1626 : i32 to index
        %parallel_loop3A_1629 = arith.index_cast %parallel_loop3A_1627 : i32 to index
        %parallel_loop3A_1630 = arith.index_cast %parallel_loop3A_1625 : i32 to index
        %parallel_loop3A_1631 = tpu.vector_load %arg7[%parallel_loop3A_1628, %parallel_loop3A_1629, %parallel_loop3A_1630] {strides = array<i32>} : memref<2x2x8192xf32, #tpu.memory_space<vmem>>, vector<16xf32>,
        tpu.vector_store %arg7[%parallel_loop3A_1628, %parallel_loop3A_1629, %parallel_loop3A_1630], %parallel_loop3A_1621 {strides = array<i32>} : memref<2x2x8192xf32, #tpu.memory_space<vmem>>, vector<16xf32>,
        %parallel_loop3A_1632 = arith.constant 0 : i32
        %parallel_loop3A_1633 = arith.constant 0 : i32
        %parallel_loop3A_1634 = arith.constant 0 : i32
        %parallel_loop3A_1635 = arith.constant 0 : i32
        %parallel_loop3A_1636 = tpu.memref_slice %arg6[%parallel_loop3A_1632, %parallel_loop3A_1633, %parallel_loop3A_1634, %parallel_loop3A_1635] : memref<2x2x128x64xf32, #tpu.memory_space<vmem>> -> memref<1x1x128x64xf32, #tpu.memory_space<vmem>>
        %parallel_loop3A_1637 = tpu.memref_squeeze %parallel_loop3A_1636 : memref<1x1x128x64xf32, #tpu.memory_space<vmem>> -> memref<128x64xf32, #tpu.memory_space<vmem>>
        %parallel_loop3A_1638 = tpu.vector_load_idx %parallel_loop3A_1637[%add3A_17, %parallel_loop3A_1563] : memref<128x64xf32, #tpu.memory_space<vmem>>[vector<16xi32>, vector<16xi32>], vector<16xf32>,
        %parallel_loop3A_1639 = arith.constant 128 : i32
        %parallel_loop3A_1640 = arith.muli %parallel_loop3A_1562, %parallel_loop3A_1639 : i32
        %parallel_loop3A_1641 = arith.constant 64 : i32
        %parallel_loop3A_1642 = arith.addi %parallel_loop3A_1640, %parallel_loop3A_1641 : i32
        %parallel_loop3A_1643 = arith.constant 0 : i32
        %parallel_loop3A_1644 = arith.constant 0 : i32
        %parallel_loop3A_1645 = arith.index_cast %parallel_loop3A_1643 : i32 to index
        %parallel_loop3A_1646 = arith.index_cast %parallel_loop3A_1644 : i32 to index
        %parallel_loop3A_1647 = arith.index_cast %parallel_loop3A_1642 : i32 to index
        %parallel_loop3A_1648 = tpu.vector_load %arg7[%parallel_loop3A_1645, %parallel_loop3A_1646, %parallel_loop3A_1647] {strides = array<i32>} : memref<2x2x8192xf32, #tpu.memory_space<vmem>>, vector<16xf32>,
        tpu.vector_store %arg7[%parallel_loop3A_1645, %parallel_loop3A_1646, %parallel_loop3A_1647], %parallel_loop3A_1638 {strides = array<i32>} : memref<2x2x8192xf32, #tpu.memory_space<vmem>>, vector<16xf32>,
        %parallel_loop3A_1649 = arith.constant 0 : i32
        %parallel_loop3A_1650 = arith.constant 0 : i32
        %parallel_loop3A_1651 = arith.constant 0 : i32
        %parallel_loop3A_1652 = arith.constant 0 : i32
        %parallel_loop3A_1653 = tpu.memref_slice %arg6[%parallel_loop3A_1649, %parallel_loop3A_1650, %parallel_loop3A_1651, %parallel_loop3A_1652] : memref<2x2x128x64xf32, #tpu.memory_space<vmem>> -> memref<1x1x128x64xf32, #tpu.memory_space<vmem>>
        %parallel_loop3A_1654 = tpu.memref_squeeze %parallel_loop3A_1653 : memref<1x1x128x64xf32, #tpu.memory_space<vmem>> -> memref<128x64xf32, #tpu.memory_space<vmem>>
        %parallel_loop3A_1655 = tpu.vector_load_idx %parallel_loop3A_1654[%add3A_20, %parallel_loop3A_1563] : memref<128x64xf32, #tpu.memory_space<vmem>>[vector<16xi32>, vector<16xi32>], vector<16xf32>,
        %parallel_loop3A_1656 = arith.constant 128 : i32
        %parallel_loop3A_1657 = arith.muli %parallel_loop3A_1562, %parallel_loop3A_1656 : i32
        %parallel_loop3A_1658 = arith.constant 80 : i32
        %parallel_loop3A_1659 = arith.addi %parallel_loop3A_1657, %parallel_loop3A_1658 : i32
        %parallel_loop3A_1660 = arith.constant 0 : i32
        %parallel_loop3A_1661 = arith.constant 0 : i32
        %parallel_loop3A_1662 = arith.index_cast %parallel_loop3A_1660 : i32 to index
        %parallel_loop3A_1663 = arith.index_cast %parallel_loop3A_1661 : i32 to index
        %parallel_loop3A_1664 = arith.index_cast %parallel_loop3A_1659 : i32 to index
        %parallel_loop3A_1665 = tpu.vector_load %arg7[%parallel_loop3A_1662, %parallel_loop3A_1663, %parallel_loop3A_1664] {strides = array<i32>} : memref<2x2x8192xf32, #tpu.memory_space<vmem>>, vector<16xf32>,
        tpu.vector_store %arg7[%parallel_loop3A_1662, %parallel_loop3A_1663, %parallel_loop3A_1664], %parallel_loop3A_1655 {strides = array<i32>} : memref<2x2x8192xf32, #tpu.memory_space<vmem>>, vector<16xf32>,
        %parallel_loop3A_1666 = arith.constant 0 : i32
        %parallel_loop3A_1667 = arith.constant 0 : i32
        %parallel_loop3A_1668 = arith.constant 0 : i32
        %parallel_loop3A_1669 = arith.constant 0 : i32
        %parallel_loop3A_1670 = tpu.memref_slice %arg6[%parallel_loop3A_1666, %parallel_loop3A_1667, %parallel_loop3A_1668, %parallel_loop3A_1669] : memref<2x2x128x64xf32, #tpu.memory_space<vmem>> -> memref<1x1x128x64xf32, #tpu.memory_space<vmem>>
        %parallel_loop3A_1671 = tpu.memref_squeeze %parallel_loop3A_1670 : memref<1x1x128x64xf32, #tpu.memory_space<vmem>> -> memref<128x64xf32, #tpu.memory_space<vmem>>
        %parallel_loop3A_1672 = tpu.vector_load_idx %parallel_loop3A_1671[%add3A_23, %parallel_loop3A_1563] : memref<128x64xf32, #tpu.memory_space<vmem>>[vector<16xi32>, vector<16xi32>], vector<16xf32>,
        %parallel_loop3A_1673 = arith.constant 128 : i32
        %parallel_loop3A_1674 = arith.muli %parallel_loop3A_1562, %parallel_loop3A_1673 : i32
        %parallel_loop3A_1675 = arith.constant 96 : i32
        %parallel_loop3A_1676 = arith.addi %parallel_loop3A_1674, %parallel_loop3A_1675 : i32
        %parallel_loop3A_1677 = arith.constant 0 : i32
        %parallel_loop3A_1678 = arith.constant 0 : i32
        %parallel_loop3A_1679 = arith.index_cast %parallel_loop3A_1677 : i32 to index
        %parallel_loop3A_1680 = arith.index_cast %parallel_loop3A_1678 : i32 to index
        %parallel_loop3A_1681 = arith.index_cast %parallel_loop3A_1676 : i32 to index
        %parallel_loop3A_1682 = tpu.vector_load %arg7[%parallel_loop3A_1679, %parallel_loop3A_1680, %parallel_loop3A_1681] {strides = array<i32>} : memref<2x2x8192xf32, #tpu.memory_space<vmem>>, vector<16xf32>,
        tpu.vector_store %arg7[%parallel_loop3A_1679, %parallel_loop3A_1680, %parallel_loop3A_1681], %parallel_loop3A_1672 {strides = array<i32>} : memref<2x2x8192xf32, #tpu.memory_space<vmem>>, vector<16xf32>,
        %parallel_loop3A_1683 = arith.constant 0 : i32
        %parallel_loop3A_1684 = arith.constant 0 : i32
        %parallel_loop3A_1685 = arith.constant 0 : i32
        %parallel_loop3A_1686 = arith.constant 0 : i32
        %parallel_loop3A_1687 = tpu.memref_slice %arg6[%parallel_loop3A_1683, %parallel_loop3A_1684, %parallel_loop3A_1685, %parallel_loop3A_1686] : memref<2x2x128x64xf32, #tpu.memory_space<vmem>> -> memref<1x1x128x64xf32, #tpu.memory_space<vmem>>
        %parallel_loop3A_1688 = tpu.memref_squeeze %parallel_loop3A_1687 : memref<1x1x128x64xf32, #tpu.memory_space<vmem>> -> memref<128x64xf32, #tpu.memory_space<vmem>>
        %parallel_loop3A_1689 = tpu.vector_load_idx %parallel_loop3A_1688[%add3A_26, %parallel_loop3A_1563] : memref<128x64xf32, #tpu.memory_space<vmem>>[vector<16xi32>, vector<16xi32>], vector<16xf32>,
        %parallel_loop3A_1690 = arith.constant 128 : i32
        %parallel_loop3A_1691 = arith.muli %parallel_loop3A_1562, %parallel_loop3A_1690 : i32
        %parallel_loop3A_1692 = arith.constant 112 : i32
        %parallel_loop3A_1693 = arith.addi %parallel_loop3A_1691, %parallel_loop3A_1692 : i32
        %parallel_loop3A_1694 = arith.constant 0 : i32
        %parallel_loop3A_1695 = arith.constant 0 : i32
        %parallel_loop3A_1696 = arith.index_cast %parallel_loop3A_1694 : i32 to index
        %parallel_loop3A_1697 = arith.index_cast %parallel_loop3A_1695 : i32 to index
        %parallel_loop3A_1698 = arith.index_cast %parallel_loop3A_1693 : i32 to index
        %parallel_loop3A_1699 = tpu.vector_load %arg7[%parallel_loop3A_1696, %parallel_loop3A_1697, %parallel_loop3A_1698] {strides = array<i32>} : memref<2x2x8192xf32, #tpu.memory_space<vmem>>, vector<16xf32>,
        tpu.vector_store %arg7[%parallel_loop3A_1696, %parallel_loop3A_1697, %parallel_loop3A_1698], %parallel_loop3A_1689 {strides = array<i32>} : memref<2x2x8192xf32, #tpu.memory_space<vmem>>, vector<16xf32>,
        %parallel_loop3A_1700 = arith.constant 0 : i32
        %parallel_loop3A_1701 = arith.constant 1 : i32
        %parallel_loop3A_1702 = arith.constant 0 : i32
        %parallel_loop3A_1703 = arith.constant 0 : i32
        %parallel_loop3A_1704 = tpu.memref_slice %arg6[%parallel_loop3A_1700, %parallel_loop3A_1701, %parallel_loop3A_1702, %parallel_loop3A_1703] : memref<2x2x128x64xf32, #tpu.memory_space<vmem>> -> memref<1x1x128x64xf32, #tpu.memory_space<vmem>>
        %parallel_loop3A_1705 = tpu.memref_squeeze %parallel_loop3A_1704 : memref<1x1x128x64xf32, #tpu.memory_space<vmem>> -> memref<128x64xf32, #tpu.memory_space<vmem>>
        %parallel_loop3A_1706 = tpu.vector_load_idx %parallel_loop3A_1705[%add3A_5, %parallel_loop3A_1563] : memref<128x64xf32, #tpu.memory_space<vmem>>[vector<16xi32>, vector<16xi32>], vector<16xf32>,
        %parallel_loop3A_1707 = arith.constant 128 : i32
        %parallel_loop3A_1708 = arith.muli %parallel_loop3A_1562, %parallel_loop3A_1707 : i32
        %parallel_loop3A_1709 = arith.constant 0 : i32
        %parallel_loop3A_1710 = arith.addi %parallel_loop3A_1708, %parallel_loop3A_1709 : i32
        %parallel_loop3A_1711 = arith.constant 0 : i32
        %parallel_loop3A_1712 = arith.constant 1 : i32
        %parallel_loop3A_1713 = arith.index_cast %parallel_loop3A_1711 : i32 to index
        %parallel_loop3A_1714 = arith.index_cast %parallel_loop3A_1712 : i32 to index
        %parallel_loop3A_1715 = arith.index_cast %parallel_loop3A_1710 : i32 to index
        %parallel_loop3A_1716 = tpu.vector_load %arg7[%parallel_loop3A_1713, %parallel_loop3A_1714, %parallel_loop3A_1715] {strides = array<i32>} : memref<2x2x8192xf32, #tpu.memory_space<vmem>>, vector<16xf32>,
        tpu.vector_store %arg7[%parallel_loop3A_1713, %parallel_loop3A_1714, %parallel_loop3A_1715], %parallel_loop3A_1706 {strides = array<i32>} : memref<2x2x8192xf32, #tpu.memory_space<vmem>>, vector<16xf32>,
        %parallel_loop3A_1717 = arith.constant 0 : i32
        %parallel_loop3A_1718 = arith.constant 1 : i32
        %parallel_loop3A_1719 = arith.constant 0 : i32
        %parallel_loop3A_1720 = arith.constant 0 : i32
        %parallel_loop3A_1721 = tpu.memref_slice %arg6[%parallel_loop3A_1717, %parallel_loop3A_1718, %parallel_loop3A_1719, %parallel_loop3A_1720] : memref<2x2x128x64xf32, #tpu.memory_space<vmem>> -> memref<1x1x128x64xf32, #tpu.memory_space<vmem>>
        %parallel_loop3A_1722 = tpu.memref_squeeze %parallel_loop3A_1721 : memref<1x1x128x64xf32, #tpu.memory_space<vmem>> -> memref<128x64xf32, #tpu.memory_space<vmem>>
        %parallel_loop3A_1723 = tpu.vector_load_idx %parallel_loop3A_1722[%add3A_8, %parallel_loop3A_1563] : memref<128x64xf32, #tpu.memory_space<vmem>>[vector<16xi32>, vector<16xi32>], vector<16xf32>,
        %parallel_loop3A_1724 = arith.constant 128 : i32
        %parallel_loop3A_1725 = arith.muli %parallel_loop3A_1562, %parallel_loop3A_1724 : i32
        %parallel_loop3A_1726 = arith.constant 16 : i32
        %parallel_loop3A_1727 = arith.addi %parallel_loop3A_1725, %parallel_loop3A_1726 : i32
        %parallel_loop3A_1728 = arith.constant 0 : i32
        %parallel_loop3A_1729 = arith.constant 1 : i32
        %parallel_loop3A_1730 = arith.index_cast %parallel_loop3A_1728 : i32 to index
        %parallel_loop3A_1731 = arith.index_cast %parallel_loop3A_1729 : i32 to index
        %parallel_loop3A_1732 = arith.index_cast %parallel_loop3A_1727 : i32 to index
        %parallel_loop3A_1733 = tpu.vector_load %arg7[%parallel_loop3A_1730, %parallel_loop3A_1731, %parallel_loop3A_1732] {strides = array<i32>} : memref<2x2x8192xf32, #tpu.memory_space<vmem>>, vector<16xf32>,
        tpu.vector_store %arg7[%parallel_loop3A_1730, %parallel_loop3A_1731, %parallel_loop3A_1732], %parallel_loop3A_1723 {strides = array<i32>} : memref<2x2x8192xf32, #tpu.memory_space<vmem>>, vector<16xf32>,
        %parallel_loop3A_1734 = arith.constant 0 : i32
        %parallel_loop3A_1735 = arith.constant 1 : i32
        %parallel_loop3A_1736 = arith.constant 0 : i32
        %parallel_loop3A_1737 = arith.constant 0 : i32
        %parallel_loop3A_1738 = tpu.memref_slice %arg6[%parallel_loop3A_1734, %parallel_loop3A_1735, %parallel_loop3A_1736, %parallel_loop3A_1737] : memref<2x2x128x64xf32, #tpu.memory_space<vmem>> -> memref<1x1x128x64xf32, #tpu.memory_space<vmem>>
        %parallel_loop3A_1739 = tpu.memref_squeeze %parallel_loop3A_1738 : memref<1x1x128x64xf32, #tpu.memory_space<vmem>> -> memref<128x64xf32, #tpu.memory_space<vmem>>
        %parallel_loop3A_1740 = tpu.vector_load_idx %parallel_loop3A_1739[%add3A_11, %parallel_loop3A_1563] : memref<128x64xf32, #tpu.memory_space<vmem>>[vector<16xi32>, vector<16xi32>], vector<16xf32>,
        %parallel_loop3A_1741 = arith.constant 128 : i32
        %parallel_loop3A_1742 = arith.muli %parallel_loop3A_1562, %parallel_loop3A_1741 : i32
        %parallel_loop3A_1743 = arith.constant 32 : i32
        %parallel_loop3A_1744 = arith.addi %parallel_loop3A_1742, %parallel_loop3A_1743 : i32
        %parallel_loop3A_1745 = arith.constant 0 : i32
        %parallel_loop3A_1746 = arith.constant 1 : i32
        %parallel_loop3A_1747 = arith.index_cast %parallel_loop3A_1745 : i32 to index
        %parallel_loop3A_1748 = arith.index_cast %parallel_loop3A_1746 : i32 to index
        %parallel_loop3A_1749 = arith.index_cast %parallel_loop3A_1744 : i32 to index
        %parallel_loop3A_1750 = tpu.vector_load %arg7[%parallel_loop3A_1747, %parallel_loop3A_1748, %parallel_loop3A_1749] {strides = array<i32>} : memref<2x2x8192xf32, #tpu.memory_space<vmem>>, vector<16xf32>,
        tpu.vector_store %arg7[%parallel_loop3A_1747, %parallel_loop3A_1748, %parallel_loop3A_1749], %parallel_loop3A_1740 {strides = array<i32>} : memref<2x2x8192xf32, #tpu.memory_space<vmem>>, vector<16xf32>,
        %parallel_loop3A_1751 = arith.constant 0 : i32
        %parallel_loop3A_1752 = arith.constant 1 : i32
        %parallel_loop3A_1753 = arith.constant 0 : i32
        %parallel_loop3A_1754 = arith.constant 0 : i32
        %parallel_loop3A_1755 = tpu.memref_slice %arg6[%parallel_loop3A_1751, %parallel_loop3A_1752, %parallel_loop3A_1753, %parallel_loop3A_1754] : memref<2x2x128x64xf32, #tpu.memory_space<vmem>> -> memref<1x1x128x64xf32, #tpu.memory_space<vmem>>
        %parallel_loop3A_1756 = tpu.memref_squeeze %parallel_loop3A_1755 : memref<1x1x128x64xf32, #tpu.memory_space<vmem>> -> memref<128x64xf32, #tpu.memory_space<vmem>>
        %parallel_loop3A_1757 = tpu.vector_load_idx %parallel_loop3A_1756[%add3A_14, %parallel_loop3A_1563] : memref<128x64xf32, #tpu.memory_space<vmem>>[vector<16xi32>, vector<16xi32>], vector<16xf32>,
        %parallel_loop3A_1758 = arith.constant 128 : i32
        %parallel_loop3A_1759 = arith.muli %parallel_loop3A_1562, %parallel_loop3A_1758 : i32
        %parallel_loop3A_1760 = arith.constant 48 : i32
        %parallel_loop3A_1761 = arith.addi %parallel_loop3A_1759, %parallel_loop3A_1760 : i32
        %parallel_loop3A_1762 = arith.constant 0 : i32
        %parallel_loop3A_1763 = arith.constant 1 : i32
        %parallel_loop3A_1764 = arith.index_cast %parallel_loop3A_1762 : i32 to index
        %parallel_loop3A_1765 = arith.index_cast %parallel_loop3A_1763 : i32 to index
        %parallel_loop3A_1766 = arith.index_cast %parallel_loop3A_1761 : i32 to index
        %parallel_loop3A_1767 = tpu.vector_load %arg7[%parallel_loop3A_1764, %parallel_loop3A_1765, %parallel_loop3A_1766] {strides = array<i32>} : memref<2x2x8192xf32, #tpu.memory_space<vmem>>, vector<16xf32>,
        tpu.vector_store %arg7[%parallel_loop3A_1764, %parallel_loop3A_1765, %parallel_loop3A_1766], %parallel_loop3A_1757 {strides = array<i32>} : memref<2x2x8192xf32, #tpu.memory_space<vmem>>, vector<16xf32>,
        %parallel_loop3A_1768 = arith.constant 0 : i32
        %parallel_loop3A_1769 = arith.constant 1 : i32
        %parallel_loop3A_1770 = arith.constant 0 : i32
        %parallel_loop3A_1771 = arith.constant 0 : i32
        %parallel_loop3A_1772 = tpu.memref_slice %arg6[%parallel_loop3A_1768, %parallel_loop3A_1769, %parallel_loop3A_1770, %parallel_loop3A_1771] : memref<2x2x128x64xf32, #tpu.memory_space<vmem>> -> memref<1x1x128x64xf32, #tpu.memory_space<vmem>>
        %parallel_loop3A_1773 = tpu.memref_squeeze %parallel_loop3A_1772 : memref<1x1x128x64xf32, #tpu.memory_space<vmem>> -> memref<128x64xf32, #tpu.memory_space<vmem>>
        %parallel_loop3A_1774 = tpu.vector_load_idx %parallel_loop3A_1773[%add3A_17, %parallel_loop3A_1563] : memref<128x64xf32, #tpu.memory_space<vmem>>[vector<16xi32>, vector<16xi32>], vector<16xf32>,
        %parallel_loop3A_1775 = arith.constant 128 : i32
        %parallel_loop3A_1776 = arith.muli %parallel_loop3A_1562, %parallel_loop3A_1775 : i32
        %parallel_loop3A_1777 = arith.constant 64 : i32
        %parallel_loop3A_1778 = arith.addi %parallel_loop3A_1776, %parallel_loop3A_1777 : i32
        %parallel_loop3A_1779 = arith.constant 0 : i32
        %parallel_loop3A_1780 = arith.constant 1 : i32
        %parallel_loop3A_1781 = arith.index_cast %parallel_loop3A_1779 : i32 to index
        %parallel_loop3A_1782 = arith.index_cast %parallel_loop3A_1780 : i32 to index
        %parallel_loop3A_1783 = arith.index_cast %parallel_loop3A_1778 : i32 to index
        %parallel_loop3A_1784 = tpu.vector_load %arg7[%parallel_loop3A_1781, %parallel_loop3A_1782, %parallel_loop3A_1783] {strides = array<i32>} : memref<2x2x8192xf32, #tpu.memory_space<vmem>>, vector<16xf32>,
        tpu.vector_store %arg7[%parallel_loop3A_1781, %parallel_loop3A_1782, %parallel_loop3A_1783], %parallel_loop3A_1774 {strides = array<i32>} : memref<2x2x8192xf32, #tpu.memory_space<vmem>>, vector<16xf32>,
        %parallel_loop3A_1785 = arith.constant 0 : i32
        %parallel_loop3A_1786 = arith.constant 1 : i32
        %parallel_loop3A_1787 = arith.constant 0 : i32
        %parallel_loop3A_1788 = arith.constant 0 : i32
        %parallel_loop3A_1789 = tpu.memref_slice %arg6[%parallel_loop3A_1785, %parallel_loop3A_1786, %parallel_loop3A_1787, %parallel_loop3A_1788] : memref<2x2x128x64xf32, #tpu.memory_space<vmem>> -> memref<1x1x128x64xf32, #tpu.memory_space<vmem>>
        %parallel_loop3A_1790 = tpu.memref_squeeze %parallel_loop3A_1789 : memref<1x1x128x64xf32, #tpu.memory_space<vmem>> -> memref<128x64xf32, #tpu.memory_space<vmem>>
        %parallel_loop3A_1791 = tpu.vector_load_idx %parallel_loop3A_1790[%add3A_20, %parallel_loop3A_1563] : memref<128x64xf32, #tpu.memory_space<vmem>>[vector<16xi32>, vector<16xi32>], vector<16xf32>,
        %parallel_loop3A_1792 = arith.constant 128 : i32
        %parallel_loop3A_1793 = arith.muli %parallel_loop3A_1562, %parallel_loop3A_1792 : i32
        %parallel_loop3A_1794 = arith.constant 80 : i32
        %parallel_loop3A_1795 = arith.addi %parallel_loop3A_1793, %parallel_loop3A_1794 : i32
        %parallel_loop3A_1796 = arith.constant 0 : i32
        %parallel_loop3A_1797 = arith.constant 1 : i32
        %parallel_loop3A_1798 = arith.index_cast %parallel_loop3A_1796 : i32 to index
        %parallel_loop3A_1799 = arith.index_cast %parallel_loop3A_1797 : i32 to index
        %parallel_loop3A_1800 = arith.index_cast %parallel_loop3A_1795 : i32 to index
        %parallel_loop3A_1801 = tpu.vector_load %arg7[%parallel_loop3A_1798, %parallel_loop3A_1799, %parallel_loop3A_1800] {strides = array<i32>} : memref<2x2x8192xf32, #tpu.memory_space<vmem>>, vector<16xf32>,
        tpu.vector_store %arg7[%parallel_loop3A_1798, %parallel_loop3A_1799, %parallel_loop3A_1800], %parallel_loop3A_1791 {strides = array<i32>} : memref<2x2x8192xf32, #tpu.memory_space<vmem>>, vector<16xf32>,
        %parallel_loop3A_1802 = arith.constant 0 : i32
        %parallel_loop3A_1803 = arith.constant 1 : i32
        %parallel_loop3A_1804 = arith.constant 0 : i32
        %parallel_loop3A_1805 = arith.constant 0 : i32
        %parallel_loop3A_1806 = tpu.memref_slice %arg6[%parallel_loop3A_1802, %parallel_loop3A_1803, %parallel_loop3A_1804, %parallel_loop3A_1805] : memref<2x2x128x64xf32, #tpu.memory_space<vmem>> -> memref<1x1x128x64xf32, #tpu.memory_space<vmem>>
        %parallel_loop3A_1807 = tpu.memref_squeeze %parallel_loop3A_1806 : memref<1x1x128x64xf32, #tpu.memory_space<vmem>> -> memref<128x64xf32, #tpu.memory_space<vmem>>
        %parallel_loop3A_1808 = tpu.vector_load_idx %parallel_loop3A_1807[%add3A_23, %parallel_loop3A_1563] : memref<128x64xf32, #tpu.memory_space<vmem>>[vector<16xi32>, vector<16xi32>], vector<16xf32>,
        %parallel_loop3A_1809 = arith.constant 128 : i32
        %parallel_loop3A_1810 = arith.muli %parallel_loop3A_1562, %parallel_loop3A_1809 : i32
        %parallel_loop3A_1811 = arith.constant 96 : i32
        %parallel_loop3A_1812 = arith.addi %parallel_loop3A_1810, %parallel_loop3A_1811 : i32
        %parallel_loop3A_1813 = arith.constant 0 : i32
        %parallel_loop3A_1814 = arith.constant 1 : i32
        %parallel_loop3A_1815 = arith.index_cast %parallel_loop3A_1813 : i32 to index
        %parallel_loop3A_1816 = arith.index_cast %parallel_loop3A_1814 : i32 to index
        %parallel_loop3A_1817 = arith.index_cast %parallel_loop3A_1812 : i32 to index
        %parallel_loop3A_1818 = tpu.vector_load %arg7[%parallel_loop3A_1815, %parallel_loop3A_1816, %parallel_loop3A_1817] {strides = array<i32>} : memref<2x2x8192xf32, #tpu.memory_space<vmem>>, vector<16xf32>,
        tpu.vector_store %arg7[%parallel_loop3A_1815, %parallel_loop3A_1816, %parallel_loop3A_1817], %parallel_loop3A_1808 {strides = array<i32>} : memref<2x2x8192xf32, #tpu.memory_space<vmem>>, vector<16xf32>,
        %parallel_loop3A_1819 = arith.constant 0 : i32
        %parallel_loop3A_1820 = arith.constant 1 : i32
        %parallel_loop3A_1821 = arith.constant 0 : i32
        %parallel_loop3A_1822 = arith.constant 0 : i32
        %parallel_loop3A_1823 = tpu.memref_slice %arg6[%parallel_loop3A_1819, %parallel_loop3A_1820, %parallel_loop3A_1821, %parallel_loop3A_1822] : memref<2x2x128x64xf32, #tpu.memory_space<vmem>> -> memref<1x1x128x64xf32, #tpu.memory_space<vmem>>
        %parallel_loop3A_1824 = tpu.memref_squeeze %parallel_loop3A_1823 : memref<1x1x128x64xf32, #tpu.memory_space<vmem>> -> memref<128x64xf32, #tpu.memory_space<vmem>>
        %parallel_loop3A_1825 = tpu.vector_load_idx %parallel_loop3A_1824[%add3A_26, %parallel_loop3A_1563] : memref<128x64xf32, #tpu.memory_space<vmem>>[vector<16xi32>, vector<16xi32>], vector<16xf32>,
        %parallel_loop3A_1826 = arith.constant 128 : i32
        %parallel_loop3A_1827 = arith.muli %parallel_loop3A_1562, %parallel_loop3A_1826 : i32
        %parallel_loop3A_1828 = arith.constant 112 : i32
        %parallel_loop3A_1829 = arith.addi %parallel_loop3A_1827, %parallel_loop3A_1828 : i32
        %parallel_loop3A_1830 = arith.constant 0 : i32
        %parallel_loop3A_1831 = arith.constant 1 : i32
        %parallel_loop3A_1832 = arith.index_cast %parallel_loop3A_1830 : i32 to index
        %parallel_loop3A_1833 = arith.index_cast %parallel_loop3A_1831 : i32 to index
        %parallel_loop3A_1834 = arith.index_cast %parallel_loop3A_1829 : i32 to index
        %parallel_loop3A_1835 = tpu.vector_load %arg7[%parallel_loop3A_1832, %parallel_loop3A_1833, %parallel_loop3A_1834] {strides = array<i32>} : memref<2x2x8192xf32, #tpu.memory_space<vmem>>, vector<16xf32>,
        tpu.vector_store %arg7[%parallel_loop3A_1832, %parallel_loop3A_1833, %parallel_loop3A_1834], %parallel_loop3A_1825 {strides = array<i32>} : memref<2x2x8192xf32, #tpu.memory_space<vmem>>, vector<16xf32>,
      } {sc.loop_unroll_factor = 4 : i64, sc.parallel_access}
      %mul3A_775 = arith.constant 2 : i32
      %mul3A_776 = arith.muli %add3A_732, %mul3A_775 : i32
      %add3A_777 = arith.constant 0 : i32
      %add3A_778 = arith.addi %mul3A_776, %add3A_777 : i32
      %dma_start3A_779 = arith.constant 0 : i32
      %dma_start3A_780 = arith.constant 0 : i32
      %dma_start3A_781 = arith.constant 0 : i32
      %dma_start3A_782 = arith.constant 0 : i32
      %dma_start3A_783 = tpu.memref_slice %arg7[%dma_start3A_779, %dma_start3A_780, %dma_start3A_782] : memref<2x2x8192xf32, #tpu.memory_space<vmem>> -> memref<1x1x8192xf32, #tpu.memory_space<vmem>>
      %dma_start3A_784 = tpu.memref_squeeze %dma_start3A_783 : memref<1x1x8192xf32, #tpu.memory_space<vmem>> -> memref<8192xf32, #tpu.memory_space<vmem>>
      %dma_start3A_785 = arith.constant 0 : i32
      %dma_start3A_786 = tpu.memref_slice %dma_start3A_784[%dma_start3A_785] : memref<8192xf32, #tpu.memory_space<vmem>> -> memref<1024xf32, #tpu.memory_space<vmem>>
      %dma_start3A_787 = arith.constant 0 : i32
      %dma_start3A_788 = tpu.memref_slice %arg4[%add3A_778, %dma_start3A_781, %add3A, %dma_start3A_787] : memref<200x8x32x1024xf32, #tpu.memory_space<hbm>> -> memref<1x1x1x1024xf32, #tpu.memory_space<hbm>>
      %dma_start3A_789 = tpu.memref_squeeze %dma_start3A_788 : memref<1x1x1x1024xf32, #tpu.memory_space<hbm>> -> memref<1024xf32, #tpu.memory_space<hbm>>
      %dma_start3A_790 = arith.constant 0 : i32
      %dma_start3A_791 = tpu.memref_slice %arg4[%add3A_778, %dma_start3A_781, %add3A, %dma_start3A_790] : memref<200x8x32x1024xf32, #tpu.memory_space<hbm>> -> memref<1x1x1x1024xf32, #tpu.memory_space<hbm>>
      %dma_start3A_792 = tpu.memref_squeeze %dma_start3A_791 : memref<1x1x1x1024xf32, #tpu.memory_space<hbm>> -> memref<1024xf32, #tpu.memory_space<hbm>>
      %dma_start3A_793 = arith.constant 0 : i32
      %dma_start3A_794 = tpu.memref_slice %arg7[%dma_start3A_779, %dma_start3A_780, %dma_start3A_793] : memref<2x2x8192xf32, #tpu.memory_space<vmem>> -> memref<1x1x8192xf32, #tpu.memory_space<vmem>>
      %dma_start3A_795 = tpu.memref_squeeze %dma_start3A_794 : memref<1x1x8192xf32, #tpu.memory_space<vmem>> -> memref<8192xf32, #tpu.memory_space<vmem>>
      %dma_start3A_796 = arith.constant 0 : i32
      %dma_start3A_797 = tpu.memref_slice %dma_start3A_795[%dma_start3A_796] : memref<8192xf32, #tpu.memory_space<vmem>> -> memref<1024xf32, #tpu.memory_space<vmem>>
      tpu.enqueue_dma source(%dma_start3A_797 : memref<1024xf32, #tpu.memory_space<vmem>>) target(%dma_start3A_792 : memref<1024xf32, #tpu.memory_space<hbm>>) target_semaphore(%arg10 : memref<!tpu.dma_semaphore, #tpu.memory_space<semaphore_mem>>)
      %mul3A_798 = arith.constant 2 : i32
      %mul3A_799 = arith.muli %add3A_732, %mul3A_798 : i32
      %add3A_800 = arith.constant 0 : i32
      %add3A_801 = arith.addi %mul3A_799, %add3A_800 : i32
      %dma_start3A_802 = arith.constant 0 : i32
      %dma_start3A_803 = arith.constant 0 : i32
      %dma_start3A_804 = arith.constant 1 : i32
      %dma_start3A_805 = arith.constant 0 : i32
      %dma_start3A_806 = tpu.memref_slice %arg7[%dma_start3A_802, %dma_start3A_803, %dma_start3A_805] : memref<2x2x8192xf32, #tpu.memory_space<vmem>> -> memref<1x1x8192xf32, #tpu.memory_space<vmem>>
      %dma_start3A_807 = tpu.memref_squeeze %dma_start3A_806 : memref<1x1x8192xf32, #tpu.memory_space<vmem>> -> memref<8192xf32, #tpu.memory_space<vmem>>
      %dma_start3A_808 = arith.constant 1024 : i32
      %dma_start3A_809 = tpu.memref_slice %dma_start3A_807[%dma_start3A_808] : memref<8192xf32, #tpu.memory_space<vmem>> -> memref<1024xf32, #tpu.memory_space<vmem>>
      %dma_start3A_810 = arith.constant 0 : i32
      %dma_start3A_811 = tpu.memref_slice %arg4[%add3A_801, %dma_start3A_804, %add3A, %dma_start3A_810] : memref<200x8x32x1024xf32, #tpu.memory_space<hbm>> -> memref<1x1x1x1024xf32, #tpu.memory_space<hbm>>
      %dma_start3A_812 = tpu.memref_squeeze %dma_start3A_811 : memref<1x1x1x1024xf32, #tpu.memory_space<hbm>> -> memref<1024xf32, #tpu.memory_space<hbm>>
      %dma_start3A_813 = arith.constant 0 : i32
      %dma_start3A_814 = tpu.memref_slice %arg4[%add3A_801, %dma_start3A_804, %add3A, %dma_start3A_813] : memref<200x8x32x1024xf32, #tpu.memory_space<hbm>> -> memref<1x1x1x1024xf32, #tpu.memory_space<hbm>>
      %dma_start3A_815 = tpu.memref_squeeze %dma_start3A_814 : memref<1x1x1x1024xf32, #tpu.memory_space<hbm>> -> memref<1024xf32, #tpu.memory_space<hbm>>
      %dma_start3A_816 = arith.constant 0 : i32
      %dma_start3A_817 = tpu.memref_slice %arg7[%dma_start3A_802, %dma_start3A_803, %dma_start3A_816] : memref<2x2x8192xf32, #tpu.memory_space<vmem>> -> memref<1x1x8192xf32, #tpu.memory_space<vmem>>
      %dma_start3A_818 = tpu.memref_squeeze %dma_start3A_817 : memref<1x1x8192xf32, #tpu.memory_space<vmem>> -> memref<8192xf32, #tpu.memory_space<vmem>>
      %dma_start3A_819 = arith.constant 1024 : i32
      %dma_start3A_820 = tpu.memref_slice %dma_start3A_818[%dma_start3A_819] : memref<8192xf32, #tpu.memory_space<vmem>> -> memref<1024xf32, #tpu.memory_space<vmem>>
      tpu.enqueue_dma source(%dma_start3A_820 : memref<1024xf32, #tpu.memory_space<vmem>>) target(%dma_start3A_815 : memref<1024xf32, #tpu.memory_space<hbm>>) target_semaphore(%arg10 : memref<!tpu.dma_semaphore, #tpu.memory_space<semaphore_mem>>)
      %mul3A_821 = arith.constant 2 : i32
      %mul3A_822 = arith.muli %add3A_732, %mul3A_821 : i32
      %add3A_823 = arith.constant 0 : i32
      %add3A_824 = arith.addi %mul3A_822, %add3A_823 : i32
      %dma_start3A_825 = arith.constant 0 : i32
      %dma_start3A_826 = arith.constant 0 : i32
      %dma_start3A_827 = arith.constant 2 : i32
      %dma_start3A_828 = arith.constant 0 : i32
      %dma_start3A_829 = tpu.memref_slice %arg7[%dma_start3A_825, %dma_start3A_826, %dma_start3A_828] : memref<2x2x8192xf32, #tpu.memory_space<vmem>> -> memref<1x1x8192xf32, #tpu.memory_space<vmem>>
      %dma_start3A_830 = tpu.memref_squeeze %dma_start3A_829 : memref<1x1x8192xf32, #tpu.memory_space<vmem>> -> memref<8192xf32, #tpu.memory_space<vmem>>
      %dma_start3A_831 = arith.constant 2048 : i32
      %dma_start3A_832 = tpu.memref_slice %dma_start3A_830[%dma_start3A_831] : memref<8192xf32, #tpu.memory_space<vmem>> -> memref<1024xf32, #tpu.memory_space<vmem>>
      %dma_start3A_833 = arith.constant 0 : i32
      %dma_start3A_834 = tpu.memref_slice %arg4[%add3A_824, %dma_start3A_827, %add3A, %dma_start3A_833] : memref<200x8x32x1024xf32, #tpu.memory_space<hbm>> -> memref<1x1x1x1024xf32, #tpu.memory_space<hbm>>
      %dma_start3A_835 = tpu.memref_squeeze %dma_start3A_834 : memref<1x1x1x1024xf32, #tpu.memory_space<hbm>> -> memref<1024xf32, #tpu.memory_space<hbm>>
      %dma_start3A_836 = arith.constant 0 : i32
      %dma_start3A_837 = tpu.memref_slice %arg4[%add3A_824, %dma_start3A_827, %add3A, %dma_start3A_836] : memref<200x8x32x1024xf32, #tpu.memory_space<hbm>> -> memref<1x1x1x1024xf32, #tpu.memory_space<hbm>>
      %dma_start3A_838 = tpu.memref_squeeze %dma_start3A_837 : memref<1x1x1x1024xf32, #tpu.memory_space<hbm>> -> memref<1024xf32, #tpu.memory_space<hbm>>
      %dma_start3A_839 = arith.constant 0 : i32
      %dma_start3A_840 = tpu.memref_slice %arg7[%dma_start3A_825, %dma_start3A_826, %dma_start3A_839] : memref<2x2x8192xf32, #tpu.memory_space<vmem>> -> memref<1x1x8192xf32, #tpu.memory_space<vmem>>
      %dma_start3A_841 = tpu.memref_squeeze %dma_start3A_840 : memref<1x1x8192xf32, #tpu.memory_space<vmem>> -> memref<8192xf32, #tpu.memory_space<vmem>>
      %dma_start3A_842 = arith.constant 2048 : i32
      %dma_start3A_843 = tpu.memref_slice %dma_start3A_841[%dma_start3A_842] : memref<8192xf32, #tpu.memory_space<vmem>> -> memref<1024xf32, #tpu.memory_space<vmem>>
      tpu.enqueue_dma source(%dma_start3A_843 : memref<1024xf32, #tpu.memory_space<vmem>>) target(%dma_start3A_838 : memref<1024xf32, #tpu.memory_space<hbm>>) target_semaphore(%arg10 : memref<!tpu.dma_semaphore, #tpu.memory_space<semaphore_mem>>)
      %mul3A_844 = arith.constant 2 : i32
      %mul3A_845 = arith.muli %add3A_732, %mul3A_844 : i32
      %add3A_846 = arith.constant 0 : i32
      %add3A_847 = arith.addi %mul3A_845, %add3A_846 : i32
      %dma_start3A_848 = arith.constant 0 : i32
      %dma_start3A_849 = arith.constant 0 : i32
      %dma_start3A_850 = arith.constant 3 : i32
      %dma_start3A_851 = arith.constant 0 : i32
      %dma_start3A_852 = tpu.memref_slice %arg7[%dma_start3A_848, %dma_start3A_849, %dma_start3A_851] : memref<2x2x8192xf32, #tpu.memory_space<vmem>> -> memref<1x1x8192xf32, #tpu.memory_space<vmem>>
      %dma_start3A_853 = tpu.memref_squeeze %dma_start3A_852 : memref<1x1x8192xf32, #tpu.memory_space<vmem>> -> memref<8192xf32, #tpu.memory_space<vmem>>
      %dma_start3A_854 = arith.constant 3072 : i32
      %dma_start3A_855 = tpu.memref_slice %dma_start3A_853[%dma_start3A_854] : memref<8192xf32, #tpu.memory_space<vmem>> -> memref<1024xf32, #tpu.memory_space<vmem>>
      %dma_start3A_856 = arith.constant 0 : i32
      %dma_start3A_857 = tpu.memref_slice %arg4[%add3A_847, %dma_start3A_850, %add3A, %dma_start3A_856] : memref<200x8x32x1024xf32, #tpu.memory_space<hbm>> -> memref<1x1x1x1024xf32, #tpu.memory_space<hbm>>
      %dma_start3A_858 = tpu.memref_squeeze %dma_start3A_857 : memref<1x1x1x1024xf32, #tpu.memory_space<hbm>> -> memref<1024xf32, #tpu.memory_space<hbm>>
      %dma_start3A_859 = arith.constant 0 : i32
      %dma_start3A_860 = tpu.memref_slice %arg4[%add3A_847, %dma_start3A_850, %add3A, %dma_start3A_859] : memref<200x8x32x1024xf32, #tpu.memory_space<hbm>> -> memref<1x1x1x1024xf32, #tpu.memory_space<hbm>>
      %dma_start3A_861 = tpu.memref_squeeze %dma_start3A_860 : memref<1x1x1x1024xf32, #tpu.memory_space<hbm>> -> memref<1024xf32, #tpu.memory_space<hbm>>
      %dma_start3A_862 = arith.constant 0 : i32
      %dma_start3A_863 = tpu.memref_slice %arg7[%dma_start3A_848, %dma_start3A_849, %dma_start3A_862] : memref<2x2x8192xf32, #tpu.memory_space<vmem>> -> memref<1x1x8192xf32, #tpu.memory_space<vmem>>
      %dma_start3A_864 = tpu.memref_squeeze %dma_start3A_863 : memref<1x1x8192xf32, #tpu.memory_space<vmem>> -> memref<8192xf32, #tpu.memory_space<vmem>>
      %dma_start3A_865 = arith.constant 3072 : i32
      %dma_start3A_866 = tpu.memref_slice %dma_start3A_864[%dma_start3A_865] : memref<8192xf32, #tpu.memory_space<vmem>> -> memref<1024xf32, #tpu.memory_space<vmem>>
      tpu.enqueue_dma source(%dma_start3A_866 : memref<1024xf32, #tpu.memory_space<vmem>>) target(%dma_start3A_861 : memref<1024xf32, #tpu.memory_space<hbm>>) target_semaphore(%arg10 : memref<!tpu.dma_semaphore, #tpu.memory_space<semaphore_mem>>)
      %mul3A_867 = arith.constant 2 : i32
      %mul3A_868 = arith.muli %add3A_732, %mul3A_867 : i32
      %add3A_869 = arith.constant 0 : i32
      %add3A_870 = arith.addi %mul3A_868, %add3A_869 : i32
      %dma_start3A_871 = arith.constant 0 : i32
      %dma_start3A_872 = arith.constant 0 : i32
      %dma_start3A_873 = arith.constant 4 : i32
      %dma_start3A_874 = arith.constant 0 : i32
      %dma_start3A_875 = tpu.memref_slice %arg7[%dma_start3A_871, %dma_start3A_872, %dma_start3A_874] : memref<2x2x8192xf32, #tpu.memory_space<vmem>> -> memref<1x1x8192xf32, #tpu.memory_space<vmem>>
      %dma_start3A_876 = tpu.memref_squeeze %dma_start3A_875 : memref<1x1x8192xf32, #tpu.memory_space<vmem>> -> memref<8192xf32, #tpu.memory_space<vmem>>
      %dma_start3A_877 = arith.constant 4096 : i32
      %dma_start3A_878 = tpu.memref_slice %dma_start3A_876[%dma_start3A_877] : memref<8192xf32, #tpu.memory_space<vmem>> -> memref<1024xf32, #tpu.memory_space<vmem>>
      %dma_start3A_879 = arith.constant 0 : i32
      %dma_start3A_880 = tpu.memref_slice %arg4[%add3A_870, %dma_start3A_873, %add3A, %dma_start3A_879] : memref<200x8x32x1024xf32, #tpu.memory_space<hbm>> -> memref<1x1x1x1024xf32, #tpu.memory_space<hbm>>
      %dma_start3A_881 = tpu.memref_squeeze %dma_start3A_880 : memref<1x1x1x1024xf32, #tpu.memory_space<hbm>> -> memref<1024xf32, #tpu.memory_space<hbm>>
      %dma_start3A_882 = arith.constant 0 : i32
      %dma_start3A_883 = tpu.memref_slice %arg4[%add3A_870, %dma_start3A_873, %add3A, %dma_start3A_882] : memref<200x8x32x1024xf32, #tpu.memory_space<hbm>> -> memref<1x1x1x1024xf32, #tpu.memory_space<hbm>>
      %dma_start3A_884 = tpu.memref_squeeze %dma_start3A_883 : memref<1x1x1x1024xf32, #tpu.memory_space<hbm>> -> memref<1024xf32, #tpu.memory_space<hbm>>
      %dma_start3A_885 = arith.constant 0 : i32
      %dma_start3A_886 = tpu.memref_slice %arg7[%dma_start3A_871, %dma_start3A_872, %dma_start3A_885] : memref<2x2x8192xf32, #tpu.memory_space<vmem>> -> memref<1x1x8192xf32, #tpu.memory_space<vmem>>
      %dma_start3A_887 = tpu.memref_squeeze %dma_start3A_886 : memref<1x1x8192xf32, #tpu.memory_space<vmem>> -> memref<8192xf32, #tpu.memory_space<vmem>>
      %dma_start3A_888 = arith.constant 4096 : i32
      %dma_start3A_889 = tpu.memref_slice %dma_start3A_887[%dma_start3A_888] : memref<8192xf32, #tpu.memory_space<vmem>> -> memref<1024xf32, #tpu.memory_space<vmem>>
      tpu.enqueue_dma source(%dma_start3A_889 : memref<1024xf32, #tpu.memory_space<vmem>>) target(%dma_start3A_884 : memref<1024xf32, #tpu.memory_space<hbm>>) target_semaphore(%arg10 : memref<!tpu.dma_semaphore, #tpu.memory_space<semaphore_mem>>)
      %mul3A_890 = arith.constant 2 : i32
      %mul3A_891 = arith.muli %add3A_732, %mul3A_890 : i32
      %add3A_892 = arith.constant 0 : i32
      %add3A_893 = arith.addi %mul3A_891, %add3A_892 : i32
      %dma_start3A_894 = arith.constant 0 : i32
      %dma_start3A_895 = arith.constant 0 : i32
      %dma_start3A_896 = arith.constant 5 : i32
      %dma_start3A_897 = arith.constant 0 : i32
      %dma_start3A_898 = tpu.memref_slice %arg7[%dma_start3A_894, %dma_start3A_895, %dma_start3A_897] : memref<2x2x8192xf32, #tpu.memory_space<vmem>> -> memref<1x1x8192xf32, #tpu.memory_space<vmem>>
      %dma_start3A_899 = tpu.memref_squeeze %dma_start3A_898 : memref<1x1x8192xf32, #tpu.memory_space<vmem>> -> memref<8192xf32, #tpu.memory_space<vmem>>
      %dma_start3A_900 = arith.constant 5120 : i32
      %dma_start3A_901 = tpu.memref_slice %dma_start3A_899[%dma_start3A_900] : memref<8192xf32, #tpu.memory_space<vmem>> -> memref<1024xf32, #tpu.memory_space<vmem>>
      %dma_start3A_902 = arith.constant 0 : i32
      %dma_start3A_903 = tpu.memref_slice %arg4[%add3A_893, %dma_start3A_896, %add3A, %dma_start3A_902] : memref<200x8x32x1024xf32, #tpu.memory_space<hbm>> -> memref<1x1x1x1024xf32, #tpu.memory_space<hbm>>
      %dma_start3A_904 = tpu.memref_squeeze %dma_start3A_903 : memref<1x1x1x1024xf32, #tpu.memory_space<hbm>> -> memref<1024xf32, #tpu.memory_space<hbm>>
      %dma_start3A_905 = arith.constant 0 : i32
      %dma_start3A_906 = tpu.memref_slice %arg4[%add3A_893, %dma_start3A_896, %add3A, %dma_start3A_905] : memref<200x8x32x1024xf32, #tpu.memory_space<hbm>> -> memref<1x1x1x1024xf32, #tpu.memory_space<hbm>>
      %dma_start3A_907 = tpu.memref_squeeze %dma_start3A_906 : memref<1x1x1x1024xf32, #tpu.memory_space<hbm>> -> memref<1024xf32, #tpu.memory_space<hbm>>
      %dma_start3A_908 = arith.constant 0 : i32
      %dma_start3A_909 = tpu.memref_slice %arg7[%dma_start3A_894, %dma_start3A_895, %dma_start3A_908] : memref<2x2x8192xf32, #tpu.memory_space<vmem>> -> memref<1x1x8192xf32, #tpu.memory_space<vmem>>
      %dma_start3A_910 = tpu.memref_squeeze %dma_start3A_909 : memref<1x1x8192xf32, #tpu.memory_space<vmem>> -> memref<8192xf32, #tpu.memory_space<vmem>>
      %dma_start3A_911 = arith.constant 5120 : i32
      %dma_start3A_912 = tpu.memref_slice %dma_start3A_910[%dma_start3A_911] : memref<8192xf32, #tpu.memory_space<vmem>> -> memref<1024xf32, #tpu.memory_space<vmem>>
      tpu.enqueue_dma source(%dma_start3A_912 : memref<1024xf32, #tpu.memory_space<vmem>>) target(%dma_start3A_907 : memref<1024xf32, #tpu.memory_space<hbm>>) target_semaphore(%arg10 : memref<!tpu.dma_semaphore, #tpu.memory_space<semaphore_mem>>)
      %mul3A_913 = arith.constant 2 : i32
      %mul3A_914 = arith.muli %add3A_732, %mul3A_913 : i32
      %add3A_915 = arith.constant 0 : i32
      %add3A_916 = arith.addi %mul3A_914, %add3A_915 : i32
      %dma_start3A_917 = arith.constant 0 : i32
      %dma_start3A_918 = arith.constant 0 : i32
      %dma_start3A_919 = arith.constant 6 : i32
      %dma_start3A_920 = arith.constant 0 : i32
      %dma_start3A_921 = tpu.memref_slice %arg7[%dma_start3A_917, %dma_start3A_918, %dma_start3A_920] : memref<2x2x8192xf32, #tpu.memory_space<vmem>> -> memref<1x1x8192xf32, #tpu.memory_space<vmem>>
      %dma_start3A_922 = tpu.memref_squeeze %dma_start3A_921 : memref<1x1x8192xf32, #tpu.memory_space<vmem>> -> memref<8192xf32, #tpu.memory_space<vmem>>
      %dma_start3A_923 = arith.constant 6144 : i32
      %dma_start3A_924 = tpu.memref_slice %dma_start3A_922[%dma_start3A_923] : memref<8192xf32, #tpu.memory_space<vmem>> -> memref<1024xf32, #tpu.memory_space<vmem>>
      %dma_start3A_925 = arith.constant 0 : i32
      %dma_start3A_926 = tpu.memref_slice %arg4[%add3A_916, %dma_start3A_919, %add3A, %dma_start3A_925] : memref<200x8x32x1024xf32, #tpu.memory_space<hbm>> -> memref<1x1x1x1024xf32, #tpu.memory_space<hbm>>
      %dma_start3A_927 = tpu.memref_squeeze %dma_start3A_926 : memref<1x1x1x1024xf32, #tpu.memory_space<hbm>> -> memref<1024xf32, #tpu.memory_space<hbm>>
      %dma_start3A_928 = arith.constant 0 : i32
      %dma_start3A_929 = tpu.memref_slice %arg4[%add3A_916, %dma_start3A_919, %add3A, %dma_start3A_928] : memref<200x8x32x1024xf32, #tpu.memory_space<hbm>> -> memref<1x1x1x1024xf32, #tpu.memory_space<hbm>>
      %dma_start3A_930 = tpu.memref_squeeze %dma_start3A_929 : memref<1x1x1x1024xf32, #tpu.memory_space<hbm>> -> memref<1024xf32, #tpu.memory_space<hbm>>
      %dma_start3A_931 = arith.constant 0 : i32
      %dma_start3A_932 = tpu.memref_slice %arg7[%dma_start3A_917, %dma_start3A_918, %dma_start3A_931] : memref<2x2x8192xf32, #tpu.memory_space<vmem>> -> memref<1x1x8192xf32, #tpu.memory_space<vmem>>
      %dma_start3A_933 = tpu.memref_squeeze %dma_start3A_932 : memref<1x1x8192xf32, #tpu.memory_space<vmem>> -> memref<8192xf32, #tpu.memory_space<vmem>>
      %dma_start3A_934 = arith.constant 6144 : i32
      %dma_start3A_935 = tpu.memref_slice %dma_start3A_933[%dma_start3A_934] : memref<8192xf32, #tpu.memory_space<vmem>> -> memref<1024xf32, #tpu.memory_space<vmem>>
      tpu.enqueue_dma source(%dma_start3A_935 : memref<1024xf32, #tpu.memory_space<vmem>>) target(%dma_start3A_930 : memref<1024xf32, #tpu.memory_space<hbm>>) target_semaphore(%arg10 : memref<!tpu.dma_semaphore, #tpu.memory_space<semaphore_mem>>)
      %mul3A_936 = arith.constant 2 : i32
      %mul3A_937 = arith.muli %add3A_732, %mul3A_936 : i32
      %add3A_938 = arith.constant 0 : i32
      %add3A_939 = arith.addi %mul3A_937, %add3A_938 : i32
      %dma_start3A_940 = arith.constant 0 : i32
      %dma_start3A_941 = arith.constant 0 : i32
      %dma_start3A_942 = arith.constant 7 : i32
      %dma_start3A_943 = arith.constant 0 : i32
      %dma_start3A_944 = tpu.memref_slice %arg7[%dma_start3A_940, %dma_start3A_941, %dma_start3A_943] : memref<2x2x8192xf32, #tpu.memory_space<vmem>> -> memref<1x1x8192xf32, #tpu.memory_space<vmem>>
      %dma_start3A_945 = tpu.memref_squeeze %dma_start3A_944 : memref<1x1x8192xf32, #tpu.memory_space<vmem>> -> memref<8192xf32, #tpu.memory_space<vmem>>
      %dma_start3A_946 = arith.constant 7168 : i32
      %dma_start3A_947 = tpu.memref_slice %dma_start3A_945[%dma_start3A_946] : memref<8192xf32, #tpu.memory_space<vmem>> -> memref<1024xf32, #tpu.memory_space<vmem>>
      %dma_start3A_948 = arith.constant 0 : i32
      %dma_start3A_949 = tpu.memref_slice %arg4[%add3A_939, %dma_start3A_942, %add3A, %dma_start3A_948] : memref<200x8x32x1024xf32, #tpu.memory_space<hbm>> -> memref<1x1x1x1024xf32, #tpu.memory_space<hbm>>
      %dma_start3A_950 = tpu.memref_squeeze %dma_start3A_949 : memref<1x1x1x1024xf32, #tpu.memory_space<hbm>> -> memref<1024xf32, #tpu.memory_space<hbm>>
      %dma_start3A_951 = arith.constant 0 : i32
      %dma_start3A_952 = tpu.memref_slice %arg4[%add3A_939, %dma_start3A_942, %add3A, %dma_start3A_951] : memref<200x8x32x1024xf32, #tpu.memory_space<hbm>> -> memref<1x1x1x1024xf32, #tpu.memory_space<hbm>>
      %dma_start3A_953 = tpu.memref_squeeze %dma_start3A_952 : memref<1x1x1x1024xf32, #tpu.memory_space<hbm>> -> memref<1024xf32, #tpu.memory_space<hbm>>
      %dma_start3A_954 = arith.constant 0 : i32
      %dma_start3A_955 = tpu.memref_slice %arg7[%dma_start3A_940, %dma_start3A_941, %dma_start3A_954] : memref<2x2x8192xf32, #tpu.memory_space<vmem>> -> memref<1x1x8192xf32, #tpu.memory_space<vmem>>
      %dma_start3A_956 = tpu.memref_squeeze %dma_start3A_955 : memref<1x1x8192xf32, #tpu.memory_space<vmem>> -> memref<8192xf32, #tpu.memory_space<vmem>>
      %dma_start3A_957 = arith.constant 7168 : i32
      %dma_start3A_958 = tpu.memref_slice %dma_start3A_956[%dma_start3A_957] : memref<8192xf32, #tpu.memory_space<vmem>> -> memref<1024xf32, #tpu.memory_space<vmem>>
      tpu.enqueue_dma source(%dma_start3A_958 : memref<1024xf32, #tpu.memory_space<vmem>>) target(%dma_start3A_953 : memref<1024xf32, #tpu.memory_space<hbm>>) target_semaphore(%arg10 : memref<!tpu.dma_semaphore, #tpu.memory_space<semaphore_mem>>)
      %mul3A_959 = arith.constant 2 : i32
      %mul3A_960 = arith.muli %add3A_732, %mul3A_959 : i32
      %add3A_961 = arith.constant 1 : i32
      %add3A_962 = arith.addi %mul3A_960, %add3A_961 : i32
      %dma_start3A_963 = arith.constant 0 : i32
      %dma_start3A_964 = arith.constant 1 : i32
      %dma_start3A_965 = arith.constant 0 : i32
      %dma_start3A_966 = arith.constant 0 : i32
      %dma_start3A_967 = tpu.memref_slice %arg7[%dma_start3A_963, %dma_start3A_964, %dma_start3A_966] : memref<2x2x8192xf32, #tpu.memory_space<vmem>> -> memref<1x1x8192xf32, #tpu.memory_space<vmem>>
      %dma_start3A_968 = tpu.memref_squeeze %dma_start3A_967 : memref<1x1x8192xf32, #tpu.memory_space<vmem>> -> memref<8192xf32, #tpu.memory_space<vmem>>
      %dma_start3A_969 = arith.constant 0 : i32
      %dma_start3A_970 = tpu.memref_slice %dma_start3A_968[%dma_start3A_969] : memref<8192xf32, #tpu.memory_space<vmem>> -> memref<1024xf32, #tpu.memory_space<vmem>>
      %dma_start3A_971 = arith.constant 0 : i32
      %dma_start3A_972 = tpu.memref_slice %arg4[%add3A_962, %dma_start3A_965, %add3A, %dma_start3A_971] : memref<200x8x32x1024xf32, #tpu.memory_space<hbm>> -> memref<1x1x1x1024xf32, #tpu.memory_space<hbm>>
      %dma_start3A_973 = tpu.memref_squeeze %dma_start3A_972 : memref<1x1x1x1024xf32, #tpu.memory_space<hbm>> -> memref<1024xf32, #tpu.memory_space<hbm>>
      %dma_start3A_974 = arith.constant 0 : i32
      %dma_start3A_975 = tpu.memref_slice %arg4[%add3A_962, %dma_start3A_965, %add3A, %dma_start3A_974] : memref<200x8x32x1024xf32, #tpu.memory_space<hbm>> -> memref<1x1x1x1024xf32, #tpu.memory_space<hbm>>
      %dma_start3A_976 = tpu.memref_squeeze %dma_start3A_975 : memref<1x1x1x1024xf32, #tpu.memory_space<hbm>> -> memref<1024xf32, #tpu.memory_space<hbm>>
      %dma_start3A_977 = arith.constant 0 : i32
      %dma_start3A_978 = tpu.memref_slice %arg7[%dma_start3A_963, %dma_start3A_964, %dma_start3A_977] : memref<2x2x8192xf32, #tpu.memory_space<vmem>> -> memref<1x1x8192xf32, #tpu.memory_space<vmem>>
      %dma_start3A_979 = tpu.memref_squeeze %dma_start3A_978 : memref<1x1x8192xf32, #tpu.memory_space<vmem>> -> memref<8192xf32, #tpu.memory_space<vmem>>
      %dma_start3A_980 = arith.constant 0 : i32
      %dma_start3A_981 = tpu.memref_slice %dma_start3A_979[%dma_start3A_980] : memref<8192xf32, #tpu.memory_space<vmem>> -> memref<1024xf32, #tpu.memory_space<vmem>>
      tpu.enqueue_dma source(%dma_start3A_981 : memref<1024xf32, #tpu.memory_space<vmem>>) target(%dma_start3A_976 : memref<1024xf32, #tpu.memory_space<hbm>>) target_semaphore(%arg10 : memref<!tpu.dma_semaphore, #tpu.memory_space<semaphore_mem>>)
      %mul3A_982 = arith.constant 2 : i32
      %mul3A_983 = arith.muli %add3A_732, %mul3A_982 : i32
      %add3A_984 = arith.constant 1 : i32
      %add3A_985 = arith.addi %mul3A_983, %add3A_984 : i32
      %dma_start3A_986 = arith.constant 0 : i32
      %dma_start3A_987 = arith.constant 1 : i32
      %dma_start3A_988 = arith.constant 1 : i32
      %dma_start3A_989 = arith.constant 0 : i32
      %dma_start3A_990 = tpu.memref_slice %arg7[%dma_start3A_986, %dma_start3A_987, %dma_start3A_989] : memref<2x2x8192xf32, #tpu.memory_space<vmem>> -> memref<1x1x8192xf32, #tpu.memory_space<vmem>>
      %dma_start3A_991 = tpu.memref_squeeze %dma_start3A_990 : memref<1x1x8192xf32, #tpu.memory_space<vmem>> -> memref<8192xf32, #tpu.memory_space<vmem>>
      %dma_start3A_992 = arith.constant 1024 : i32
      %dma_start3A_993 = tpu.memref_slice %dma_start3A_991[%dma_start3A_992] : memref<8192xf32, #tpu.memory_space<vmem>> -> memref<1024xf32, #tpu.memory_space<vmem>>
      %dma_start3A_994 = arith.constant 0 : i32
      %dma_start3A_995 = tpu.memref_slice %arg4[%add3A_985, %dma_start3A_988, %add3A, %dma_start3A_994] : memref<200x8x32x1024xf32, #tpu.memory_space<hbm>> -> memref<1x1x1x1024xf32, #tpu.memory_space<hbm>>
      %dma_start3A_996 = tpu.memref_squeeze %dma_start3A_995 : memref<1x1x1x1024xf32, #tpu.memory_space<hbm>> -> memref<1024xf32, #tpu.memory_space<hbm>>
      %dma_start3A_997 = arith.constant 0 : i32
      %dma_start3A_998 = tpu.memref_slice %arg4[%add3A_985, %dma_start3A_988, %add3A, %dma_start3A_997] : memref<200x8x32x1024xf32, #tpu.memory_space<hbm>> -> memref<1x1x1x1024xf32, #tpu.memory_space<hbm>>
      %dma_start3A_999 = tpu.memref_squeeze %dma_start3A_998 : memref<1x1x1x1024xf32, #tpu.memory_space<hbm>> -> memref<1024xf32, #tpu.memory_space<hbm>>
      %dma_start3A_1000 = arith.constant 0 : i32
      %dma_start3A_1001 = tpu.memref_slice %arg7[%dma_start3A_986, %dma_start3A_987, %dma_start3A_1000] : memref<2x2x8192xf32, #tpu.memory_space<vmem>> -> memref<1x1x8192xf32, #tpu.memory_space<vmem>>
      %dma_start3A_1002 = tpu.memref_squeeze %dma_start3A_1001 : memref<1x1x8192xf32, #tpu.memory_space<vmem>> -> memref<8192xf32, #tpu.memory_space<vmem>>
      %dma_start3A_1003 = arith.constant 1024 : i32
      %dma_start3A_1004 = tpu.memref_slice %dma_start3A_1002[%dma_start3A_1003] : memref<8192xf32, #tpu.memory_space<vmem>> -> memref<1024xf32, #tpu.memory_space<vmem>>
      tpu.enqueue_dma source(%dma_start3A_1004 : memref<1024xf32, #tpu.memory_space<vmem>>) target(%dma_start3A_999 : memref<1024xf32, #tpu.memory_space<hbm>>) target_semaphore(%arg10 : memref<!tpu.dma_semaphore, #tpu.memory_space<semaphore_mem>>)
      %mul3A_1005 = arith.constant 2 : i32
      %mul3A_1006 = arith.muli %add3A_732, %mul3A_1005 : i32
      %add3A_1007 = arith.constant 1 : i32
      %add3A_1008 = arith.addi %mul3A_1006, %add3A_1007 : i32
      %dma_start3A_1009 = arith.constant 0 : i32
      %dma_start3A_1010 = arith.constant 1 : i32
      %dma_start3A_1011 = arith.constant 2 : i32
      %dma_start3A_1012 = arith.constant 0 : i32
      %dma_start3A_1013 = tpu.memref_slice %arg7[%dma_start3A_1009, %dma_start3A_1010, %dma_start3A_1012] : memref<2x2x8192xf32, #tpu.memory_space<vmem>> -> memref<1x1x8192xf32, #tpu.memory_space<vmem>>
      %dma_start3A_1014 = tpu.memref_squeeze %dma_start3A_1013 : memref<1x1x8192xf32, #tpu.memory_space<vmem>> -> memref<8192xf32, #tpu.memory_space<vmem>>
      %dma_start3A_1015 = arith.constant 2048 : i32
      %dma_start3A_1016 = tpu.memref_slice %dma_start3A_1014[%dma_start3A_1015] : memref<8192xf32, #tpu.memory_space<vmem>> -> memref<1024xf32, #tpu.memory_space<vmem>>
      %dma_start3A_1017 = arith.constant 0 : i32
      %dma_start3A_1018 = tpu.memref_slice %arg4[%add3A_1008, %dma_start3A_1011, %add3A, %dma_start3A_1017] : memref<200x8x32x1024xf32, #tpu.memory_space<hbm>> -> memref<1x1x1x1024xf32, #tpu.memory_space<hbm>>
      %dma_start3A_1019 = tpu.memref_squeeze %dma_start3A_1018 : memref<1x1x1x1024xf32, #tpu.memory_space<hbm>> -> memref<1024xf32, #tpu.memory_space<hbm>>
      %dma_start3A_1020 = arith.constant 0 : i32
      %dma_start3A_1021 = tpu.memref_slice %arg4[%add3A_1008, %dma_start3A_1011, %add3A, %dma_start3A_1020] : memref<200x8x32x1024xf32, #tpu.memory_space<hbm>> -> memref<1x1x1x1024xf32, #tpu.memory_space<hbm>>
      %dma_start3A_1022 = tpu.memref_squeeze %dma_start3A_1021 : memref<1x1x1x1024xf32, #tpu.memory_space<hbm>> -> memref<1024xf32, #tpu.memory_space<hbm>>
      %dma_start3A_1023 = arith.constant 0 : i32
      %dma_start3A_1024 = tpu.memref_slice %arg7[%dma_start3A_1009, %dma_start3A_1010, %dma_start3A_1023] : memref<2x2x8192xf32, #tpu.memory_space<vmem>> -> memref<1x1x8192xf32, #tpu.memory_space<vmem>>
      %dma_start3A_1025 = tpu.memref_squeeze %dma_start3A_1024 : memref<1x1x8192xf32, #tpu.memory_space<vmem>> -> memref<8192xf32, #tpu.memory_space<vmem>>
      %dma_start3A_1026 = arith.constant 2048 : i32
      %dma_start3A_1027 = tpu.memref_slice %dma_start3A_1025[%dma_start3A_1026] : memref<8192xf32, #tpu.memory_space<vmem>> -> memref<1024xf32, #tpu.memory_space<vmem>>
      tpu.enqueue_dma source(%dma_start3A_1027 : memref<1024xf32, #tpu.memory_space<vmem>>) target(%dma_start3A_1022 : memref<1024xf32, #tpu.memory_space<hbm>>) target_semaphore(%arg10 : memref<!tpu.dma_semaphore, #tpu.memory_space<semaphore_mem>>)
      %mul3A_1028 = arith.constant 2 : i32
      %mul3A_1029 = arith.muli %add3A_732, %mul3A_1028 : i32
      %add3A_1030 = arith.constant 1 : i32
      %add3A_1031 = arith.addi %mul3A_1029, %add3A_1030 : i32
      %dma_start3A_1032 = arith.constant 0 : i32
      %dma_start3A_1033 = arith.constant 1 : i32
      %dma_start3A_1034 = arith.constant 3 : i32
      %dma_start3A_1035 = arith.constant 0 : i32
      %dma_start3A_1036 = tpu.memref_slice %arg7[%dma_start3A_1032, %dma_start3A_1033, %dma_start3A_1035] : memref<2x2x8192xf32, #tpu.memory_space<vmem>> -> memref<1x1x8192xf32, #tpu.memory_space<vmem>>
      %dma_start3A_1037 = tpu.memref_squeeze %dma_start3A_1036 : memref<1x1x8192xf32, #tpu.memory_space<vmem>> -> memref<8192xf32, #tpu.memory_space<vmem>>
      %dma_start3A_1038 = arith.constant 3072 : i32
      %dma_start3A_1039 = tpu.memref_slice %dma_start3A_1037[%dma_start3A_1038] : memref<8192xf32, #tpu.memory_space<vmem>> -> memref<1024xf32, #tpu.memory_space<vmem>>
      %dma_start3A_1040 = arith.constant 0 : i32
      %dma_start3A_1041 = tpu.memref_slice %arg4[%add3A_1031, %dma_start3A_1034, %add3A, %dma_start3A_1040] : memref<200x8x32x1024xf32, #tpu.memory_space<hbm>> -> memref<1x1x1x1024xf32, #tpu.memory_space<hbm>>
      %dma_start3A_1042 = tpu.memref_squeeze %dma_start3A_1041 : memref<1x1x1x1024xf32, #tpu.memory_space<hbm>> -> memref<1024xf32, #tpu.memory_space<hbm>>
      %dma_start3A_1043 = arith.constant 0 : i32
      %dma_start3A_1044 = tpu.memref_slice %arg4[%add3A_1031, %dma_start3A_1034, %add3A, %dma_start3A_1043] : memref<200x8x32x1024xf32, #tpu.memory_space<hbm>> -> memref<1x1x1x1024xf32, #tpu.memory_space<hbm>>
      %dma_start3A_1045 = tpu.memref_squeeze %dma_start3A_1044 : memref<1x1x1x1024xf32, #tpu.memory_space<hbm>> -> memref<1024xf32, #tpu.memory_space<hbm>>
      %dma_start3A_1046 = arith.constant 0 : i32
      %dma_start3A_1047 = tpu.memref_slice %arg7[%dma_start3A_1032, %dma_start3A_1033, %dma_start3A_1046] : memref<2x2x8192xf32, #tpu.memory_space<vmem>> -> memref<1x1x8192xf32, #tpu.memory_space<vmem>>
      %dma_start3A_1048 = tpu.memref_squeeze %dma_start3A_1047 : memref<1x1x8192xf32, #tpu.memory_space<vmem>> -> memref<8192xf32, #tpu.memory_space<vmem>>
      %dma_start3A_1049 = arith.constant 3072 : i32
      %dma_start3A_1050 = tpu.memref_slice %dma_start3A_1048[%dma_start3A_1049] : memref<8192xf32, #tpu.memory_space<vmem>> -> memref<1024xf32, #tpu.memory_space<vmem>>
      tpu.enqueue_dma source(%dma_start3A_1050 : memref<1024xf32, #tpu.memory_space<vmem>>) target(%dma_start3A_1045 : memref<1024xf32, #tpu.memory_space<hbm>>) target_semaphore(%arg10 : memref<!tpu.dma_semaphore, #tpu.memory_space<semaphore_mem>>)
      %mul3A_1051 = arith.constant 2 : i32
      %mul3A_1052 = arith.muli %add3A_732, %mul3A_1051 : i32
      %add3A_1053 = arith.constant 1 : i32
      %add3A_1054 = arith.addi %mul3A_1052, %add3A_1053 : i32
      %dma_start3A_1055 = arith.constant 0 : i32
      %dma_start3A_1056 = arith.constant 1 : i32
      %dma_start3A_1057 = arith.constant 4 : i32
      %dma_start3A_1058 = arith.constant 0 : i32
      %dma_start3A_1059 = tpu.memref_slice %arg7[%dma_start3A_1055, %dma_start3A_1056, %dma_start3A_1058] : memref<2x2x8192xf32, #tpu.memory_space<vmem>> -> memref<1x1x8192xf32, #tpu.memory_space<vmem>>
      %dma_start3A_1060 = tpu.memref_squeeze %dma_start3A_1059 : memref<1x1x8192xf32, #tpu.memory_space<vmem>> -> memref<8192xf32, #tpu.memory_space<vmem>>
      %dma_start3A_1061 = arith.constant 4096 : i32
      %dma_start3A_1062 = tpu.memref_slice %dma_start3A_1060[%dma_start3A_1061] : memref<8192xf32, #tpu.memory_space<vmem>> -> memref<1024xf32, #tpu.memory_space<vmem>>
      %dma_start3A_1063 = arith.constant 0 : i32
      %dma_start3A_1064 = tpu.memref_slice %arg4[%add3A_1054, %dma_start3A_1057, %add3A, %dma_start3A_1063] : memref<200x8x32x1024xf32, #tpu.memory_space<hbm>> -> memref<1x1x1x1024xf32, #tpu.memory_space<hbm>>
      %dma_start3A_1065 = tpu.memref_squeeze %dma_start3A_1064 : memref<1x1x1x1024xf32, #tpu.memory_space<hbm>> -> memref<1024xf32, #tpu.memory_space<hbm>>
      %dma_start3A_1066 = arith.constant 0 : i32
      %dma_start3A_1067 = tpu.memref_slice %arg4[%add3A_1054, %dma_start3A_1057, %add3A, %dma_start3A_1066] : memref<200x8x32x1024xf32, #tpu.memory_space<hbm>> -> memref<1x1x1x1024xf32, #tpu.memory_space<hbm>>
      %dma_start3A_1068 = tpu.memref_squeeze %dma_start3A_1067 : memref<1x1x1x1024xf32, #tpu.memory_space<hbm>> -> memref<1024xf32, #tpu.memory_space<hbm>>
      %dma_start3A_1069 = arith.constant 0 : i32
      %dma_start3A_1070 = tpu.memref_slice %arg7[%dma_start3A_1055, %dma_start3A_1056, %dma_start3A_1069] : memref<2x2x8192xf32, #tpu.memory_space<vmem>> -> memref<1x1x8192xf32, #tpu.memory_space<vmem>>
      %dma_start3A_1071 = tpu.memref_squeeze %dma_start3A_1070 : memref<1x1x8192xf32, #tpu.memory_space<vmem>> -> memref<8192xf32, #tpu.memory_space<vmem>>
      %dma_start3A_1072 = arith.constant 4096 : i32
      %dma_start3A_1073 = tpu.memref_slice %dma_start3A_1071[%dma_start3A_1072] : memref<8192xf32, #tpu.memory_space<vmem>> -> memref<1024xf32, #tpu.memory_space<vmem>>
      tpu.enqueue_dma source(%dma_start3A_1073 : memref<1024xf32, #tpu.memory_space<vmem>>) target(%dma_start3A_1068 : memref<1024xf32, #tpu.memory_space<hbm>>) target_semaphore(%arg10 : memref<!tpu.dma_semaphore, #tpu.memory_space<semaphore_mem>>)
      %mul3A_1074 = arith.constant 2 : i32
      %mul3A_1075 = arith.muli %add3A_732, %mul3A_1074 : i32
      %add3A_1076 = arith.constant 1 : i32
      %add3A_1077 = arith.addi %mul3A_1075, %add3A_1076 : i32
      %dma_start3A_1078 = arith.constant 0 : i32
      %dma_start3A_1079 = arith.constant 1 : i32
      %dma_start3A_1080 = arith.constant 5 : i32
      %dma_start3A_1081 = arith.constant 0 : i32
      %dma_start3A_1082 = tpu.memref_slice %arg7[%dma_start3A_1078, %dma_start3A_1079, %dma_start3A_1081] : memref<2x2x8192xf32, #tpu.memory_space<vmem>> -> memref<1x1x8192xf32, #tpu.memory_space<vmem>>
      %dma_start3A_1083 = tpu.memref_squeeze %dma_start3A_1082 : memref<1x1x8192xf32, #tpu.memory_space<vmem>> -> memref<8192xf32, #tpu.memory_space<vmem>>
      %dma_start3A_1084 = arith.constant 5120 : i32
      %dma_start3A_1085 = tpu.memref_slice %dma_start3A_1083[%dma_start3A_1084] : memref<8192xf32, #tpu.memory_space<vmem>> -> memref<1024xf32, #tpu.memory_space<vmem>>
      %dma_start3A_1086 = arith.constant 0 : i32
      %dma_start3A_1087 = tpu.memref_slice %arg4[%add3A_1077, %dma_start3A_1080, %add3A, %dma_start3A_1086] : memref<200x8x32x1024xf32, #tpu.memory_space<hbm>> -> memref<1x1x1x1024xf32, #tpu.memory_space<hbm>>
      %dma_start3A_1088 = tpu.memref_squeeze %dma_start3A_1087 : memref<1x1x1x1024xf32, #tpu.memory_space<hbm>> -> memref<1024xf32, #tpu.memory_space<hbm>>
      %dma_start3A_1089 = arith.constant 0 : i32
      %dma_start3A_1090 = tpu.memref_slice %arg4[%add3A_1077, %dma_start3A_1080, %add3A, %dma_start3A_1089] : memref<200x8x32x1024xf32, #tpu.memory_space<hbm>> -> memref<1x1x1x1024xf32, #tpu.memory_space<hbm>>
      %dma_start3A_1091 = tpu.memref_squeeze %dma_start3A_1090 : memref<1x1x1x1024xf32, #tpu.memory_space<hbm>> -> memref<1024xf32, #tpu.memory_space<hbm>>
      %dma_start3A_1092 = arith.constant 0 : i32
      %dma_start3A_1093 = tpu.memref_slice %arg7[%dma_start3A_1078, %dma_start3A_1079, %dma_start3A_1092] : memref<2x2x8192xf32, #tpu.memory_space<vmem>> -> memref<1x1x8192xf32, #tpu.memory_space<vmem>>
      %dma_start3A_1094 = tpu.memref_squeeze %dma_start3A_1093 : memref<1x1x8192xf32, #tpu.memory_space<vmem>> -> memref<8192xf32, #tpu.memory_space<vmem>>
      %dma_start3A_1095 = arith.constant 5120 : i32
      %dma_start3A_1096 = tpu.memref_slice %dma_start3A_1094[%dma_start3A_1095] : memref<8192xf32, #tpu.memory_space<vmem>> -> memref<1024xf32, #tpu.memory_space<vmem>>
      tpu.enqueue_dma source(%dma_start3A_1096 : memref<1024xf32, #tpu.memory_space<vmem>>) target(%dma_start3A_1091 : memref<1024xf32, #tpu.memory_space<hbm>>) target_semaphore(%arg10 : memref<!tpu.dma_semaphore, #tpu.memory_space<semaphore_mem>>)
      %mul3A_1097 = arith.constant 2 : i32
      %mul3A_1098 = arith.muli %add3A_732, %mul3A_1097 : i32
      %add3A_1099 = arith.constant 1 : i32
      %add3A_1100 = arith.addi %mul3A_1098, %add3A_1099 : i32
      %dma_start3A_1101 = arith.constant 0 : i32
      %dma_start3A_1102 = arith.constant 1 : i32
      %dma_start3A_1103 = arith.constant 6 : i32
      %dma_start3A_1104 = arith.constant 0 : i32
      %dma_start3A_1105 = tpu.memref_slice %arg7[%dma_start3A_1101, %dma_start3A_1102, %dma_start3A_1104] : memref<2x2x8192xf32, #tpu.memory_space<vmem>> -> memref<1x1x8192xf32, #tpu.memory_space<vmem>>
      %dma_start3A_1106 = tpu.memref_squeeze %dma_start3A_1105 : memref<1x1x8192xf32, #tpu.memory_space<vmem>> -> memref<8192xf32, #tpu.memory_space<vmem>>
      %dma_start3A_1107 = arith.constant 6144 : i32
      %dma_start3A_1108 = tpu.memref_slice %dma_start3A_1106[%dma_start3A_1107] : memref<8192xf32, #tpu.memory_space<vmem>> -> memref<1024xf32, #tpu.memory_space<vmem>>
      %dma_start3A_1109 = arith.constant 0 : i32
      %dma_start3A_1110 = tpu.memref_slice %arg4[%add3A_1100, %dma_start3A_1103, %add3A, %dma_start3A_1109] : memref<200x8x32x1024xf32, #tpu.memory_space<hbm>> -> memref<1x1x1x1024xf32, #tpu.memory_space<hbm>>
      %dma_start3A_1111 = tpu.memref_squeeze %dma_start3A_1110 : memref<1x1x1x1024xf32, #tpu.memory_space<hbm>> -> memref<1024xf32, #tpu.memory_space<hbm>>
      %dma_start3A_1112 = arith.constant 0 : i32
      %dma_start3A_1113 = tpu.memref_slice %arg4[%add3A_1100, %dma_start3A_1103, %add3A, %dma_start3A_1112] : memref<200x8x32x1024xf32, #tpu.memory_space<hbm>> -> memref<1x1x1x1024xf32, #tpu.memory_space<hbm>>
      %dma_start3A_1114 = tpu.memref_squeeze %dma_start3A_1113 : memref<1x1x1x1024xf32, #tpu.memory_space<hbm>> -> memref<1024xf32, #tpu.memory_space<hbm>>
      %dma_start3A_1115 = arith.constant 0 : i32
      %dma_start3A_1116 = tpu.memref_slice %arg7[%dma_start3A_1101, %dma_start3A_1102, %dma_start3A_1115] : memref<2x2x8192xf32, #tpu.memory_space<vmem>> -> memref<1x1x8192xf32, #tpu.memory_space<vmem>>
      %dma_start3A_1117 = tpu.memref_squeeze %dma_start3A_1116 : memref<1x1x8192xf32, #tpu.memory_space<vmem>> -> memref<8192xf32, #tpu.memory_space<vmem>>
      %dma_start3A_1118 = arith.constant 6144 : i32
      %dma_start3A_1119 = tpu.memref_slice %dma_start3A_1117[%dma_start3A_1118] : memref<8192xf32, #tpu.memory_space<vmem>> -> memref<1024xf32, #tpu.memory_space<vmem>>
      tpu.enqueue_dma source(%dma_start3A_1119 : memref<1024xf32, #tpu.memory_space<vmem>>) target(%dma_start3A_1114 : memref<1024xf32, #tpu.memory_space<hbm>>) target_semaphore(%arg10 : memref<!tpu.dma_semaphore, #tpu.memory_space<semaphore_mem>>)
      %mul3A_1120 = arith.constant 2 : i32
      %mul3A_1121 = arith.muli %add3A_732, %mul3A_1120 : i32
      %add3A_1122 = arith.constant 1 : i32
      %add3A_1123 = arith.addi %mul3A_1121, %add3A_1122 : i32
      %dma_start3A_1124 = arith.constant 0 : i32
      %dma_start3A_1125 = arith.constant 1 : i32
      %dma_start3A_1126 = arith.constant 7 : i32
      %dma_start3A_1127 = arith.constant 0 : i32
      %dma_start3A_1128 = tpu.memref_slice %arg7[%dma_start3A_1124, %dma_start3A_1125, %dma_start3A_1127] : memref<2x2x8192xf32, #tpu.memory_space<vmem>> -> memref<1x1x8192xf32, #tpu.memory_space<vmem>>
      %dma_start3A_1129 = tpu.memref_squeeze %dma_start3A_1128 : memref<1x1x8192xf32, #tpu.memory_space<vmem>> -> memref<8192xf32, #tpu.memory_space<vmem>>
      %dma_start3A_1130 = arith.constant 7168 : i32
      %dma_start3A_1131 = tpu.memref_slice %dma_start3A_1129[%dma_start3A_1130] : memref<8192xf32, #tpu.memory_space<vmem>> -> memref<1024xf32, #tpu.memory_space<vmem>>
      %dma_start3A_1132 = arith.constant 0 : i32
      %dma_start3A_1133 = tpu.memref_slice %arg4[%add3A_1123, %dma_start3A_1126, %add3A, %dma_start3A_1132] : memref<200x8x32x1024xf32, #tpu.memory_space<hbm>> -> memref<1x1x1x1024xf32, #tpu.memory_space<hbm>>
      %dma_start3A_1134 = tpu.memref_squeeze %dma_start3A_1133 : memref<1x1x1x1024xf32, #tpu.memory_space<hbm>> -> memref<1024xf32, #tpu.memory_space<hbm>>
      %dma_start3A_1135 = arith.constant 0 : i32
      %dma_start3A_1136 = tpu.memref_slice %arg4[%add3A_1123, %dma_start3A_1126, %add3A, %dma_start3A_1135] : memref<200x8x32x1024xf32, #tpu.memory_space<hbm>> -> memref<1x1x1x1024xf32, #tpu.memory_space<hbm>>
      %dma_start3A_1137 = tpu.memref_squeeze %dma_start3A_1136 : memref<1x1x1x1024xf32, #tpu.memory_space<hbm>> -> memref<1024xf32, #tpu.memory_space<hbm>>
      %dma_start3A_1138 = arith.constant 0 : i32
      %dma_start3A_1139 = tpu.memref_slice %arg7[%dma_start3A_1124, %dma_start3A_1125, %dma_start3A_1138] : memref<2x2x8192xf32, #tpu.memory_space<vmem>> -> memref<1x1x8192xf32, #tpu.memory_space<vmem>>
      %dma_start3A_1140 = tpu.memref_squeeze %dma_start3A_1139 : memref<1x1x8192xf32, #tpu.memory_space<vmem>> -> memref<8192xf32, #tpu.memory_space<vmem>>
      %dma_start3A_1141 = arith.constant 7168 : i32
      %dma_start3A_1142 = tpu.memref_slice %dma_start3A_1140[%dma_start3A_1141] : memref<8192xf32, #tpu.memory_space<vmem>> -> memref<1024xf32, #tpu.memory_space<vmem>>
      tpu.enqueue_dma source(%dma_start3A_1142 : memref<1024xf32, #tpu.memory_space<vmem>>) target(%dma_start3A_1137 : memref<1024xf32, #tpu.memory_space<hbm>>) target_semaphore(%arg10 : memref<!tpu.dma_semaphore, #tpu.memory_space<semaphore_mem>>)
      %mul3A_1143 = arith.constant 2 : i32
      %mul3A_1144 = arith.muli %scan3A_728, %mul3A_1143 : i32
      %add3A_1145 = arith.constant 1 : i32
      %add3A_1146 = arith.addi %mul3A_1144, %add3A_1145 : i32
      %add3A_1147 = arith.constant 1 : i32
      %add3A_1148 = arith.addi %add3A_1146, %add3A_1147 : i32
      %lt3A_1149 = arith.constant 100 : i32
      %lt3A_1150 = arith.cmpi slt, %add3A_1148, %lt3A_1149 : i32
      %convert_element_type3A_1151 = arith.extui %lt3A_1150 : i1 to i32
      %cond3A_1152 = arith.constant 0 : i32
      %cond3A_1153 = arith.cmpi ne, %convert_element_type3A_1151, %cond3A_1152 : i32
      scf.if %cond3A_1153 {
        %add3A_1562 = arith.constant 1 : i32
        %add3A_1563 = arith.addi %add3A_1146, %add3A_1562 : i32
        %mul3A_1564 = arith.constant 2 : i32
        %mul3A_1565 = arith.muli %add3A_1563, %mul3A_1564 : i32
        %add3A_1566 = arith.constant 0 : i32
        %add3A_1567 = arith.addi %mul3A_1565, %add3A_1566 : i32
        %dma_start3A_1568 = arith.constant 0 : i32
        %dma_start3A_1569 = arith.constant 0 : i32
        %dma_start3A_1570 = arith.constant 0 : i32
        %dma_start3A_1571 = arith.constant 0 : i32
        %dma_start3A_1572 = tpu.memref_slice %arg6[%dma_start3A_1568, %dma_start3A_1569, %dma_start3A_1570, %dma_start3A_1571] : memref<2x2x128x64xf32, #tpu.memory_space<vmem>> -> memref<1x1x128x64xf32, #tpu.memory_space<vmem>>
        %dma_start3A_1573 = tpu.memref_squeeze %dma_start3A_1572 : memref<1x1x128x64xf32, #tpu.memory_space<vmem>> -> memref<128x64xf32, #tpu.memory_space<vmem>>
        %dma_start3A_1574 = arith.constant 0 : i32
        %dma_start3A_1575 = tpu.memref_slice %arg5[%add3A_1567, %dma_start3A_1574] : memref<200x128xi32, #tpu.memory_space<vmem>> -> memref<1x128xi32, #tpu.memory_space<vmem>>
        %dma_start3A_1576 = tpu.memref_squeeze %dma_start3A_1575 : memref<1x128xi32, #tpu.memory_space<vmem>> -> memref<128xi32, #tpu.memory_space<vmem>>
        %dma_start3A_1577 = arith.constant 0 : i32
        %dma_start3A_1578 = arith.constant 0 : i32
        %dma_start3A_1579 = tpu.memref_slice %arg2[%dma_start3A_1577, %dma_start3A_1578] : memref<200000x64xf32, #tpu.memory_space<hbm>> -> memref<200000x64xf32, #tpu.memory_space<hbm>>
        tpu.enqueue_indirect_dma source(%dma_start3A_1579 : memref<200000x64xf32, #tpu.memory_space<hbm>>) target(%dma_start3A_1573 : memref<128x64xf32, #tpu.memory_space<vmem>>) offsets(%dma_start3A_1576 : memref<128xi32, #tpu.memory_space<vmem>>) semaphore(%arg8 : memref<!tpu.dma_semaphore, #tpu.memory_space<semaphore_mem>>)
        %mul3A_1580 = arith.constant 2 : i32
        %mul3A_1581 = arith.muli %add3A_1563, %mul3A_1580 : i32
        %add3A_1582 = arith.constant 1 : i32
        %add3A_1583 = arith.addi %mul3A_1581, %add3A_1582 : i32
        %dma_start3A_1584 = arith.constant 0 : i32
        %dma_start3A_1585 = arith.constant 1 : i32
        %dma_start3A_1586 = arith.constant 0 : i32
        %dma_start3A_1587 = arith.constant 0 : i32
        %dma_start3A_1588 = tpu.memref_slice %arg6[%dma_start3A_1584, %dma_start3A_1585, %dma_start3A_1586, %dma_start3A_1587] : memref<2x2x128x64xf32, #tpu.memory_space<vmem>> -> memref<1x1x128x64xf32, #tpu.memory_space<vmem>>
        %dma_start3A_1589 = tpu.memref_squeeze %dma_start3A_1588 : memref<1x1x128x64xf32, #tpu.memory_space<vmem>> -> memref<128x64xf32, #tpu.memory_space<vmem>>
        %dma_start3A_1590 = arith.constant 0 : i32
        %dma_start3A_1591 = tpu.memref_slice %arg5[%add3A_1583, %dma_start3A_1590] : memref<200x128xi32, #tpu.memory_space<vmem>> -> memref<1x128xi32, #tpu.memory_space<vmem>>
        %dma_start3A_1592 = tpu.memref_squeeze %dma_start3A_1591 : memref<1x128xi32, #tpu.memory_space<vmem>> -> memref<128xi32, #tpu.memory_space<vmem>>
        %dma_start3A_1593 = arith.constant 0 : i32
        %dma_start3A_1594 = arith.constant 0 : i32
        %dma_start3A_1595 = tpu.memref_slice %arg2[%dma_start3A_1593, %dma_start3A_1594] : memref<200000x64xf32, #tpu.memory_space<hbm>> -> memref<200000x64xf32, #tpu.memory_space<hbm>>
        tpu.enqueue_indirect_dma source(%dma_start3A_1595 : memref<200000x64xf32, #tpu.memory_space<hbm>>) target(%dma_start3A_1589 : memref<128x64xf32, #tpu.memory_space<vmem>>) offsets(%dma_start3A_1592 : memref<128xi32, #tpu.memory_space<vmem>>) semaphore(%arg8 : memref<!tpu.dma_semaphore, #tpu.memory_space<semaphore_mem>>)
      } else {
      }
      %dma_wait3A_1154 = arith.constant 1 : i32
      %dma_wait3A_1155 = arith.constant 0 : i32
      %dma_wait3A_1156 = arith.constant 0 : i32
      %dma_wait3A_1157 = arith.constant 0 : i32
      %dma_wait3A_1158 = tpu.memref_slice %arg6[%dma_wait3A_1154, %dma_wait3A_1155, %dma_wait3A_1156, %dma_wait3A_1157] : memref<2x2x128x64xf32, #tpu.memory_space<vmem>> -> memref<1x1x128x64xf32, #tpu.memory_space<vmem>>
      %dma_wait3A_1159 = tpu.memref_squeeze %dma_wait3A_1158 : memref<1x1x128x64xf32, #tpu.memory_space<vmem>> -> memref<128x64xf32, #tpu.memory_space<vmem>>
      %dma_wait3A_1160 = arith.constant 0 : i32
      %dma_wait3A_1161 = arith.constant 0 : i32
      %dma_wait3A_1162 = tpu.memref_slice %arg2[%dma_wait3A_1160, %dma_wait3A_1161] : memref<200000x64xf32, #tpu.memory_space<hbm>> -> memref<128x64xf32, #tpu.memory_space<hbm>>
      %dma_wait3A_1163 = arith.constant 0 : i32
      %dma_wait3A_1164 = arith.constant 0 : i32
      %dma_wait3A_1165 = tpu.memref_slice %arg6[%dma_wait3A_1154, %dma_wait3A_1155, %dma_wait3A_1163, %dma_wait3A_1164] : memref<2x2x128x64xf32, #tpu.memory_space<vmem>> -> memref<1x1x128x64xf32, #tpu.memory_space<vmem>>
      %dma_wait3A_1166 = tpu.memref_squeeze %dma_wait3A_1165 : memref<1x1x128x64xf32, #tpu.memory_space<vmem>> -> memref<128x64xf32, #tpu.memory_space<vmem>>
      %dma_wait3A_1167 = arith.constant 0 : i32
      %dma_wait3A_1168 = arith.constant 0 : i32
      %dma_wait3A_1169 = tpu.memref_slice %arg2[%dma_wait3A_1167, %dma_wait3A_1168] : memref<200000x64xf32, #tpu.memory_space<hbm>> -> memref<128x64xf32, #tpu.memory_space<hbm>>
      tpu.wait_dma2 semaphore(%arg9 : memref<!tpu.dma_semaphore, #tpu.memory_space<semaphore_mem>>) src(%dma_wait3A_1169 : memref<128x64xf32, #tpu.memory_space<hbm>>) dst(%dma_wait3A_1166 : memref<128x64xf32, #tpu.memory_space<vmem>>)
      %dma_wait3A_1170 = arith.constant 1 : i32
      %dma_wait3A_1171 = arith.constant 1 : i32
      %dma_wait3A_1172 = arith.constant 0 : i32
      %dma_wait3A_1173 = arith.constant 0 : i32
      %dma_wait3A_1174 = tpu.memref_slice %arg6[%dma_wait3A_1170, %dma_wait3A_1171, %dma_wait3A_1172, %dma_wait3A_1173] : memref<2x2x128x64xf32, #tpu.memory_space<vmem>> -> memref<1x1x128x64xf32, #tpu.memory_space<vmem>>
      %dma_wait3A_1175 = tpu.memref_squeeze %dma_wait3A_1174 : memref<1x1x128x64xf32, #tpu.memory_space<vmem>> -> memref<128x64xf32, #tpu.memory_space<vmem>>
      %dma_wait3A_1176 = arith.constant 0 : i32
      %dma_wait3A_1177 = arith.constant 0 : i32
      %dma_wait3A_1178 = tpu.memref_slice %arg2[%dma_wait3A_1176, %dma_wait3A_1177] : memref<200000x64xf32, #tpu.memory_space<hbm>> -> memref<128x64xf32, #tpu.memory_space<hbm>>
      %dma_wait3A_1179 = arith.constant 0 : i32
      %dma_wait3A_1180 = arith.constant 0 : i32
      %dma_wait3A_1181 = tpu.memref_slice %arg6[%dma_wait3A_1170, %dma_wait3A_1171, %dma_wait3A_1179, %dma_wait3A_1180] : memref<2x2x128x64xf32, #tpu.memory_space<vmem>> -> memref<1x1x128x64xf32, #tpu.memory_space<vmem>>
      %dma_wait3A_1182 = tpu.memref_squeeze %dma_wait3A_1181 : memref<1x1x128x64xf32, #tpu.memory_space<vmem>> -> memref<128x64xf32, #tpu.memory_space<vmem>>
      %dma_wait3A_1183 = arith.constant 0 : i32
      %dma_wait3A_1184 = arith.constant 0 : i32
      %dma_wait3A_1185 = tpu.memref_slice %arg2[%dma_wait3A_1183, %dma_wait3A_1184] : memref<200000x64xf32, #tpu.memory_space<hbm>> -> memref<128x64xf32, #tpu.memory_space<hbm>>
      tpu.wait_dma2 semaphore(%arg9 : memref<!tpu.dma_semaphore, #tpu.memory_space<semaphore_mem>>) src(%dma_wait3A_1185 : memref<128x64xf32, #tpu.memory_space<hbm>>) dst(%dma_wait3A_1182 : memref<128x64xf32, #tpu.memory_space<vmem>>)
      %ge3A_1186 = arith.constant 2 : i32
      %ge3A_1187 = arith.cmpi sge, %add3A_1146, %ge3A_1186 : i32
      %convert_element_type3A_1188 = arith.extui %ge3A_1187 : i1 to i32
      %cond3A_1189 = arith.constant 0 : i32
      %cond3A_1190 = arith.cmpi ne, %convert_element_type3A_1188, %cond3A_1189 : i32
      scf.if %cond3A_1190 {
        %dma_wait3A_1562 = arith.constant 1 : i32
        %dma_wait3A_1563 = arith.constant 0 : i32
        %dma_wait3A_1564 = arith.constant 0 : i32
        %dma_wait3A_1565 = arith.constant 0 : i32
        %dma_wait3A_1566 = arith.constant 0 : i32
        %dma_wait3A_1567 = arith.constant 0 : i32
        %dma_wait3A_1568 = tpu.memref_slice %arg7[%dma_wait3A_1562, %dma_wait3A_1563, %dma_wait3A_1567] : memref<2x2x8192xf32, #tpu.memory_space<vmem>> -> memref<1x1x8192xf32, #tpu.memory_space<vmem>>
        %dma_wait3A_1569 = tpu.memref_squeeze %dma_wait3A_1568 : memref<1x1x8192xf32, #tpu.memory_space<vmem>> -> memref<8192xf32, #tpu.memory_space<vmem>>
        %dma_wait3A_1570 = arith.constant 0 : i32
        %dma_wait3A_1571 = tpu.memref_slice %dma_wait3A_1569[%dma_wait3A_1570] : memref<8192xf32, #tpu.memory_space<vmem>> -> memref<1024xf32, #tpu.memory_space<vmem>>
        %dma_wait3A_1572 = arith.constant 0 : i32
        %dma_wait3A_1573 = tpu.memref_slice %arg4[%dma_wait3A_1564, %dma_wait3A_1565, %dma_wait3A_1566, %dma_wait3A_1572] : memref<200x8x32x1024xf32, #tpu.memory_space<hbm>> -> memref<1x1x1x1024xf32, #tpu.memory_space<hbm>>
        %dma_wait3A_1574 = tpu.memref_squeeze %dma_wait3A_1573 : memref<1x1x1x1024xf32, #tpu.memory_space<hbm>> -> memref<1024xf32, #tpu.memory_space<hbm>>
        %dma_wait3A_1575 = arith.constant 0 : i32
        %dma_wait3A_1576 = tpu.memref_slice %arg4[%dma_wait3A_1564, %dma_wait3A_1565, %dma_wait3A_1566, %dma_wait3A_1575] : memref<200x8x32x1024xf32, #tpu.memory_space<hbm>> -> memref<1x1x1x1024xf32, #tpu.memory_space<hbm>>
        %dma_wait3A_1577 = tpu.memref_squeeze %dma_wait3A_1576 : memref<1x1x1x1024xf32, #tpu.memory_space<hbm>> -> memref<1024xf32, #tpu.memory_space<hbm>>
        %dma_wait3A_1578 = arith.constant 0 : i32
        %dma_wait3A_1579 = tpu.memref_slice %arg7[%dma_wait3A_1562, %dma_wait3A_1563, %dma_wait3A_1578] : memref<2x2x8192xf32, #tpu.memory_space<vmem>> -> memref<1x1x8192xf32, #tpu.memory_space<vmem>>
        %dma_wait3A_1580 = tpu.memref_squeeze %dma_wait3A_1579 : memref<1x1x8192xf32, #tpu.memory_space<vmem>> -> memref<8192xf32, #tpu.memory_space<vmem>>
        %dma_wait3A_1581 = arith.constant 0 : i32
        %dma_wait3A_1582 = tpu.memref_slice %dma_wait3A_1580[%dma_wait3A_1581] : memref<8192xf32, #tpu.memory_space<vmem>> -> memref<1024xf32, #tpu.memory_space<vmem>>
        tpu.wait_dma2 semaphore(%arg11 : memref<!tpu.dma_semaphore, #tpu.memory_space<semaphore_mem>>) src(%dma_wait3A_1582 : memref<1024xf32, #tpu.memory_space<vmem>>) dst(%dma_wait3A_1577 : memref<1024xf32, #tpu.memory_space<hbm>>)
        %dma_wait3A_1583 = arith.constant 1 : i32
        %dma_wait3A_1584 = arith.constant 0 : i32
        %dma_wait3A_1585 = arith.constant 0 : i32
        %dma_wait3A_1586 = arith.constant 0 : i32
        %dma_wait3A_1587 = arith.constant 0 : i32
        %dma_wait3A_1588 = arith.constant 0 : i32
        %dma_wait3A_1589 = tpu.memref_slice %arg7[%dma_wait3A_1583, %dma_wait3A_1584, %dma_wait3A_1588] : memref<2x2x8192xf32, #tpu.memory_space<vmem>> -> memref<1x1x8192xf32, #tpu.memory_space<vmem>>
        %dma_wait3A_1590 = tpu.memref_squeeze %dma_wait3A_1589 : memref<1x1x8192xf32, #tpu.memory_space<vmem>> -> memref<8192xf32, #tpu.memory_space<vmem>>
        %dma_wait3A_1591 = arith.constant 1024 : i32
        %dma_wait3A_1592 = tpu.memref_slice %dma_wait3A_1590[%dma_wait3A_1591] : memref<8192xf32, #tpu.memory_space<vmem>> -> memref<1024xf32, #tpu.memory_space<vmem>>
        %dma_wait3A_1593 = arith.constant 0 : i32
        %dma_wait3A_1594 = tpu.memref_slice %arg4[%dma_wait3A_1585, %dma_wait3A_1586, %dma_wait3A_1587, %dma_wait3A_1593] : memref<200x8x32x1024xf32, #tpu.memory_space<hbm>> -> memref<1x1x1x1024xf32, #tpu.memory_space<hbm>>
        %dma_wait3A_1595 = tpu.memref_squeeze %dma_wait3A_1594 : memref<1x1x1x1024xf32, #tpu.memory_space<hbm>> -> memref<1024xf32, #tpu.memory_space<hbm>>
        %dma_wait3A_1596 = arith.constant 0 : i32
        %dma_wait3A_1597 = tpu.memref_slice %arg4[%dma_wait3A_1585, %dma_wait3A_1586, %dma_wait3A_1587, %dma_wait3A_1596] : memref<200x8x32x1024xf32, #tpu.memory_space<hbm>> -> memref<1x1x1x1024xf32, #tpu.memory_space<hbm>>
        %dma_wait3A_1598 = tpu.memref_squeeze %dma_wait3A_1597 : memref<1x1x1x1024xf32, #tpu.memory_space<hbm>> -> memref<1024xf32, #tpu.memory_space<hbm>>
        %dma_wait3A_1599 = arith.constant 0 : i32
        %dma_wait3A_1600 = tpu.memref_slice %arg7[%dma_wait3A_1583, %dma_wait3A_1584, %dma_wait3A_1599] : memref<2x2x8192xf32, #tpu.memory_space<vmem>> -> memref<1x1x8192xf32, #tpu.memory_space<vmem>>
        %dma_wait3A_1601 = tpu.memref_squeeze %dma_wait3A_1600 : memref<1x1x8192xf32, #tpu.memory_space<vmem>> -> memref<8192xf32, #tpu.memory_space<vmem>>
        %dma_wait3A_1602 = arith.constant 1024 : i32
        %dma_wait3A_1603 = tpu.memref_slice %dma_wait3A_1601[%dma_wait3A_1602] : memref<8192xf32, #tpu.memory_space<vmem>> -> memref<1024xf32, #tpu.memory_space<vmem>>
        tpu.wait_dma2 semaphore(%arg11 : memref<!tpu.dma_semaphore, #tpu.memory_space<semaphore_mem>>) src(%dma_wait3A_1603 : memref<1024xf32, #tpu.memory_space<vmem>>) dst(%dma_wait3A_1598 : memref<1024xf32, #tpu.memory_space<hbm>>)
        %dma_wait3A_1604 = arith.constant 1 : i32
        %dma_wait3A_1605 = arith.constant 0 : i32
        %dma_wait3A_1606 = arith.constant 0 : i32
        %dma_wait3A_1607 = arith.constant 0 : i32
        %dma_wait3A_1608 = arith.constant 0 : i32
        %dma_wait3A_1609 = arith.constant 0 : i32
        %dma_wait3A_1610 = tpu.memref_slice %arg7[%dma_wait3A_1604, %dma_wait3A_1605, %dma_wait3A_1609] : memref<2x2x8192xf32, #tpu.memory_space<vmem>> -> memref<1x1x8192xf32, #tpu.memory_space<vmem>>
        %dma_wait3A_1611 = tpu.memref_squeeze %dma_wait3A_1610 : memref<1x1x8192xf32, #tpu.memory_space<vmem>> -> memref<8192xf32, #tpu.memory_space<vmem>>
        %dma_wait3A_1612 = arith.constant 2048 : i32
        %dma_wait3A_1613 = tpu.memref_slice %dma_wait3A_1611[%dma_wait3A_1612] : memref<8192xf32, #tpu.memory_space<vmem>> -> memref<1024xf32, #tpu.memory_space<vmem>>
        %dma_wait3A_1614 = arith.constant 0 : i32
        %dma_wait3A_1615 = tpu.memref_slice %arg4[%dma_wait3A_1606, %dma_wait3A_1607, %dma_wait3A_1608, %dma_wait3A_1614] : memref<200x8x32x1024xf32, #tpu.memory_space<hbm>> -> memref<1x1x1x1024xf32, #tpu.memory_space<hbm>>
        %dma_wait3A_1616 = tpu.memref_squeeze %dma_wait3A_1615 : memref<1x1x1x1024xf32, #tpu.memory_space<hbm>> -> memref<1024xf32, #tpu.memory_space<hbm>>
        %dma_wait3A_1617 = arith.constant 0 : i32
        %dma_wait3A_1618 = tpu.memref_slice %arg4[%dma_wait3A_1606, %dma_wait3A_1607, %dma_wait3A_1608, %dma_wait3A_1617] : memref<200x8x32x1024xf32, #tpu.memory_space<hbm>> -> memref<1x1x1x1024xf32, #tpu.memory_space<hbm>>
        %dma_wait3A_1619 = tpu.memref_squeeze %dma_wait3A_1618 : memref<1x1x1x1024xf32, #tpu.memory_space<hbm>> -> memref<1024xf32, #tpu.memory_space<hbm>>
        %dma_wait3A_1620 = arith.constant 0 : i32
        %dma_wait3A_1621 = tpu.memref_slice %arg7[%dma_wait3A_1604, %dma_wait3A_1605, %dma_wait3A_1620] : memref<2x2x8192xf32, #tpu.memory_space<vmem>> -> memref<1x1x8192xf32, #tpu.memory_space<vmem>>
        %dma_wait3A_1622 = tpu.memref_squeeze %dma_wait3A_1621 : memref<1x1x8192xf32, #tpu.memory_space<vmem>> -> memref<8192xf32, #tpu.memory_space<vmem>>
        %dma_wait3A_1623 = arith.constant 2048 : i32
        %dma_wait3A_1624 = tpu.memref_slice %dma_wait3A_1622[%dma_wait3A_1623] : memref<8192xf32, #tpu.memory_space<vmem>> -> memref<1024xf32, #tpu.memory_space<vmem>>
        tpu.wait_dma2 semaphore(%arg11 : memref<!tpu.dma_semaphore, #tpu.memory_space<semaphore_mem>>) src(%dma_wait3A_1624 : memref<1024xf32, #tpu.memory_space<vmem>>) dst(%dma_wait3A_1619 : memref<1024xf32, #tpu.memory_space<hbm>>)
        %dma_wait3A_1625 = arith.constant 1 : i32
        %dma_wait3A_1626 = arith.constant 0 : i32
        %dma_wait3A_1627 = arith.constant 0 : i32
        %dma_wait3A_1628 = arith.constant 0 : i32
        %dma_wait3A_1629 = arith.constant 0 : i32
        %dma_wait3A_1630 = arith.constant 0 : i32
        %dma_wait3A_1631 = tpu.memref_slice %arg7[%dma_wait3A_1625, %dma_wait3A_1626, %dma_wait3A_1630] : memref<2x2x8192xf32, #tpu.memory_space<vmem>> -> memref<1x1x8192xf32, #tpu.memory_space<vmem>>
        %dma_wait3A_1632 = tpu.memref_squeeze %dma_wait3A_1631 : memref<1x1x8192xf32, #tpu.memory_space<vmem>> -> memref<8192xf32, #tpu.memory_space<vmem>>
        %dma_wait3A_1633 = arith.constant 3072 : i32
        %dma_wait3A_1634 = tpu.memref_slice %dma_wait3A_1632[%dma_wait3A_1633] : memref<8192xf32, #tpu.memory_space<vmem>> -> memref<1024xf32, #tpu.memory_space<vmem>>
        %dma_wait3A_1635 = arith.constant 0 : i32
        %dma_wait3A_1636 = tpu.memref_slice %arg4[%dma_wait3A_1627, %dma_wait3A_1628, %dma_wait3A_1629, %dma_wait3A_1635] : memref<200x8x32x1024xf32, #tpu.memory_space<hbm>> -> memref<1x1x1x1024xf32, #tpu.memory_space<hbm>>
        %dma_wait3A_1637 = tpu.memref_squeeze %dma_wait3A_1636 : memref<1x1x1x1024xf32, #tpu.memory_space<hbm>> -> memref<1024xf32, #tpu.memory_space<hbm>>
        %dma_wait3A_1638 = arith.constant 0 : i32
        %dma_wait3A_1639 = tpu.memref_slice %arg4[%dma_wait3A_1627, %dma_wait3A_1628, %dma_wait3A_1629, %dma_wait3A_1638] : memref<200x8x32x1024xf32, #tpu.memory_space<hbm>> -> memref<1x1x1x1024xf32, #tpu.memory_space<hbm>>
        %dma_wait3A_1640 = tpu.memref_squeeze %dma_wait3A_1639 : memref<1x1x1x1024xf32, #tpu.memory_space<hbm>> -> memref<1024xf32, #tpu.memory_space<hbm>>
        %dma_wait3A_1641 = arith.constant 0 : i32
        %dma_wait3A_1642 = tpu.memref_slice %arg7[%dma_wait3A_1625, %dma_wait3A_1626, %dma_wait3A_1641] : memref<2x2x8192xf32, #tpu.memory_space<vmem>> -> memref<1x1x8192xf32, #tpu.memory_space<vmem>>
        %dma_wait3A_1643 = tpu.memref_squeeze %dma_wait3A_1642 : memref<1x1x8192xf32, #tpu.memory_space<vmem>> -> memref<8192xf32, #tpu.memory_space<vmem>>
        %dma_wait3A_1644 = arith.constant 3072 : i32
        %dma_wait3A_1645 = tpu.memref_slice %dma_wait3A_1643[%dma_wait3A_1644] : memref<8192xf32, #tpu.memory_space<vmem>> -> memref<1024xf32, #tpu.memory_space<vmem>>
        tpu.wait_dma2 semaphore(%arg11 : memref<!tpu.dma_semaphore, #tpu.memory_space<semaphore_mem>>) src(%dma_wait3A_1645 : memref<1024xf32, #tpu.memory_space<vmem>>) dst(%dma_wait3A_1640 : memref<1024xf32, #tpu.memory_space<hbm>>)
        %dma_wait3A_1646 = arith.constant 1 : i32
        %dma_wait3A_1647 = arith.constant 0 : i32
        %dma_wait3A_1648 = arith.constant 0 : i32
        %dma_wait3A_1649 = arith.constant 0 : i32
        %dma_wait3A_1650 = arith.constant 0 : i32
        %dma_wait3A_1651 = arith.constant 0 : i32
        %dma_wait3A_1652 = tpu.memref_slice %arg7[%dma_wait3A_1646, %dma_wait3A_1647, %dma_wait3A_1651] : memref<2x2x8192xf32, #tpu.memory_space<vmem>> -> memref<1x1x8192xf32, #tpu.memory_space<vmem>>
        %dma_wait3A_1653 = tpu.memref_squeeze %dma_wait3A_1652 : memref<1x1x8192xf32, #tpu.memory_space<vmem>> -> memref<8192xf32, #tpu.memory_space<vmem>>
        %dma_wait3A_1654 = arith.constant 4096 : i32
        %dma_wait3A_1655 = tpu.memref_slice %dma_wait3A_1653[%dma_wait3A_1654] : memref<8192xf32, #tpu.memory_space<vmem>> -> memref<1024xf32, #tpu.memory_space<vmem>>
        %dma_wait3A_1656 = arith.constant 0 : i32
        %dma_wait3A_1657 = tpu.memref_slice %arg4[%dma_wait3A_1648, %dma_wait3A_1649, %dma_wait3A_1650, %dma_wait3A_1656] : memref<200x8x32x1024xf32, #tpu.memory_space<hbm>> -> memref<1x1x1x1024xf32, #tpu.memory_space<hbm>>
        %dma_wait3A_1658 = tpu.memref_squeeze %dma_wait3A_1657 : memref<1x1x1x1024xf32, #tpu.memory_space<hbm>> -> memref<1024xf32, #tpu.memory_space<hbm>>
        %dma_wait3A_1659 = arith.constant 0 : i32
        %dma_wait3A_1660 = tpu.memref_slice %arg4[%dma_wait3A_1648, %dma_wait3A_1649, %dma_wait3A_1650, %dma_wait3A_1659] : memref<200x8x32x1024xf32, #tpu.memory_space<hbm>> -> memref<1x1x1x1024xf32, #tpu.memory_space<hbm>>
        %dma_wait3A_1661 = tpu.memref_squeeze %dma_wait3A_1660 : memref<1x1x1x1024xf32, #tpu.memory_space<hbm>> -> memref<1024xf32, #tpu.memory_space<hbm>>
        %dma_wait3A_1662 = arith.constant 0 : i32
        %dma_wait3A_1663 = tpu.memref_slice %arg7[%dma_wait3A_1646, %dma_wait3A_1647, %dma_wait3A_1662] : memref<2x2x8192xf32, #tpu.memory_space<vmem>> -> memref<1x1x8192xf32, #tpu.memory_space<vmem>>
        %dma_wait3A_1664 = tpu.memref_squeeze %dma_wait3A_1663 : memref<1x1x8192xf32, #tpu.memory_space<vmem>> -> memref<8192xf32, #tpu.memory_space<vmem>>
        %dma_wait3A_1665 = arith.constant 4096 : i32
        %dma_wait3A_1666 = tpu.memref_slice %dma_wait3A_1664[%dma_wait3A_1665] : memref<8192xf32, #tpu.memory_space<vmem>> -> memref<1024xf32, #tpu.memory_space<vmem>>
        tpu.wait_dma2 semaphore(%arg11 : memref<!tpu.dma_semaphore, #tpu.memory_space<semaphore_mem>>) src(%dma_wait3A_1666 : memref<1024xf32, #tpu.memory_space<vmem>>) dst(%dma_wait3A_1661 : memref<1024xf32, #tpu.memory_space<hbm>>)
        %dma_wait3A_1667 = arith.constant 1 : i32
        %dma_wait3A_1668 = arith.constant 0 : i32
        %dma_wait3A_1669 = arith.constant 0 : i32
        %dma_wait3A_1670 = arith.constant 0 : i32
        %dma_wait3A_1671 = arith.constant 0 : i32
        %dma_wait3A_1672 = arith.constant 0 : i32
        %dma_wait3A_1673 = tpu.memref_slice %arg7[%dma_wait3A_1667, %dma_wait3A_1668, %dma_wait3A_1672] : memref<2x2x8192xf32, #tpu.memory_space<vmem>> -> memref<1x1x8192xf32, #tpu.memory_space<vmem>>
        %dma_wait3A_1674 = tpu.memref_squeeze %dma_wait3A_1673 : memref<1x1x8192xf32, #tpu.memory_space<vmem>> -> memref<8192xf32, #tpu.memory_space<vmem>>
        %dma_wait3A_1675 = arith.constant 5120 : i32
        %dma_wait3A_1676 = tpu.memref_slice %dma_wait3A_1674[%dma_wait3A_1675] : memref<8192xf32, #tpu.memory_space<vmem>> -> memref<1024xf32, #tpu.memory_space<vmem>>
        %dma_wait3A_1677 = arith.constant 0 : i32
        %dma_wait3A_1678 = tpu.memref_slice %arg4[%dma_wait3A_1669, %dma_wait3A_1670, %dma_wait3A_1671, %dma_wait3A_1677] : memref<200x8x32x1024xf32, #tpu.memory_space<hbm>> -> memref<1x1x1x1024xf32, #tpu.memory_space<hbm>>
        %dma_wait3A_1679 = tpu.memref_squeeze %dma_wait3A_1678 : memref<1x1x1x1024xf32, #tpu.memory_space<hbm>> -> memref<1024xf32, #tpu.memory_space<hbm>>
        %dma_wait3A_1680 = arith.constant 0 : i32
        %dma_wait3A_1681 = tpu.memref_slice %arg4[%dma_wait3A_1669, %dma_wait3A_1670, %dma_wait3A_1671, %dma_wait3A_1680] : memref<200x8x32x1024xf32, #tpu.memory_space<hbm>> -> memref<1x1x1x1024xf32, #tpu.memory_space<hbm>>
        %dma_wait3A_1682 = tpu.memref_squeeze %dma_wait3A_1681 : memref<1x1x1x1024xf32, #tpu.memory_space<hbm>> -> memref<1024xf32, #tpu.memory_space<hbm>>
        %dma_wait3A_1683 = arith.constant 0 : i32
        %dma_wait3A_1684 = tpu.memref_slice %arg7[%dma_wait3A_1667, %dma_wait3A_1668, %dma_wait3A_1683] : memref<2x2x8192xf32, #tpu.memory_space<vmem>> -> memref<1x1x8192xf32, #tpu.memory_space<vmem>>
        %dma_wait3A_1685 = tpu.memref_squeeze %dma_wait3A_1684 : memref<1x1x8192xf32, #tpu.memory_space<vmem>> -> memref<8192xf32, #tpu.memory_space<vmem>>
        %dma_wait3A_1686 = arith.constant 5120 : i32
        %dma_wait3A_1687 = tpu.memref_slice %dma_wait3A_1685[%dma_wait3A_1686] : memref<8192xf32, #tpu.memory_space<vmem>> -> memref<1024xf32, #tpu.memory_space<vmem>>
        tpu.wait_dma2 semaphore(%arg11 : memref<!tpu.dma_semaphore, #tpu.memory_space<semaphore_mem>>) src(%dma_wait3A_1687 : memref<1024xf32, #tpu.memory_space<vmem>>) dst(%dma_wait3A_1682 : memref<1024xf32, #tpu.memory_space<hbm>>)
        %dma_wait3A_1688 = arith.constant 1 : i32
        %dma_wait3A_1689 = arith.constant 0 : i32
        %dma_wait3A_1690 = arith.constant 0 : i32
        %dma_wait3A_1691 = arith.constant 0 : i32
        %dma_wait3A_1692 = arith.constant 0 : i32
        %dma_wait3A_1693 = arith.constant 0 : i32
        %dma_wait3A_1694 = tpu.memref_slice %arg7[%dma_wait3A_1688, %dma_wait3A_1689, %dma_wait3A_1693] : memref<2x2x8192xf32, #tpu.memory_space<vmem>> -> memref<1x1x8192xf32, #tpu.memory_space<vmem>>
        %dma_wait3A_1695 = tpu.memref_squeeze %dma_wait3A_1694 : memref<1x1x8192xf32, #tpu.memory_space<vmem>> -> memref<8192xf32, #tpu.memory_space<vmem>>
        %dma_wait3A_1696 = arith.constant 6144 : i32
        %dma_wait3A_1697 = tpu.memref_slice %dma_wait3A_1695[%dma_wait3A_1696] : memref<8192xf32, #tpu.memory_space<vmem>> -> memref<1024xf32, #tpu.memory_space<vmem>>
        %dma_wait3A_1698 = arith.constant 0 : i32
        %dma_wait3A_1699 = tpu.memref_slice %arg4[%dma_wait3A_1690, %dma_wait3A_1691, %dma_wait3A_1692, %dma_wait3A_1698] : memref<200x8x32x1024xf32, #tpu.memory_space<hbm>> -> memref<1x1x1x1024xf32, #tpu.memory_space<hbm>>
        %dma_wait3A_1700 = tpu.memref_squeeze %dma_wait3A_1699 : memref<1x1x1x1024xf32, #tpu.memory_space<hbm>> -> memref<1024xf32, #tpu.memory_space<hbm>>
        %dma_wait3A_1701 = arith.constant 0 : i32
        %dma_wait3A_1702 = tpu.memref_slice %arg4[%dma_wait3A_1690, %dma_wait3A_1691, %dma_wait3A_1692, %dma_wait3A_1701] : memref<200x8x32x1024xf32, #tpu.memory_space<hbm>> -> memref<1x1x1x1024xf32, #tpu.memory_space<hbm>>
        %dma_wait3A_1703 = tpu.memref_squeeze %dma_wait3A_1702 : memref<1x1x1x1024xf32, #tpu.memory_space<hbm>> -> memref<1024xf32, #tpu.memory_space<hbm>>
        %dma_wait3A_1704 = arith.constant 0 : i32
        %dma_wait3A_1705 = tpu.memref_slice %arg7[%dma_wait3A_1688, %dma_wait3A_1689, %dma_wait3A_1704] : memref<2x2x8192xf32, #tpu.memory_space<vmem>> -> memref<1x1x8192xf32, #tpu.memory_space<vmem>>
        %dma_wait3A_1706 = tpu.memref_squeeze %dma_wait3A_1705 : memref<1x1x8192xf32, #tpu.memory_space<vmem>> -> memref<8192xf32, #tpu.memory_space<vmem>>
        %dma_wait3A_1707 = arith.constant 6144 : i32
        %dma_wait3A_1708 = tpu.memref_slice %dma_wait3A_1706[%dma_wait3A_1707] : memref<8192xf32, #tpu.memory_space<vmem>> -> memref<1024xf32, #tpu.memory_space<vmem>>
        tpu.wait_dma2 semaphore(%arg11 : memref<!tpu.dma_semaphore, #tpu.memory_space<semaphore_mem>>) src(%dma_wait3A_1708 : memref<1024xf32, #tpu.memory_space<vmem>>) dst(%dma_wait3A_1703 : memref<1024xf32, #tpu.memory_space<hbm>>)
        %dma_wait3A_1709 = arith.constant 1 : i32
        %dma_wait3A_1710 = arith.constant 0 : i32
        %dma_wait3A_1711 = arith.constant 0 : i32
        %dma_wait3A_1712 = arith.constant 0 : i32
        %dma_wait3A_1713 = arith.constant 0 : i32
        %dma_wait3A_1714 = arith.constant 0 : i32
        %dma_wait3A_1715 = tpu.memref_slice %arg7[%dma_wait3A_1709, %dma_wait3A_1710, %dma_wait3A_1714] : memref<2x2x8192xf32, #tpu.memory_space<vmem>> -> memref<1x1x8192xf32, #tpu.memory_space<vmem>>
        %dma_wait3A_1716 = tpu.memref_squeeze %dma_wait3A_1715 : memref<1x1x8192xf32, #tpu.memory_space<vmem>> -> memref<8192xf32, #tpu.memory_space<vmem>>
        %dma_wait3A_1717 = arith.constant 7168 : i32
        %dma_wait3A_1718 = tpu.memref_slice %dma_wait3A_1716[%dma_wait3A_1717] : memref<8192xf32, #tpu.memory_space<vmem>> -> memref<1024xf32, #tpu.memory_space<vmem>>
        %dma_wait3A_1719 = arith.constant 0 : i32
        %dma_wait3A_1720 = tpu.memref_slice %arg4[%dma_wait3A_1711, %dma_wait3A_1712, %dma_wait3A_1713, %dma_wait3A_1719] : memref<200x8x32x1024xf32, #tpu.memory_space<hbm>> -> memref<1x1x1x1024xf32, #tpu.memory_space<hbm>>
        %dma_wait3A_1721 = tpu.memref_squeeze %dma_wait3A_1720 : memref<1x1x1x1024xf32, #tpu.memory_space<hbm>> -> memref<1024xf32, #tpu.memory_space<hbm>>
        %dma_wait3A_1722 = arith.constant 0 : i32
        %dma_wait3A_1723 = tpu.memref_slice %arg4[%dma_wait3A_1711, %dma_wait3A_1712, %dma_wait3A_1713, %dma_wait3A_1722] : memref<200x8x32x1024xf32, #tpu.memory_space<hbm>> -> memref<1x1x1x1024xf32, #tpu.memory_space<hbm>>
        %dma_wait3A_1724 = tpu.memref_squeeze %dma_wait3A_1723 : memref<1x1x1x1024xf32, #tpu.memory_space<hbm>> -> memref<1024xf32, #tpu.memory_space<hbm>>
        %dma_wait3A_1725 = arith.constant 0 : i32
        %dma_wait3A_1726 = tpu.memref_slice %arg7[%dma_wait3A_1709, %dma_wait3A_1710, %dma_wait3A_1725] : memref<2x2x8192xf32, #tpu.memory_space<vmem>> -> memref<1x1x8192xf32, #tpu.memory_space<vmem>>
        %dma_wait3A_1727 = tpu.memref_squeeze %dma_wait3A_1726 : memref<1x1x8192xf32, #tpu.memory_space<vmem>> -> memref<8192xf32, #tpu.memory_space<vmem>>
        %dma_wait3A_1728 = arith.constant 7168 : i32
        %dma_wait3A_1729 = tpu.memref_slice %dma_wait3A_1727[%dma_wait3A_1728] : memref<8192xf32, #tpu.memory_space<vmem>> -> memref<1024xf32, #tpu.memory_space<vmem>>
        tpu.wait_dma2 semaphore(%arg11 : memref<!tpu.dma_semaphore, #tpu.memory_space<semaphore_mem>>) src(%dma_wait3A_1729 : memref<1024xf32, #tpu.memory_space<vmem>>) dst(%dma_wait3A_1724 : memref<1024xf32, #tpu.memory_space<hbm>>)
        %dma_wait3A_1730 = arith.constant 1 : i32
        %dma_wait3A_1731 = arith.constant 1 : i32
        %dma_wait3A_1732 = arith.constant 0 : i32
        %dma_wait3A_1733 = arith.constant 0 : i32
        %dma_wait3A_1734 = arith.constant 0 : i32
        %dma_wait3A_1735 = arith.constant 0 : i32
        %dma_wait3A_1736 = tpu.memref_slice %arg7[%dma_wait3A_1730, %dma_wait3A_1731, %dma_wait3A_1735] : memref<2x2x8192xf32, #tpu.memory_space<vmem>> -> memref<1x1x8192xf32, #tpu.memory_space<vmem>>
        %dma_wait3A_1737 = tpu.memref_squeeze %dma_wait3A_1736 : memref<1x1x8192xf32, #tpu.memory_space<vmem>> -> memref<8192xf32, #tpu.memory_space<vmem>>
        %dma_wait3A_1738 = arith.constant 0 : i32
        %dma_wait3A_1739 = tpu.memref_slice %dma_wait3A_1737[%dma_wait3A_1738] : memref<8192xf32, #tpu.memory_space<vmem>> -> memref<1024xf32, #tpu.memory_space<vmem>>
        %dma_wait3A_1740 = arith.constant 0 : i32
        %dma_wait3A_1741 = tpu.memref_slice %arg4[%dma_wait3A_1732, %dma_wait3A_1733, %dma_wait3A_1734, %dma_wait3A_1740] : memref<200x8x32x1024xf32, #tpu.memory_space<hbm>> -> memref<1x1x1x1024xf32, #tpu.memory_space<hbm>>
        %dma_wait3A_1742 = tpu.memref_squeeze %dma_wait3A_1741 : memref<1x1x1x1024xf32, #tpu.memory_space<hbm>> -> memref<1024xf32, #tpu.memory_space<hbm>>
        %dma_wait3A_1743 = arith.constant 0 : i32
        %dma_wait3A_1744 = tpu.memref_slice %arg4[%dma_wait3A_1732, %dma_wait3A_1733, %dma_wait3A_1734, %dma_wait3A_1743] : memref<200x8x32x1024xf32, #tpu.memory_space<hbm>> -> memref<1x1x1x1024xf32, #tpu.memory_space<hbm>>
        %dma_wait3A_1745 = tpu.memref_squeeze %dma_wait3A_1744 : memref<1x1x1x1024xf32, #tpu.memory_space<hbm>> -> memref<1024xf32, #tpu.memory_space<hbm>>
        %dma_wait3A_1746 = arith.constant 0 : i32
        %dma_wait3A_1747 = tpu.memref_slice %arg7[%dma_wait3A_1730, %dma_wait3A_1731, %dma_wait3A_1746] : memref<2x2x8192xf32, #tpu.memory_space<vmem>> -> memref<1x1x8192xf32, #tpu.memory_space<vmem>>
        %dma_wait3A_1748 = tpu.memref_squeeze %dma_wait3A_1747 : memref<1x1x8192xf32, #tpu.memory_space<vmem>> -> memref<8192xf32, #tpu.memory_space<vmem>>
        %dma_wait3A_1749 = arith.constant 0 : i32
        %dma_wait3A_1750 = tpu.memref_slice %dma_wait3A_1748[%dma_wait3A_1749] : memref<8192xf32, #tpu.memory_space<vmem>> -> memref<1024xf32, #tpu.memory_space<vmem>>
        tpu.wait_dma2 semaphore(%arg11 : memref<!tpu.dma_semaphore, #tpu.memory_space<semaphore_mem>>) src(%dma_wait3A_1750 : memref<1024xf32, #tpu.memory_space<vmem>>) dst(%dma_wait3A_1745 : memref<1024xf32, #tpu.memory_space<hbm>>)
        %dma_wait3A_1751 = arith.constant 1 : i32
        %dma_wait3A_1752 = arith.constant 1 : i32
        %dma_wait3A_1753 = arith.constant 0 : i32
        %dma_wait3A_1754 = arith.constant 0 : i32
        %dma_wait3A_1755 = arith.constant 0 : i32
        %dma_wait3A_1756 = arith.constant 0 : i32
        %dma_wait3A_1757 = tpu.memref_slice %arg7[%dma_wait3A_1751, %dma_wait3A_1752, %dma_wait3A_1756] : memref<2x2x8192xf32, #tpu.memory_space<vmem>> -> memref<1x1x8192xf32, #tpu.memory_space<vmem>>
        %dma_wait3A_1758 = tpu.memref_squeeze %dma_wait3A_1757 : memref<1x1x8192xf32, #tpu.memory_space<vmem>> -> memref<8192xf32, #tpu.memory_space<vmem>>
        %dma_wait3A_1759 = arith.constant 1024 : i32
        %dma_wait3A_1760 = tpu.memref_slice %dma_wait3A_1758[%dma_wait3A_1759] : memref<8192xf32, #tpu.memory_space<vmem>> -> memref<1024xf32, #tpu.memory_space<vmem>>
        %dma_wait3A_1761 = arith.constant 0 : i32
        %dma_wait3A_1762 = tpu.memref_slice %arg4[%dma_wait3A_1753, %dma_wait3A_1754, %dma_wait3A_1755, %dma_wait3A_1761] : memref<200x8x32x1024xf32, #tpu.memory_space<hbm>> -> memref<1x1x1x1024xf32, #tpu.memory_space<hbm>>
        %dma_wait3A_1763 = tpu.memref_squeeze %dma_wait3A_1762 : memref<1x1x1x1024xf32, #tpu.memory_space<hbm>> -> memref<1024xf32, #tpu.memory_space<hbm>>
        %dma_wait3A_1764 = arith.constant 0 : i32
        %dma_wait3A_1765 = tpu.memref_slice %arg4[%dma_wait3A_1753, %dma_wait3A_1754, %dma_wait3A_1755, %dma_wait3A_1764] : memref<200x8x32x1024xf32, #tpu.memory_space<hbm>> -> memref<1x1x1x1024xf32, #tpu.memory_space<hbm>>
        %dma_wait3A_1766 = tpu.memref_squeeze %dma_wait3A_1765 : memref<1x1x1x1024xf32, #tpu.memory_space<hbm>> -> memref<1024xf32, #tpu.memory_space<hbm>>
        %dma_wait3A_1767 = arith.constant 0 : i32
        %dma_wait3A_1768 = tpu.memref_slice %arg7[%dma_wait3A_1751, %dma_wait3A_1752, %dma_wait3A_1767] : memref<2x2x8192xf32, #tpu.memory_space<vmem>> -> memref<1x1x8192xf32, #tpu.memory_space<vmem>>
        %dma_wait3A_1769 = tpu.memref_squeeze %dma_wait3A_1768 : memref<1x1x8192xf32, #tpu.memory_space<vmem>> -> memref<8192xf32, #tpu.memory_space<vmem>>
        %dma_wait3A_1770 = arith.constant 1024 : i32
        %dma_wait3A_1771 = tpu.memref_slice %dma_wait3A_1769[%dma_wait3A_1770] : memref<8192xf32, #tpu.memory_space<vmem>> -> memref<1024xf32, #tpu.memory_space<vmem>>
        tpu.wait_dma2 semaphore(%arg11 : memref<!tpu.dma_semaphore, #tpu.memory_space<semaphore_mem>>) src(%dma_wait3A_1771 : memref<1024xf32, #tpu.memory_space<vmem>>) dst(%dma_wait3A_1766 : memref<1024xf32, #tpu.memory_space<hbm>>)
        %dma_wait3A_1772 = arith.constant 1 : i32
        %dma_wait3A_1773 = arith.constant 1 : i32
        %dma_wait3A_1774 = arith.constant 0 : i32
        %dma_wait3A_1775 = arith.constant 0 : i32
        %dma_wait3A_1776 = arith.constant 0 : i32
        %dma_wait3A_1777 = arith.constant 0 : i32
        %dma_wait3A_1778 = tpu.memref_slice %arg7[%dma_wait3A_1772, %dma_wait3A_1773, %dma_wait3A_1777] : memref<2x2x8192xf32, #tpu.memory_space<vmem>> -> memref<1x1x8192xf32, #tpu.memory_space<vmem>>
        %dma_wait3A_1779 = tpu.memref_squeeze %dma_wait3A_1778 : memref<1x1x8192xf32, #tpu.memory_space<vmem>> -> memref<8192xf32, #tpu.memory_space<vmem>>
        %dma_wait3A_1780 = arith.constant 2048 : i32
        %dma_wait3A_1781 = tpu.memref_slice %dma_wait3A_1779[%dma_wait3A_1780] : memref<8192xf32, #tpu.memory_space<vmem>> -> memref<1024xf32, #tpu.memory_space<vmem>>
        %dma_wait3A_1782 = arith.constant 0 : i32
        %dma_wait3A_1783 = tpu.memref_slice %arg4[%dma_wait3A_1774, %dma_wait3A_1775, %dma_wait3A_1776, %dma_wait3A_1782] : memref<200x8x32x1024xf32, #tpu.memory_space<hbm>> -> memref<1x1x1x1024xf32, #tpu.memory_space<hbm>>
        %dma_wait3A_1784 = tpu.memref_squeeze %dma_wait3A_1783 : memref<1x1x1x1024xf32, #tpu.memory_space<hbm>> -> memref<1024xf32, #tpu.memory_space<hbm>>
        %dma_wait3A_1785 = arith.constant 0 : i32
        %dma_wait3A_1786 = tpu.memref_slice %arg4[%dma_wait3A_1774, %dma_wait3A_1775, %dma_wait3A_1776, %dma_wait3A_1785] : memref<200x8x32x1024xf32, #tpu.memory_space<hbm>> -> memref<1x1x1x1024xf32, #tpu.memory_space<hbm>>
        %dma_wait3A_1787 = tpu.memref_squeeze %dma_wait3A_1786 : memref<1x1x1x1024xf32, #tpu.memory_space<hbm>> -> memref<1024xf32, #tpu.memory_space<hbm>>
        %dma_wait3A_1788 = arith.constant 0 : i32
        %dma_wait3A_1789 = tpu.memref_slice %arg7[%dma_wait3A_1772, %dma_wait3A_1773, %dma_wait3A_1788] : memref<2x2x8192xf32, #tpu.memory_space<vmem>> -> memref<1x1x8192xf32, #tpu.memory_space<vmem>>
        %dma_wait3A_1790 = tpu.memref_squeeze %dma_wait3A_1789 : memref<1x1x8192xf32, #tpu.memory_space<vmem>> -> memref<8192xf32, #tpu.memory_space<vmem>>
        %dma_wait3A_1791 = arith.constant 2048 : i32
        %dma_wait3A_1792 = tpu.memref_slice %dma_wait3A_1790[%dma_wait3A_1791] : memref<8192xf32, #tpu.memory_space<vmem>> -> memref<1024xf32, #tpu.memory_space<vmem>>
        tpu.wait_dma2 semaphore(%arg11 : memref<!tpu.dma_semaphore, #tpu.memory_space<semaphore_mem>>) src(%dma_wait3A_1792 : memref<1024xf32, #tpu.memory_space<vmem>>) dst(%dma_wait3A_1787 : memref<1024xf32, #tpu.memory_space<hbm>>)
        %dma_wait3A_1793 = arith.constant 1 : i32
        %dma_wait3A_1794 = arith.constant 1 : i32
        %dma_wait3A_1795 = arith.constant 0 : i32
        %dma_wait3A_1796 = arith.constant 0 : i32
        %dma_wait3A_1797 = arith.constant 0 : i32
        %dma_wait3A_1798 = arith.constant 0 : i32
        %dma_wait3A_1799 = tpu.memref_slice %arg7[%dma_wait3A_1793, %dma_wait3A_1794, %dma_wait3A_1798] : memref<2x2x8192xf32, #tpu.memory_space<vmem>> -> memref<1x1x8192xf32, #tpu.memory_space<vmem>>
        %dma_wait3A_1800 = tpu.memref_squeeze %dma_wait3A_1799 : memref<1x1x8192xf32, #tpu.memory_space<vmem>> -> memref<8192xf32, #tpu.memory_space<vmem>>
        %dma_wait3A_1801 = arith.constant 3072 : i32
        %dma_wait3A_1802 = tpu.memref_slice %dma_wait3A_1800[%dma_wait3A_1801] : memref<8192xf32, #tpu.memory_space<vmem>> -> memref<1024xf32, #tpu.memory_space<vmem>>
        %dma_wait3A_1803 = arith.constant 0 : i32
        %dma_wait3A_1804 = tpu.memref_slice %arg4[%dma_wait3A_1795, %dma_wait3A_1796, %dma_wait3A_1797, %dma_wait3A_1803] : memref<200x8x32x1024xf32, #tpu.memory_space<hbm>> -> memref<1x1x1x1024xf32, #tpu.memory_space<hbm>>
        %dma_wait3A_1805 = tpu.memref_squeeze %dma_wait3A_1804 : memref<1x1x1x1024xf32, #tpu.memory_space<hbm>> -> memref<1024xf32, #tpu.memory_space<hbm>>
        %dma_wait3A_1806 = arith.constant 0 : i32
        %dma_wait3A_1807 = tpu.memref_slice %arg4[%dma_wait3A_1795, %dma_wait3A_1796, %dma_wait3A_1797, %dma_wait3A_1806] : memref<200x8x32x1024xf32, #tpu.memory_space<hbm>> -> memref<1x1x1x1024xf32, #tpu.memory_space<hbm>>
        %dma_wait3A_1808 = tpu.memref_squeeze %dma_wait3A_1807 : memref<1x1x1x1024xf32, #tpu.memory_space<hbm>> -> memref<1024xf32, #tpu.memory_space<hbm>>
        %dma_wait3A_1809 = arith.constant 0 : i32
        %dma_wait3A_1810 = tpu.memref_slice %arg7[%dma_wait3A_1793, %dma_wait3A_1794, %dma_wait3A_1809] : memref<2x2x8192xf32, #tpu.memory_space<vmem>> -> memref<1x1x8192xf32, #tpu.memory_space<vmem>>
        %dma_wait3A_1811 = tpu.memref_squeeze %dma_wait3A_1810 : memref<1x1x8192xf32, #tpu.memory_space<vmem>> -> memref<8192xf32, #tpu.memory_space<vmem>>
        %dma_wait3A_1812 = arith.constant 3072 : i32
        %dma_wait3A_1813 = tpu.memref_slice %dma_wait3A_1811[%dma_wait3A_1812] : memref<8192xf32, #tpu.memory_space<vmem>> -> memref<1024xf32, #tpu.memory_space<vmem>>
        tpu.wait_dma2 semaphore(%arg11 : memref<!tpu.dma_semaphore, #tpu.memory_space<semaphore_mem>>) src(%dma_wait3A_1813 : memref<1024xf32, #tpu.memory_space<vmem>>) dst(%dma_wait3A_1808 : memref<1024xf32, #tpu.memory_space<hbm>>)
        %dma_wait3A_1814 = arith.constant 1 : i32
        %dma_wait3A_1815 = arith.constant 1 : i32
        %dma_wait3A_1816 = arith.constant 0 : i32
        %dma_wait3A_1817 = arith.constant 0 : i32
        %dma_wait3A_1818 = arith.constant 0 : i32
        %dma_wait3A_1819 = arith.constant 0 : i32
        %dma_wait3A_1820 = tpu.memref_slice %arg7[%dma_wait3A_1814, %dma_wait3A_1815, %dma_wait3A_1819] : memref<2x2x8192xf32, #tpu.memory_space<vmem>> -> memref<1x1x8192xf32, #tpu.memory_space<vmem>>
        %dma_wait3A_1821 = tpu.memref_squeeze %dma_wait3A_1820 : memref<1x1x8192xf32, #tpu.memory_space<vmem>> -> memref<8192xf32, #tpu.memory_space<vmem>>
        %dma_wait3A_1822 = arith.constant 4096 : i32
        %dma_wait3A_1823 = tpu.memref_slice %dma_wait3A_1821[%dma_wait3A_1822] : memref<8192xf32, #tpu.memory_space<vmem>> -> memref<1024xf32, #tpu.memory_space<vmem>>
        %dma_wait3A_1824 = arith.constant 0 : i32
        %dma_wait3A_1825 = tpu.memref_slice %arg4[%dma_wait3A_1816, %dma_wait3A_1817, %dma_wait3A_1818, %dma_wait3A_1824] : memref<200x8x32x1024xf32, #tpu.memory_space<hbm>> -> memref<1x1x1x1024xf32, #tpu.memory_space<hbm>>
        %dma_wait3A_1826 = tpu.memref_squeeze %dma_wait3A_1825 : memref<1x1x1x1024xf32, #tpu.memory_space<hbm>> -> memref<1024xf32, #tpu.memory_space<hbm>>
        %dma_wait3A_1827 = arith.constant 0 : i32
        %dma_wait3A_1828 = tpu.memref_slice %arg4[%dma_wait3A_1816, %dma_wait3A_1817, %dma_wait3A_1818, %dma_wait3A_1827] : memref<200x8x32x1024xf32, #tpu.memory_space<hbm>> -> memref<1x1x1x1024xf32, #tpu.memory_space<hbm>>
        %dma_wait3A_1829 = tpu.memref_squeeze %dma_wait3A_1828 : memref<1x1x1x1024xf32, #tpu.memory_space<hbm>> -> memref<1024xf32, #tpu.memory_space<hbm>>
        %dma_wait3A_1830 = arith.constant 0 : i32
        %dma_wait3A_1831 = tpu.memref_slice %arg7[%dma_wait3A_1814, %dma_wait3A_1815, %dma_wait3A_1830] : memref<2x2x8192xf32, #tpu.memory_space<vmem>> -> memref<1x1x8192xf32, #tpu.memory_space<vmem>>
        %dma_wait3A_1832 = tpu.memref_squeeze %dma_wait3A_1831 : memref<1x1x8192xf32, #tpu.memory_space<vmem>> -> memref<8192xf32, #tpu.memory_space<vmem>>
        %dma_wait3A_1833 = arith.constant 4096 : i32
        %dma_wait3A_1834 = tpu.memref_slice %dma_wait3A_1832[%dma_wait3A_1833] : memref<8192xf32, #tpu.memory_space<vmem>> -> memref<1024xf32, #tpu.memory_space<vmem>>
        tpu.wait_dma2 semaphore(%arg11 : memref<!tpu.dma_semaphore, #tpu.memory_space<semaphore_mem>>) src(%dma_wait3A_1834 : memref<1024xf32, #tpu.memory_space<vmem>>) dst(%dma_wait3A_1829 : memref<1024xf32, #tpu.memory_space<hbm>>)
        %dma_wait3A_1835 = arith.constant 1 : i32
        %dma_wait3A_1836 = arith.constant 1 : i32
        %dma_wait3A_1837 = arith.constant 0 : i32
        %dma_wait3A_1838 = arith.constant 0 : i32
        %dma_wait3A_1839 = arith.constant 0 : i32
        %dma_wait3A_1840 = arith.constant 0 : i32
        %dma_wait3A_1841 = tpu.memref_slice %arg7[%dma_wait3A_1835, %dma_wait3A_1836, %dma_wait3A_1840] : memref<2x2x8192xf32, #tpu.memory_space<vmem>> -> memref<1x1x8192xf32, #tpu.memory_space<vmem>>
        %dma_wait3A_1842 = tpu.memref_squeeze %dma_wait3A_1841 : memref<1x1x8192xf32, #tpu.memory_space<vmem>> -> memref<8192xf32, #tpu.memory_space<vmem>>
        %dma_wait3A_1843 = arith.constant 5120 : i32
        %dma_wait3A_1844 = tpu.memref_slice %dma_wait3A_1842[%dma_wait3A_1843] : memref<8192xf32, #tpu.memory_space<vmem>> -> memref<1024xf32, #tpu.memory_space<vmem>>
        %dma_wait3A_1845 = arith.constant 0 : i32
        %dma_wait3A_1846 = tpu.memref_slice %arg4[%dma_wait3A_1837, %dma_wait3A_1838, %dma_wait3A_1839, %dma_wait3A_1845] : memref<200x8x32x1024xf32, #tpu.memory_space<hbm>> -> memref<1x1x1x1024xf32, #tpu.memory_space<hbm>>
        %dma_wait3A_1847 = tpu.memref_squeeze %dma_wait3A_1846 : memref<1x1x1x1024xf32, #tpu.memory_space<hbm>> -> memref<1024xf32, #tpu.memory_space<hbm>>
        %dma_wait3A_1848 = arith.constant 0 : i32
        %dma_wait3A_1849 = tpu.memref_slice %arg4[%dma_wait3A_1837, %dma_wait3A_1838, %dma_wait3A_1839, %dma_wait3A_1848] : memref<200x8x32x1024xf32, #tpu.memory_space<hbm>> -> memref<1x1x1x1024xf32, #tpu.memory_space<hbm>>
        %dma_wait3A_1850 = tpu.memref_squeeze %dma_wait3A_1849 : memref<1x1x1x1024xf32, #tpu.memory_space<hbm>> -> memref<1024xf32, #tpu.memory_space<hbm>>
        %dma_wait3A_1851 = arith.constant 0 : i32
        %dma_wait3A_1852 = tpu.memref_slice %arg7[%dma_wait3A_1835, %dma_wait3A_1836, %dma_wait3A_1851] : memref<2x2x8192xf32, #tpu.memory_space<vmem>> -> memref<1x1x8192xf32, #tpu.memory_space<vmem>>
        %dma_wait3A_1853 = tpu.memref_squeeze %dma_wait3A_1852 : memref<1x1x8192xf32, #tpu.memory_space<vmem>> -> memref<8192xf32, #tpu.memory_space<vmem>>
        %dma_wait3A_1854 = arith.constant 5120 : i32
        %dma_wait3A_1855 = tpu.memref_slice %dma_wait3A_1853[%dma_wait3A_1854] : memref<8192xf32, #tpu.memory_space<vmem>> -> memref<1024xf32, #tpu.memory_space<vmem>>
        tpu.wait_dma2 semaphore(%arg11 : memref<!tpu.dma_semaphore, #tpu.memory_space<semaphore_mem>>) src(%dma_wait3A_1855 : memref<1024xf32, #tpu.memory_space<vmem>>) dst(%dma_wait3A_1850 : memref<1024xf32, #tpu.memory_space<hbm>>)
        %dma_wait3A_1856 = arith.constant 1 : i32
        %dma_wait3A_1857 = arith.constant 1 : i32
        %dma_wait3A_1858 = arith.constant 0 : i32
        %dma_wait3A_1859 = arith.constant 0 : i32
        %dma_wait3A_1860 = arith.constant 0 : i32
        %dma_wait3A_1861 = arith.constant 0 : i32
        %dma_wait3A_1862 = tpu.memref_slice %arg7[%dma_wait3A_1856, %dma_wait3A_1857, %dma_wait3A_1861] : memref<2x2x8192xf32, #tpu.memory_space<vmem>> -> memref<1x1x8192xf32, #tpu.memory_space<vmem>>
        %dma_wait3A_1863 = tpu.memref_squeeze %dma_wait3A_1862 : memref<1x1x8192xf32, #tpu.memory_space<vmem>> -> memref<8192xf32, #tpu.memory_space<vmem>>
        %dma_wait3A_1864 = arith.constant 6144 : i32
        %dma_wait3A_1865 = tpu.memref_slice %dma_wait3A_1863[%dma_wait3A_1864] : memref<8192xf32, #tpu.memory_space<vmem>> -> memref<1024xf32, #tpu.memory_space<vmem>>
        %dma_wait3A_1866 = arith.constant 0 : i32
        %dma_wait3A_1867 = tpu.memref_slice %arg4[%dma_wait3A_1858, %dma_wait3A_1859, %dma_wait3A_1860, %dma_wait3A_1866] : memref<200x8x32x1024xf32, #tpu.memory_space<hbm>> -> memref<1x1x1x1024xf32, #tpu.memory_space<hbm>>
        %dma_wait3A_1868 = tpu.memref_squeeze %dma_wait3A_1867 : memref<1x1x1x1024xf32, #tpu.memory_space<hbm>> -> memref<1024xf32, #tpu.memory_space<hbm>>
        %dma_wait3A_1869 = arith.constant 0 : i32
        %dma_wait3A_1870 = tpu.memref_slice %arg4[%dma_wait3A_1858, %dma_wait3A_1859, %dma_wait3A_1860, %dma_wait3A_1869] : memref<200x8x32x1024xf32, #tpu.memory_space<hbm>> -> memref<1x1x1x1024xf32, #tpu.memory_space<hbm>>
        %dma_wait3A_1871 = tpu.memref_squeeze %dma_wait3A_1870 : memref<1x1x1x1024xf32, #tpu.memory_space<hbm>> -> memref<1024xf32, #tpu.memory_space<hbm>>
        %dma_wait3A_1872 = arith.constant 0 : i32
        %dma_wait3A_1873 = tpu.memref_slice %arg7[%dma_wait3A_1856, %dma_wait3A_1857, %dma_wait3A_1872] : memref<2x2x8192xf32, #tpu.memory_space<vmem>> -> memref<1x1x8192xf32, #tpu.memory_space<vmem>>
        %dma_wait3A_1874 = tpu.memref_squeeze %dma_wait3A_1873 : memref<1x1x8192xf32, #tpu.memory_space<vmem>> -> memref<8192xf32, #tpu.memory_space<vmem>>
        %dma_wait3A_1875 = arith.constant 6144 : i32
        %dma_wait3A_1876 = tpu.memref_slice %dma_wait3A_1874[%dma_wait3A_1875] : memref<8192xf32, #tpu.memory_space<vmem>> -> memref<1024xf32, #tpu.memory_space<vmem>>
        tpu.wait_dma2 semaphore(%arg11 : memref<!tpu.dma_semaphore, #tpu.memory_space<semaphore_mem>>) src(%dma_wait3A_1876 : memref<1024xf32, #tpu.memory_space<vmem>>) dst(%dma_wait3A_1871 : memref<1024xf32, #tpu.memory_space<hbm>>)
        %dma_wait3A_1877 = arith.constant 1 : i32
        %dma_wait3A_1878 = arith.constant 1 : i32
        %dma_wait3A_1879 = arith.constant 0 : i32
        %dma_wait3A_1880 = arith.constant 0 : i32
        %dma_wait3A_1881 = arith.constant 0 : i32
        %dma_wait3A_1882 = arith.constant 0 : i32
        %dma_wait3A_1883 = tpu.memref_slice %arg7[%dma_wait3A_1877, %dma_wait3A_1878, %dma_wait3A_1882] : memref<2x2x8192xf32, #tpu.memory_space<vmem>> -> memref<1x1x8192xf32, #tpu.memory_space<vmem>>
        %dma_wait3A_1884 = tpu.memref_squeeze %dma_wait3A_1883 : memref<1x1x8192xf32, #tpu.memory_space<vmem>> -> memref<8192xf32, #tpu.memory_space<vmem>>
        %dma_wait3A_1885 = arith.constant 7168 : i32
        %dma_wait3A_1886 = tpu.memref_slice %dma_wait3A_1884[%dma_wait3A_1885] : memref<8192xf32, #tpu.memory_space<vmem>> -> memref<1024xf32, #tpu.memory_space<vmem>>
        %dma_wait3A_1887 = arith.constant 0 : i32
        %dma_wait3A_1888 = tpu.memref_slice %arg4[%dma_wait3A_1879, %dma_wait3A_1880, %dma_wait3A_1881, %dma_wait3A_1887] : memref<200x8x32x1024xf32, #tpu.memory_space<hbm>> -> memref<1x1x1x1024xf32, #tpu.memory_space<hbm>>
        %dma_wait3A_1889 = tpu.memref_squeeze %dma_wait3A_1888 : memref<1x1x1x1024xf32, #tpu.memory_space<hbm>> -> memref<1024xf32, #tpu.memory_space<hbm>>
        %dma_wait3A_1890 = arith.constant 0 : i32
        %dma_wait3A_1891 = tpu.memref_slice %arg4[%dma_wait3A_1879, %dma_wait3A_1880, %dma_wait3A_1881, %dma_wait3A_1890] : memref<200x8x32x1024xf32, #tpu.memory_space<hbm>> -> memref<1x1x1x1024xf32, #tpu.memory_space<hbm>>
        %dma_wait3A_1892 = tpu.memref_squeeze %dma_wait3A_1891 : memref<1x1x1x1024xf32, #tpu.memory_space<hbm>> -> memref<1024xf32, #tpu.memory_space<hbm>>
        %dma_wait3A_1893 = arith.constant 0 : i32
        %dma_wait3A_1894 = tpu.memref_slice %arg7[%dma_wait3A_1877, %dma_wait3A_1878, %dma_wait3A_1893] : memref<2x2x8192xf32, #tpu.memory_space<vmem>> -> memref<1x1x8192xf32, #tpu.memory_space<vmem>>
        %dma_wait3A_1895 = tpu.memref_squeeze %dma_wait3A_1894 : memref<1x1x8192xf32, #tpu.memory_space<vmem>> -> memref<8192xf32, #tpu.memory_space<vmem>>
        %dma_wait3A_1896 = arith.constant 7168 : i32
        %dma_wait3A_1897 = tpu.memref_slice %dma_wait3A_1895[%dma_wait3A_1896] : memref<8192xf32, #tpu.memory_space<vmem>> -> memref<1024xf32, #tpu.memory_space<vmem>>
        tpu.wait_dma2 semaphore(%arg11 : memref<!tpu.dma_semaphore, #tpu.memory_space<semaphore_mem>>) src(%dma_wait3A_1897 : memref<1024xf32, #tpu.memory_space<vmem>>) dst(%dma_wait3A_1892 : memref<1024xf32, #tpu.memory_space<hbm>>)
      } else {
      }
      %parallel_loop3A_1191 = arith.constant 0 : i32
      %parallel_loop3A_1192 = arith.constant 64 : i32
      %parallel_loop3A_1193 = arith.constant 1 : i32
      scf.for %parallel_loop3A_1562 = %parallel_loop3A_1191 to %parallel_loop3A_1192 step %parallel_loop3A_1193  : i32 {
        %parallel_loop3A_1563 = vector.broadcast %parallel_loop3A_1562 : i32 to vector<16xi32>
        %parallel_loop3A_1564 = arith.constant 1 : i32
        %parallel_loop3A_1565 = arith.constant 0 : i32
        %parallel_loop3A_1566 = arith.constant 0 : i32
        %parallel_loop3A_1567 = arith.constant 0 : i32
        %parallel_loop3A_1568 = tpu.memref_slice %arg6[%parallel_loop3A_1564, %parallel_loop3A_1565, %parallel_loop3A_1566, %parallel_loop3A_1567] : memref<2x2x128x64xf32, #tpu.memory_space<vmem>> -> memref<1x1x128x64xf32, #tpu.memory_space<vmem>>
        %parallel_loop3A_1569 = tpu.memref_squeeze %parallel_loop3A_1568 : memref<1x1x128x64xf32, #tpu.memory_space<vmem>> -> memref<128x64xf32, #tpu.memory_space<vmem>>
        %parallel_loop3A_1570 = tpu.vector_load_idx %parallel_loop3A_1569[%add3A_5, %parallel_loop3A_1563] : memref<128x64xf32, #tpu.memory_space<vmem>>[vector<16xi32>, vector<16xi32>], vector<16xf32>,
        %parallel_loop3A_1571 = arith.constant 128 : i32
        %parallel_loop3A_1572 = arith.muli %parallel_loop3A_1562, %parallel_loop3A_1571 : i32
        %parallel_loop3A_1573 = arith.constant 0 : i32
        %parallel_loop3A_1574 = arith.addi %parallel_loop3A_1572, %parallel_loop3A_1573 : i32
        %parallel_loop3A_1575 = arith.constant 1 : i32
        %parallel_loop3A_1576 = arith.constant 0 : i32
        %parallel_loop3A_1577 = arith.index_cast %parallel_loop3A_1575 : i32 to index
        %parallel_loop3A_1578 = arith.index_cast %parallel_loop3A_1576 : i32 to index
        %parallel_loop3A_1579 = arith.index_cast %parallel_loop3A_1574 : i32 to index
        %parallel_loop3A_1580 = tpu.vector_load %arg7[%parallel_loop3A_1577, %parallel_loop3A_1578, %parallel_loop3A_1579] {strides = array<i32>} : memref<2x2x8192xf32, #tpu.memory_space<vmem>>, vector<16xf32>,
        tpu.vector_store %arg7[%parallel_loop3A_1577, %parallel_loop3A_1578, %parallel_loop3A_1579], %parallel_loop3A_1570 {strides = array<i32>} : memref<2x2x8192xf32, #tpu.memory_space<vmem>>, vector<16xf32>,
        %parallel_loop3A_1581 = arith.constant 1 : i32
        %parallel_loop3A_1582 = arith.constant 0 : i32
        %parallel_loop3A_1583 = arith.constant 0 : i32
        %parallel_loop3A_1584 = arith.constant 0 : i32
        %parallel_loop3A_1585 = tpu.memref_slice %arg6[%parallel_loop3A_1581, %parallel_loop3A_1582, %parallel_loop3A_1583, %parallel_loop3A_1584] : memref<2x2x128x64xf32, #tpu.memory_space<vmem>> -> memref<1x1x128x64xf32, #tpu.memory_space<vmem>>
        %parallel_loop3A_1586 = tpu.memref_squeeze %parallel_loop3A_1585 : memref<1x1x128x64xf32, #tpu.memory_space<vmem>> -> memref<128x64xf32, #tpu.memory_space<vmem>>
        %parallel_loop3A_1587 = tpu.vector_load_idx %parallel_loop3A_1586[%add3A_8, %parallel_loop3A_1563] : memref<128x64xf32, #tpu.memory_space<vmem>>[vector<16xi32>, vector<16xi32>], vector<16xf32>,
        %parallel_loop3A_1588 = arith.constant 128 : i32
        %parallel_loop3A_1589 = arith.muli %parallel_loop3A_1562, %parallel_loop3A_1588 : i32
        %parallel_loop3A_1590 = arith.constant 16 : i32
        %parallel_loop3A_1591 = arith.addi %parallel_loop3A_1589, %parallel_loop3A_1590 : i32
        %parallel_loop3A_1592 = arith.constant 1 : i32
        %parallel_loop3A_1593 = arith.constant 0 : i32
        %parallel_loop3A_1594 = arith.index_cast %parallel_loop3A_1592 : i32 to index
        %parallel_loop3A_1595 = arith.index_cast %parallel_loop3A_1593 : i32 to index
        %parallel_loop3A_1596 = arith.index_cast %parallel_loop3A_1591 : i32 to index
        %parallel_loop3A_1597 = tpu.vector_load %arg7[%parallel_loop3A_1594, %parallel_loop3A_1595, %parallel_loop3A_1596] {strides = array<i32>} : memref<2x2x8192xf32, #tpu.memory_space<vmem>>, vector<16xf32>,
        tpu.vector_store %arg7[%parallel_loop3A_1594, %parallel_loop3A_1595, %parallel_loop3A_1596], %parallel_loop3A_1587 {strides = array<i32>} : memref<2x2x8192xf32, #tpu.memory_space<vmem>>, vector<16xf32>,
        %parallel_loop3A_1598 = arith.constant 1 : i32
        %parallel_loop3A_1599 = arith.constant 0 : i32
        %parallel_loop3A_1600 = arith.constant 0 : i32
        %parallel_loop3A_1601 = arith.constant 0 : i32
        %parallel_loop3A_1602 = tpu.memref_slice %arg6[%parallel_loop3A_1598, %parallel_loop3A_1599, %parallel_loop3A_1600, %parallel_loop3A_1601] : memref<2x2x128x64xf32, #tpu.memory_space<vmem>> -> memref<1x1x128x64xf32, #tpu.memory_space<vmem>>
        %parallel_loop3A_1603 = tpu.memref_squeeze %parallel_loop3A_1602 : memref<1x1x128x64xf32, #tpu.memory_space<vmem>> -> memref<128x64xf32, #tpu.memory_space<vmem>>
        %parallel_loop3A_1604 = tpu.vector_load_idx %parallel_loop3A_1603[%add3A_11, %parallel_loop3A_1563] : memref<128x64xf32, #tpu.memory_space<vmem>>[vector<16xi32>, vector<16xi32>], vector<16xf32>,
        %parallel_loop3A_1605 = arith.constant 128 : i32
        %parallel_loop3A_1606 = arith.muli %parallel_loop3A_1562, %parallel_loop3A_1605 : i32
        %parallel_loop3A_1607 = arith.constant 32 : i32
        %parallel_loop3A_1608 = arith.addi %parallel_loop3A_1606, %parallel_loop3A_1607 : i32
        %parallel_loop3A_1609 = arith.constant 1 : i32
        %parallel_loop3A_1610 = arith.constant 0 : i32
        %parallel_loop3A_1611 = arith.index_cast %parallel_loop3A_1609 : i32 to index
        %parallel_loop3A_1612 = arith.index_cast %parallel_loop3A_1610 : i32 to index
        %parallel_loop3A_1613 = arith.index_cast %parallel_loop3A_1608 : i32 to index
        %parallel_loop3A_1614 = tpu.vector_load %arg7[%parallel_loop3A_1611, %parallel_loop3A_1612, %parallel_loop3A_1613] {strides = array<i32>} : memref<2x2x8192xf32, #tpu.memory_space<vmem>>, vector<16xf32>,
        tpu.vector_store %arg7[%parallel_loop3A_1611, %parallel_loop3A_1612, %parallel_loop3A_1613], %parallel_loop3A_1604 {strides = array<i32>} : memref<2x2x8192xf32, #tpu.memory_space<vmem>>, vector<16xf32>,
        %parallel_loop3A_1615 = arith.constant 1 : i32
        %parallel_loop3A_1616 = arith.constant 0 : i32
        %parallel_loop3A_1617 = arith.constant 0 : i32
        %parallel_loop3A_1618 = arith.constant 0 : i32
        %parallel_loop3A_1619 = tpu.memref_slice %arg6[%parallel_loop3A_1615, %parallel_loop3A_1616, %parallel_loop3A_1617, %parallel_loop3A_1618] : memref<2x2x128x64xf32, #tpu.memory_space<vmem>> -> memref<1x1x128x64xf32, #tpu.memory_space<vmem>>
        %parallel_loop3A_1620 = tpu.memref_squeeze %parallel_loop3A_1619 : memref<1x1x128x64xf32, #tpu.memory_space<vmem>> -> memref<128x64xf32, #tpu.memory_space<vmem>>
        %parallel_loop3A_1621 = tpu.vector_load_idx %parallel_loop3A_1620[%add3A_14, %parallel_loop3A_1563] : memref<128x64xf32, #tpu.memory_space<vmem>>[vector<16xi32>, vector<16xi32>], vector<16xf32>,
        %parallel_loop3A_1622 = arith.constant 128 : i32
        %parallel_loop3A_1623 = arith.muli %parallel_loop3A_1562, %parallel_loop3A_1622 : i32
        %parallel_loop3A_1624 = arith.constant 48 : i32
        %parallel_loop3A_1625 = arith.addi %parallel_loop3A_1623, %parallel_loop3A_1624 : i32
        %parallel_loop3A_1626 = arith.constant 1 : i32
        %parallel_loop3A_1627 = arith.constant 0 : i32
        %parallel_loop3A_1628 = arith.index_cast %parallel_loop3A_1626 : i32 to index
        %parallel_loop3A_1629 = arith.index_cast %parallel_loop3A_1627 : i32 to index
        %parallel_loop3A_1630 = arith.index_cast %parallel_loop3A_1625 : i32 to index
        %parallel_loop3A_1631 = tpu.vector_load %arg7[%parallel_loop3A_1628, %parallel_loop3A_1629, %parallel_loop3A_1630] {strides = array<i32>} : memref<2x2x8192xf32, #tpu.memory_space<vmem>>, vector<16xf32>,
        tpu.vector_store %arg7[%parallel_loop3A_1628, %parallel_loop3A_1629, %parallel_loop3A_1630], %parallel_loop3A_1621 {strides = array<i32>} : memref<2x2x8192xf32, #tpu.memory_space<vmem>>, vector<16xf32>,
        %parallel_loop3A_1632 = arith.constant 1 : i32
        %parallel_loop3A_1633 = arith.constant 0 : i32
        %parallel_loop3A_1634 = arith.constant 0 : i32
        %parallel_loop3A_1635 = arith.constant 0 : i32
        %parallel_loop3A_1636 = tpu.memref_slice %arg6[%parallel_loop3A_1632, %parallel_loop3A_1633, %parallel_loop3A_1634, %parallel_loop3A_1635] : memref<2x2x128x64xf32, #tpu.memory_space<vmem>> -> memref<1x1x128x64xf32, #tpu.memory_space<vmem>>
        %parallel_loop3A_1637 = tpu.memref_squeeze %parallel_loop3A_1636 : memref<1x1x128x64xf32, #tpu.memory_space<vmem>> -> memref<128x64xf32, #tpu.memory_space<vmem>>
        %parallel_loop3A_1638 = tpu.vector_load_idx %parallel_loop3A_1637[%add3A_17, %parallel_loop3A_1563] : memref<128x64xf32, #tpu.memory_space<vmem>>[vector<16xi32>, vector<16xi32>], vector<16xf32>,
        %parallel_loop3A_1639 = arith.constant 128 : i32
        %parallel_loop3A_1640 = arith.muli %parallel_loop3A_1562, %parallel_loop3A_1639 : i32
        %parallel_loop3A_1641 = arith.constant 64 : i32
        %parallel_loop3A_1642 = arith.addi %parallel_loop3A_1640, %parallel_loop3A_1641 : i32
        %parallel_loop3A_1643 = arith.constant 1 : i32
        %parallel_loop3A_1644 = arith.constant 0 : i32
        %parallel_loop3A_1645 = arith.index_cast %parallel_loop3A_1643 : i32 to index
        %parallel_loop3A_1646 = arith.index_cast %parallel_loop3A_1644 : i32 to index
        %parallel_loop3A_1647 = arith.index_cast %parallel_loop3A_1642 : i32 to index
        %parallel_loop3A_1648 = tpu.vector_load %arg7[%parallel_loop3A_1645, %parallel_loop3A_1646, %parallel_loop3A_1647] {strides = array<i32>} : memref<2x2x8192xf32, #tpu.memory_space<vmem>>, vector<16xf32>,
        tpu.vector_store %arg7[%parallel_loop3A_1645, %parallel_loop3A_1646, %parallel_loop3A_1647], %parallel_loop3A_1638 {strides = array<i32>} : memref<2x2x8192xf32, #tpu.memory_space<vmem>>, vector<16xf32>,
        %parallel_loop3A_1649 = arith.constant 1 : i32
        %parallel_loop3A_1650 = arith.constant 0 : i32
        %parallel_loop3A_1651 = arith.constant 0 : i32
        %parallel_loop3A_1652 = arith.constant 0 : i32
        %parallel_loop3A_1653 = tpu.memref_slice %arg6[%parallel_loop3A_1649, %parallel_loop3A_1650, %parallel_loop3A_1651, %parallel_loop3A_1652] : memref<2x2x128x64xf32, #tpu.memory_space<vmem>> -> memref<1x1x128x64xf32, #tpu.memory_space<vmem>>
        %parallel_loop3A_1654 = tpu.memref_squeeze %parallel_loop3A_1653 : memref<1x1x128x64xf32, #tpu.memory_space<vmem>> -> memref<128x64xf32, #tpu.memory_space<vmem>>
        %parallel_loop3A_1655 = tpu.vector_load_idx %parallel_loop3A_1654[%add3A_20, %parallel_loop3A_1563] : memref<128x64xf32, #tpu.memory_space<vmem>>[vector<16xi32>, vector<16xi32>], vector<16xf32>,
        %parallel_loop3A_1656 = arith.constant 128 : i32
        %parallel_loop3A_1657 = arith.muli %parallel_loop3A_1562, %parallel_loop3A_1656 : i32
        %parallel_loop3A_1658 = arith.constant 80 : i32
        %parallel_loop3A_1659 = arith.addi %parallel_loop3A_1657, %parallel_loop3A_1658 : i32
        %parallel_loop3A_1660 = arith.constant 1 : i32
        %parallel_loop3A_1661 = arith.constant 0 : i32
        %parallel_loop3A_1662 = arith.index_cast %parallel_loop3A_1660 : i32 to index
        %parallel_loop3A_1663 = arith.index_cast %parallel_loop3A_1661 : i32 to index
        %parallel_loop3A_1664 = arith.index_cast %parallel_loop3A_1659 : i32 to index
        %parallel_loop3A_1665 = tpu.vector_load %arg7[%parallel_loop3A_1662, %parallel_loop3A_1663, %parallel_loop3A_1664] {strides = array<i32>} : memref<2x2x8192xf32, #tpu.memory_space<vmem>>, vector<16xf32>,
        tpu.vector_store %arg7[%parallel_loop3A_1662, %parallel_loop3A_1663, %parallel_loop3A_1664], %parallel_loop3A_1655 {strides = array<i32>} : memref<2x2x8192xf32, #tpu.memory_space<vmem>>, vector<16xf32>,
        %parallel_loop3A_1666 = arith.constant 1 : i32
        %parallel_loop3A_1667 = arith.constant 0 : i32
        %parallel_loop3A_1668 = arith.constant 0 : i32
        %parallel_loop3A_1669 = arith.constant 0 : i32
        %parallel_loop3A_1670 = tpu.memref_slice %arg6[%parallel_loop3A_1666, %parallel_loop3A_1667, %parallel_loop3A_1668, %parallel_loop3A_1669] : memref<2x2x128x64xf32, #tpu.memory_space<vmem>> -> memref<1x1x128x64xf32, #tpu.memory_space<vmem>>
        %parallel_loop3A_1671 = tpu.memref_squeeze %parallel_loop3A_1670 : memref<1x1x128x64xf32, #tpu.memory_space<vmem>> -> memref<128x64xf32, #tpu.memory_space<vmem>>
        %parallel_loop3A_1672 = tpu.vector_load_idx %parallel_loop3A_1671[%add3A_23, %parallel_loop3A_1563] : memref<128x64xf32, #tpu.memory_space<vmem>>[vector<16xi32>, vector<16xi32>], vector<16xf32>,
        %parallel_loop3A_1673 = arith.constant 128 : i32
        %parallel_loop3A_1674 = arith.muli %parallel_loop3A_1562, %parallel_loop3A_1673 : i32
        %parallel_loop3A_1675 = arith.constant 96 : i32
        %parallel_loop3A_1676 = arith.addi %parallel_loop3A_1674, %parallel_loop3A_1675 : i32
        %parallel_loop3A_1677 = arith.constant 1 : i32
        %parallel_loop3A_1678 = arith.constant 0 : i32
        %parallel_loop3A_1679 = arith.index_cast %parallel_loop3A_1677 : i32 to index
        %parallel_loop3A_1680 = arith.index_cast %parallel_loop3A_1678 : i32 to index
        %parallel_loop3A_1681 = arith.index_cast %parallel_loop3A_1676 : i32 to index
        %parallel_loop3A_1682 = tpu.vector_load %arg7[%parallel_loop3A_1679, %parallel_loop3A_1680, %parallel_loop3A_1681] {strides = array<i32>} : memref<2x2x8192xf32, #tpu.memory_space<vmem>>, vector<16xf32>,
        tpu.vector_store %arg7[%parallel_loop3A_1679, %parallel_loop3A_1680, %parallel_loop3A_1681], %parallel_loop3A_1672 {strides = array<i32>} : memref<2x2x8192xf32, #tpu.memory_space<vmem>>, vector<16xf32>,
        %parallel_loop3A_1683 = arith.constant 1 : i32
        %parallel_loop3A_1684 = arith.constant 0 : i32
        %parallel_loop3A_1685 = arith.constant 0 : i32
        %parallel_loop3A_1686 = arith.constant 0 : i32
        %parallel_loop3A_1687 = tpu.memref_slice %arg6[%parallel_loop3A_1683, %parallel_loop3A_1684, %parallel_loop3A_1685, %parallel_loop3A_1686] : memref<2x2x128x64xf32, #tpu.memory_space<vmem>> -> memref<1x1x128x64xf32, #tpu.memory_space<vmem>>
        %parallel_loop3A_1688 = tpu.memref_squeeze %parallel_loop3A_1687 : memref<1x1x128x64xf32, #tpu.memory_space<vmem>> -> memref<128x64xf32, #tpu.memory_space<vmem>>
        %parallel_loop3A_1689 = tpu.vector_load_idx %parallel_loop3A_1688[%add3A_26, %parallel_loop3A_1563] : memref<128x64xf32, #tpu.memory_space<vmem>>[vector<16xi32>, vector<16xi32>], vector<16xf32>,
        %parallel_loop3A_1690 = arith.constant 128 : i32
        %parallel_loop3A_1691 = arith.muli %parallel_loop3A_1562, %parallel_loop3A_1690 : i32
        %parallel_loop3A_1692 = arith.constant 112 : i32
        %parallel_loop3A_1693 = arith.addi %parallel_loop3A_1691, %parallel_loop3A_1692 : i32
        %parallel_loop3A_1694 = arith.constant 1 : i32
        %parallel_loop3A_1695 = arith.constant 0 : i32
        %parallel_loop3A_1696 = arith.index_cast %parallel_loop3A_1694 : i32 to index
        %parallel_loop3A_1697 = arith.index_cast %parallel_loop3A_1695 : i32 to index
        %parallel_loop3A_1698 = arith.index_cast %parallel_loop3A_1693 : i32 to index
        %parallel_loop3A_1699 = tpu.vector_load %arg7[%parallel_loop3A_1696, %parallel_loop3A_1697, %parallel_loop3A_1698] {strides = array<i32>} : memref<2x2x8192xf32, #tpu.memory_space<vmem>>, vector<16xf32>,
        tpu.vector_store %arg7[%parallel_loop3A_1696, %parallel_loop3A_1697, %parallel_loop3A_1698], %parallel_loop3A_1689 {strides = array<i32>} : memref<2x2x8192xf32, #tpu.memory_space<vmem>>, vector<16xf32>,
        %parallel_loop3A_1700 = arith.constant 1 : i32
        %parallel_loop3A_1701 = arith.constant 1 : i32
        %parallel_loop3A_1702 = arith.constant 0 : i32
        %parallel_loop3A_1703 = arith.constant 0 : i32
        %parallel_loop3A_1704 = tpu.memref_slice %arg6[%parallel_loop3A_1700, %parallel_loop3A_1701, %parallel_loop3A_1702, %parallel_loop3A_1703] : memref<2x2x128x64xf32, #tpu.memory_space<vmem>> -> memref<1x1x128x64xf32, #tpu.memory_space<vmem>>
        %parallel_loop3A_1705 = tpu.memref_squeeze %parallel_loop3A_1704 : memref<1x1x128x64xf32, #tpu.memory_space<vmem>> -> memref<128x64xf32, #tpu.memory_space<vmem>>
        %parallel_loop3A_1706 = tpu.vector_load_idx %parallel_loop3A_1705[%add3A_5, %parallel_loop3A_1563] : memref<128x64xf32, #tpu.memory_space<vmem>>[vector<16xi32>, vector<16xi32>], vector<16xf32>,
        %parallel_loop3A_1707 = arith.constant 128 : i32
        %parallel_loop3A_1708 = arith.muli %parallel_loop3A_1562, %parallel_loop3A_1707 : i32
        %parallel_loop3A_1709 = arith.constant 0 : i32
        %parallel_loop3A_1710 = arith.addi %parallel_loop3A_1708, %parallel_loop3A_1709 : i32
        %parallel_loop3A_1711 = arith.constant 1 : i32
        %parallel_loop3A_1712 = arith.constant 1 : i32
        %parallel_loop3A_1713 = arith.index_cast %parallel_loop3A_1711 : i32 to index
        %parallel_loop3A_1714 = arith.index_cast %parallel_loop3A_1712 : i32 to index
        %parallel_loop3A_1715 = arith.index_cast %parallel_loop3A_1710 : i32 to index
        %parallel_loop3A_1716 = tpu.vector_load %arg7[%parallel_loop3A_1713, %parallel_loop3A_1714, %parallel_loop3A_1715] {strides = array<i32>} : memref<2x2x8192xf32, #tpu.memory_space<vmem>>, vector<16xf32>,
        tpu.vector_store %arg7[%parallel_loop3A_1713, %parallel_loop3A_1714, %parallel_loop3A_1715], %parallel_loop3A_1706 {strides = array<i32>} : memref<2x2x8192xf32, #tpu.memory_space<vmem>>, vector<16xf32>,
        %parallel_loop3A_1717 = arith.constant 1 : i32
        %parallel_loop3A_1718 = arith.constant 1 : i32
        %parallel_loop3A_1719 = arith.constant 0 : i32
        %parallel_loop3A_1720 = arith.constant 0 : i32
        %parallel_loop3A_1721 = tpu.memref_slice %arg6[%parallel_loop3A_1717, %parallel_loop3A_1718, %parallel_loop3A_1719, %parallel_loop3A_1720] : memref<2x2x128x64xf32, #tpu.memory_space<vmem>> -> memref<1x1x128x64xf32, #tpu.memory_space<vmem>>
        %parallel_loop3A_1722 = tpu.memref_squeeze %parallel_loop3A_1721 : memref<1x1x128x64xf32, #tpu.memory_space<vmem>> -> memref<128x64xf32, #tpu.memory_space<vmem>>
        %parallel_loop3A_1723 = tpu.vector_load_idx %parallel_loop3A_1722[%add3A_8, %parallel_loop3A_1563] : memref<128x64xf32, #tpu.memory_space<vmem>>[vector<16xi32>, vector<16xi32>], vector<16xf32>,
        %parallel_loop3A_1724 = arith.constant 128 : i32
        %parallel_loop3A_1725 = arith.muli %parallel_loop3A_1562, %parallel_loop3A_1724 : i32
        %parallel_loop3A_1726 = arith.constant 16 : i32
        %parallel_loop3A_1727 = arith.addi %parallel_loop3A_1725, %parallel_loop3A_1726 : i32
        %parallel_loop3A_1728 = arith.constant 1 : i32
        %parallel_loop3A_1729 = arith.constant 1 : i32
        %parallel_loop3A_1730 = arith.index_cast %parallel_loop3A_1728 : i32 to index
        %parallel_loop3A_1731 = arith.index_cast %parallel_loop3A_1729 : i32 to index
        %parallel_loop3A_1732 = arith.index_cast %parallel_loop3A_1727 : i32 to index
        %parallel_loop3A_1733 = tpu.vector_load %arg7[%parallel_loop3A_1730, %parallel_loop3A_1731, %parallel_loop3A_1732] {strides = array<i32>} : memref<2x2x8192xf32, #tpu.memory_space<vmem>>, vector<16xf32>,
        tpu.vector_store %arg7[%parallel_loop3A_1730, %parallel_loop3A_1731, %parallel_loop3A_1732], %parallel_loop3A_1723 {strides = array<i32>} : memref<2x2x8192xf32, #tpu.memory_space<vmem>>, vector<16xf32>,
        %parallel_loop3A_1734 = arith.constant 1 : i32
        %parallel_loop3A_1735 = arith.constant 1 : i32
        %parallel_loop3A_1736 = arith.constant 0 : i32
        %parallel_loop3A_1737 = arith.constant 0 : i32
        %parallel_loop3A_1738 = tpu.memref_slice %arg6[%parallel_loop3A_1734, %parallel_loop3A_1735, %parallel_loop3A_1736, %parallel_loop3A_1737] : memref<2x2x128x64xf32, #tpu.memory_space<vmem>> -> memref<1x1x128x64xf32, #tpu.memory_space<vmem>>
        %parallel_loop3A_1739 = tpu.memref_squeeze %parallel_loop3A_1738 : memref<1x1x128x64xf32, #tpu.memory_space<vmem>> -> memref<128x64xf32, #tpu.memory_space<vmem>>
        %parallel_loop3A_1740 = tpu.vector_load_idx %parallel_loop3A_1739[%add3A_11, %parallel_loop3A_1563] : memref<128x64xf32, #tpu.memory_space<vmem>>[vector<16xi32>, vector<16xi32>], vector<16xf32>,
        %parallel_loop3A_1741 = arith.constant 128 : i32
        %parallel_loop3A_1742 = arith.muli %parallel_loop3A_1562, %parallel_loop3A_1741 : i32
        %parallel_loop3A_1743 = arith.constant 32 : i32
        %parallel_loop3A_1744 = arith.addi %parallel_loop3A_1742, %parallel_loop3A_1743 : i32
        %parallel_loop3A_1745 = arith.constant 1 : i32
        %parallel_loop3A_1746 = arith.constant 1 : i32
        %parallel_loop3A_1747 = arith.index_cast %parallel_loop3A_1745 : i32 to index
        %parallel_loop3A_1748 = arith.index_cast %parallel_loop3A_1746 : i32 to index
        %parallel_loop3A_1749 = arith.index_cast %parallel_loop3A_1744 : i32 to index
        %parallel_loop3A_1750 = tpu.vector_load %arg7[%parallel_loop3A_1747, %parallel_loop3A_1748, %parallel_loop3A_1749] {strides = array<i32>} : memref<2x2x8192xf32, #tpu.memory_space<vmem>>, vector<16xf32>,
        tpu.vector_store %arg7[%parallel_loop3A_1747, %parallel_loop3A_1748, %parallel_loop3A_1749], %parallel_loop3A_1740 {strides = array<i32>} : memref<2x2x8192xf32, #tpu.memory_space<vmem>>, vector<16xf32>,
        %parallel_loop3A_1751 = arith.constant 1 : i32
        %parallel_loop3A_1752 = arith.constant 1 : i32
        %parallel_loop3A_1753 = arith.constant 0 : i32
        %parallel_loop3A_1754 = arith.constant 0 : i32
        %parallel_loop3A_1755 = tpu.memref_slice %arg6[%parallel_loop3A_1751, %parallel_loop3A_1752, %parallel_loop3A_1753, %parallel_loop3A_1754] : memref<2x2x128x64xf32, #tpu.memory_space<vmem>> -> memref<1x1x128x64xf32, #tpu.memory_space<vmem>>
        %parallel_loop3A_1756 = tpu.memref_squeeze %parallel_loop3A_1755 : memref<1x1x128x64xf32, #tpu.memory_space<vmem>> -> memref<128x64xf32, #tpu.memory_space<vmem>>
        %parallel_loop3A_1757 = tpu.vector_load_idx %parallel_loop3A_1756[%add3A_14, %parallel_loop3A_1563] : memref<128x64xf32, #tpu.memory_space<vmem>>[vector<16xi32>, vector<16xi32>], vector<16xf32>,
        %parallel_loop3A_1758 = arith.constant 128 : i32
        %parallel_loop3A_1759 = arith.muli %parallel_loop3A_1562, %parallel_loop3A_1758 : i32
        %parallel_loop3A_1760 = arith.constant 48 : i32
        %parallel_loop3A_1761 = arith.addi %parallel_loop3A_1759, %parallel_loop3A_1760 : i32
        %parallel_loop3A_1762 = arith.constant 1 : i32
        %parallel_loop3A_1763 = arith.constant 1 : i32
        %parallel_loop3A_1764 = arith.index_cast %parallel_loop3A_1762 : i32 to index
        %parallel_loop3A_1765 = arith.index_cast %parallel_loop3A_1763 : i32 to index
        %parallel_loop3A_1766 = arith.index_cast %parallel_loop3A_1761 : i32 to index
        %parallel_loop3A_1767 = tpu.vector_load %arg7[%parallel_loop3A_1764, %parallel_loop3A_1765, %parallel_loop3A_1766] {strides = array<i32>} : memref<2x2x8192xf32, #tpu.memory_space<vmem>>, vector<16xf32>,
        tpu.vector_store %arg7[%parallel_loop3A_1764, %parallel_loop3A_1765, %parallel_loop3A_1766], %parallel_loop3A_1757 {strides = array<i32>} : memref<2x2x8192xf32, #tpu.memory_space<vmem>>, vector<16xf32>,
        %parallel_loop3A_1768 = arith.constant 1 : i32
        %parallel_loop3A_1769 = arith.constant 1 : i32
        %parallel_loop3A_1770 = arith.constant 0 : i32
        %parallel_loop3A_1771 = arith.constant 0 : i32
        %parallel_loop3A_1772 = tpu.memref_slice %arg6[%parallel_loop3A_1768, %parallel_loop3A_1769, %parallel_loop3A_1770, %parallel_loop3A_1771] : memref<2x2x128x64xf32, #tpu.memory_space<vmem>> -> memref<1x1x128x64xf32, #tpu.memory_space<vmem>>
        %parallel_loop3A_1773 = tpu.memref_squeeze %parallel_loop3A_1772 : memref<1x1x128x64xf32, #tpu.memory_space<vmem>> -> memref<128x64xf32, #tpu.memory_space<vmem>>
        %parallel_loop3A_1774 = tpu.vector_load_idx %parallel_loop3A_1773[%add3A_17, %parallel_loop3A_1563] : memref<128x64xf32, #tpu.memory_space<vmem>>[vector<16xi32>, vector<16xi32>], vector<16xf32>,
        %parallel_loop3A_1775 = arith.constant 128 : i32
        %parallel_loop3A_1776 = arith.muli %parallel_loop3A_1562, %parallel_loop3A_1775 : i32
        %parallel_loop3A_1777 = arith.constant 64 : i32
        %parallel_loop3A_1778 = arith.addi %parallel_loop3A_1776, %parallel_loop3A_1777 : i32
        %parallel_loop3A_1779 = arith.constant 1 : i32
        %parallel_loop3A_1780 = arith.constant 1 : i32
        %parallel_loop3A_1781 = arith.index_cast %parallel_loop3A_1779 : i32 to index
        %parallel_loop3A_1782 = arith.index_cast %parallel_loop3A_1780 : i32 to index
        %parallel_loop3A_1783 = arith.index_cast %parallel_loop3A_1778 : i32 to index
        %parallel_loop3A_1784 = tpu.vector_load %arg7[%parallel_loop3A_1781, %parallel_loop3A_1782, %parallel_loop3A_1783] {strides = array<i32>} : memref<2x2x8192xf32, #tpu.memory_space<vmem>>, vector<16xf32>,
        tpu.vector_store %arg7[%parallel_loop3A_1781, %parallel_loop3A_1782, %parallel_loop3A_1783], %parallel_loop3A_1774 {strides = array<i32>} : memref<2x2x8192xf32, #tpu.memory_space<vmem>>, vector<16xf32>,
        %parallel_loop3A_1785 = arith.constant 1 : i32
        %parallel_loop3A_1786 = arith.constant 1 : i32
        %parallel_loop3A_1787 = arith.constant 0 : i32
        %parallel_loop3A_1788 = arith.constant 0 : i32
        %parallel_loop3A_1789 = tpu.memref_slice %arg6[%parallel_loop3A_1785, %parallel_loop3A_1786, %parallel_loop3A_1787, %parallel_loop3A_1788] : memref<2x2x128x64xf32, #tpu.memory_space<vmem>> -> memref<1x1x128x64xf32, #tpu.memory_space<vmem>>
        %parallel_loop3A_1790 = tpu.memref_squeeze %parallel_loop3A_1789 : memref<1x1x128x64xf32, #tpu.memory_space<vmem>> -> memref<128x64xf32, #tpu.memory_space<vmem>>
        %parallel_loop3A_1791 = tpu.vector_load_idx %parallel_loop3A_1790[%add3A_20, %parallel_loop3A_1563] : memref<128x64xf32, #tpu.memory_space<vmem>>[vector<16xi32>, vector<16xi32>], vector<16xf32>,
        %parallel_loop3A_1792 = arith.constant 128 : i32
        %parallel_loop3A_1793 = arith.muli %parallel_loop3A_1562, %parallel_loop3A_1792 : i32
        %parallel_loop3A_1794 = arith.constant 80 : i32
        %parallel_loop3A_1795 = arith.addi %parallel_loop3A_1793, %parallel_loop3A_1794 : i32
        %parallel_loop3A_1796 = arith.constant 1 : i32
        %parallel_loop3A_1797 = arith.constant 1 : i32
        %parallel_loop3A_1798 = arith.index_cast %parallel_loop3A_1796 : i32 to index
        %parallel_loop3A_1799 = arith.index_cast %parallel_loop3A_1797 : i32 to index
        %parallel_loop3A_1800 = arith.index_cast %parallel_loop3A_1795 : i32 to index
        %parallel_loop3A_1801 = tpu.vector_load %arg7[%parallel_loop3A_1798, %parallel_loop3A_1799, %parallel_loop3A_1800] {strides = array<i32>} : memref<2x2x8192xf32, #tpu.memory_space<vmem>>, vector<16xf32>,
        tpu.vector_store %arg7[%parallel_loop3A_1798, %parallel_loop3A_1799, %parallel_loop3A_1800], %parallel_loop3A_1791 {strides = array<i32>} : memref<2x2x8192xf32, #tpu.memory_space<vmem>>, vector<16xf32>,
        %parallel_loop3A_1802 = arith.constant 1 : i32
        %parallel_loop3A_1803 = arith.constant 1 : i32
        %parallel_loop3A_1804 = arith.constant 0 : i32
        %parallel_loop3A_1805 = arith.constant 0 : i32
        %parallel_loop3A_1806 = tpu.memref_slice %arg6[%parallel_loop3A_1802, %parallel_loop3A_1803, %parallel_loop3A_1804, %parallel_loop3A_1805] : memref<2x2x128x64xf32, #tpu.memory_space<vmem>> -> memref<1x1x128x64xf32, #tpu.memory_space<vmem>>
        %parallel_loop3A_1807 = tpu.memref_squeeze %parallel_loop3A_1806 : memref<1x1x128x64xf32, #tpu.memory_space<vmem>> -> memref<128x64xf32, #tpu.memory_space<vmem>>
        %parallel_loop3A_1808 = tpu.vector_load_idx %parallel_loop3A_1807[%add3A_23, %parallel_loop3A_1563] : memref<128x64xf32, #tpu.memory_space<vmem>>[vector<16xi32>, vector<16xi32>], vector<16xf32>,
        %parallel_loop3A_1809 = arith.constant 128 : i32
        %parallel_loop3A_1810 = arith.muli %parallel_loop3A_1562, %parallel_loop3A_1809 : i32
        %parallel_loop3A_1811 = arith.constant 96 : i32
        %parallel_loop3A_1812 = arith.addi %parallel_loop3A_1810, %parallel_loop3A_1811 : i32
        %parallel_loop3A_1813 = arith.constant 1 : i32
        %parallel_loop3A_1814 = arith.constant 1 : i32
        %parallel_loop3A_1815 = arith.index_cast %parallel_loop3A_1813 : i32 to index
        %parallel_loop3A_1816 = arith.index_cast %parallel_loop3A_1814 : i32 to index
        %parallel_loop3A_1817 = arith.index_cast %parallel_loop3A_1812 : i32 to index
        %parallel_loop3A_1818 = tpu.vector_load %arg7[%parallel_loop3A_1815, %parallel_loop3A_1816, %parallel_loop3A_1817] {strides = array<i32>} : memref<2x2x8192xf32, #tpu.memory_space<vmem>>, vector<16xf32>,
        tpu.vector_store %arg7[%parallel_loop3A_1815, %parallel_loop3A_1816, %parallel_loop3A_1817], %parallel_loop3A_1808 {strides = array<i32>} : memref<2x2x8192xf32, #tpu.memory_space<vmem>>, vector<16xf32>,
        %parallel_loop3A_1819 = arith.constant 1 : i32
        %parallel_loop3A_1820 = arith.constant 1 : i32
        %parallel_loop3A_1821 = arith.constant 0 : i32
        %parallel_loop3A_1822 = arith.constant 0 : i32
        %parallel_loop3A_1823 = tpu.memref_slice %arg6[%parallel_loop3A_1819, %parallel_loop3A_1820, %parallel_loop3A_1821, %parallel_loop3A_1822] : memref<2x2x128x64xf32, #tpu.memory_space<vmem>> -> memref<1x1x128x64xf32, #tpu.memory_space<vmem>>
        %parallel_loop3A_1824 = tpu.memref_squeeze %parallel_loop3A_1823 : memref<1x1x128x64xf32, #tpu.memory_space<vmem>> -> memref<128x64xf32, #tpu.memory_space<vmem>>
        %parallel_loop3A_1825 = tpu.vector_load_idx %parallel_loop3A_1824[%add3A_26, %parallel_loop3A_1563] : memref<128x64xf32, #tpu.memory_space<vmem>>[vector<16xi32>, vector<16xi32>], vector<16xf32>,
        %parallel_loop3A_1826 = arith.constant 128 : i32
        %parallel_loop3A_1827 = arith.muli %parallel_loop3A_1562, %parallel_loop3A_1826 : i32
        %parallel_loop3A_1828 = arith.constant 112 : i32
        %parallel_loop3A_1829 = arith.addi %parallel_loop3A_1827, %parallel_loop3A_1828 : i32
        %parallel_loop3A_1830 = arith.constant 1 : i32
        %parallel_loop3A_1831 = arith.constant 1 : i32
        %parallel_loop3A_1832 = arith.index_cast %parallel_loop3A_1830 : i32 to index
        %parallel_loop3A_1833 = arith.index_cast %parallel_loop3A_1831 : i32 to index
        %parallel_loop3A_1834 = arith.index_cast %parallel_loop3A_1829 : i32 to index
        %parallel_loop3A_1835 = tpu.vector_load %arg7[%parallel_loop3A_1832, %parallel_loop3A_1833, %parallel_loop3A_1834] {strides = array<i32>} : memref<2x2x8192xf32, #tpu.memory_space<vmem>>, vector<16xf32>,
        tpu.vector_store %arg7[%parallel_loop3A_1832, %parallel_loop3A_1833, %parallel_loop3A_1834], %parallel_loop3A_1825 {strides = array<i32>} : memref<2x2x8192xf32, #tpu.memory_space<vmem>>, vector<16xf32>,
      } {sc.loop_unroll_factor = 4 : i64, sc.parallel_access}
      %mul3A_1194 = arith.constant 2 : i32
      %mul3A_1195 = arith.muli %add3A_1146, %mul3A_1194 : i32
      %add3A_1196 = arith.constant 0 : i32
      %add3A_1197 = arith.addi %mul3A_1195, %add3A_1196 : i32
      %dma_start3A_1198 = arith.constant 1 : i32
      %dma_start3A_1199 = arith.constant 0 : i32
      %dma_start3A_1200 = arith.constant 0 : i32
      %dma_start3A_1201 = arith.constant 0 : i32
      %dma_start3A_1202 = tpu.memref_slice %arg7[%dma_start3A_1198, %dma_start3A_1199, %dma_start3A_1201] : memref<2x2x8192xf32, #tpu.memory_space<vmem>> -> memref<1x1x8192xf32, #tpu.memory_space<vmem>>
      %dma_start3A_1203 = tpu.memref_squeeze %dma_start3A_1202 : memref<1x1x8192xf32, #tpu.memory_space<vmem>> -> memref<8192xf32, #tpu.memory_space<vmem>>
      %dma_start3A_1204 = arith.constant 0 : i32
      %dma_start3A_1205 = tpu.memref_slice %dma_start3A_1203[%dma_start3A_1204] : memref<8192xf32, #tpu.memory_space<vmem>> -> memref<1024xf32, #tpu.memory_space<vmem>>
      %dma_start3A_1206 = arith.constant 0 : i32
      %dma_start3A_1207 = tpu.memref_slice %arg4[%add3A_1197, %dma_start3A_1200, %add3A, %dma_start3A_1206] : memref<200x8x32x1024xf32, #tpu.memory_space<hbm>> -> memref<1x1x1x1024xf32, #tpu.memory_space<hbm>>
      %dma_start3A_1208 = tpu.memref_squeeze %dma_start3A_1207 : memref<1x1x1x1024xf32, #tpu.memory_space<hbm>> -> memref<1024xf32, #tpu.memory_space<hbm>>
      %dma_start3A_1209 = arith.constant 0 : i32
      %dma_start3A_1210 = tpu.memref_slice %arg4[%add3A_1197, %dma_start3A_1200, %add3A, %dma_start3A_1209] : memref<200x8x32x1024xf32, #tpu.memory_space<hbm>> -> memref<1x1x1x1024xf32, #tpu.memory_space<hbm>>
      %dma_start3A_1211 = tpu.memref_squeeze %dma_start3A_1210 : memref<1x1x1x1024xf32, #tpu.memory_space<hbm>> -> memref<1024xf32, #tpu.memory_space<hbm>>
      %dma_start3A_1212 = arith.constant 0 : i32
      %dma_start3A_1213 = tpu.memref_slice %arg7[%dma_start3A_1198, %dma_start3A_1199, %dma_start3A_1212] : memref<2x2x8192xf32, #tpu.memory_space<vmem>> -> memref<1x1x8192xf32, #tpu.memory_space<vmem>>
      %dma_start3A_1214 = tpu.memref_squeeze %dma_start3A_1213 : memref<1x1x8192xf32, #tpu.memory_space<vmem>> -> memref<8192xf32, #tpu.memory_space<vmem>>
      %dma_start3A_1215 = arith.constant 0 : i32
      %dma_start3A_1216 = tpu.memref_slice %dma_start3A_1214[%dma_start3A_1215] : memref<8192xf32, #tpu.memory_space<vmem>> -> memref<1024xf32, #tpu.memory_space<vmem>>
      tpu.enqueue_dma source(%dma_start3A_1216 : memref<1024xf32, #tpu.memory_space<vmem>>) target(%dma_start3A_1211 : memref<1024xf32, #tpu.memory_space<hbm>>) target_semaphore(%arg11 : memref<!tpu.dma_semaphore, #tpu.memory_space<semaphore_mem>>)
      %mul3A_1217 = arith.constant 2 : i32
      %mul3A_1218 = arith.muli %add3A_1146, %mul3A_1217 : i32
      %add3A_1219 = arith.constant 0 : i32
      %add3A_1220 = arith.addi %mul3A_1218, %add3A_1219 : i32
      %dma_start3A_1221 = arith.constant 1 : i32
      %dma_start3A_1222 = arith.constant 0 : i32
      %dma_start3A_1223 = arith.constant 1 : i32
      %dma_start3A_1224 = arith.constant 0 : i32
      %dma_start3A_1225 = tpu.memref_slice %arg7[%dma_start3A_1221, %dma_start3A_1222, %dma_start3A_1224] : memref<2x2x8192xf32, #tpu.memory_space<vmem>> -> memref<1x1x8192xf32, #tpu.memory_space<vmem>>
      %dma_start3A_1226 = tpu.memref_squeeze %dma_start3A_1225 : memref<1x1x8192xf32, #tpu.memory_space<vmem>> -> memref<8192xf32, #tpu.memory_space<vmem>>
      %dma_start3A_1227 = arith.constant 1024 : i32
      %dma_start3A_1228 = tpu.memref_slice %dma_start3A_1226[%dma_start3A_1227] : memref<8192xf32, #tpu.memory_space<vmem>> -> memref<1024xf32, #tpu.memory_space<vmem>>
      %dma_start3A_1229 = arith.constant 0 : i32
      %dma_start3A_1230 = tpu.memref_slice %arg4[%add3A_1220, %dma_start3A_1223, %add3A, %dma_start3A_1229] : memref<200x8x32x1024xf32, #tpu.memory_space<hbm>> -> memref<1x1x1x1024xf32, #tpu.memory_space<hbm>>
      %dma_start3A_1231 = tpu.memref_squeeze %dma_start3A_1230 : memref<1x1x1x1024xf32, #tpu.memory_space<hbm>> -> memref<1024xf32, #tpu.memory_space<hbm>>
      %dma_start3A_1232 = arith.constant 0 : i32
      %dma_start3A_1233 = tpu.memref_slice %arg4[%add3A_1220, %dma_start3A_1223, %add3A, %dma_start3A_1232] : memref<200x8x32x1024xf32, #tpu.memory_space<hbm>> -> memref<1x1x1x1024xf32, #tpu.memory_space<hbm>>
      %dma_start3A_1234 = tpu.memref_squeeze %dma_start3A_1233 : memref<1x1x1x1024xf32, #tpu.memory_space<hbm>> -> memref<1024xf32, #tpu.memory_space<hbm>>
      %dma_start3A_1235 = arith.constant 0 : i32
      %dma_start3A_1236 = tpu.memref_slice %arg7[%dma_start3A_1221, %dma_start3A_1222, %dma_start3A_1235] : memref<2x2x8192xf32, #tpu.memory_space<vmem>> -> memref<1x1x8192xf32, #tpu.memory_space<vmem>>
      %dma_start3A_1237 = tpu.memref_squeeze %dma_start3A_1236 : memref<1x1x8192xf32, #tpu.memory_space<vmem>> -> memref<8192xf32, #tpu.memory_space<vmem>>
      %dma_start3A_1238 = arith.constant 1024 : i32
      %dma_start3A_1239 = tpu.memref_slice %dma_start3A_1237[%dma_start3A_1238] : memref<8192xf32, #tpu.memory_space<vmem>> -> memref<1024xf32, #tpu.memory_space<vmem>>
      tpu.enqueue_dma source(%dma_start3A_1239 : memref<1024xf32, #tpu.memory_space<vmem>>) target(%dma_start3A_1234 : memref<1024xf32, #tpu.memory_space<hbm>>) target_semaphore(%arg11 : memref<!tpu.dma_semaphore, #tpu.memory_space<semaphore_mem>>)
      %mul3A_1240 = arith.constant 2 : i32
      %mul3A_1241 = arith.muli %add3A_1146, %mul3A_1240 : i32
      %add3A_1242 = arith.constant 0 : i32
      %add3A_1243 = arith.addi %mul3A_1241, %add3A_1242 : i32
      %dma_start3A_1244 = arith.constant 1 : i32
      %dma_start3A_1245 = arith.constant 0 : i32
      %dma_start3A_1246 = arith.constant 2 : i32
      %dma_start3A_1247 = arith.constant 0 : i32
      %dma_start3A_1248 = tpu.memref_slice %arg7[%dma_start3A_1244, %dma_start3A_1245, %dma_start3A_1247] : memref<2x2x8192xf32, #tpu.memory_space<vmem>> -> memref<1x1x8192xf32, #tpu.memory_space<vmem>>
      %dma_start3A_1249 = tpu.memref_squeeze %dma_start3A_1248 : memref<1x1x8192xf32, #tpu.memory_space<vmem>> -> memref<8192xf32, #tpu.memory_space<vmem>>
      %dma_start3A_1250 = arith.constant 2048 : i32
      %dma_start3A_1251 = tpu.memref_slice %dma_start3A_1249[%dma_start3A_1250] : memref<8192xf32, #tpu.memory_space<vmem>> -> memref<1024xf32, #tpu.memory_space<vmem>>
      %dma_start3A_1252 = arith.constant 0 : i32
      %dma_start3A_1253 = tpu.memref_slice %arg4[%add3A_1243, %dma_start3A_1246, %add3A, %dma_start3A_1252] : memref<200x8x32x1024xf32, #tpu.memory_space<hbm>> -> memref<1x1x1x1024xf32, #tpu.memory_space<hbm>>
      %dma_start3A_1254 = tpu.memref_squeeze %dma_start3A_1253 : memref<1x1x1x1024xf32, #tpu.memory_space<hbm>> -> memref<1024xf32, #tpu.memory_space<hbm>>
      %dma_start3A_1255 = arith.constant 0 : i32
      %dma_start3A_1256 = tpu.memref_slice %arg4[%add3A_1243, %dma_start3A_1246, %add3A, %dma_start3A_1255] : memref<200x8x32x1024xf32, #tpu.memory_space<hbm>> -> memref<1x1x1x1024xf32, #tpu.memory_space<hbm>>
      %dma_start3A_1257 = tpu.memref_squeeze %dma_start3A_1256 : memref<1x1x1x1024xf32, #tpu.memory_space<hbm>> -> memref<1024xf32, #tpu.memory_space<hbm>>
      %dma_start3A_1258 = arith.constant 0 : i32
      %dma_start3A_1259 = tpu.memref_slice %arg7[%dma_start3A_1244, %dma_start3A_1245, %dma_start3A_1258] : memref<2x2x8192xf32, #tpu.memory_space<vmem>> -> memref<1x1x8192xf32, #tpu.memory_space<vmem>>
      %dma_start3A_1260 = tpu.memref_squeeze %dma_start3A_1259 : memref<1x1x8192xf32, #tpu.memory_space<vmem>> -> memref<8192xf32, #tpu.memory_space<vmem>>
      %dma_start3A_1261 = arith.constant 2048 : i32
      %dma_start3A_1262 = tpu.memref_slice %dma_start3A_1260[%dma_start3A_1261] : memref<8192xf32, #tpu.memory_space<vmem>> -> memref<1024xf32, #tpu.memory_space<vmem>>
      tpu.enqueue_dma source(%dma_start3A_1262 : memref<1024xf32, #tpu.memory_space<vmem>>) target(%dma_start3A_1257 : memref<1024xf32, #tpu.memory_space<hbm>>) target_semaphore(%arg11 : memref<!tpu.dma_semaphore, #tpu.memory_space<semaphore_mem>>)
      %mul3A_1263 = arith.constant 2 : i32
      %mul3A_1264 = arith.muli %add3A_1146, %mul3A_1263 : i32
      %add3A_1265 = arith.constant 0 : i32
      %add3A_1266 = arith.addi %mul3A_1264, %add3A_1265 : i32
      %dma_start3A_1267 = arith.constant 1 : i32
      %dma_start3A_1268 = arith.constant 0 : i32
      %dma_start3A_1269 = arith.constant 3 : i32
      %dma_start3A_1270 = arith.constant 0 : i32
      %dma_start3A_1271 = tpu.memref_slice %arg7[%dma_start3A_1267, %dma_start3A_1268, %dma_start3A_1270] : memref<2x2x8192xf32, #tpu.memory_space<vmem>> -> memref<1x1x8192xf32, #tpu.memory_space<vmem>>
      %dma_start3A_1272 = tpu.memref_squeeze %dma_start3A_1271 : memref<1x1x8192xf32, #tpu.memory_space<vmem>> -> memref<8192xf32, #tpu.memory_space<vmem>>
      %dma_start3A_1273 = arith.constant 3072 : i32
      %dma_start3A_1274 = tpu.memref_slice %dma_start3A_1272[%dma_start3A_1273] : memref<8192xf32, #tpu.memory_space<vmem>> -> memref<1024xf32, #tpu.memory_space<vmem>>
      %dma_start3A_1275 = arith.constant 0 : i32
      %dma_start3A_1276 = tpu.memref_slice %arg4[%add3A_1266, %dma_start3A_1269, %add3A, %dma_start3A_1275] : memref<200x8x32x1024xf32, #tpu.memory_space<hbm>> -> memref<1x1x1x1024xf32, #tpu.memory_space<hbm>>
      %dma_start3A_1277 = tpu.memref_squeeze %dma_start3A_1276 : memref<1x1x1x1024xf32, #tpu.memory_space<hbm>> -> memref<1024xf32, #tpu.memory_space<hbm>>
      %dma_start3A_1278 = arith.constant 0 : i32
      %dma_start3A_1279 = tpu.memref_slice %arg4[%add3A_1266, %dma_start3A_1269, %add3A, %dma_start3A_1278] : memref<200x8x32x1024xf32, #tpu.memory_space<hbm>> -> memref<1x1x1x1024xf32, #tpu.memory_space<hbm>>
      %dma_start3A_1280 = tpu.memref_squeeze %dma_start3A_1279 : memref<1x1x1x1024xf32, #tpu.memory_space<hbm>> -> memref<1024xf32, #tpu.memory_space<hbm>>
      %dma_start3A_1281 = arith.constant 0 : i32
      %dma_start3A_1282 = tpu.memref_slice %arg7[%dma_start3A_1267, %dma_start3A_1268, %dma_start3A_1281] : memref<2x2x8192xf32, #tpu.memory_space<vmem>> -> memref<1x1x8192xf32, #tpu.memory_space<vmem>>
      %dma_start3A_1283 = tpu.memref_squeeze %dma_start3A_1282 : memref<1x1x8192xf32, #tpu.memory_space<vmem>> -> memref<8192xf32, #tpu.memory_space<vmem>>
      %dma_start3A_1284 = arith.constant 3072 : i32
      %dma_start3A_1285 = tpu.memref_slice %dma_start3A_1283[%dma_start3A_1284] : memref<8192xf32, #tpu.memory_space<vmem>> -> memref<1024xf32, #tpu.memory_space<vmem>>
      tpu.enqueue_dma source(%dma_start3A_1285 : memref<1024xf32, #tpu.memory_space<vmem>>) target(%dma_start3A_1280 : memref<1024xf32, #tpu.memory_space<hbm>>) target_semaphore(%arg11 : memref<!tpu.dma_semaphore, #tpu.memory_space<semaphore_mem>>)
      %mul3A_1286 = arith.constant 2 : i32
      %mul3A_1287 = arith.muli %add3A_1146, %mul3A_1286 : i32
      %add3A_1288 = arith.constant 0 : i32
      %add3A_1289 = arith.addi %mul3A_1287, %add3A_1288 : i32
      %dma_start3A_1290 = arith.constant 1 : i32
      %dma_start3A_1291 = arith.constant 0 : i32
      %dma_start3A_1292 = arith.constant 4 : i32
      %dma_start3A_1293 = arith.constant 0 : i32
      %dma_start3A_1294 = tpu.memref_slice %arg7[%dma_start3A_1290, %dma_start3A_1291, %dma_start3A_1293] : memref<2x2x8192xf32, #tpu.memory_space<vmem>> -> memref<1x1x8192xf32, #tpu.memory_space<vmem>>
      %dma_start3A_1295 = tpu.memref_squeeze %dma_start3A_1294 : memref<1x1x8192xf32, #tpu.memory_space<vmem>> -> memref<8192xf32, #tpu.memory_space<vmem>>
      %dma_start3A_1296 = arith.constant 4096 : i32
      %dma_start3A_1297 = tpu.memref_slice %dma_start3A_1295[%dma_start3A_1296] : memref<8192xf32, #tpu.memory_space<vmem>> -> memref<1024xf32, #tpu.memory_space<vmem>>
      %dma_start3A_1298 = arith.constant 0 : i32
      %dma_start3A_1299 = tpu.memref_slice %arg4[%add3A_1289, %dma_start3A_1292, %add3A, %dma_start3A_1298] : memref<200x8x32x1024xf32, #tpu.memory_space<hbm>> -> memref<1x1x1x1024xf32, #tpu.memory_space<hbm>>
      %dma_start3A_1300 = tpu.memref_squeeze %dma_start3A_1299 : memref<1x1x1x1024xf32, #tpu.memory_space<hbm>> -> memref<1024xf32, #tpu.memory_space<hbm>>
      %dma_start3A_1301 = arith.constant 0 : i32
      %dma_start3A_1302 = tpu.memref_slice %arg4[%add3A_1289, %dma_start3A_1292, %add3A, %dma_start3A_1301] : memref<200x8x32x1024xf32, #tpu.memory_space<hbm>> -> memref<1x1x1x1024xf32, #tpu.memory_space<hbm>>
      %dma_start3A_1303 = tpu.memref_squeeze %dma_start3A_1302 : memref<1x1x1x1024xf32, #tpu.memory_space<hbm>> -> memref<1024xf32, #tpu.memory_space<hbm>>
      %dma_start3A_1304 = arith.constant 0 : i32
      %dma_start3A_1305 = tpu.memref_slice %arg7[%dma_start3A_1290, %dma_start3A_1291, %dma_start3A_1304] : memref<2x2x8192xf32, #tpu.memory_space<vmem>> -> memref<1x1x8192xf32, #tpu.memory_space<vmem>>
      %dma_start3A_1306 = tpu.memref_squeeze %dma_start3A_1305 : memref<1x1x8192xf32, #tpu.memory_space<vmem>> -> memref<8192xf32, #tpu.memory_space<vmem>>
      %dma_start3A_1307 = arith.constant 4096 : i32
      %dma_start3A_1308 = tpu.memref_slice %dma_start3A_1306[%dma_start3A_1307] : memref<8192xf32, #tpu.memory_space<vmem>> -> memref<1024xf32, #tpu.memory_space<vmem>>
      tpu.enqueue_dma source(%dma_start3A_1308 : memref<1024xf32, #tpu.memory_space<vmem>>) target(%dma_start3A_1303 : memref<1024xf32, #tpu.memory_space<hbm>>) target_semaphore(%arg11 : memref<!tpu.dma_semaphore, #tpu.memory_space<semaphore_mem>>)
      %mul3A_1309 = arith.constant 2 : i32
      %mul3A_1310 = arith.muli %add3A_1146, %mul3A_1309 : i32
      %add3A_1311 = arith.constant 0 : i32
      %add3A_1312 = arith.addi %mul3A_1310, %add3A_1311 : i32
      %dma_start3A_1313 = arith.constant 1 : i32
      %dma_start3A_1314 = arith.constant 0 : i32
      %dma_start3A_1315 = arith.constant 5 : i32
      %dma_start3A_1316 = arith.constant 0 : i32
      %dma_start3A_1317 = tpu.memref_slice %arg7[%dma_start3A_1313, %dma_start3A_1314, %dma_start3A_1316] : memref<2x2x8192xf32, #tpu.memory_space<vmem>> -> memref<1x1x8192xf32, #tpu.memory_space<vmem>>
      %dma_start3A_1318 = tpu.memref_squeeze %dma_start3A_1317 : memref<1x1x8192xf32, #tpu.memory_space<vmem>> -> memref<8192xf32, #tpu.memory_space<vmem>>
      %dma_start3A_1319 = arith.constant 5120 : i32
      %dma_start3A_1320 = tpu.memref_slice %dma_start3A_1318[%dma_start3A_1319] : memref<8192xf32, #tpu.memory_space<vmem>> -> memref<1024xf32, #tpu.memory_space<vmem>>
      %dma_start3A_1321 = arith.constant 0 : i32
      %dma_start3A_1322 = tpu.memref_slice %arg4[%add3A_1312, %dma_start3A_1315, %add3A, %dma_start3A_1321] : memref<200x8x32x1024xf32, #tpu.memory_space<hbm>> -> memref<1x1x1x1024xf32, #tpu.memory_space<hbm>>
      %dma_start3A_1323 = tpu.memref_squeeze %dma_start3A_1322 : memref<1x1x1x1024xf32, #tpu.memory_space<hbm>> -> memref<1024xf32, #tpu.memory_space<hbm>>
      %dma_start3A_1324 = arith.constant 0 : i32
      %dma_start3A_1325 = tpu.memref_slice %arg4[%add3A_1312, %dma_start3A_1315, %add3A, %dma_start3A_1324] : memref<200x8x32x1024xf32, #tpu.memory_space<hbm>> -> memref<1x1x1x1024xf32, #tpu.memory_space<hbm>>
      %dma_start3A_1326 = tpu.memref_squeeze %dma_start3A_1325 : memref<1x1x1x1024xf32, #tpu.memory_space<hbm>> -> memref<1024xf32, #tpu.memory_space<hbm>>
      %dma_start3A_1327 = arith.constant 0 : i32
      %dma_start3A_1328 = tpu.memref_slice %arg7[%dma_start3A_1313, %dma_start3A_1314, %dma_start3A_1327] : memref<2x2x8192xf32, #tpu.memory_space<vmem>> -> memref<1x1x8192xf32, #tpu.memory_space<vmem>>
      %dma_start3A_1329 = tpu.memref_squeeze %dma_start3A_1328 : memref<1x1x8192xf32, #tpu.memory_space<vmem>> -> memref<8192xf32, #tpu.memory_space<vmem>>
      %dma_start3A_1330 = arith.constant 5120 : i32
      %dma_start3A_1331 = tpu.memref_slice %dma_start3A_1329[%dma_start3A_1330] : memref<8192xf32, #tpu.memory_space<vmem>> -> memref<1024xf32, #tpu.memory_space<vmem>>
      tpu.enqueue_dma source(%dma_start3A_1331 : memref<1024xf32, #tpu.memory_space<vmem>>) target(%dma_start3A_1326 : memref<1024xf32, #tpu.memory_space<hbm>>) target_semaphore(%arg11 : memref<!tpu.dma_semaphore, #tpu.memory_space<semaphore_mem>>)
      %mul3A_1332 = arith.constant 2 : i32
      %mul3A_1333 = arith.muli %add3A_1146, %mul3A_1332 : i32
      %add3A_1334 = arith.constant 0 : i32
      %add3A_1335 = arith.addi %mul3A_1333, %add3A_1334 : i32
      %dma_start3A_1336 = arith.constant 1 : i32
      %dma_start3A_1337 = arith.constant 0 : i32
      %dma_start3A_1338 = arith.constant 6 : i32
      %dma_start3A_1339 = arith.constant 0 : i32
      %dma_start3A_1340 = tpu.memref_slice %arg7[%dma_start3A_1336, %dma_start3A_1337, %dma_start3A_1339] : memref<2x2x8192xf32, #tpu.memory_space<vmem>> -> memref<1x1x8192xf32, #tpu.memory_space<vmem>>
      %dma_start3A_1341 = tpu.memref_squeeze %dma_start3A_1340 : memref<1x1x8192xf32, #tpu.memory_space<vmem>> -> memref<8192xf32, #tpu.memory_space<vmem>>
      %dma_start3A_1342 = arith.constant 6144 : i32
      %dma_start3A_1343 = tpu.memref_slice %dma_start3A_1341[%dma_start3A_1342] : memref<8192xf32, #tpu.memory_space<vmem>> -> memref<1024xf32, #tpu.memory_space<vmem>>
      %dma_start3A_1344 = arith.constant 0 : i32
      %dma_start3A_1345 = tpu.memref_slice %arg4[%add3A_1335, %dma_start3A_1338, %add3A, %dma_start3A_1344] : memref<200x8x32x1024xf32, #tpu.memory_space<hbm>> -> memref<1x1x1x1024xf32, #tpu.memory_space<hbm>>
      %dma_start3A_1346 = tpu.memref_squeeze %dma_start3A_1345 : memref<1x1x1x1024xf32, #tpu.memory_space<hbm>> -> memref<1024xf32, #tpu.memory_space<hbm>>
      %dma_start3A_1347 = arith.constant 0 : i32
      %dma_start3A_1348 = tpu.memref_slice %arg4[%add3A_1335, %dma_start3A_1338, %add3A, %dma_start3A_1347] : memref<200x8x32x1024xf32, #tpu.memory_space<hbm>> -> memref<1x1x1x1024xf32, #tpu.memory_space<hbm>>
      %dma_start3A_1349 = tpu.memref_squeeze %dma_start3A_1348 : memref<1x1x1x1024xf32, #tpu.memory_space<hbm>> -> memref<1024xf32, #tpu.memory_space<hbm>>
      %dma_start3A_1350 = arith.constant 0 : i32
      %dma_start3A_1351 = tpu.memref_slice %arg7[%dma_start3A_1336, %dma_start3A_1337, %dma_start3A_1350] : memref<2x2x8192xf32, #tpu.memory_space<vmem>> -> memref<1x1x8192xf32, #tpu.memory_space<vmem>>
      %dma_start3A_1352 = tpu.memref_squeeze %dma_start3A_1351 : memref<1x1x8192xf32, #tpu.memory_space<vmem>> -> memref<8192xf32, #tpu.memory_space<vmem>>
      %dma_start3A_1353 = arith.constant 6144 : i32
      %dma_start3A_1354 = tpu.memref_slice %dma_start3A_1352[%dma_start3A_1353] : memref<8192xf32, #tpu.memory_space<vmem>> -> memref<1024xf32, #tpu.memory_space<vmem>>
      tpu.enqueue_dma source(%dma_start3A_1354 : memref<1024xf32, #tpu.memory_space<vmem>>) target(%dma_start3A_1349 : memref<1024xf32, #tpu.memory_space<hbm>>) target_semaphore(%arg11 : memref<!tpu.dma_semaphore, #tpu.memory_space<semaphore_mem>>)
      %mul3A_1355 = arith.constant 2 : i32
      %mul3A_1356 = arith.muli %add3A_1146, %mul3A_1355 : i32
      %add3A_1357 = arith.constant 0 : i32
      %add3A_1358 = arith.addi %mul3A_1356, %add3A_1357 : i32
      %dma_start3A_1359 = arith.constant 1 : i32
      %dma_start3A_1360 = arith.constant 0 : i32
      %dma_start3A_1361 = arith.constant 7 : i32
      %dma_start3A_1362 = arith.constant 0 : i32
      %dma_start3A_1363 = tpu.memref_slice %arg7[%dma_start3A_1359, %dma_start3A_1360, %dma_start3A_1362] : memref<2x2x8192xf32, #tpu.memory_space<vmem>> -> memref<1x1x8192xf32, #tpu.memory_space<vmem>>
      %dma_start3A_1364 = tpu.memref_squeeze %dma_start3A_1363 : memref<1x1x8192xf32, #tpu.memory_space<vmem>> -> memref<8192xf32, #tpu.memory_space<vmem>>
      %dma_start3A_1365 = arith.constant 7168 : i32
      %dma_start3A_1366 = tpu.memref_slice %dma_start3A_1364[%dma_start3A_1365] : memref<8192xf32, #tpu.memory_space<vmem>> -> memref<1024xf32, #tpu.memory_space<vmem>>
      %dma_start3A_1367 = arith.constant 0 : i32
      %dma_start3A_1368 = tpu.memref_slice %arg4[%add3A_1358, %dma_start3A_1361, %add3A, %dma_start3A_1367] : memref<200x8x32x1024xf32, #tpu.memory_space<hbm>> -> memref<1x1x1x1024xf32, #tpu.memory_space<hbm>>
      %dma_start3A_1369 = tpu.memref_squeeze %dma_start3A_1368 : memref<1x1x1x1024xf32, #tpu.memory_space<hbm>> -> memref<1024xf32, #tpu.memory_space<hbm>>
      %dma_start3A_1370 = arith.constant 0 : i32
      %dma_start3A_1371 = tpu.memref_slice %arg4[%add3A_1358, %dma_start3A_1361, %add3A, %dma_start3A_1370] : memref<200x8x32x1024xf32, #tpu.memory_space<hbm>> -> memref<1x1x1x1024xf32, #tpu.memory_space<hbm>>
      %dma_start3A_1372 = tpu.memref_squeeze %dma_start3A_1371 : memref<1x1x1x1024xf32, #tpu.memory_space<hbm>> -> memref<1024xf32, #tpu.memory_space<hbm>>
      %dma_start3A_1373 = arith.constant 0 : i32
      %dma_start3A_1374 = tpu.memref_slice %arg7[%dma_start3A_1359, %dma_start3A_1360, %dma_start3A_1373] : memref<2x2x8192xf32, #tpu.memory_space<vmem>> -> memref<1x1x8192xf32, #tpu.memory_space<vmem>>
      %dma_start3A_1375 = tpu.memref_squeeze %dma_start3A_1374 : memref<1x1x8192xf32, #tpu.memory_space<vmem>> -> memref<8192xf32, #tpu.memory_space<vmem>>
      %dma_start3A_1376 = arith.constant 7168 : i32
      %dma_start3A_1377 = tpu.memref_slice %dma_start3A_1375[%dma_start3A_1376] : memref<8192xf32, #tpu.memory_space<vmem>> -> memref<1024xf32, #tpu.memory_space<vmem>>
      tpu.enqueue_dma source(%dma_start3A_1377 : memref<1024xf32, #tpu.memory_space<vmem>>) target(%dma_start3A_1372 : memref<1024xf32, #tpu.memory_space<hbm>>) target_semaphore(%arg11 : memref<!tpu.dma_semaphore, #tpu.memory_space<semaphore_mem>>)
      %mul3A_1378 = arith.constant 2 : i32
      %mul3A_1379 = arith.muli %add3A_1146, %mul3A_1378 : i32
      %add3A_1380 = arith.constant 1 : i32
      %add3A_1381 = arith.addi %mul3A_1379, %add3A_1380 : i32
      %dma_start3A_1382 = arith.constant 1 : i32
      %dma_start3A_1383 = arith.constant 1 : i32
      %dma_start3A_1384 = arith.constant 0 : i32
      %dma_start3A_1385 = arith.constant 0 : i32
      %dma_start3A_1386 = tpu.memref_slice %arg7[%dma_start3A_1382, %dma_start3A_1383, %dma_start3A_1385] : memref<2x2x8192xf32, #tpu.memory_space<vmem>> -> memref<1x1x8192xf32, #tpu.memory_space<vmem>>
      %dma_start3A_1387 = tpu.memref_squeeze %dma_start3A_1386 : memref<1x1x8192xf32, #tpu.memory_space<vmem>> -> memref<8192xf32, #tpu.memory_space<vmem>>
      %dma_start3A_1388 = arith.constant 0 : i32
      %dma_start3A_1389 = tpu.memref_slice %dma_start3A_1387[%dma_start3A_1388] : memref<8192xf32, #tpu.memory_space<vmem>> -> memref<1024xf32, #tpu.memory_space<vmem>>
      %dma_start3A_1390 = arith.constant 0 : i32
      %dma_start3A_1391 = tpu.memref_slice %arg4[%add3A_1381, %dma_start3A_1384, %add3A, %dma_start3A_1390] : memref<200x8x32x1024xf32, #tpu.memory_space<hbm>> -> memref<1x1x1x1024xf32, #tpu.memory_space<hbm>>
      %dma_start3A_1392 = tpu.memref_squeeze %dma_start3A_1391 : memref<1x1x1x1024xf32, #tpu.memory_space<hbm>> -> memref<1024xf32, #tpu.memory_space<hbm>>
      %dma_start3A_1393 = arith.constant 0 : i32
      %dma_start3A_1394 = tpu.memref_slice %arg4[%add3A_1381, %dma_start3A_1384, %add3A, %dma_start3A_1393] : memref<200x8x32x1024xf32, #tpu.memory_space<hbm>> -> memref<1x1x1x1024xf32, #tpu.memory_space<hbm>>
      %dma_start3A_1395 = tpu.memref_squeeze %dma_start3A_1394 : memref<1x1x1x1024xf32, #tpu.memory_space<hbm>> -> memref<1024xf32, #tpu.memory_space<hbm>>
      %dma_start3A_1396 = arith.constant 0 : i32
      %dma_start3A_1397 = tpu.memref_slice %arg7[%dma_start3A_1382, %dma_start3A_1383, %dma_start3A_1396] : memref<2x2x8192xf32, #tpu.memory_space<vmem>> -> memref<1x1x8192xf32, #tpu.memory_space<vmem>>
      %dma_start3A_1398 = tpu.memref_squeeze %dma_start3A_1397 : memref<1x1x8192xf32, #tpu.memory_space<vmem>> -> memref<8192xf32, #tpu.memory_space<vmem>>
      %dma_start3A_1399 = arith.constant 0 : i32
      %dma_start3A_1400 = tpu.memref_slice %dma_start3A_1398[%dma_start3A_1399] : memref<8192xf32, #tpu.memory_space<vmem>> -> memref<1024xf32, #tpu.memory_space<vmem>>
      tpu.enqueue_dma source(%dma_start3A_1400 : memref<1024xf32, #tpu.memory_space<vmem>>) target(%dma_start3A_1395 : memref<1024xf32, #tpu.memory_space<hbm>>) target_semaphore(%arg11 : memref<!tpu.dma_semaphore, #tpu.memory_space<semaphore_mem>>)
      %mul3A_1401 = arith.constant 2 : i32
      %mul3A_1402 = arith.muli %add3A_1146, %mul3A_1401 : i32
      %add3A_1403 = arith.constant 1 : i32
      %add3A_1404 = arith.addi %mul3A_1402, %add3A_1403 : i32
      %dma_start3A_1405 = arith.constant 1 : i32
      %dma_start3A_1406 = arith.constant 1 : i32
      %dma_start3A_1407 = arith.constant 1 : i32
      %dma_start3A_1408 = arith.constant 0 : i32
      %dma_start3A_1409 = tpu.memref_slice %arg7[%dma_start3A_1405, %dma_start3A_1406, %dma_start3A_1408] : memref<2x2x8192xf32, #tpu.memory_space<vmem>> -> memref<1x1x8192xf32, #tpu.memory_space<vmem>>
      %dma_start3A_1410 = tpu.memref_squeeze %dma_start3A_1409 : memref<1x1x8192xf32, #tpu.memory_space<vmem>> -> memref<8192xf32, #tpu.memory_space<vmem>>
      %dma_start3A_1411 = arith.constant 1024 : i32
      %dma_start3A_1412 = tpu.memref_slice %dma_start3A_1410[%dma_start3A_1411] : memref<8192xf32, #tpu.memory_space<vmem>> -> memref<1024xf32, #tpu.memory_space<vmem>>
      %dma_start3A_1413 = arith.constant 0 : i32
      %dma_start3A_1414 = tpu.memref_slice %arg4[%add3A_1404, %dma_start3A_1407, %add3A, %dma_start3A_1413] : memref<200x8x32x1024xf32, #tpu.memory_space<hbm>> -> memref<1x1x1x1024xf32, #tpu.memory_space<hbm>>
      %dma_start3A_1415 = tpu.memref_squeeze %dma_start3A_1414 : memref<1x1x1x1024xf32, #tpu.memory_space<hbm>> -> memref<1024xf32, #tpu.memory_space<hbm>>
      %dma_start3A_1416 = arith.constant 0 : i32
      %dma_start3A_1417 = tpu.memref_slice %arg4[%add3A_1404, %dma_start3A_1407, %add3A, %dma_start3A_1416] : memref<200x8x32x1024xf32, #tpu.memory_space<hbm>> -> memref<1x1x1x1024xf32, #tpu.memory_space<hbm>>
      %dma_start3A_1418 = tpu.memref_squeeze %dma_start3A_1417 : memref<1x1x1x1024xf32, #tpu.memory_space<hbm>> -> memref<1024xf32, #tpu.memory_space<hbm>>
      %dma_start3A_1419 = arith.constant 0 : i32
      %dma_start3A_1420 = tpu.memref_slice %arg7[%dma_start3A_1405, %dma_start3A_1406, %dma_start3A_1419] : memref<2x2x8192xf32, #tpu.memory_space<vmem>> -> memref<1x1x8192xf32, #tpu.memory_space<vmem>>
      %dma_start3A_1421 = tpu.memref_squeeze %dma_start3A_1420 : memref<1x1x8192xf32, #tpu.memory_space<vmem>> -> memref<8192xf32, #tpu.memory_space<vmem>>
      %dma_start3A_1422 = arith.constant 1024 : i32
      %dma_start3A_1423 = tpu.memref_slice %dma_start3A_1421[%dma_start3A_1422] : memref<8192xf32, #tpu.memory_space<vmem>> -> memref<1024xf32, #tpu.memory_space<vmem>>
      tpu.enqueue_dma source(%dma_start3A_1423 : memref<1024xf32, #tpu.memory_space<vmem>>) target(%dma_start3A_1418 : memref<1024xf32, #tpu.memory_space<hbm>>) target_semaphore(%arg11 : memref<!tpu.dma_semaphore, #tpu.memory_space<semaphore_mem>>)
      %mul3A_1424 = arith.constant 2 : i32
      %mul3A_1425 = arith.muli %add3A_1146, %mul3A_1424 : i32
      %add3A_1426 = arith.constant 1 : i32
      %add3A_1427 = arith.addi %mul3A_1425, %add3A_1426 : i32
      %dma_start3A_1428 = arith.constant 1 : i32
      %dma_start3A_1429 = arith.constant 1 : i32
      %dma_start3A_1430 = arith.constant 2 : i32
      %dma_start3A_1431 = arith.constant 0 : i32
      %dma_start3A_1432 = tpu.memref_slice %arg7[%dma_start3A_1428, %dma_start3A_1429, %dma_start3A_1431] : memref<2x2x8192xf32, #tpu.memory_space<vmem>> -> memref<1x1x8192xf32, #tpu.memory_space<vmem>>
      %dma_start3A_1433 = tpu.memref_squeeze %dma_start3A_1432 : memref<1x1x8192xf32, #tpu.memory_space<vmem>> -> memref<8192xf32, #tpu.memory_space<vmem>>
      %dma_start3A_1434 = arith.constant 2048 : i32
      %dma_start3A_1435 = tpu.memref_slice %dma_start3A_1433[%dma_start3A_1434] : memref<8192xf32, #tpu.memory_space<vmem>> -> memref<1024xf32, #tpu.memory_space<vmem>>
      %dma_start3A_1436 = arith.constant 0 : i32
      %dma_start3A_1437 = tpu.memref_slice %arg4[%add3A_1427, %dma_start3A_1430, %add3A, %dma_start3A_1436] : memref<200x8x32x1024xf32, #tpu.memory_space<hbm>> -> memref<1x1x1x1024xf32, #tpu.memory_space<hbm>>
      %dma_start3A_1438 = tpu.memref_squeeze %dma_start3A_1437 : memref<1x1x1x1024xf32, #tpu.memory_space<hbm>> -> memref<1024xf32, #tpu.memory_space<hbm>>
      %dma_start3A_1439 = arith.constant 0 : i32
      %dma_start3A_1440 = tpu.memref_slice %arg4[%add3A_1427, %dma_start3A_1430, %add3A, %dma_start3A_1439] : memref<200x8x32x1024xf32, #tpu.memory_space<hbm>> -> memref<1x1x1x1024xf32, #tpu.memory_space<hbm>>
      %dma_start3A_1441 = tpu.memref_squeeze %dma_start3A_1440 : memref<1x1x1x1024xf32, #tpu.memory_space<hbm>> -> memref<1024xf32, #tpu.memory_space<hbm>>
      %dma_start3A_1442 = arith.constant 0 : i32
      %dma_start3A_1443 = tpu.memref_slice %arg7[%dma_start3A_1428, %dma_start3A_1429, %dma_start3A_1442] : memref<2x2x8192xf32, #tpu.memory_space<vmem>> -> memref<1x1x8192xf32, #tpu.memory_space<vmem>>
      %dma_start3A_1444 = tpu.memref_squeeze %dma_start3A_1443 : memref<1x1x8192xf32, #tpu.memory_space<vmem>> -> memref<8192xf32, #tpu.memory_space<vmem>>
      %dma_start3A_1445 = arith.constant 2048 : i32
      %dma_start3A_1446 = tpu.memref_slice %dma_start3A_1444[%dma_start3A_1445] : memref<8192xf32, #tpu.memory_space<vmem>> -> memref<1024xf32, #tpu.memory_space<vmem>>
      tpu.enqueue_dma source(%dma_start3A_1446 : memref<1024xf32, #tpu.memory_space<vmem>>) target(%dma_start3A_1441 : memref<1024xf32, #tpu.memory_space<hbm>>) target_semaphore(%arg11 : memref<!tpu.dma_semaphore, #tpu.memory_space<semaphore_mem>>)
      %mul3A_1447 = arith.constant 2 : i32
      %mul3A_1448 = arith.muli %add3A_1146, %mul3A_1447 : i32
      %add3A_1449 = arith.constant 1 : i32
      %add3A_1450 = arith.addi %mul3A_1448, %add3A_1449 : i32
      %dma_start3A_1451 = arith.constant 1 : i32
      %dma_start3A_1452 = arith.constant 1 : i32
      %dma_start3A_1453 = arith.constant 3 : i32
      %dma_start3A_1454 = arith.constant 0 : i32
      %dma_start3A_1455 = tpu.memref_slice %arg7[%dma_start3A_1451, %dma_start3A_1452, %dma_start3A_1454] : memref<2x2x8192xf32, #tpu.memory_space<vmem>> -> memref<1x1x8192xf32, #tpu.memory_space<vmem>>
      %dma_start3A_1456 = tpu.memref_squeeze %dma_start3A_1455 : memref<1x1x8192xf32, #tpu.memory_space<vmem>> -> memref<8192xf32, #tpu.memory_space<vmem>>
      %dma_start3A_1457 = arith.constant 3072 : i32
      %dma_start3A_1458 = tpu.memref_slice %dma_start3A_1456[%dma_start3A_1457] : memref<8192xf32, #tpu.memory_space<vmem>> -> memref<1024xf32, #tpu.memory_space<vmem>>
      %dma_start3A_1459 = arith.constant 0 : i32
      %dma_start3A_1460 = tpu.memref_slice %arg4[%add3A_1450, %dma_start3A_1453, %add3A, %dma_start3A_1459] : memref<200x8x32x1024xf32, #tpu.memory_space<hbm>> -> memref<1x1x1x1024xf32, #tpu.memory_space<hbm>>
      %dma_start3A_1461 = tpu.memref_squeeze %dma_start3A_1460 : memref<1x1x1x1024xf32, #tpu.memory_space<hbm>> -> memref<1024xf32, #tpu.memory_space<hbm>>
      %dma_start3A_1462 = arith.constant 0 : i32
      %dma_start3A_1463 = tpu.memref_slice %arg4[%add3A_1450, %dma_start3A_1453, %add3A, %dma_start3A_1462] : memref<200x8x32x1024xf32, #tpu.memory_space<hbm>> -> memref<1x1x1x1024xf32, #tpu.memory_space<hbm>>
      %dma_start3A_1464 = tpu.memref_squeeze %dma_start3A_1463 : memref<1x1x1x1024xf32, #tpu.memory_space<hbm>> -> memref<1024xf32, #tpu.memory_space<hbm>>
      %dma_start3A_1465 = arith.constant 0 : i32
      %dma_start3A_1466 = tpu.memref_slice %arg7[%dma_start3A_1451, %dma_start3A_1452, %dma_start3A_1465] : memref<2x2x8192xf32, #tpu.memory_space<vmem>> -> memref<1x1x8192xf32, #tpu.memory_space<vmem>>
      %dma_start3A_1467 = tpu.memref_squeeze %dma_start3A_1466 : memref<1x1x8192xf32, #tpu.memory_space<vmem>> -> memref<8192xf32, #tpu.memory_space<vmem>>
      %dma_start3A_1468 = arith.constant 3072 : i32
      %dma_start3A_1469 = tpu.memref_slice %dma_start3A_1467[%dma_start3A_1468] : memref<8192xf32, #tpu.memory_space<vmem>> -> memref<1024xf32, #tpu.memory_space<vmem>>
      tpu.enqueue_dma source(%dma_start3A_1469 : memref<1024xf32, #tpu.memory_space<vmem>>) target(%dma_start3A_1464 : memref<1024xf32, #tpu.memory_space<hbm>>) target_semaphore(%arg11 : memref<!tpu.dma_semaphore, #tpu.memory_space<semaphore_mem>>)
      %mul3A_1470 = arith.constant 2 : i32
      %mul3A_1471 = arith.muli %add3A_1146, %mul3A_1470 : i32
      %add3A_1472 = arith.constant 1 : i32
      %add3A_1473 = arith.addi %mul3A_1471, %add3A_1472 : i32
      %dma_start3A_1474 = arith.constant 1 : i32
      %dma_start3A_1475 = arith.constant 1 : i32
      %dma_start3A_1476 = arith.constant 4 : i32
      %dma_start3A_1477 = arith.constant 0 : i32
      %dma_start3A_1478 = tpu.memref_slice %arg7[%dma_start3A_1474, %dma_start3A_1475, %dma_start3A_1477] : memref<2x2x8192xf32, #tpu.memory_space<vmem>> -> memref<1x1x8192xf32, #tpu.memory_space<vmem>>
      %dma_start3A_1479 = tpu.memref_squeeze %dma_start3A_1478 : memref<1x1x8192xf32, #tpu.memory_space<vmem>> -> memref<8192xf32, #tpu.memory_space<vmem>>
      %dma_start3A_1480 = arith.constant 4096 : i32
      %dma_start3A_1481 = tpu.memref_slice %dma_start3A_1479[%dma_start3A_1480] : memref<8192xf32, #tpu.memory_space<vmem>> -> memref<1024xf32, #tpu.memory_space<vmem>>
      %dma_start3A_1482 = arith.constant 0 : i32
      %dma_start3A_1483 = tpu.memref_slice %arg4[%add3A_1473, %dma_start3A_1476, %add3A, %dma_start3A_1482] : memref<200x8x32x1024xf32, #tpu.memory_space<hbm>> -> memref<1x1x1x1024xf32, #tpu.memory_space<hbm>>
      %dma_start3A_1484 = tpu.memref_squeeze %dma_start3A_1483 : memref<1x1x1x1024xf32, #tpu.memory_space<hbm>> -> memref<1024xf32, #tpu.memory_space<hbm>>
      %dma_start3A_1485 = arith.constant 0 : i32
      %dma_start3A_1486 = tpu.memref_slice %arg4[%add3A_1473, %dma_start3A_1476, %add3A, %dma_start3A_1485] : memref<200x8x32x1024xf32, #tpu.memory_space<hbm>> -> memref<1x1x1x1024xf32, #tpu.memory_space<hbm>>
      %dma_start3A_1487 = tpu.memref_squeeze %dma_start3A_1486 : memref<1x1x1x1024xf32, #tpu.memory_space<hbm>> -> memref<1024xf32, #tpu.memory_space<hbm>>
      %dma_start3A_1488 = arith.constant 0 : i32
      %dma_start3A_1489 = tpu.memref_slice %arg7[%dma_start3A_1474, %dma_start3A_1475, %dma_start3A_1488] : memref<2x2x8192xf32, #tpu.memory_space<vmem>> -> memref<1x1x8192xf32, #tpu.memory_space<vmem>>
      %dma_start3A_1490 = tpu.memref_squeeze %dma_start3A_1489 : memref<1x1x8192xf32, #tpu.memory_space<vmem>> -> memref<8192xf32, #tpu.memory_space<vmem>>
      %dma_start3A_1491 = arith.constant 4096 : i32
      %dma_start3A_1492 = tpu.memref_slice %dma_start3A_1490[%dma_start3A_1491] : memref<8192xf32, #tpu.memory_space<vmem>> -> memref<1024xf32, #tpu.memory_space<vmem>>
      tpu.enqueue_dma source(%dma_start3A_1492 : memref<1024xf32, #tpu.memory_space<vmem>>) target(%dma_start3A_1487 : memref<1024xf32, #tpu.memory_space<hbm>>) target_semaphore(%arg11 : memref<!tpu.dma_semaphore, #tpu.memory_space<semaphore_mem>>)
      %mul3A_1493 = arith.constant 2 : i32
      %mul3A_1494 = arith.muli %add3A_1146, %mul3A_1493 : i32
      %add3A_1495 = arith.constant 1 : i32
      %add3A_1496 = arith.addi %mul3A_1494, %add3A_1495 : i32
      %dma_start3A_1497 = arith.constant 1 : i32
      %dma_start3A_1498 = arith.constant 1 : i32
      %dma_start3A_1499 = arith.constant 5 : i32
      %dma_start3A_1500 = arith.constant 0 : i32
      %dma_start3A_1501 = tpu.memref_slice %arg7[%dma_start3A_1497, %dma_start3A_1498, %dma_start3A_1500] : memref<2x2x8192xf32, #tpu.memory_space<vmem>> -> memref<1x1x8192xf32, #tpu.memory_space<vmem>>
      %dma_start3A_1502 = tpu.memref_squeeze %dma_start3A_1501 : memref<1x1x8192xf32, #tpu.memory_space<vmem>> -> memref<8192xf32, #tpu.memory_space<vmem>>
      %dma_start3A_1503 = arith.constant 5120 : i32
      %dma_start3A_1504 = tpu.memref_slice %dma_start3A_1502[%dma_start3A_1503] : memref<8192xf32, #tpu.memory_space<vmem>> -> memref<1024xf32, #tpu.memory_space<vmem>>
      %dma_start3A_1505 = arith.constant 0 : i32
      %dma_start3A_1506 = tpu.memref_slice %arg4[%add3A_1496, %dma_start3A_1499, %add3A, %dma_start3A_1505] : memref<200x8x32x1024xf32, #tpu.memory_space<hbm>> -> memref<1x1x1x1024xf32, #tpu.memory_space<hbm>>
      %dma_start3A_1507 = tpu.memref_squeeze %dma_start3A_1506 : memref<1x1x1x1024xf32, #tpu.memory_space<hbm>> -> memref<1024xf32, #tpu.memory_space<hbm>>
      %dma_start3A_1508 = arith.constant 0 : i32
      %dma_start3A_1509 = tpu.memref_slice %arg4[%add3A_1496, %dma_start3A_1499, %add3A, %dma_start3A_1508] : memref<200x8x32x1024xf32, #tpu.memory_space<hbm>> -> memref<1x1x1x1024xf32, #tpu.memory_space<hbm>>
      %dma_start3A_1510 = tpu.memref_squeeze %dma_start3A_1509 : memref<1x1x1x1024xf32, #tpu.memory_space<hbm>> -> memref<1024xf32, #tpu.memory_space<hbm>>
      %dma_start3A_1511 = arith.constant 0 : i32
      %dma_start3A_1512 = tpu.memref_slice %arg7[%dma_start3A_1497, %dma_start3A_1498, %dma_start3A_1511] : memref<2x2x8192xf32, #tpu.memory_space<vmem>> -> memref<1x1x8192xf32, #tpu.memory_space<vmem>>
      %dma_start3A_1513 = tpu.memref_squeeze %dma_start3A_1512 : memref<1x1x8192xf32, #tpu.memory_space<vmem>> -> memref<8192xf32, #tpu.memory_space<vmem>>
      %dma_start3A_1514 = arith.constant 5120 : i32
      %dma_start3A_1515 = tpu.memref_slice %dma_start3A_1513[%dma_start3A_1514] : memref<8192xf32, #tpu.memory_space<vmem>> -> memref<1024xf32, #tpu.memory_space<vmem>>
      tpu.enqueue_dma source(%dma_start3A_1515 : memref<1024xf32, #tpu.memory_space<vmem>>) target(%dma_start3A_1510 : memref<1024xf32, #tpu.memory_space<hbm>>) target_semaphore(%arg11 : memref<!tpu.dma_semaphore, #tpu.memory_space<semaphore_mem>>)
      %mul3A_1516 = arith.constant 2 : i32
      %mul3A_1517 = arith.muli %add3A_1146, %mul3A_1516 : i32
      %add3A_1518 = arith.constant 1 : i32
      %add3A_1519 = arith.addi %mul3A_1517, %add3A_1518 : i32
      %dma_start3A_1520 = arith.constant 1 : i32
      %dma_start3A_1521 = arith.constant 1 : i32
      %dma_start3A_1522 = arith.constant 6 : i32
      %dma_start3A_1523 = arith.constant 0 : i32
      %dma_start3A_1524 = tpu.memref_slice %arg7[%dma_start3A_1520, %dma_start3A_1521, %dma_start3A_1523] : memref<2x2x8192xf32, #tpu.memory_space<vmem>> -> memref<1x1x8192xf32, #tpu.memory_space<vmem>>
      %dma_start3A_1525 = tpu.memref_squeeze %dma_start3A_1524 : memref<1x1x8192xf32, #tpu.memory_space<vmem>> -> memref<8192xf32, #tpu.memory_space<vmem>>
      %dma_start3A_1526 = arith.constant 6144 : i32
      %dma_start3A_1527 = tpu.memref_slice %dma_start3A_1525[%dma_start3A_1526] : memref<8192xf32, #tpu.memory_space<vmem>> -> memref<1024xf32, #tpu.memory_space<vmem>>
      %dma_start3A_1528 = arith.constant 0 : i32
      %dma_start3A_1529 = tpu.memref_slice %arg4[%add3A_1519, %dma_start3A_1522, %add3A, %dma_start3A_1528] : memref<200x8x32x1024xf32, #tpu.memory_space<hbm>> -> memref<1x1x1x1024xf32, #tpu.memory_space<hbm>>
      %dma_start3A_1530 = tpu.memref_squeeze %dma_start3A_1529 : memref<1x1x1x1024xf32, #tpu.memory_space<hbm>> -> memref<1024xf32, #tpu.memory_space<hbm>>
      %dma_start3A_1531 = arith.constant 0 : i32
      %dma_start3A_1532 = tpu.memref_slice %arg4[%add3A_1519, %dma_start3A_1522, %add3A, %dma_start3A_1531] : memref<200x8x32x1024xf32, #tpu.memory_space<hbm>> -> memref<1x1x1x1024xf32, #tpu.memory_space<hbm>>
      %dma_start3A_1533 = tpu.memref_squeeze %dma_start3A_1532 : memref<1x1x1x1024xf32, #tpu.memory_space<hbm>> -> memref<1024xf32, #tpu.memory_space<hbm>>
      %dma_start3A_1534 = arith.constant 0 : i32
      %dma_start3A_1535 = tpu.memref_slice %arg7[%dma_start3A_1520, %dma_start3A_1521, %dma_start3A_1534] : memref<2x2x8192xf32, #tpu.memory_space<vmem>> -> memref<1x1x8192xf32, #tpu.memory_space<vmem>>
      %dma_start3A_1536 = tpu.memref_squeeze %dma_start3A_1535 : memref<1x1x8192xf32, #tpu.memory_space<vmem>> -> memref<8192xf32, #tpu.memory_space<vmem>>
      %dma_start3A_1537 = arith.constant 6144 : i32
      %dma_start3A_1538 = tpu.memref_slice %dma_start3A_1536[%dma_start3A_1537] : memref<8192xf32, #tpu.memory_space<vmem>> -> memref<1024xf32, #tpu.memory_space<vmem>>
      tpu.enqueue_dma source(%dma_start3A_1538 : memref<1024xf32, #tpu.memory_space<vmem>>) target(%dma_start3A_1533 : memref<1024xf32, #tpu.memory_space<hbm>>) target_semaphore(%arg11 : memref<!tpu.dma_semaphore, #tpu.memory_space<semaphore_mem>>)
      %mul3A_1539 = arith.constant 2 : i32
      %mul3A_1540 = arith.muli %add3A_1146, %mul3A_1539 : i32
      %add3A_1541 = arith.constant 1 : i32
      %add3A_1542 = arith.addi %mul3A_1540, %add3A_1541 : i32
      %dma_start3A_1543 = arith.constant 1 : i32
      %dma_start3A_1544 = arith.constant 1 : i32
      %dma_start3A_1545 = arith.constant 7 : i32
      %dma_start3A_1546 = arith.constant 0 : i32
      %dma_start3A_1547 = tpu.memref_slice %arg7[%dma_start3A_1543, %dma_start3A_1544, %dma_start3A_1546] : memref<2x2x8192xf32, #tpu.memory_space<vmem>> -> memref<1x1x8192xf32, #tpu.memory_space<vmem>>
      %dma_start3A_1548 = tpu.memref_squeeze %dma_start3A_1547 : memref<1x1x8192xf32, #tpu.memory_space<vmem>> -> memref<8192xf32, #tpu.memory_space<vmem>>
      %dma_start3A_1549 = arith.constant 7168 : i32
      %dma_start3A_1550 = tpu.memref_slice %dma_start3A_1548[%dma_start3A_1549] : memref<8192xf32, #tpu.memory_space<vmem>> -> memref<1024xf32, #tpu.memory_space<vmem>>
      %dma_start3A_1551 = arith.constant 0 : i32
      %dma_start3A_1552 = tpu.memref_slice %arg4[%add3A_1542, %dma_start3A_1545, %add3A, %dma_start3A_1551] : memref<200x8x32x1024xf32, #tpu.memory_space<hbm>> -> memref<1x1x1x1024xf32, #tpu.memory_space<hbm>>
      %dma_start3A_1553 = tpu.memref_squeeze %dma_start3A_1552 : memref<1x1x1x1024xf32, #tpu.memory_space<hbm>> -> memref<1024xf32, #tpu.memory_space<hbm>>
      %dma_start3A_1554 = arith.constant 0 : i32
      %dma_start3A_1555 = tpu.memref_slice %arg4[%add3A_1542, %dma_start3A_1545, %add3A, %dma_start3A_1554] : memref<200x8x32x1024xf32, #tpu.memory_space<hbm>> -> memref<1x1x1x1024xf32, #tpu.memory_space<hbm>>
      %dma_start3A_1556 = tpu.memref_squeeze %dma_start3A_1555 : memref<1x1x1x1024xf32, #tpu.memory_space<hbm>> -> memref<1024xf32, #tpu.memory_space<hbm>>
      %dma_start3A_1557 = arith.constant 0 : i32
      %dma_start3A_1558 = tpu.memref_slice %arg7[%dma_start3A_1543, %dma_start3A_1544, %dma_start3A_1557] : memref<2x2x8192xf32, #tpu.memory_space<vmem>> -> memref<1x1x8192xf32, #tpu.memory_space<vmem>>
      %dma_start3A_1559 = tpu.memref_squeeze %dma_start3A_1558 : memref<1x1x8192xf32, #tpu.memory_space<vmem>> -> memref<8192xf32, #tpu.memory_space<vmem>>
      %dma_start3A_1560 = arith.constant 7168 : i32
      %dma_start3A_1561 = tpu.memref_slice %dma_start3A_1559[%dma_start3A_1560] : memref<8192xf32, #tpu.memory_space<vmem>> -> memref<1024xf32, #tpu.memory_space<vmem>>
      tpu.enqueue_dma source(%dma_start3A_1561 : memref<1024xf32, #tpu.memory_space<vmem>>) target(%dma_start3A_1556 : memref<1024xf32, #tpu.memory_space<hbm>>) target_semaphore(%arg11 : memref<!tpu.dma_semaphore, #tpu.memory_space<semaphore_mem>>)
    }
    %scan3A_56 = arith.constant 50 : i32
    %dma_wait3A = arith.constant 0 : i32
    %dma_wait3A_57 = arith.constant 0 : i32
    %dma_wait3A_58 = arith.constant 0 : i32
    %dma_wait3A_59 = arith.constant 0 : i32
    %dma_wait3A_60 = arith.constant 0 : i32
    %dma_wait3A_61 = arith.constant 0 : i32
    %dma_wait3A_62 = tpu.memref_slice %arg7[%dma_wait3A, %dma_wait3A_57, %dma_wait3A_61] : memref<2x2x8192xf32, #tpu.memory_space<vmem>> -> memref<1x1x8192xf32, #tpu.memory_space<vmem>>
    %dma_wait3A_63 = tpu.memref_squeeze %dma_wait3A_62 : memref<1x1x8192xf32, #tpu.memory_space<vmem>> -> memref<8192xf32, #tpu.memory_space<vmem>>
    %dma_wait3A_64 = arith.constant 0 : i32
    %dma_wait3A_65 = tpu.memref_slice %dma_wait3A_63[%dma_wait3A_64] : memref<8192xf32, #tpu.memory_space<vmem>> -> memref<1024xf32, #tpu.memory_space<vmem>>
    %dma_wait3A_66 = arith.constant 0 : i32
    %dma_wait3A_67 = tpu.memref_slice %arg4[%dma_wait3A_58, %dma_wait3A_59, %dma_wait3A_60, %dma_wait3A_66] : memref<200x8x32x1024xf32, #tpu.memory_space<hbm>> -> memref<1x1x1x1024xf32, #tpu.memory_space<hbm>>
    %dma_wait3A_68 = tpu.memref_squeeze %dma_wait3A_67 : memref<1x1x1x1024xf32, #tpu.memory_space<hbm>> -> memref<1024xf32, #tpu.memory_space<hbm>>
    %dma_wait3A_69 = arith.constant 0 : i32
    %dma_wait3A_70 = tpu.memref_slice %arg4[%dma_wait3A_58, %dma_wait3A_59, %dma_wait3A_60, %dma_wait3A_69] : memref<200x8x32x1024xf32, #tpu.memory_space<hbm>> -> memref<1x1x1x1024xf32, #tpu.memory_space<hbm>>
    %dma_wait3A_71 = tpu.memref_squeeze %dma_wait3A_70 : memref<1x1x1x1024xf32, #tpu.memory_space<hbm>> -> memref<1024xf32, #tpu.memory_space<hbm>>
    %dma_wait3A_72 = arith.constant 0 : i32
    %dma_wait3A_73 = tpu.memref_slice %arg7[%dma_wait3A, %dma_wait3A_57, %dma_wait3A_72] : memref<2x2x8192xf32, #tpu.memory_space<vmem>> -> memref<1x1x8192xf32, #tpu.memory_space<vmem>>
    %dma_wait3A_74 = tpu.memref_squeeze %dma_wait3A_73 : memref<1x1x8192xf32, #tpu.memory_space<vmem>> -> memref<8192xf32, #tpu.memory_space<vmem>>
    %dma_wait3A_75 = arith.constant 0 : i32
    %dma_wait3A_76 = tpu.memref_slice %dma_wait3A_74[%dma_wait3A_75] : memref<8192xf32, #tpu.memory_space<vmem>> -> memref<1024xf32, #tpu.memory_space<vmem>>
    tpu.wait_dma2 semaphore(%arg10 : memref<!tpu.dma_semaphore, #tpu.memory_space<semaphore_mem>>) src(%dma_wait3A_76 : memref<1024xf32, #tpu.memory_space<vmem>>) dst(%dma_wait3A_71 : memref<1024xf32, #tpu.memory_space<hbm>>)
    %dma_wait3A_77 = arith.constant 0 : i32
    %dma_wait3A_78 = arith.constant 0 : i32
    %dma_wait3A_79 = arith.constant 0 : i32
    %dma_wait3A_80 = arith.constant 0 : i32
    %dma_wait3A_81 = arith.constant 0 : i32
    %dma_wait3A_82 = arith.constant 0 : i32
    %dma_wait3A_83 = tpu.memref_slice %arg7[%dma_wait3A_77, %dma_wait3A_78, %dma_wait3A_82] : memref<2x2x8192xf32, #tpu.memory_space<vmem>> -> memref<1x1x8192xf32, #tpu.memory_space<vmem>>
    %dma_wait3A_84 = tpu.memref_squeeze %dma_wait3A_83 : memref<1x1x8192xf32, #tpu.memory_space<vmem>> -> memref<8192xf32, #tpu.memory_space<vmem>>
    %dma_wait3A_85 = arith.constant 1024 : i32
    %dma_wait3A_86 = tpu.memref_slice %dma_wait3A_84[%dma_wait3A_85] : memref<8192xf32, #tpu.memory_space<vmem>> -> memref<1024xf32, #tpu.memory_space<vmem>>
    %dma_wait3A_87 = arith.constant 0 : i32
    %dma_wait3A_88 = tpu.memref_slice %arg4[%dma_wait3A_79, %dma_wait3A_80, %dma_wait3A_81, %dma_wait3A_87] : memref<200x8x32x1024xf32, #tpu.memory_space<hbm>> -> memref<1x1x1x1024xf32, #tpu.memory_space<hbm>>
    %dma_wait3A_89 = tpu.memref_squeeze %dma_wait3A_88 : memref<1x1x1x1024xf32, #tpu.memory_space<hbm>> -> memref<1024xf32, #tpu.memory_space<hbm>>
    %dma_wait3A_90 = arith.constant 0 : i32
    %dma_wait3A_91 = tpu.memref_slice %arg4[%dma_wait3A_79, %dma_wait3A_80, %dma_wait3A_81, %dma_wait3A_90] : memref<200x8x32x1024xf32, #tpu.memory_space<hbm>> -> memref<1x1x1x1024xf32, #tpu.memory_space<hbm>>
    %dma_wait3A_92 = tpu.memref_squeeze %dma_wait3A_91 : memref<1x1x1x1024xf32, #tpu.memory_space<hbm>> -> memref<1024xf32, #tpu.memory_space<hbm>>
    %dma_wait3A_93 = arith.constant 0 : i32
    %dma_wait3A_94 = tpu.memref_slice %arg7[%dma_wait3A_77, %dma_wait3A_78, %dma_wait3A_93] : memref<2x2x8192xf32, #tpu.memory_space<vmem>> -> memref<1x1x8192xf32, #tpu.memory_space<vmem>>
    %dma_wait3A_95 = tpu.memref_squeeze %dma_wait3A_94 : memref<1x1x8192xf32, #tpu.memory_space<vmem>> -> memref<8192xf32, #tpu.memory_space<vmem>>
    %dma_wait3A_96 = arith.constant 1024 : i32
    %dma_wait3A_97 = tpu.memref_slice %dma_wait3A_95[%dma_wait3A_96] : memref<8192xf32, #tpu.memory_space<vmem>> -> memref<1024xf32, #tpu.memory_space<vmem>>
    tpu.wait_dma2 semaphore(%arg10 : memref<!tpu.dma_semaphore, #tpu.memory_space<semaphore_mem>>) src(%dma_wait3A_97 : memref<1024xf32, #tpu.memory_space<vmem>>) dst(%dma_wait3A_92 : memref<1024xf32, #tpu.memory_space<hbm>>)
    %dma_wait3A_98 = arith.constant 0 : i32
    %dma_wait3A_99 = arith.constant 0 : i32
    %dma_wait3A_100 = arith.constant 0 : i32
    %dma_wait3A_101 = arith.constant 0 : i32
    %dma_wait3A_102 = arith.constant 0 : i32
    %dma_wait3A_103 = arith.constant 0 : i32
    %dma_wait3A_104 = tpu.memref_slice %arg7[%dma_wait3A_98, %dma_wait3A_99, %dma_wait3A_103] : memref<2x2x8192xf32, #tpu.memory_space<vmem>> -> memref<1x1x8192xf32, #tpu.memory_space<vmem>>
    %dma_wait3A_105 = tpu.memref_squeeze %dma_wait3A_104 : memref<1x1x8192xf32, #tpu.memory_space<vmem>> -> memref<8192xf32, #tpu.memory_space<vmem>>
    %dma_wait3A_106 = arith.constant 2048 : i32
    %dma_wait3A_107 = tpu.memref_slice %dma_wait3A_105[%dma_wait3A_106] : memref<8192xf32, #tpu.memory_space<vmem>> -> memref<1024xf32, #tpu.memory_space<vmem>>
    %dma_wait3A_108 = arith.constant 0 : i32
    %dma_wait3A_109 = tpu.memref_slice %arg4[%dma_wait3A_100, %dma_wait3A_101, %dma_wait3A_102, %dma_wait3A_108] : memref<200x8x32x1024xf32, #tpu.memory_space<hbm>> -> memref<1x1x1x1024xf32, #tpu.memory_space<hbm>>
    %dma_wait3A_110 = tpu.memref_squeeze %dma_wait3A_109 : memref<1x1x1x1024xf32, #tpu.memory_space<hbm>> -> memref<1024xf32, #tpu.memory_space<hbm>>
    %dma_wait3A_111 = arith.constant 0 : i32
    %dma_wait3A_112 = tpu.memref_slice %arg4[%dma_wait3A_100, %dma_wait3A_101, %dma_wait3A_102, %dma_wait3A_111] : memref<200x8x32x1024xf32, #tpu.memory_space<hbm>> -> memref<1x1x1x1024xf32, #tpu.memory_space<hbm>>
    %dma_wait3A_113 = tpu.memref_squeeze %dma_wait3A_112 : memref<1x1x1x1024xf32, #tpu.memory_space<hbm>> -> memref<1024xf32, #tpu.memory_space<hbm>>
    %dma_wait3A_114 = arith.constant 0 : i32
    %dma_wait3A_115 = tpu.memref_slice %arg7[%dma_wait3A_98, %dma_wait3A_99, %dma_wait3A_114] : memref<2x2x8192xf32, #tpu.memory_space<vmem>> -> memref<1x1x8192xf32, #tpu.memory_space<vmem>>
    %dma_wait3A_116 = tpu.memref_squeeze %dma_wait3A_115 : memref<1x1x8192xf32, #tpu.memory_space<vmem>> -> memref<8192xf32, #tpu.memory_space<vmem>>
    %dma_wait3A_117 = arith.constant 2048 : i32
    %dma_wait3A_118 = tpu.memref_slice %dma_wait3A_116[%dma_wait3A_117] : memref<8192xf32, #tpu.memory_space<vmem>> -> memref<1024xf32, #tpu.memory_space<vmem>>
    tpu.wait_dma2 semaphore(%arg10 : memref<!tpu.dma_semaphore, #tpu.memory_space<semaphore_mem>>) src(%dma_wait3A_118 : memref<1024xf32, #tpu.memory_space<vmem>>) dst(%dma_wait3A_113 : memref<1024xf32, #tpu.memory_space<hbm>>)
    %dma_wait3A_119 = arith.constant 0 : i32
    %dma_wait3A_120 = arith.constant 0 : i32
    %dma_wait3A_121 = arith.constant 0 : i32
    %dma_wait3A_122 = arith.constant 0 : i32
    %dma_wait3A_123 = arith.constant 0 : i32
    %dma_wait3A_124 = arith.constant 0 : i32
    %dma_wait3A_125 = tpu.memref_slice %arg7[%dma_wait3A_119, %dma_wait3A_120, %dma_wait3A_124] : memref<2x2x8192xf32, #tpu.memory_space<vmem>> -> memref<1x1x8192xf32, #tpu.memory_space<vmem>>
    %dma_wait3A_126 = tpu.memref_squeeze %dma_wait3A_125 : memref<1x1x8192xf32, #tpu.memory_space<vmem>> -> memref<8192xf32, #tpu.memory_space<vmem>>
    %dma_wait3A_127 = arith.constant 3072 : i32
    %dma_wait3A_128 = tpu.memref_slice %dma_wait3A_126[%dma_wait3A_127] : memref<8192xf32, #tpu.memory_space<vmem>> -> memref<1024xf32, #tpu.memory_space<vmem>>
    %dma_wait3A_129 = arith.constant 0 : i32
    %dma_wait3A_130 = tpu.memref_slice %arg4[%dma_wait3A_121, %dma_wait3A_122, %dma_wait3A_123, %dma_wait3A_129] : memref<200x8x32x1024xf32, #tpu.memory_space<hbm>> -> memref<1x1x1x1024xf32, #tpu.memory_space<hbm>>
    %dma_wait3A_131 = tpu.memref_squeeze %dma_wait3A_130 : memref<1x1x1x1024xf32, #tpu.memory_space<hbm>> -> memref<1024xf32, #tpu.memory_space<hbm>>
    %dma_wait3A_132 = arith.constant 0 : i32
    %dma_wait3A_133 = tpu.memref_slice %arg4[%dma_wait3A_121, %dma_wait3A_122, %dma_wait3A_123, %dma_wait3A_132] : memref<200x8x32x1024xf32, #tpu.memory_space<hbm>> -> memref<1x1x1x1024xf32, #tpu.memory_space<hbm>>
    %dma_wait3A_134 = tpu.memref_squeeze %dma_wait3A_133 : memref<1x1x1x1024xf32, #tpu.memory_space<hbm>> -> memref<1024xf32, #tpu.memory_space<hbm>>
    %dma_wait3A_135 = arith.constant 0 : i32
    %dma_wait3A_136 = tpu.memref_slice %arg7[%dma_wait3A_119, %dma_wait3A_120, %dma_wait3A_135] : memref<2x2x8192xf32, #tpu.memory_space<vmem>> -> memref<1x1x8192xf32, #tpu.memory_space<vmem>>
    %dma_wait3A_137 = tpu.memref_squeeze %dma_wait3A_136 : memref<1x1x8192xf32, #tpu.memory_space<vmem>> -> memref<8192xf32, #tpu.memory_space<vmem>>
    %dma_wait3A_138 = arith.constant 3072 : i32
    %dma_wait3A_139 = tpu.memref_slice %dma_wait3A_137[%dma_wait3A_138] : memref<8192xf32, #tpu.memory_space<vmem>> -> memref<1024xf32, #tpu.memory_space<vmem>>
    tpu.wait_dma2 semaphore(%arg10 : memref<!tpu.dma_semaphore, #tpu.memory_space<semaphore_mem>>) src(%dma_wait3A_139 : memref<1024xf32, #tpu.memory_space<vmem>>) dst(%dma_wait3A_134 : memref<1024xf32, #tpu.memory_space<hbm>>)
    %dma_wait3A_140 = arith.constant 0 : i32
    %dma_wait3A_141 = arith.constant 0 : i32
    %dma_wait3A_142 = arith.constant 0 : i32
    %dma_wait3A_143 = arith.constant 0 : i32
    %dma_wait3A_144 = arith.constant 0 : i32
    %dma_wait3A_145 = arith.constant 0 : i32
    %dma_wait3A_146 = tpu.memref_slice %arg7[%dma_wait3A_140, %dma_wait3A_141, %dma_wait3A_145] : memref<2x2x8192xf32, #tpu.memory_space<vmem>> -> memref<1x1x8192xf32, #tpu.memory_space<vmem>>
    %dma_wait3A_147 = tpu.memref_squeeze %dma_wait3A_146 : memref<1x1x8192xf32, #tpu.memory_space<vmem>> -> memref<8192xf32, #tpu.memory_space<vmem>>
    %dma_wait3A_148 = arith.constant 4096 : i32
    %dma_wait3A_149 = tpu.memref_slice %dma_wait3A_147[%dma_wait3A_148] : memref<8192xf32, #tpu.memory_space<vmem>> -> memref<1024xf32, #tpu.memory_space<vmem>>
    %dma_wait3A_150 = arith.constant 0 : i32
    %dma_wait3A_151 = tpu.memref_slice %arg4[%dma_wait3A_142, %dma_wait3A_143, %dma_wait3A_144, %dma_wait3A_150] : memref<200x8x32x1024xf32, #tpu.memory_space<hbm>> -> memref<1x1x1x1024xf32, #tpu.memory_space<hbm>>
    %dma_wait3A_152 = tpu.memref_squeeze %dma_wait3A_151 : memref<1x1x1x1024xf32, #tpu.memory_space<hbm>> -> memref<1024xf32, #tpu.memory_space<hbm>>
    %dma_wait3A_153 = arith.constant 0 : i32
    %dma_wait3A_154 = tpu.memref_slice %arg4[%dma_wait3A_142, %dma_wait3A_143, %dma_wait3A_144, %dma_wait3A_153] : memref<200x8x32x1024xf32, #tpu.memory_space<hbm>> -> memref<1x1x1x1024xf32, #tpu.memory_space<hbm>>
    %dma_wait3A_155 = tpu.memref_squeeze %dma_wait3A_154 : memref<1x1x1x1024xf32, #tpu.memory_space<hbm>> -> memref<1024xf32, #tpu.memory_space<hbm>>
    %dma_wait3A_156 = arith.constant 0 : i32
    %dma_wait3A_157 = tpu.memref_slice %arg7[%dma_wait3A_140, %dma_wait3A_141, %dma_wait3A_156] : memref<2x2x8192xf32, #tpu.memory_space<vmem>> -> memref<1x1x8192xf32, #tpu.memory_space<vmem>>
    %dma_wait3A_158 = tpu.memref_squeeze %dma_wait3A_157 : memref<1x1x8192xf32, #tpu.memory_space<vmem>> -> memref<8192xf32, #tpu.memory_space<vmem>>
    %dma_wait3A_159 = arith.constant 4096 : i32
    %dma_wait3A_160 = tpu.memref_slice %dma_wait3A_158[%dma_wait3A_159] : memref<8192xf32, #tpu.memory_space<vmem>> -> memref<1024xf32, #tpu.memory_space<vmem>>
    tpu.wait_dma2 semaphore(%arg10 : memref<!tpu.dma_semaphore, #tpu.memory_space<semaphore_mem>>) src(%dma_wait3A_160 : memref<1024xf32, #tpu.memory_space<vmem>>) dst(%dma_wait3A_155 : memref<1024xf32, #tpu.memory_space<hbm>>)
    %dma_wait3A_161 = arith.constant 0 : i32
    %dma_wait3A_162 = arith.constant 0 : i32
    %dma_wait3A_163 = arith.constant 0 : i32
    %dma_wait3A_164 = arith.constant 0 : i32
    %dma_wait3A_165 = arith.constant 0 : i32
    %dma_wait3A_166 = arith.constant 0 : i32
    %dma_wait3A_167 = tpu.memref_slice %arg7[%dma_wait3A_161, %dma_wait3A_162, %dma_wait3A_166] : memref<2x2x8192xf32, #tpu.memory_space<vmem>> -> memref<1x1x8192xf32, #tpu.memory_space<vmem>>
    %dma_wait3A_168 = tpu.memref_squeeze %dma_wait3A_167 : memref<1x1x8192xf32, #tpu.memory_space<vmem>> -> memref<8192xf32, #tpu.memory_space<vmem>>
    %dma_wait3A_169 = arith.constant 5120 : i32
    %dma_wait3A_170 = tpu.memref_slice %dma_wait3A_168[%dma_wait3A_169] : memref<8192xf32, #tpu.memory_space<vmem>> -> memref<1024xf32, #tpu.memory_space<vmem>>
    %dma_wait3A_171 = arith.constant 0 : i32
    %dma_wait3A_172 = tpu.memref_slice %arg4[%dma_wait3A_163, %dma_wait3A_164, %dma_wait3A_165, %dma_wait3A_171] : memref<200x8x32x1024xf32, #tpu.memory_space<hbm>> -> memref<1x1x1x1024xf32, #tpu.memory_space<hbm>>
    %dma_wait3A_173 = tpu.memref_squeeze %dma_wait3A_172 : memref<1x1x1x1024xf32, #tpu.memory_space<hbm>> -> memref<1024xf32, #tpu.memory_space<hbm>>
    %dma_wait3A_174 = arith.constant 0 : i32
    %dma_wait3A_175 = tpu.memref_slice %arg4[%dma_wait3A_163, %dma_wait3A_164, %dma_wait3A_165, %dma_wait3A_174] : memref<200x8x32x1024xf32, #tpu.memory_space<hbm>> -> memref<1x1x1x1024xf32, #tpu.memory_space<hbm>>
    %dma_wait3A_176 = tpu.memref_squeeze %dma_wait3A_175 : memref<1x1x1x1024xf32, #tpu.memory_space<hbm>> -> memref<1024xf32, #tpu.memory_space<hbm>>
    %dma_wait3A_177 = arith.constant 0 : i32
    %dma_wait3A_178 = tpu.memref_slice %arg7[%dma_wait3A_161, %dma_wait3A_162, %dma_wait3A_177] : memref<2x2x8192xf32, #tpu.memory_space<vmem>> -> memref<1x1x8192xf32, #tpu.memory_space<vmem>>
    %dma_wait3A_179 = tpu.memref_squeeze %dma_wait3A_178 : memref<1x1x8192xf32, #tpu.memory_space<vmem>> -> memref<8192xf32, #tpu.memory_space<vmem>>
    %dma_wait3A_180 = arith.constant 5120 : i32
    %dma_wait3A_181 = tpu.memref_slice %dma_wait3A_179[%dma_wait3A_180] : memref<8192xf32, #tpu.memory_space<vmem>> -> memref<1024xf32, #tpu.memory_space<vmem>>
    tpu.wait_dma2 semaphore(%arg10 : memref<!tpu.dma_semaphore, #tpu.memory_space<semaphore_mem>>) src(%dma_wait3A_181 : memref<1024xf32, #tpu.memory_space<vmem>>) dst(%dma_wait3A_176 : memref<1024xf32, #tpu.memory_space<hbm>>)
    %dma_wait3A_182 = arith.constant 0 : i32
    %dma_wait3A_183 = arith.constant 0 : i32
    %dma_wait3A_184 = arith.constant 0 : i32
    %dma_wait3A_185 = arith.constant 0 : i32
    %dma_wait3A_186 = arith.constant 0 : i32
    %dma_wait3A_187 = arith.constant 0 : i32
    %dma_wait3A_188 = tpu.memref_slice %arg7[%dma_wait3A_182, %dma_wait3A_183, %dma_wait3A_187] : memref<2x2x8192xf32, #tpu.memory_space<vmem>> -> memref<1x1x8192xf32, #tpu.memory_space<vmem>>
    %dma_wait3A_189 = tpu.memref_squeeze %dma_wait3A_188 : memref<1x1x8192xf32, #tpu.memory_space<vmem>> -> memref<8192xf32, #tpu.memory_space<vmem>>
    %dma_wait3A_190 = arith.constant 6144 : i32
    %dma_wait3A_191 = tpu.memref_slice %dma_wait3A_189[%dma_wait3A_190] : memref<8192xf32, #tpu.memory_space<vmem>> -> memref<1024xf32, #tpu.memory_space<vmem>>
    %dma_wait3A_192 = arith.constant 0 : i32
    %dma_wait3A_193 = tpu.memref_slice %arg4[%dma_wait3A_184, %dma_wait3A_185, %dma_wait3A_186, %dma_wait3A_192] : memref<200x8x32x1024xf32, #tpu.memory_space<hbm>> -> memref<1x1x1x1024xf32, #tpu.memory_space<hbm>>
    %dma_wait3A_194 = tpu.memref_squeeze %dma_wait3A_193 : memref<1x1x1x1024xf32, #tpu.memory_space<hbm>> -> memref<1024xf32, #tpu.memory_space<hbm>>
    %dma_wait3A_195 = arith.constant 0 : i32
    %dma_wait3A_196 = tpu.memref_slice %arg4[%dma_wait3A_184, %dma_wait3A_185, %dma_wait3A_186, %dma_wait3A_195] : memref<200x8x32x1024xf32, #tpu.memory_space<hbm>> -> memref<1x1x1x1024xf32, #tpu.memory_space<hbm>>
    %dma_wait3A_197 = tpu.memref_squeeze %dma_wait3A_196 : memref<1x1x1x1024xf32, #tpu.memory_space<hbm>> -> memref<1024xf32, #tpu.memory_space<hbm>>
    %dma_wait3A_198 = arith.constant 0 : i32
    %dma_wait3A_199 = tpu.memref_slice %arg7[%dma_wait3A_182, %dma_wait3A_183, %dma_wait3A_198] : memref<2x2x8192xf32, #tpu.memory_space<vmem>> -> memref<1x1x8192xf32, #tpu.memory_space<vmem>>
    %dma_wait3A_200 = tpu.memref_squeeze %dma_wait3A_199 : memref<1x1x8192xf32, #tpu.memory_space<vmem>> -> memref<8192xf32, #tpu.memory_space<vmem>>
    %dma_wait3A_201 = arith.constant 6144 : i32
    %dma_wait3A_202 = tpu.memref_slice %dma_wait3A_200[%dma_wait3A_201] : memref<8192xf32, #tpu.memory_space<vmem>> -> memref<1024xf32, #tpu.memory_space<vmem>>
    tpu.wait_dma2 semaphore(%arg10 : memref<!tpu.dma_semaphore, #tpu.memory_space<semaphore_mem>>) src(%dma_wait3A_202 : memref<1024xf32, #tpu.memory_space<vmem>>) dst(%dma_wait3A_197 : memref<1024xf32, #tpu.memory_space<hbm>>)
    %dma_wait3A_203 = arith.constant 0 : i32
    %dma_wait3A_204 = arith.constant 0 : i32
    %dma_wait3A_205 = arith.constant 0 : i32
    %dma_wait3A_206 = arith.constant 0 : i32
    %dma_wait3A_207 = arith.constant 0 : i32
    %dma_wait3A_208 = arith.constant 0 : i32
    %dma_wait3A_209 = tpu.memref_slice %arg7[%dma_wait3A_203, %dma_wait3A_204, %dma_wait3A_208] : memref<2x2x8192xf32, #tpu.memory_space<vmem>> -> memref<1x1x8192xf32, #tpu.memory_space<vmem>>
    %dma_wait3A_210 = tpu.memref_squeeze %dma_wait3A_209 : memref<1x1x8192xf32, #tpu.memory_space<vmem>> -> memref<8192xf32, #tpu.memory_space<vmem>>
    %dma_wait3A_211 = arith.constant 7168 : i32
    %dma_wait3A_212 = tpu.memref_slice %dma_wait3A_210[%dma_wait3A_211] : memref<8192xf32, #tpu.memory_space<vmem>> -> memref<1024xf32, #tpu.memory_space<vmem>>
    %dma_wait3A_213 = arith.constant 0 : i32
    %dma_wait3A_214 = tpu.memref_slice %arg4[%dma_wait3A_205, %dma_wait3A_206, %dma_wait3A_207, %dma_wait3A_213] : memref<200x8x32x1024xf32, #tpu.memory_space<hbm>> -> memref<1x1x1x1024xf32, #tpu.memory_space<hbm>>
    %dma_wait3A_215 = tpu.memref_squeeze %dma_wait3A_214 : memref<1x1x1x1024xf32, #tpu.memory_space<hbm>> -> memref<1024xf32, #tpu.memory_space<hbm>>
    %dma_wait3A_216 = arith.constant 0 : i32
    %dma_wait3A_217 = tpu.memref_slice %arg4[%dma_wait3A_205, %dma_wait3A_206, %dma_wait3A_207, %dma_wait3A_216] : memref<200x8x32x1024xf32, #tpu.memory_space<hbm>> -> memref<1x1x1x1024xf32, #tpu.memory_space<hbm>>
    %dma_wait3A_218 = tpu.memref_squeeze %dma_wait3A_217 : memref<1x1x1x1024xf32, #tpu.memory_space<hbm>> -> memref<1024xf32, #tpu.memory_space<hbm>>
    %dma_wait3A_219 = arith.constant 0 : i32
    %dma_wait3A_220 = tpu.memref_slice %arg7[%dma_wait3A_203, %dma_wait3A_204, %dma_wait3A_219] : memref<2x2x8192xf32, #tpu.memory_space<vmem>> -> memref<1x1x8192xf32, #tpu.memory_space<vmem>>
    %dma_wait3A_221 = tpu.memref_squeeze %dma_wait3A_220 : memref<1x1x8192xf32, #tpu.memory_space<vmem>> -> memref<8192xf32, #tpu.memory_space<vmem>>
    %dma_wait3A_222 = arith.constant 7168 : i32
    %dma_wait3A_223 = tpu.memref_slice %dma_wait3A_221[%dma_wait3A_222] : memref<8192xf32, #tpu.memory_space<vmem>> -> memref<1024xf32, #tpu.memory_space<vmem>>
    tpu.wait_dma2 semaphore(%arg10 : memref<!tpu.dma_semaphore, #tpu.memory_space<semaphore_mem>>) src(%dma_wait3A_223 : memref<1024xf32, #tpu.memory_space<vmem>>) dst(%dma_wait3A_218 : memref<1024xf32, #tpu.memory_space<hbm>>)
    %dma_wait3A_224 = arith.constant 0 : i32
    %dma_wait3A_225 = arith.constant 1 : i32
    %dma_wait3A_226 = arith.constant 0 : i32
    %dma_wait3A_227 = arith.constant 0 : i32
    %dma_wait3A_228 = arith.constant 0 : i32
    %dma_wait3A_229 = arith.constant 0 : i32
    %dma_wait3A_230 = tpu.memref_slice %arg7[%dma_wait3A_224, %dma_wait3A_225, %dma_wait3A_229] : memref<2x2x8192xf32, #tpu.memory_space<vmem>> -> memref<1x1x8192xf32, #tpu.memory_space<vmem>>
    %dma_wait3A_231 = tpu.memref_squeeze %dma_wait3A_230 : memref<1x1x8192xf32, #tpu.memory_space<vmem>> -> memref<8192xf32, #tpu.memory_space<vmem>>
    %dma_wait3A_232 = arith.constant 0 : i32
    %dma_wait3A_233 = tpu.memref_slice %dma_wait3A_231[%dma_wait3A_232] : memref<8192xf32, #tpu.memory_space<vmem>> -> memref<1024xf32, #tpu.memory_space<vmem>>
    %dma_wait3A_234 = arith.constant 0 : i32
    %dma_wait3A_235 = tpu.memref_slice %arg4[%dma_wait3A_226, %dma_wait3A_227, %dma_wait3A_228, %dma_wait3A_234] : memref<200x8x32x1024xf32, #tpu.memory_space<hbm>> -> memref<1x1x1x1024xf32, #tpu.memory_space<hbm>>
    %dma_wait3A_236 = tpu.memref_squeeze %dma_wait3A_235 : memref<1x1x1x1024xf32, #tpu.memory_space<hbm>> -> memref<1024xf32, #tpu.memory_space<hbm>>
    %dma_wait3A_237 = arith.constant 0 : i32
    %dma_wait3A_238 = tpu.memref_slice %arg4[%dma_wait3A_226, %dma_wait3A_227, %dma_wait3A_228, %dma_wait3A_237] : memref<200x8x32x1024xf32, #tpu.memory_space<hbm>> -> memref<1x1x1x1024xf32, #tpu.memory_space<hbm>>
    %dma_wait3A_239 = tpu.memref_squeeze %dma_wait3A_238 : memref<1x1x1x1024xf32, #tpu.memory_space<hbm>> -> memref<1024xf32, #tpu.memory_space<hbm>>
    %dma_wait3A_240 = arith.constant 0 : i32
    %dma_wait3A_241 = tpu.memref_slice %arg7[%dma_wait3A_224, %dma_wait3A_225, %dma_wait3A_240] : memref<2x2x8192xf32, #tpu.memory_space<vmem>> -> memref<1x1x8192xf32, #tpu.memory_space<vmem>>
    %dma_wait3A_242 = tpu.memref_squeeze %dma_wait3A_241 : memref<1x1x8192xf32, #tpu.memory_space<vmem>> -> memref<8192xf32, #tpu.memory_space<vmem>>
    %dma_wait3A_243 = arith.constant 0 : i32
    %dma_wait3A_244 = tpu.memref_slice %dma_wait3A_242[%dma_wait3A_243] : memref<8192xf32, #tpu.memory_space<vmem>> -> memref<1024xf32, #tpu.memory_space<vmem>>
    tpu.wait_dma2 semaphore(%arg10 : memref<!tpu.dma_semaphore, #tpu.memory_space<semaphore_mem>>) src(%dma_wait3A_244 : memref<1024xf32, #tpu.memory_space<vmem>>) dst(%dma_wait3A_239 : memref<1024xf32, #tpu.memory_space<hbm>>)
    %dma_wait3A_245 = arith.constant 0 : i32
    %dma_wait3A_246 = arith.constant 1 : i32
    %dma_wait3A_247 = arith.constant 0 : i32
    %dma_wait3A_248 = arith.constant 0 : i32
    %dma_wait3A_249 = arith.constant 0 : i32
    %dma_wait3A_250 = arith.constant 0 : i32
    %dma_wait3A_251 = tpu.memref_slice %arg7[%dma_wait3A_245, %dma_wait3A_246, %dma_wait3A_250] : memref<2x2x8192xf32, #tpu.memory_space<vmem>> -> memref<1x1x8192xf32, #tpu.memory_space<vmem>>
    %dma_wait3A_252 = tpu.memref_squeeze %dma_wait3A_251 : memref<1x1x8192xf32, #tpu.memory_space<vmem>> -> memref<8192xf32, #tpu.memory_space<vmem>>
    %dma_wait3A_253 = arith.constant 1024 : i32
    %dma_wait3A_254 = tpu.memref_slice %dma_wait3A_252[%dma_wait3A_253] : memref<8192xf32, #tpu.memory_space<vmem>> -> memref<1024xf32, #tpu.memory_space<vmem>>
    %dma_wait3A_255 = arith.constant 0 : i32
    %dma_wait3A_256 = tpu.memref_slice %arg4[%dma_wait3A_247, %dma_wait3A_248, %dma_wait3A_249, %dma_wait3A_255] : memref<200x8x32x1024xf32, #tpu.memory_space<hbm>> -> memref<1x1x1x1024xf32, #tpu.memory_space<hbm>>
    %dma_wait3A_257 = tpu.memref_squeeze %dma_wait3A_256 : memref<1x1x1x1024xf32, #tpu.memory_space<hbm>> -> memref<1024xf32, #tpu.memory_space<hbm>>
    %dma_wait3A_258 = arith.constant 0 : i32
    %dma_wait3A_259 = tpu.memref_slice %arg4[%dma_wait3A_247, %dma_wait3A_248, %dma_wait3A_249, %dma_wait3A_258] : memref<200x8x32x1024xf32, #tpu.memory_space<hbm>> -> memref<1x1x1x1024xf32, #tpu.memory_space<hbm>>
    %dma_wait3A_260 = tpu.memref_squeeze %dma_wait3A_259 : memref<1x1x1x1024xf32, #tpu.memory_space<hbm>> -> memref<1024xf32, #tpu.memory_space<hbm>>
    %dma_wait3A_261 = arith.constant 0 : i32
    %dma_wait3A_262 = tpu.memref_slice %arg7[%dma_wait3A_245, %dma_wait3A_246, %dma_wait3A_261] : memref<2x2x8192xf32, #tpu.memory_space<vmem>> -> memref<1x1x8192xf32, #tpu.memory_space<vmem>>
    %dma_wait3A_263 = tpu.memref_squeeze %dma_wait3A_262 : memref<1x1x8192xf32, #tpu.memory_space<vmem>> -> memref<8192xf32, #tpu.memory_space<vmem>>
    %dma_wait3A_264 = arith.constant 1024 : i32
    %dma_wait3A_265 = tpu.memref_slice %dma_wait3A_263[%dma_wait3A_264] : memref<8192xf32, #tpu.memory_space<vmem>> -> memref<1024xf32, #tpu.memory_space<vmem>>
    tpu.wait_dma2 semaphore(%arg10 : memref<!tpu.dma_semaphore, #tpu.memory_space<semaphore_mem>>) src(%dma_wait3A_265 : memref<1024xf32, #tpu.memory_space<vmem>>) dst(%dma_wait3A_260 : memref<1024xf32, #tpu.memory_space<hbm>>)
    %dma_wait3A_266 = arith.constant 0 : i32
    %dma_wait3A_267 = arith.constant 1 : i32
    %dma_wait3A_268 = arith.constant 0 : i32
    %dma_wait3A_269 = arith.constant 0 : i32
    %dma_wait3A_270 = arith.constant 0 : i32
    %dma_wait3A_271 = arith.constant 0 : i32
    %dma_wait3A_272 = tpu.memref_slice %arg7[%dma_wait3A_266, %dma_wait3A_267, %dma_wait3A_271] : memref<2x2x8192xf32, #tpu.memory_space<vmem>> -> memref<1x1x8192xf32, #tpu.memory_space<vmem>>
    %dma_wait3A_273 = tpu.memref_squeeze %dma_wait3A_272 : memref<1x1x8192xf32, #tpu.memory_space<vmem>> -> memref<8192xf32, #tpu.memory_space<vmem>>
    %dma_wait3A_274 = arith.constant 2048 : i32
    %dma_wait3A_275 = tpu.memref_slice %dma_wait3A_273[%dma_wait3A_274] : memref<8192xf32, #tpu.memory_space<vmem>> -> memref<1024xf32, #tpu.memory_space<vmem>>
    %dma_wait3A_276 = arith.constant 0 : i32
    %dma_wait3A_277 = tpu.memref_slice %arg4[%dma_wait3A_268, %dma_wait3A_269, %dma_wait3A_270, %dma_wait3A_276] : memref<200x8x32x1024xf32, #tpu.memory_space<hbm>> -> memref<1x1x1x1024xf32, #tpu.memory_space<hbm>>
    %dma_wait3A_278 = tpu.memref_squeeze %dma_wait3A_277 : memref<1x1x1x1024xf32, #tpu.memory_space<hbm>> -> memref<1024xf32, #tpu.memory_space<hbm>>
    %dma_wait3A_279 = arith.constant 0 : i32
    %dma_wait3A_280 = tpu.memref_slice %arg4[%dma_wait3A_268, %dma_wait3A_269, %dma_wait3A_270, %dma_wait3A_279] : memref<200x8x32x1024xf32, #tpu.memory_space<hbm>> -> memref<1x1x1x1024xf32, #tpu.memory_space<hbm>>
    %dma_wait3A_281 = tpu.memref_squeeze %dma_wait3A_280 : memref<1x1x1x1024xf32, #tpu.memory_space<hbm>> -> memref<1024xf32, #tpu.memory_space<hbm>>
    %dma_wait3A_282 = arith.constant 0 : i32
    %dma_wait3A_283 = tpu.memref_slice %arg7[%dma_wait3A_266, %dma_wait3A_267, %dma_wait3A_282] : memref<2x2x8192xf32, #tpu.memory_space<vmem>> -> memref<1x1x8192xf32, #tpu.memory_space<vmem>>
    %dma_wait3A_284 = tpu.memref_squeeze %dma_wait3A_283 : memref<1x1x8192xf32, #tpu.memory_space<vmem>> -> memref<8192xf32, #tpu.memory_space<vmem>>
    %dma_wait3A_285 = arith.constant 2048 : i32
    %dma_wait3A_286 = tpu.memref_slice %dma_wait3A_284[%dma_wait3A_285] : memref<8192xf32, #tpu.memory_space<vmem>> -> memref<1024xf32, #tpu.memory_space<vmem>>
    tpu.wait_dma2 semaphore(%arg10 : memref<!tpu.dma_semaphore, #tpu.memory_space<semaphore_mem>>) src(%dma_wait3A_286 : memref<1024xf32, #tpu.memory_space<vmem>>) dst(%dma_wait3A_281 : memref<1024xf32, #tpu.memory_space<hbm>>)
    %dma_wait3A_287 = arith.constant 0 : i32
    %dma_wait3A_288 = arith.constant 1 : i32
    %dma_wait3A_289 = arith.constant 0 : i32
    %dma_wait3A_290 = arith.constant 0 : i32
    %dma_wait3A_291 = arith.constant 0 : i32
    %dma_wait3A_292 = arith.constant 0 : i32
    %dma_wait3A_293 = tpu.memref_slice %arg7[%dma_wait3A_287, %dma_wait3A_288, %dma_wait3A_292] : memref<2x2x8192xf32, #tpu.memory_space<vmem>> -> memref<1x1x8192xf32, #tpu.memory_space<vmem>>
    %dma_wait3A_294 = tpu.memref_squeeze %dma_wait3A_293 : memref<1x1x8192xf32, #tpu.memory_space<vmem>> -> memref<8192xf32, #tpu.memory_space<vmem>>
    %dma_wait3A_295 = arith.constant 3072 : i32
    %dma_wait3A_296 = tpu.memref_slice %dma_wait3A_294[%dma_wait3A_295] : memref<8192xf32, #tpu.memory_space<vmem>> -> memref<1024xf32, #tpu.memory_space<vmem>>
    %dma_wait3A_297 = arith.constant 0 : i32
    %dma_wait3A_298 = tpu.memref_slice %arg4[%dma_wait3A_289, %dma_wait3A_290, %dma_wait3A_291, %dma_wait3A_297] : memref<200x8x32x1024xf32, #tpu.memory_space<hbm>> -> memref<1x1x1x1024xf32, #tpu.memory_space<hbm>>
    %dma_wait3A_299 = tpu.memref_squeeze %dma_wait3A_298 : memref<1x1x1x1024xf32, #tpu.memory_space<hbm>> -> memref<1024xf32, #tpu.memory_space<hbm>>
    %dma_wait3A_300 = arith.constant 0 : i32
    %dma_wait3A_301 = tpu.memref_slice %arg4[%dma_wait3A_289, %dma_wait3A_290, %dma_wait3A_291, %dma_wait3A_300] : memref<200x8x32x1024xf32, #tpu.memory_space<hbm>> -> memref<1x1x1x1024xf32, #tpu.memory_space<hbm>>
    %dma_wait3A_302 = tpu.memref_squeeze %dma_wait3A_301 : memref<1x1x1x1024xf32, #tpu.memory_space<hbm>> -> memref<1024xf32, #tpu.memory_space<hbm>>
    %dma_wait3A_303 = arith.constant 0 : i32
    %dma_wait3A_304 = tpu.memref_slice %arg7[%dma_wait3A_287, %dma_wait3A_288, %dma_wait3A_303] : memref<2x2x8192xf32, #tpu.memory_space<vmem>> -> memref<1x1x8192xf32, #tpu.memory_space<vmem>>
    %dma_wait3A_305 = tpu.memref_squeeze %dma_wait3A_304 : memref<1x1x8192xf32, #tpu.memory_space<vmem>> -> memref<8192xf32, #tpu.memory_space<vmem>>
    %dma_wait3A_306 = arith.constant 3072 : i32
    %dma_wait3A_307 = tpu.memref_slice %dma_wait3A_305[%dma_wait3A_306] : memref<8192xf32, #tpu.memory_space<vmem>> -> memref<1024xf32, #tpu.memory_space<vmem>>
    tpu.wait_dma2 semaphore(%arg10 : memref<!tpu.dma_semaphore, #tpu.memory_space<semaphore_mem>>) src(%dma_wait3A_307 : memref<1024xf32, #tpu.memory_space<vmem>>) dst(%dma_wait3A_302 : memref<1024xf32, #tpu.memory_space<hbm>>)
    %dma_wait3A_308 = arith.constant 0 : i32
    %dma_wait3A_309 = arith.constant 1 : i32
    %dma_wait3A_310 = arith.constant 0 : i32
    %dma_wait3A_311 = arith.constant 0 : i32
    %dma_wait3A_312 = arith.constant 0 : i32
    %dma_wait3A_313 = arith.constant 0 : i32
    %dma_wait3A_314 = tpu.memref_slice %arg7[%dma_wait3A_308, %dma_wait3A_309, %dma_wait3A_313] : memref<2x2x8192xf32, #tpu.memory_space<vmem>> -> memref<1x1x8192xf32, #tpu.memory_space<vmem>>
    %dma_wait3A_315 = tpu.memref_squeeze %dma_wait3A_314 : memref<1x1x8192xf32, #tpu.memory_space<vmem>> -> memref<8192xf32, #tpu.memory_space<vmem>>
    %dma_wait3A_316 = arith.constant 4096 : i32
    %dma_wait3A_317 = tpu.memref_slice %dma_wait3A_315[%dma_wait3A_316] : memref<8192xf32, #tpu.memory_space<vmem>> -> memref<1024xf32, #tpu.memory_space<vmem>>
    %dma_wait3A_318 = arith.constant 0 : i32
    %dma_wait3A_319 = tpu.memref_slice %arg4[%dma_wait3A_310, %dma_wait3A_311, %dma_wait3A_312, %dma_wait3A_318] : memref<200x8x32x1024xf32, #tpu.memory_space<hbm>> -> memref<1x1x1x1024xf32, #tpu.memory_space<hbm>>
    %dma_wait3A_320 = tpu.memref_squeeze %dma_wait3A_319 : memref<1x1x1x1024xf32, #tpu.memory_space<hbm>> -> memref<1024xf32, #tpu.memory_space<hbm>>
    %dma_wait3A_321 = arith.constant 0 : i32
    %dma_wait3A_322 = tpu.memref_slice %arg4[%dma_wait3A_310, %dma_wait3A_311, %dma_wait3A_312, %dma_wait3A_321] : memref<200x8x32x1024xf32, #tpu.memory_space<hbm>> -> memref<1x1x1x1024xf32, #tpu.memory_space<hbm>>
    %dma_wait3A_323 = tpu.memref_squeeze %dma_wait3A_322 : memref<1x1x1x1024xf32, #tpu.memory_space<hbm>> -> memref<1024xf32, #tpu.memory_space<hbm>>
    %dma_wait3A_324 = arith.constant 0 : i32
    %dma_wait3A_325 = tpu.memref_slice %arg7[%dma_wait3A_308, %dma_wait3A_309, %dma_wait3A_324] : memref<2x2x8192xf32, #tpu.memory_space<vmem>> -> memref<1x1x8192xf32, #tpu.memory_space<vmem>>
    %dma_wait3A_326 = tpu.memref_squeeze %dma_wait3A_325 : memref<1x1x8192xf32, #tpu.memory_space<vmem>> -> memref<8192xf32, #tpu.memory_space<vmem>>
    %dma_wait3A_327 = arith.constant 4096 : i32
    %dma_wait3A_328 = tpu.memref_slice %dma_wait3A_326[%dma_wait3A_327] : memref<8192xf32, #tpu.memory_space<vmem>> -> memref<1024xf32, #tpu.memory_space<vmem>>
    tpu.wait_dma2 semaphore(%arg10 : memref<!tpu.dma_semaphore, #tpu.memory_space<semaphore_mem>>) src(%dma_wait3A_328 : memref<1024xf32, #tpu.memory_space<vmem>>) dst(%dma_wait3A_323 : memref<1024xf32, #tpu.memory_space<hbm>>)
    %dma_wait3A_329 = arith.constant 0 : i32
    %dma_wait3A_330 = arith.constant 1 : i32
    %dma_wait3A_331 = arith.constant 0 : i32
    %dma_wait3A_332 = arith.constant 0 : i32
    %dma_wait3A_333 = arith.constant 0 : i32
    %dma_wait3A_334 = arith.constant 0 : i32
    %dma_wait3A_335 = tpu.memref_slice %arg7[%dma_wait3A_329, %dma_wait3A_330, %dma_wait3A_334] : memref<2x2x8192xf32, #tpu.memory_space<vmem>> -> memref<1x1x8192xf32, #tpu.memory_space<vmem>>
    %dma_wait3A_336 = tpu.memref_squeeze %dma_wait3A_335 : memref<1x1x8192xf32, #tpu.memory_space<vmem>> -> memref<8192xf32, #tpu.memory_space<vmem>>
    %dma_wait3A_337 = arith.constant 5120 : i32
    %dma_wait3A_338 = tpu.memref_slice %dma_wait3A_336[%dma_wait3A_337] : memref<8192xf32, #tpu.memory_space<vmem>> -> memref<1024xf32, #tpu.memory_space<vmem>>
    %dma_wait3A_339 = arith.constant 0 : i32
    %dma_wait3A_340 = tpu.memref_slice %arg4[%dma_wait3A_331, %dma_wait3A_332, %dma_wait3A_333, %dma_wait3A_339] : memref<200x8x32x1024xf32, #tpu.memory_space<hbm>> -> memref<1x1x1x1024xf32, #tpu.memory_space<hbm>>
    %dma_wait3A_341 = tpu.memref_squeeze %dma_wait3A_340 : memref<1x1x1x1024xf32, #tpu.memory_space<hbm>> -> memref<1024xf32, #tpu.memory_space<hbm>>
    %dma_wait3A_342 = arith.constant 0 : i32
    %dma_wait3A_343 = tpu.memref_slice %arg4[%dma_wait3A_331, %dma_wait3A_332, %dma_wait3A_333, %dma_wait3A_342] : memref<200x8x32x1024xf32, #tpu.memory_space<hbm>> -> memref<1x1x1x1024xf32, #tpu.memory_space<hbm>>
    %dma_wait3A_344 = tpu.memref_squeeze %dma_wait3A_343 : memref<1x1x1x1024xf32, #tpu.memory_space<hbm>> -> memref<1024xf32, #tpu.memory_space<hbm>>
    %dma_wait3A_345 = arith.constant 0 : i32
    %dma_wait3A_346 = tpu.memref_slice %arg7[%dma_wait3A_329, %dma_wait3A_330, %dma_wait3A_345] : memref<2x2x8192xf32, #tpu.memory_space<vmem>> -> memref<1x1x8192xf32, #tpu.memory_space<vmem>>
    %dma_wait3A_347 = tpu.memref_squeeze %dma_wait3A_346 : memref<1x1x8192xf32, #tpu.memory_space<vmem>> -> memref<8192xf32, #tpu.memory_space<vmem>>
    %dma_wait3A_348 = arith.constant 5120 : i32
    %dma_wait3A_349 = tpu.memref_slice %dma_wait3A_347[%dma_wait3A_348] : memref<8192xf32, #tpu.memory_space<vmem>> -> memref<1024xf32, #tpu.memory_space<vmem>>
    tpu.wait_dma2 semaphore(%arg10 : memref<!tpu.dma_semaphore, #tpu.memory_space<semaphore_mem>>) src(%dma_wait3A_349 : memref<1024xf32, #tpu.memory_space<vmem>>) dst(%dma_wait3A_344 : memref<1024xf32, #tpu.memory_space<hbm>>)
    %dma_wait3A_350 = arith.constant 0 : i32
    %dma_wait3A_351 = arith.constant 1 : i32
    %dma_wait3A_352 = arith.constant 0 : i32
    %dma_wait3A_353 = arith.constant 0 : i32
    %dma_wait3A_354 = arith.constant 0 : i32
    %dma_wait3A_355 = arith.constant 0 : i32
    %dma_wait3A_356 = tpu.memref_slice %arg7[%dma_wait3A_350, %dma_wait3A_351, %dma_wait3A_355] : memref<2x2x8192xf32, #tpu.memory_space<vmem>> -> memref<1x1x8192xf32, #tpu.memory_space<vmem>>
    %dma_wait3A_357 = tpu.memref_squeeze %dma_wait3A_356 : memref<1x1x8192xf32, #tpu.memory_space<vmem>> -> memref<8192xf32, #tpu.memory_space<vmem>>
    %dma_wait3A_358 = arith.constant 6144 : i32
    %dma_wait3A_359 = tpu.memref_slice %dma_wait3A_357[%dma_wait3A_358] : memref<8192xf32, #tpu.memory_space<vmem>> -> memref<1024xf32, #tpu.memory_space<vmem>>
    %dma_wait3A_360 = arith.constant 0 : i32
    %dma_wait3A_361 = tpu.memref_slice %arg4[%dma_wait3A_352, %dma_wait3A_353, %dma_wait3A_354, %dma_wait3A_360] : memref<200x8x32x1024xf32, #tpu.memory_space<hbm>> -> memref<1x1x1x1024xf32, #tpu.memory_space<hbm>>
    %dma_wait3A_362 = tpu.memref_squeeze %dma_wait3A_361 : memref<1x1x1x1024xf32, #tpu.memory_space<hbm>> -> memref<1024xf32, #tpu.memory_space<hbm>>
    %dma_wait3A_363 = arith.constant 0 : i32
    %dma_wait3A_364 = tpu.memref_slice %arg4[%dma_wait3A_352, %dma_wait3A_353, %dma_wait3A_354, %dma_wait3A_363] : memref<200x8x32x1024xf32, #tpu.memory_space<hbm>> -> memref<1x1x1x1024xf32, #tpu.memory_space<hbm>>
    %dma_wait3A_365 = tpu.memref_squeeze %dma_wait3A_364 : memref<1x1x1x1024xf32, #tpu.memory_space<hbm>> -> memref<1024xf32, #tpu.memory_space<hbm>>
    %dma_wait3A_366 = arith.constant 0 : i32
    %dma_wait3A_367 = tpu.memref_slice %arg7[%dma_wait3A_350, %dma_wait3A_351, %dma_wait3A_366] : memref<2x2x8192xf32, #tpu.memory_space<vmem>> -> memref<1x1x8192xf32, #tpu.memory_space<vmem>>
    %dma_wait3A_368 = tpu.memref_squeeze %dma_wait3A_367 : memref<1x1x8192xf32, #tpu.memory_space<vmem>> -> memref<8192xf32, #tpu.memory_space<vmem>>
    %dma_wait3A_369 = arith.constant 6144 : i32
    %dma_wait3A_370 = tpu.memref_slice %dma_wait3A_368[%dma_wait3A_369] : memref<8192xf32, #tpu.memory_space<vmem>> -> memref<1024xf32, #tpu.memory_space<vmem>>
    tpu.wait_dma2 semaphore(%arg10 : memref<!tpu.dma_semaphore, #tpu.memory_space<semaphore_mem>>) src(%dma_wait3A_370 : memref<1024xf32, #tpu.memory_space<vmem>>) dst(%dma_wait3A_365 : memref<1024xf32, #tpu.memory_space<hbm>>)
    %dma_wait3A_371 = arith.constant 0 : i32
    %dma_wait3A_372 = arith.constant 1 : i32
    %dma_wait3A_373 = arith.constant 0 : i32
    %dma_wait3A_374 = arith.constant 0 : i32
    %dma_wait3A_375 = arith.constant 0 : i32
    %dma_wait3A_376 = arith.constant 0 : i32
    %dma_wait3A_377 = tpu.memref_slice %arg7[%dma_wait3A_371, %dma_wait3A_372, %dma_wait3A_376] : memref<2x2x8192xf32, #tpu.memory_space<vmem>> -> memref<1x1x8192xf32, #tpu.memory_space<vmem>>
    %dma_wait3A_378 = tpu.memref_squeeze %dma_wait3A_377 : memref<1x1x8192xf32, #tpu.memory_space<vmem>> -> memref<8192xf32, #tpu.memory_space<vmem>>
    %dma_wait3A_379 = arith.constant 7168 : i32
    %dma_wait3A_380 = tpu.memref_slice %dma_wait3A_378[%dma_wait3A_379] : memref<8192xf32, #tpu.memory_space<vmem>> -> memref<1024xf32, #tpu.memory_space<vmem>>
    %dma_wait3A_381 = arith.constant 0 : i32
    %dma_wait3A_382 = tpu.memref_slice %arg4[%dma_wait3A_373, %dma_wait3A_374, %dma_wait3A_375, %dma_wait3A_381] : memref<200x8x32x1024xf32, #tpu.memory_space<hbm>> -> memref<1x1x1x1024xf32, #tpu.memory_space<hbm>>
    %dma_wait3A_383 = tpu.memref_squeeze %dma_wait3A_382 : memref<1x1x1x1024xf32, #tpu.memory_space<hbm>> -> memref<1024xf32, #tpu.memory_space<hbm>>
    %dma_wait3A_384 = arith.constant 0 : i32
    %dma_wait3A_385 = tpu.memref_slice %arg4[%dma_wait3A_373, %dma_wait3A_374, %dma_wait3A_375, %dma_wait3A_384] : memref<200x8x32x1024xf32, #tpu.memory_space<hbm>> -> memref<1x1x1x1024xf32, #tpu.memory_space<hbm>>
    %dma_wait3A_386 = tpu.memref_squeeze %dma_wait3A_385 : memref<1x1x1x1024xf32, #tpu.memory_space<hbm>> -> memref<1024xf32, #tpu.memory_space<hbm>>
    %dma_wait3A_387 = arith.constant 0 : i32
    %dma_wait3A_388 = tpu.memref_slice %arg7[%dma_wait3A_371, %dma_wait3A_372, %dma_wait3A_387] : memref<2x2x8192xf32, #tpu.memory_space<vmem>> -> memref<1x1x8192xf32, #tpu.memory_space<vmem>>
    %dma_wait3A_389 = tpu.memref_squeeze %dma_wait3A_388 : memref<1x1x8192xf32, #tpu.memory_space<vmem>> -> memref<8192xf32, #tpu.memory_space<vmem>>
    %dma_wait3A_390 = arith.constant 7168 : i32
    %dma_wait3A_391 = tpu.memref_slice %dma_wait3A_389[%dma_wait3A_390] : memref<8192xf32, #tpu.memory_space<vmem>> -> memref<1024xf32, #tpu.memory_space<vmem>>
    tpu.wait_dma2 semaphore(%arg10 : memref<!tpu.dma_semaphore, #tpu.memory_space<semaphore_mem>>) src(%dma_wait3A_391 : memref<1024xf32, #tpu.memory_space<vmem>>) dst(%dma_wait3A_386 : memref<1024xf32, #tpu.memory_space<hbm>>)
    %dma_wait3A_392 = arith.constant 1 : i32
    %dma_wait3A_393 = arith.constant 0 : i32
    %dma_wait3A_394 = arith.constant 0 : i32
    %dma_wait3A_395 = arith.constant 0 : i32
    %dma_wait3A_396 = arith.constant 0 : i32
    %dma_wait3A_397 = arith.constant 0 : i32
    %dma_wait3A_398 = tpu.memref_slice %arg7[%dma_wait3A_392, %dma_wait3A_393, %dma_wait3A_397] : memref<2x2x8192xf32, #tpu.memory_space<vmem>> -> memref<1x1x8192xf32, #tpu.memory_space<vmem>>
    %dma_wait3A_399 = tpu.memref_squeeze %dma_wait3A_398 : memref<1x1x8192xf32, #tpu.memory_space<vmem>> -> memref<8192xf32, #tpu.memory_space<vmem>>
    %dma_wait3A_400 = arith.constant 0 : i32
    %dma_wait3A_401 = tpu.memref_slice %dma_wait3A_399[%dma_wait3A_400] : memref<8192xf32, #tpu.memory_space<vmem>> -> memref<1024xf32, #tpu.memory_space<vmem>>
    %dma_wait3A_402 = arith.constant 0 : i32
    %dma_wait3A_403 = tpu.memref_slice %arg4[%dma_wait3A_394, %dma_wait3A_395, %dma_wait3A_396, %dma_wait3A_402] : memref<200x8x32x1024xf32, #tpu.memory_space<hbm>> -> memref<1x1x1x1024xf32, #tpu.memory_space<hbm>>
    %dma_wait3A_404 = tpu.memref_squeeze %dma_wait3A_403 : memref<1x1x1x1024xf32, #tpu.memory_space<hbm>> -> memref<1024xf32, #tpu.memory_space<hbm>>
    %dma_wait3A_405 = arith.constant 0 : i32
    %dma_wait3A_406 = tpu.memref_slice %arg4[%dma_wait3A_394, %dma_wait3A_395, %dma_wait3A_396, %dma_wait3A_405] : memref<200x8x32x1024xf32, #tpu.memory_space<hbm>> -> memref<1x1x1x1024xf32, #tpu.memory_space<hbm>>
    %dma_wait3A_407 = tpu.memref_squeeze %dma_wait3A_406 : memref<1x1x1x1024xf32, #tpu.memory_space<hbm>> -> memref<1024xf32, #tpu.memory_space<hbm>>
    %dma_wait3A_408 = arith.constant 0 : i32
    %dma_wait3A_409 = tpu.memref_slice %arg7[%dma_wait3A_392, %dma_wait3A_393, %dma_wait3A_408] : memref<2x2x8192xf32, #tpu.memory_space<vmem>> -> memref<1x1x8192xf32, #tpu.memory_space<vmem>>
    %dma_wait3A_410 = tpu.memref_squeeze %dma_wait3A_409 : memref<1x1x8192xf32, #tpu.memory_space<vmem>> -> memref<8192xf32, #tpu.memory_space<vmem>>
    %dma_wait3A_411 = arith.constant 0 : i32
    %dma_wait3A_412 = tpu.memref_slice %dma_wait3A_410[%dma_wait3A_411] : memref<8192xf32, #tpu.memory_space<vmem>> -> memref<1024xf32, #tpu.memory_space<vmem>>
    tpu.wait_dma2 semaphore(%arg11 : memref<!tpu.dma_semaphore, #tpu.memory_space<semaphore_mem>>) src(%dma_wait3A_412 : memref<1024xf32, #tpu.memory_space<vmem>>) dst(%dma_wait3A_407 : memref<1024xf32, #tpu.memory_space<hbm>>)
    %dma_wait3A_413 = arith.constant 1 : i32
    %dma_wait3A_414 = arith.constant 0 : i32
    %dma_wait3A_415 = arith.constant 0 : i32
    %dma_wait3A_416 = arith.constant 0 : i32
    %dma_wait3A_417 = arith.constant 0 : i32
    %dma_wait3A_418 = arith.constant 0 : i32
    %dma_wait3A_419 = tpu.memref_slice %arg7[%dma_wait3A_413, %dma_wait3A_414, %dma_wait3A_418] : memref<2x2x8192xf32, #tpu.memory_space<vmem>> -> memref<1x1x8192xf32, #tpu.memory_space<vmem>>
    %dma_wait3A_420 = tpu.memref_squeeze %dma_wait3A_419 : memref<1x1x8192xf32, #tpu.memory_space<vmem>> -> memref<8192xf32, #tpu.memory_space<vmem>>
    %dma_wait3A_421 = arith.constant 1024 : i32
    %dma_wait3A_422 = tpu.memref_slice %dma_wait3A_420[%dma_wait3A_421] : memref<8192xf32, #tpu.memory_space<vmem>> -> memref<1024xf32, #tpu.memory_space<vmem>>
    %dma_wait3A_423 = arith.constant 0 : i32
    %dma_wait3A_424 = tpu.memref_slice %arg4[%dma_wait3A_415, %dma_wait3A_416, %dma_wait3A_417, %dma_wait3A_423] : memref<200x8x32x1024xf32, #tpu.memory_space<hbm>> -> memref<1x1x1x1024xf32, #tpu.memory_space<hbm>>
    %dma_wait3A_425 = tpu.memref_squeeze %dma_wait3A_424 : memref<1x1x1x1024xf32, #tpu.memory_space<hbm>> -> memref<1024xf32, #tpu.memory_space<hbm>>
    %dma_wait3A_426 = arith.constant 0 : i32
    %dma_wait3A_427 = tpu.memref_slice %arg4[%dma_wait3A_415, %dma_wait3A_416, %dma_wait3A_417, %dma_wait3A_426] : memref<200x8x32x1024xf32, #tpu.memory_space<hbm>> -> memref<1x1x1x1024xf32, #tpu.memory_space<hbm>>
    %dma_wait3A_428 = tpu.memref_squeeze %dma_wait3A_427 : memref<1x1x1x1024xf32, #tpu.memory_space<hbm>> -> memref<1024xf32, #tpu.memory_space<hbm>>
    %dma_wait3A_429 = arith.constant 0 : i32
    %dma_wait3A_430 = tpu.memref_slice %arg7[%dma_wait3A_413, %dma_wait3A_414, %dma_wait3A_429] : memref<2x2x8192xf32, #tpu.memory_space<vmem>> -> memref<1x1x8192xf32, #tpu.memory_space<vmem>>
    %dma_wait3A_431 = tpu.memref_squeeze %dma_wait3A_430 : memref<1x1x8192xf32, #tpu.memory_space<vmem>> -> memref<8192xf32, #tpu.memory_space<vmem>>
    %dma_wait3A_432 = arith.constant 1024 : i32
    %dma_wait3A_433 = tpu.memref_slice %dma_wait3A_431[%dma_wait3A_432] : memref<8192xf32, #tpu.memory_space<vmem>> -> memref<1024xf32, #tpu.memory_space<vmem>>
    tpu.wait_dma2 semaphore(%arg11 : memref<!tpu.dma_semaphore, #tpu.memory_space<semaphore_mem>>) src(%dma_wait3A_433 : memref<1024xf32, #tpu.memory_space<vmem>>) dst(%dma_wait3A_428 : memref<1024xf32, #tpu.memory_space<hbm>>)
    %dma_wait3A_434 = arith.constant 1 : i32
    %dma_wait3A_435 = arith.constant 0 : i32
    %dma_wait3A_436 = arith.constant 0 : i32
    %dma_wait3A_437 = arith.constant 0 : i32
    %dma_wait3A_438 = arith.constant 0 : i32
    %dma_wait3A_439 = arith.constant 0 : i32
    %dma_wait3A_440 = tpu.memref_slice %arg7[%dma_wait3A_434, %dma_wait3A_435, %dma_wait3A_439] : memref<2x2x8192xf32, #tpu.memory_space<vmem>> -> memref<1x1x8192xf32, #tpu.memory_space<vmem>>
    %dma_wait3A_441 = tpu.memref_squeeze %dma_wait3A_440 : memref<1x1x8192xf32, #tpu.memory_space<vmem>> -> memref<8192xf32, #tpu.memory_space<vmem>>
    %dma_wait3A_442 = arith.constant 2048 : i32
    %dma_wait3A_443 = tpu.memref_slice %dma_wait3A_441[%dma_wait3A_442] : memref<8192xf32, #tpu.memory_space<vmem>> -> memref<1024xf32, #tpu.memory_space<vmem>>
    %dma_wait3A_444 = arith.constant 0 : i32
    %dma_wait3A_445 = tpu.memref_slice %arg4[%dma_wait3A_436, %dma_wait3A_437, %dma_wait3A_438, %dma_wait3A_444] : memref<200x8x32x1024xf32, #tpu.memory_space<hbm>> -> memref<1x1x1x1024xf32, #tpu.memory_space<hbm>>
    %dma_wait3A_446 = tpu.memref_squeeze %dma_wait3A_445 : memref<1x1x1x1024xf32, #tpu.memory_space<hbm>> -> memref<1024xf32, #tpu.memory_space<hbm>>
    %dma_wait3A_447 = arith.constant 0 : i32
    %dma_wait3A_448 = tpu.memref_slice %arg4[%dma_wait3A_436, %dma_wait3A_437, %dma_wait3A_438, %dma_wait3A_447] : memref<200x8x32x1024xf32, #tpu.memory_space<hbm>> -> memref<1x1x1x1024xf32, #tpu.memory_space<hbm>>
    %dma_wait3A_449 = tpu.memref_squeeze %dma_wait3A_448 : memref<1x1x1x1024xf32, #tpu.memory_space<hbm>> -> memref<1024xf32, #tpu.memory_space<hbm>>
    %dma_wait3A_450 = arith.constant 0 : i32
    %dma_wait3A_451 = tpu.memref_slice %arg7[%dma_wait3A_434, %dma_wait3A_435, %dma_wait3A_450] : memref<2x2x8192xf32, #tpu.memory_space<vmem>> -> memref<1x1x8192xf32, #tpu.memory_space<vmem>>
    %dma_wait3A_452 = tpu.memref_squeeze %dma_wait3A_451 : memref<1x1x8192xf32, #tpu.memory_space<vmem>> -> memref<8192xf32, #tpu.memory_space<vmem>>
    %dma_wait3A_453 = arith.constant 2048 : i32
    %dma_wait3A_454 = tpu.memref_slice %dma_wait3A_452[%dma_wait3A_453] : memref<8192xf32, #tpu.memory_space<vmem>> -> memref<1024xf32, #tpu.memory_space<vmem>>
    tpu.wait_dma2 semaphore(%arg11 : memref<!tpu.dma_semaphore, #tpu.memory_space<semaphore_mem>>) src(%dma_wait3A_454 : memref<1024xf32, #tpu.memory_space<vmem>>) dst(%dma_wait3A_449 : memref<1024xf32, #tpu.memory_space<hbm>>)
    %dma_wait3A_455 = arith.constant 1 : i32
    %dma_wait3A_456 = arith.constant 0 : i32
    %dma_wait3A_457 = arith.constant 0 : i32
    %dma_wait3A_458 = arith.constant 0 : i32
    %dma_wait3A_459 = arith.constant 0 : i32
    %dma_wait3A_460 = arith.constant 0 : i32
    %dma_wait3A_461 = tpu.memref_slice %arg7[%dma_wait3A_455, %dma_wait3A_456, %dma_wait3A_460] : memref<2x2x8192xf32, #tpu.memory_space<vmem>> -> memref<1x1x8192xf32, #tpu.memory_space<vmem>>
    %dma_wait3A_462 = tpu.memref_squeeze %dma_wait3A_461 : memref<1x1x8192xf32, #tpu.memory_space<vmem>> -> memref<8192xf32, #tpu.memory_space<vmem>>
    %dma_wait3A_463 = arith.constant 3072 : i32
    %dma_wait3A_464 = tpu.memref_slice %dma_wait3A_462[%dma_wait3A_463] : memref<8192xf32, #tpu.memory_space<vmem>> -> memref<1024xf32, #tpu.memory_space<vmem>>
    %dma_wait3A_465 = arith.constant 0 : i32
    %dma_wait3A_466 = tpu.memref_slice %arg4[%dma_wait3A_457, %dma_wait3A_458, %dma_wait3A_459, %dma_wait3A_465] : memref<200x8x32x1024xf32, #tpu.memory_space<hbm>> -> memref<1x1x1x1024xf32, #tpu.memory_space<hbm>>
    %dma_wait3A_467 = tpu.memref_squeeze %dma_wait3A_466 : memref<1x1x1x1024xf32, #tpu.memory_space<hbm>> -> memref<1024xf32, #tpu.memory_space<hbm>>
    %dma_wait3A_468 = arith.constant 0 : i32
    %dma_wait3A_469 = tpu.memref_slice %arg4[%dma_wait3A_457, %dma_wait3A_458, %dma_wait3A_459, %dma_wait3A_468] : memref<200x8x32x1024xf32, #tpu.memory_space<hbm>> -> memref<1x1x1x1024xf32, #tpu.memory_space<hbm>>
    %dma_wait3A_470 = tpu.memref_squeeze %dma_wait3A_469 : memref<1x1x1x1024xf32, #tpu.memory_space<hbm>> -> memref<1024xf32, #tpu.memory_space<hbm>>
    %dma_wait3A_471 = arith.constant 0 : i32
    %dma_wait3A_472 = tpu.memref_slice %arg7[%dma_wait3A_455, %dma_wait3A_456, %dma_wait3A_471] : memref<2x2x8192xf32, #tpu.memory_space<vmem>> -> memref<1x1x8192xf32, #tpu.memory_space<vmem>>
    %dma_wait3A_473 = tpu.memref_squeeze %dma_wait3A_472 : memref<1x1x8192xf32, #tpu.memory_space<vmem>> -> memref<8192xf32, #tpu.memory_space<vmem>>
    %dma_wait3A_474 = arith.constant 3072 : i32
    %dma_wait3A_475 = tpu.memref_slice %dma_wait3A_473[%dma_wait3A_474] : memref<8192xf32, #tpu.memory_space<vmem>> -> memref<1024xf32, #tpu.memory_space<vmem>>
    tpu.wait_dma2 semaphore(%arg11 : memref<!tpu.dma_semaphore, #tpu.memory_space<semaphore_mem>>) src(%dma_wait3A_475 : memref<1024xf32, #tpu.memory_space<vmem>>) dst(%dma_wait3A_470 : memref<1024xf32, #tpu.memory_space<hbm>>)
    %dma_wait3A_476 = arith.constant 1 : i32
    %dma_wait3A_477 = arith.constant 0 : i32
    %dma_wait3A_478 = arith.constant 0 : i32
    %dma_wait3A_479 = arith.constant 0 : i32
    %dma_wait3A_480 = arith.constant 0 : i32
    %dma_wait3A_481 = arith.constant 0 : i32
    %dma_wait3A_482 = tpu.memref_slice %arg7[%dma_wait3A_476, %dma_wait3A_477, %dma_wait3A_481] : memref<2x2x8192xf32, #tpu.memory_space<vmem>> -> memref<1x1x8192xf32, #tpu.memory_space<vmem>>
    %dma_wait3A_483 = tpu.memref_squeeze %dma_wait3A_482 : memref<1x1x8192xf32, #tpu.memory_space<vmem>> -> memref<8192xf32, #tpu.memory_space<vmem>>
    %dma_wait3A_484 = arith.constant 4096 : i32
    %dma_wait3A_485 = tpu.memref_slice %dma_wait3A_483[%dma_wait3A_484] : memref<8192xf32, #tpu.memory_space<vmem>> -> memref<1024xf32, #tpu.memory_space<vmem>>
    %dma_wait3A_486 = arith.constant 0 : i32
    %dma_wait3A_487 = tpu.memref_slice %arg4[%dma_wait3A_478, %dma_wait3A_479, %dma_wait3A_480, %dma_wait3A_486] : memref<200x8x32x1024xf32, #tpu.memory_space<hbm>> -> memref<1x1x1x1024xf32, #tpu.memory_space<hbm>>
    %dma_wait3A_488 = tpu.memref_squeeze %dma_wait3A_487 : memref<1x1x1x1024xf32, #tpu.memory_space<hbm>> -> memref<1024xf32, #tpu.memory_space<hbm>>
    %dma_wait3A_489 = arith.constant 0 : i32
    %dma_wait3A_490 = tpu.memref_slice %arg4[%dma_wait3A_478, %dma_wait3A_479, %dma_wait3A_480, %dma_wait3A_489] : memref<200x8x32x1024xf32, #tpu.memory_space<hbm>> -> memref<1x1x1x1024xf32, #tpu.memory_space<hbm>>
    %dma_wait3A_491 = tpu.memref_squeeze %dma_wait3A_490 : memref<1x1x1x1024xf32, #tpu.memory_space<hbm>> -> memref<1024xf32, #tpu.memory_space<hbm>>
    %dma_wait3A_492 = arith.constant 0 : i32
    %dma_wait3A_493 = tpu.memref_slice %arg7[%dma_wait3A_476, %dma_wait3A_477, %dma_wait3A_492] : memref<2x2x8192xf32, #tpu.memory_space<vmem>> -> memref<1x1x8192xf32, #tpu.memory_space<vmem>>
    %dma_wait3A_494 = tpu.memref_squeeze %dma_wait3A_493 : memref<1x1x8192xf32, #tpu.memory_space<vmem>> -> memref<8192xf32, #tpu.memory_space<vmem>>
    %dma_wait3A_495 = arith.constant 4096 : i32
    %dma_wait3A_496 = tpu.memref_slice %dma_wait3A_494[%dma_wait3A_495] : memref<8192xf32, #tpu.memory_space<vmem>> -> memref<1024xf32, #tpu.memory_space<vmem>>
    tpu.wait_dma2 semaphore(%arg11 : memref<!tpu.dma_semaphore, #tpu.memory_space<semaphore_mem>>) src(%dma_wait3A_496 : memref<1024xf32, #tpu.memory_space<vmem>>) dst(%dma_wait3A_491 : memref<1024xf32, #tpu.memory_space<hbm>>)
    %dma_wait3A_497 = arith.constant 1 : i32
    %dma_wait3A_498 = arith.constant 0 : i32
    %dma_wait3A_499 = arith.constant 0 : i32
    %dma_wait3A_500 = arith.constant 0 : i32
    %dma_wait3A_501 = arith.constant 0 : i32
    %dma_wait3A_502 = arith.constant 0 : i32
    %dma_wait3A_503 = tpu.memref_slice %arg7[%dma_wait3A_497, %dma_wait3A_498, %dma_wait3A_502] : memref<2x2x8192xf32, #tpu.memory_space<vmem>> -> memref<1x1x8192xf32, #tpu.memory_space<vmem>>
    %dma_wait3A_504 = tpu.memref_squeeze %dma_wait3A_503 : memref<1x1x8192xf32, #tpu.memory_space<vmem>> -> memref<8192xf32, #tpu.memory_space<vmem>>
    %dma_wait3A_505 = arith.constant 5120 : i32
    %dma_wait3A_506 = tpu.memref_slice %dma_wait3A_504[%dma_wait3A_505] : memref<8192xf32, #tpu.memory_space<vmem>> -> memref<1024xf32, #tpu.memory_space<vmem>>
    %dma_wait3A_507 = arith.constant 0 : i32
    %dma_wait3A_508 = tpu.memref_slice %arg4[%dma_wait3A_499, %dma_wait3A_500, %dma_wait3A_501, %dma_wait3A_507] : memref<200x8x32x1024xf32, #tpu.memory_space<hbm>> -> memref<1x1x1x1024xf32, #tpu.memory_space<hbm>>
    %dma_wait3A_509 = tpu.memref_squeeze %dma_wait3A_508 : memref<1x1x1x1024xf32, #tpu.memory_space<hbm>> -> memref<1024xf32, #tpu.memory_space<hbm>>
    %dma_wait3A_510 = arith.constant 0 : i32
    %dma_wait3A_511 = tpu.memref_slice %arg4[%dma_wait3A_499, %dma_wait3A_500, %dma_wait3A_501, %dma_wait3A_510] : memref<200x8x32x1024xf32, #tpu.memory_space<hbm>> -> memref<1x1x1x1024xf32, #tpu.memory_space<hbm>>
    %dma_wait3A_512 = tpu.memref_squeeze %dma_wait3A_511 : memref<1x1x1x1024xf32, #tpu.memory_space<hbm>> -> memref<1024xf32, #tpu.memory_space<hbm>>
    %dma_wait3A_513 = arith.constant 0 : i32
    %dma_wait3A_514 = tpu.memref_slice %arg7[%dma_wait3A_497, %dma_wait3A_498, %dma_wait3A_513] : memref<2x2x8192xf32, #tpu.memory_space<vmem>> -> memref<1x1x8192xf32, #tpu.memory_space<vmem>>
    %dma_wait3A_515 = tpu.memref_squeeze %dma_wait3A_514 : memref<1x1x8192xf32, #tpu.memory_space<vmem>> -> memref<8192xf32, #tpu.memory_space<vmem>>
    %dma_wait3A_516 = arith.constant 5120 : i32
    %dma_wait3A_517 = tpu.memref_slice %dma_wait3A_515[%dma_wait3A_516] : memref<8192xf32, #tpu.memory_space<vmem>> -> memref<1024xf32, #tpu.memory_space<vmem>>
    tpu.wait_dma2 semaphore(%arg11 : memref<!tpu.dma_semaphore, #tpu.memory_space<semaphore_mem>>) src(%dma_wait3A_517 : memref<1024xf32, #tpu.memory_space<vmem>>) dst(%dma_wait3A_512 : memref<1024xf32, #tpu.memory_space<hbm>>)
    %dma_wait3A_518 = arith.constant 1 : i32
    %dma_wait3A_519 = arith.constant 0 : i32
    %dma_wait3A_520 = arith.constant 0 : i32
    %dma_wait3A_521 = arith.constant 0 : i32
    %dma_wait3A_522 = arith.constant 0 : i32
    %dma_wait3A_523 = arith.constant 0 : i32
    %dma_wait3A_524 = tpu.memref_slice %arg7[%dma_wait3A_518, %dma_wait3A_519, %dma_wait3A_523] : memref<2x2x8192xf32, #tpu.memory_space<vmem>> -> memref<1x1x8192xf32, #tpu.memory_space<vmem>>
    %dma_wait3A_525 = tpu.memref_squeeze %dma_wait3A_524 : memref<1x1x8192xf32, #tpu.memory_space<vmem>> -> memref<8192xf32, #tpu.memory_space<vmem>>
    %dma_wait3A_526 = arith.constant 6144 : i32
    %dma_wait3A_527 = tpu.memref_slice %dma_wait3A_525[%dma_wait3A_526] : memref<8192xf32, #tpu.memory_space<vmem>> -> memref<1024xf32, #tpu.memory_space<vmem>>
    %dma_wait3A_528 = arith.constant 0 : i32
    %dma_wait3A_529 = tpu.memref_slice %arg4[%dma_wait3A_520, %dma_wait3A_521, %dma_wait3A_522, %dma_wait3A_528] : memref<200x8x32x1024xf32, #tpu.memory_space<hbm>> -> memref<1x1x1x1024xf32, #tpu.memory_space<hbm>>
    %dma_wait3A_530 = tpu.memref_squeeze %dma_wait3A_529 : memref<1x1x1x1024xf32, #tpu.memory_space<hbm>> -> memref<1024xf32, #tpu.memory_space<hbm>>
    %dma_wait3A_531 = arith.constant 0 : i32
    %dma_wait3A_532 = tpu.memref_slice %arg4[%dma_wait3A_520, %dma_wait3A_521, %dma_wait3A_522, %dma_wait3A_531] : memref<200x8x32x1024xf32, #tpu.memory_space<hbm>> -> memref<1x1x1x1024xf32, #tpu.memory_space<hbm>>
    %dma_wait3A_533 = tpu.memref_squeeze %dma_wait3A_532 : memref<1x1x1x1024xf32, #tpu.memory_space<hbm>> -> memref<1024xf32, #tpu.memory_space<hbm>>
    %dma_wait3A_534 = arith.constant 0 : i32
    %dma_wait3A_535 = tpu.memref_slice %arg7[%dma_wait3A_518, %dma_wait3A_519, %dma_wait3A_534] : memref<2x2x8192xf32, #tpu.memory_space<vmem>> -> memref<1x1x8192xf32, #tpu.memory_space<vmem>>
    %dma_wait3A_536 = tpu.memref_squeeze %dma_wait3A_535 : memref<1x1x8192xf32, #tpu.memory_space<vmem>> -> memref<8192xf32, #tpu.memory_space<vmem>>
    %dma_wait3A_537 = arith.constant 6144 : i32
    %dma_wait3A_538 = tpu.memref_slice %dma_wait3A_536[%dma_wait3A_537] : memref<8192xf32, #tpu.memory_space<vmem>> -> memref<1024xf32, #tpu.memory_space<vmem>>
    tpu.wait_dma2 semaphore(%arg11 : memref<!tpu.dma_semaphore, #tpu.memory_space<semaphore_mem>>) src(%dma_wait3A_538 : memref<1024xf32, #tpu.memory_space<vmem>>) dst(%dma_wait3A_533 : memref<1024xf32, #tpu.memory_space<hbm>>)
    %dma_wait3A_539 = arith.constant 1 : i32
    %dma_wait3A_540 = arith.constant 0 : i32
    %dma_wait3A_541 = arith.constant 0 : i32
    %dma_wait3A_542 = arith.constant 0 : i32
    %dma_wait3A_543 = arith.constant 0 : i32
    %dma_wait3A_544 = arith.constant 0 : i32
    %dma_wait3A_545 = tpu.memref_slice %arg7[%dma_wait3A_539, %dma_wait3A_540, %dma_wait3A_544] : memref<2x2x8192xf32, #tpu.memory_space<vmem>> -> memref<1x1x8192xf32, #tpu.memory_space<vmem>>
    %dma_wait3A_546 = tpu.memref_squeeze %dma_wait3A_545 : memref<1x1x8192xf32, #tpu.memory_space<vmem>> -> memref<8192xf32, #tpu.memory_space<vmem>>
    %dma_wait3A_547 = arith.constant 7168 : i32
    %dma_wait3A_548 = tpu.memref_slice %dma_wait3A_546[%dma_wait3A_547] : memref<8192xf32, #tpu.memory_space<vmem>> -> memref<1024xf32, #tpu.memory_space<vmem>>
    %dma_wait3A_549 = arith.constant 0 : i32
    %dma_wait3A_550 = tpu.memref_slice %arg4[%dma_wait3A_541, %dma_wait3A_542, %dma_wait3A_543, %dma_wait3A_549] : memref<200x8x32x1024xf32, #tpu.memory_space<hbm>> -> memref<1x1x1x1024xf32, #tpu.memory_space<hbm>>
    %dma_wait3A_551 = tpu.memref_squeeze %dma_wait3A_550 : memref<1x1x1x1024xf32, #tpu.memory_space<hbm>> -> memref<1024xf32, #tpu.memory_space<hbm>>
    %dma_wait3A_552 = arith.constant 0 : i32
    %dma_wait3A_553 = tpu.memref_slice %arg4[%dma_wait3A_541, %dma_wait3A_542, %dma_wait3A_543, %dma_wait3A_552] : memref<200x8x32x1024xf32, #tpu.memory_space<hbm>> -> memref<1x1x1x1024xf32, #tpu.memory_space<hbm>>
    %dma_wait3A_554 = tpu.memref_squeeze %dma_wait3A_553 : memref<1x1x1x1024xf32, #tpu.memory_space<hbm>> -> memref<1024xf32, #tpu.memory_space<hbm>>
    %dma_wait3A_555 = arith.constant 0 : i32
    %dma_wait3A_556 = tpu.memref_slice %arg7[%dma_wait3A_539, %dma_wait3A_540, %dma_wait3A_555] : memref<2x2x8192xf32, #tpu.memory_space<vmem>> -> memref<1x1x8192xf32, #tpu.memory_space<vmem>>
    %dma_wait3A_557 = tpu.memref_squeeze %dma_wait3A_556 : memref<1x1x8192xf32, #tpu.memory_space<vmem>> -> memref<8192xf32, #tpu.memory_space<vmem>>
    %dma_wait3A_558 = arith.constant 7168 : i32
    %dma_wait3A_559 = tpu.memref_slice %dma_wait3A_557[%dma_wait3A_558] : memref<8192xf32, #tpu.memory_space<vmem>> -> memref<1024xf32, #tpu.memory_space<vmem>>
    tpu.wait_dma2 semaphore(%arg11 : memref<!tpu.dma_semaphore, #tpu.memory_space<semaphore_mem>>) src(%dma_wait3A_559 : memref<1024xf32, #tpu.memory_space<vmem>>) dst(%dma_wait3A_554 : memref<1024xf32, #tpu.memory_space<hbm>>)
    %dma_wait3A_560 = arith.constant 1 : i32
    %dma_wait3A_561 = arith.constant 1 : i32
    %dma_wait3A_562 = arith.constant 0 : i32
    %dma_wait3A_563 = arith.constant 0 : i32
    %dma_wait3A_564 = arith.constant 0 : i32
    %dma_wait3A_565 = arith.constant 0 : i32
    %dma_wait3A_566 = tpu.memref_slice %arg7[%dma_wait3A_560, %dma_wait3A_561, %dma_wait3A_565] : memref<2x2x8192xf32, #tpu.memory_space<vmem>> -> memref<1x1x8192xf32, #tpu.memory_space<vmem>>
    %dma_wait3A_567 = tpu.memref_squeeze %dma_wait3A_566 : memref<1x1x8192xf32, #tpu.memory_space<vmem>> -> memref<8192xf32, #tpu.memory_space<vmem>>
    %dma_wait3A_568 = arith.constant 0 : i32
    %dma_wait3A_569 = tpu.memref_slice %dma_wait3A_567[%dma_wait3A_568] : memref<8192xf32, #tpu.memory_space<vmem>> -> memref<1024xf32, #tpu.memory_space<vmem>>
    %dma_wait3A_570 = arith.constant 0 : i32
    %dma_wait3A_571 = tpu.memref_slice %arg4[%dma_wait3A_562, %dma_wait3A_563, %dma_wait3A_564, %dma_wait3A_570] : memref<200x8x32x1024xf32, #tpu.memory_space<hbm>> -> memref<1x1x1x1024xf32, #tpu.memory_space<hbm>>
    %dma_wait3A_572 = tpu.memref_squeeze %dma_wait3A_571 : memref<1x1x1x1024xf32, #tpu.memory_space<hbm>> -> memref<1024xf32, #tpu.memory_space<hbm>>
    %dma_wait3A_573 = arith.constant 0 : i32
    %dma_wait3A_574 = tpu.memref_slice %arg4[%dma_wait3A_562, %dma_wait3A_563, %dma_wait3A_564, %dma_wait3A_573] : memref<200x8x32x1024xf32, #tpu.memory_space<hbm>> -> memref<1x1x1x1024xf32, #tpu.memory_space<hbm>>
    %dma_wait3A_575 = tpu.memref_squeeze %dma_wait3A_574 : memref<1x1x1x1024xf32, #tpu.memory_space<hbm>> -> memref<1024xf32, #tpu.memory_space<hbm>>
    %dma_wait3A_576 = arith.constant 0 : i32
    %dma_wait3A_577 = tpu.memref_slice %arg7[%dma_wait3A_560, %dma_wait3A_561, %dma_wait3A_576] : memref<2x2x8192xf32, #tpu.memory_space<vmem>> -> memref<1x1x8192xf32, #tpu.memory_space<vmem>>
    %dma_wait3A_578 = tpu.memref_squeeze %dma_wait3A_577 : memref<1x1x8192xf32, #tpu.memory_space<vmem>> -> memref<8192xf32, #tpu.memory_space<vmem>>
    %dma_wait3A_579 = arith.constant 0 : i32
    %dma_wait3A_580 = tpu.memref_slice %dma_wait3A_578[%dma_wait3A_579] : memref<8192xf32, #tpu.memory_space<vmem>> -> memref<1024xf32, #tpu.memory_space<vmem>>
    tpu.wait_dma2 semaphore(%arg11 : memref<!tpu.dma_semaphore, #tpu.memory_space<semaphore_mem>>) src(%dma_wait3A_580 : memref<1024xf32, #tpu.memory_space<vmem>>) dst(%dma_wait3A_575 : memref<1024xf32, #tpu.memory_space<hbm>>)
    %dma_wait3A_581 = arith.constant 1 : i32
    %dma_wait3A_582 = arith.constant 1 : i32
    %dma_wait3A_583 = arith.constant 0 : i32
    %dma_wait3A_584 = arith.constant 0 : i32
    %dma_wait3A_585 = arith.constant 0 : i32
    %dma_wait3A_586 = arith.constant 0 : i32
    %dma_wait3A_587 = tpu.memref_slice %arg7[%dma_wait3A_581, %dma_wait3A_582, %dma_wait3A_586] : memref<2x2x8192xf32, #tpu.memory_space<vmem>> -> memref<1x1x8192xf32, #tpu.memory_space<vmem>>
    %dma_wait3A_588 = tpu.memref_squeeze %dma_wait3A_587 : memref<1x1x8192xf32, #tpu.memory_space<vmem>> -> memref<8192xf32, #tpu.memory_space<vmem>>
    %dma_wait3A_589 = arith.constant 1024 : i32
    %dma_wait3A_590 = tpu.memref_slice %dma_wait3A_588[%dma_wait3A_589] : memref<8192xf32, #tpu.memory_space<vmem>> -> memref<1024xf32, #tpu.memory_space<vmem>>
    %dma_wait3A_591 = arith.constant 0 : i32
    %dma_wait3A_592 = tpu.memref_slice %arg4[%dma_wait3A_583, %dma_wait3A_584, %dma_wait3A_585, %dma_wait3A_591] : memref<200x8x32x1024xf32, #tpu.memory_space<hbm>> -> memref<1x1x1x1024xf32, #tpu.memory_space<hbm>>
    %dma_wait3A_593 = tpu.memref_squeeze %dma_wait3A_592 : memref<1x1x1x1024xf32, #tpu.memory_space<hbm>> -> memref<1024xf32, #tpu.memory_space<hbm>>
    %dma_wait3A_594 = arith.constant 0 : i32
    %dma_wait3A_595 = tpu.memref_slice %arg4[%dma_wait3A_583, %dma_wait3A_584, %dma_wait3A_585, %dma_wait3A_594] : memref<200x8x32x1024xf32, #tpu.memory_space<hbm>> -> memref<1x1x1x1024xf32, #tpu.memory_space<hbm>>
    %dma_wait3A_596 = tpu.memref_squeeze %dma_wait3A_595 : memref<1x1x1x1024xf32, #tpu.memory_space<hbm>> -> memref<1024xf32, #tpu.memory_space<hbm>>
    %dma_wait3A_597 = arith.constant 0 : i32
    %dma_wait3A_598 = tpu.memref_slice %arg7[%dma_wait3A_581, %dma_wait3A_582, %dma_wait3A_597] : memref<2x2x8192xf32, #tpu.memory_space<vmem>> -> memref<1x1x8192xf32, #tpu.memory_space<vmem>>
    %dma_wait3A_599 = tpu.memref_squeeze %dma_wait3A_598 : memref<1x1x8192xf32, #tpu.memory_space<vmem>> -> memref<8192xf32, #tpu.memory_space<vmem>>
    %dma_wait3A_600 = arith.constant 1024 : i32
    %dma_wait3A_601 = tpu.memref_slice %dma_wait3A_599[%dma_wait3A_600] : memref<8192xf32, #tpu.memory_space<vmem>> -> memref<1024xf32, #tpu.memory_space<vmem>>
    tpu.wait_dma2 semaphore(%arg11 : memref<!tpu.dma_semaphore, #tpu.memory_space<semaphore_mem>>) src(%dma_wait3A_601 : memref<1024xf32, #tpu.memory_space<vmem>>) dst(%dma_wait3A_596 : memref<1024xf32, #tpu.memory_space<hbm>>)
    %dma_wait3A_602 = arith.constant 1 : i32
    %dma_wait3A_603 = arith.constant 1 : i32
    %dma_wait3A_604 = arith.constant 0 : i32
    %dma_wait3A_605 = arith.constant 0 : i32
    %dma_wait3A_606 = arith.constant 0 : i32
    %dma_wait3A_607 = arith.constant 0 : i32
    %dma_wait3A_608 = tpu.memref_slice %arg7[%dma_wait3A_602, %dma_wait3A_603, %dma_wait3A_607] : memref<2x2x8192xf32, #tpu.memory_space<vmem>> -> memref<1x1x8192xf32, #tpu.memory_space<vmem>>
    %dma_wait3A_609 = tpu.memref_squeeze %dma_wait3A_608 : memref<1x1x8192xf32, #tpu.memory_space<vmem>> -> memref<8192xf32, #tpu.memory_space<vmem>>
    %dma_wait3A_610 = arith.constant 2048 : i32
    %dma_wait3A_611 = tpu.memref_slice %dma_wait3A_609[%dma_wait3A_610] : memref<8192xf32, #tpu.memory_space<vmem>> -> memref<1024xf32, #tpu.memory_space<vmem>>
    %dma_wait3A_612 = arith.constant 0 : i32
    %dma_wait3A_613 = tpu.memref_slice %arg4[%dma_wait3A_604, %dma_wait3A_605, %dma_wait3A_606, %dma_wait3A_612] : memref<200x8x32x1024xf32, #tpu.memory_space<hbm>> -> memref<1x1x1x1024xf32, #tpu.memory_space<hbm>>
    %dma_wait3A_614 = tpu.memref_squeeze %dma_wait3A_613 : memref<1x1x1x1024xf32, #tpu.memory_space<hbm>> -> memref<1024xf32, #tpu.memory_space<hbm>>
    %dma_wait3A_615 = arith.constant 0 : i32
    %dma_wait3A_616 = tpu.memref_slice %arg4[%dma_wait3A_604, %dma_wait3A_605, %dma_wait3A_606, %dma_wait3A_615] : memref<200x8x32x1024xf32, #tpu.memory_space<hbm>> -> memref<1x1x1x1024xf32, #tpu.memory_space<hbm>>
    %dma_wait3A_617 = tpu.memref_squeeze %dma_wait3A_616 : memref<1x1x1x1024xf32, #tpu.memory_space<hbm>> -> memref<1024xf32, #tpu.memory_space<hbm>>
    %dma_wait3A_618 = arith.constant 0 : i32
    %dma_wait3A_619 = tpu.memref_slice %arg7[%dma_wait3A_602, %dma_wait3A_603, %dma_wait3A_618] : memref<2x2x8192xf32, #tpu.memory_space<vmem>> -> memref<1x1x8192xf32, #tpu.memory_space<vmem>>
    %dma_wait3A_620 = tpu.memref_squeeze %dma_wait3A_619 : memref<1x1x8192xf32, #tpu.memory_space<vmem>> -> memref<8192xf32, #tpu.memory_space<vmem>>
    %dma_wait3A_621 = arith.constant 2048 : i32
    %dma_wait3A_622 = tpu.memref_slice %dma_wait3A_620[%dma_wait3A_621] : memref<8192xf32, #tpu.memory_space<vmem>> -> memref<1024xf32, #tpu.memory_space<vmem>>
    tpu.wait_dma2 semaphore(%arg11 : memref<!tpu.dma_semaphore, #tpu.memory_space<semaphore_mem>>) src(%dma_wait3A_622 : memref<1024xf32, #tpu.memory_space<vmem>>) dst(%dma_wait3A_617 : memref<1024xf32, #tpu.memory_space<hbm>>)
    %dma_wait3A_623 = arith.constant 1 : i32
    %dma_wait3A_624 = arith.constant 1 : i32
    %dma_wait3A_625 = arith.constant 0 : i32
    %dma_wait3A_626 = arith.constant 0 : i32
    %dma_wait3A_627 = arith.constant 0 : i32
    %dma_wait3A_628 = arith.constant 0 : i32
    %dma_wait3A_629 = tpu.memref_slice %arg7[%dma_wait3A_623, %dma_wait3A_624, %dma_wait3A_628] : memref<2x2x8192xf32, #tpu.memory_space<vmem>> -> memref<1x1x8192xf32, #tpu.memory_space<vmem>>
    %dma_wait3A_630 = tpu.memref_squeeze %dma_wait3A_629 : memref<1x1x8192xf32, #tpu.memory_space<vmem>> -> memref<8192xf32, #tpu.memory_space<vmem>>
    %dma_wait3A_631 = arith.constant 3072 : i32
    %dma_wait3A_632 = tpu.memref_slice %dma_wait3A_630[%dma_wait3A_631] : memref<8192xf32, #tpu.memory_space<vmem>> -> memref<1024xf32, #tpu.memory_space<vmem>>
    %dma_wait3A_633 = arith.constant 0 : i32
    %dma_wait3A_634 = tpu.memref_slice %arg4[%dma_wait3A_625, %dma_wait3A_626, %dma_wait3A_627, %dma_wait3A_633] : memref<200x8x32x1024xf32, #tpu.memory_space<hbm>> -> memref<1x1x1x1024xf32, #tpu.memory_space<hbm>>
    %dma_wait3A_635 = tpu.memref_squeeze %dma_wait3A_634 : memref<1x1x1x1024xf32, #tpu.memory_space<hbm>> -> memref<1024xf32, #tpu.memory_space<hbm>>
    %dma_wait3A_636 = arith.constant 0 : i32
    %dma_wait3A_637 = tpu.memref_slice %arg4[%dma_wait3A_625, %dma_wait3A_626, %dma_wait3A_627, %dma_wait3A_636] : memref<200x8x32x1024xf32, #tpu.memory_space<hbm>> -> memref<1x1x1x1024xf32, #tpu.memory_space<hbm>>
    %dma_wait3A_638 = tpu.memref_squeeze %dma_wait3A_637 : memref<1x1x1x1024xf32, #tpu.memory_space<hbm>> -> memref<1024xf32, #tpu.memory_space<hbm>>
    %dma_wait3A_639 = arith.constant 0 : i32
    %dma_wait3A_640 = tpu.memref_slice %arg7[%dma_wait3A_623, %dma_wait3A_624, %dma_wait3A_639] : memref<2x2x8192xf32, #tpu.memory_space<vmem>> -> memref<1x1x8192xf32, #tpu.memory_space<vmem>>
    %dma_wait3A_641 = tpu.memref_squeeze %dma_wait3A_640 : memref<1x1x8192xf32, #tpu.memory_space<vmem>> -> memref<8192xf32, #tpu.memory_space<vmem>>
    %dma_wait3A_642 = arith.constant 3072 : i32
    %dma_wait3A_643 = tpu.memref_slice %dma_wait3A_641[%dma_wait3A_642] : memref<8192xf32, #tpu.memory_space<vmem>> -> memref<1024xf32, #tpu.memory_space<vmem>>
    tpu.wait_dma2 semaphore(%arg11 : memref<!tpu.dma_semaphore, #tpu.memory_space<semaphore_mem>>) src(%dma_wait3A_643 : memref<1024xf32, #tpu.memory_space<vmem>>) dst(%dma_wait3A_638 : memref<1024xf32, #tpu.memory_space<hbm>>)
    %dma_wait3A_644 = arith.constant 1 : i32
    %dma_wait3A_645 = arith.constant 1 : i32
    %dma_wait3A_646 = arith.constant 0 : i32
    %dma_wait3A_647 = arith.constant 0 : i32
    %dma_wait3A_648 = arith.constant 0 : i32
    %dma_wait3A_649 = arith.constant 0 : i32
    %dma_wait3A_650 = tpu.memref_slice %arg7[%dma_wait3A_644, %dma_wait3A_645, %dma_wait3A_649] : memref<2x2x8192xf32, #tpu.memory_space<vmem>> -> memref<1x1x8192xf32, #tpu.memory_space<vmem>>
    %dma_wait3A_651 = tpu.memref_squeeze %dma_wait3A_650 : memref<1x1x8192xf32, #tpu.memory_space<vmem>> -> memref<8192xf32, #tpu.memory_space<vmem>>
    %dma_wait3A_652 = arith.constant 4096 : i32
    %dma_wait3A_653 = tpu.memref_slice %dma_wait3A_651[%dma_wait3A_652] : memref<8192xf32, #tpu.memory_space<vmem>> -> memref<1024xf32, #tpu.memory_space<vmem>>
    %dma_wait3A_654 = arith.constant 0 : i32
    %dma_wait3A_655 = tpu.memref_slice %arg4[%dma_wait3A_646, %dma_wait3A_647, %dma_wait3A_648, %dma_wait3A_654] : memref<200x8x32x1024xf32, #tpu.memory_space<hbm>> -> memref<1x1x1x1024xf32, #tpu.memory_space<hbm>>
    %dma_wait3A_656 = tpu.memref_squeeze %dma_wait3A_655 : memref<1x1x1x1024xf32, #tpu.memory_space<hbm>> -> memref<1024xf32, #tpu.memory_space<hbm>>
    %dma_wait3A_657 = arith.constant 0 : i32
    %dma_wait3A_658 = tpu.memref_slice %arg4[%dma_wait3A_646, %dma_wait3A_647, %dma_wait3A_648, %dma_wait3A_657] : memref<200x8x32x1024xf32, #tpu.memory_space<hbm>> -> memref<1x1x1x1024xf32, #tpu.memory_space<hbm>>
    %dma_wait3A_659 = tpu.memref_squeeze %dma_wait3A_658 : memref<1x1x1x1024xf32, #tpu.memory_space<hbm>> -> memref<1024xf32, #tpu.memory_space<hbm>>
    %dma_wait3A_660 = arith.constant 0 : i32
    %dma_wait3A_661 = tpu.memref_slice %arg7[%dma_wait3A_644, %dma_wait3A_645, %dma_wait3A_660] : memref<2x2x8192xf32, #tpu.memory_space<vmem>> -> memref<1x1x8192xf32, #tpu.memory_space<vmem>>
    %dma_wait3A_662 = tpu.memref_squeeze %dma_wait3A_661 : memref<1x1x8192xf32, #tpu.memory_space<vmem>> -> memref<8192xf32, #tpu.memory_space<vmem>>
    %dma_wait3A_663 = arith.constant 4096 : i32
    %dma_wait3A_664 = tpu.memref_slice %dma_wait3A_662[%dma_wait3A_663] : memref<8192xf32, #tpu.memory_space<vmem>> -> memref<1024xf32, #tpu.memory_space<vmem>>
    tpu.wait_dma2 semaphore(%arg11 : memref<!tpu.dma_semaphore, #tpu.memory_space<semaphore_mem>>) src(%dma_wait3A_664 : memref<1024xf32, #tpu.memory_space<vmem>>) dst(%dma_wait3A_659 : memref<1024xf32, #tpu.memory_space<hbm>>)
    %dma_wait3A_665 = arith.constant 1 : i32
    %dma_wait3A_666 = arith.constant 1 : i32
    %dma_wait3A_667 = arith.constant 0 : i32
    %dma_wait3A_668 = arith.constant 0 : i32
    %dma_wait3A_669 = arith.constant 0 : i32
    %dma_wait3A_670 = arith.constant 0 : i32
    %dma_wait3A_671 = tpu.memref_slice %arg7[%dma_wait3A_665, %dma_wait3A_666, %dma_wait3A_670] : memref<2x2x8192xf32, #tpu.memory_space<vmem>> -> memref<1x1x8192xf32, #tpu.memory_space<vmem>>
    %dma_wait3A_672 = tpu.memref_squeeze %dma_wait3A_671 : memref<1x1x8192xf32, #tpu.memory_space<vmem>> -> memref<8192xf32, #tpu.memory_space<vmem>>
    %dma_wait3A_673 = arith.constant 5120 : i32
    %dma_wait3A_674 = tpu.memref_slice %dma_wait3A_672[%dma_wait3A_673] : memref<8192xf32, #tpu.memory_space<vmem>> -> memref<1024xf32, #tpu.memory_space<vmem>>
    %dma_wait3A_675 = arith.constant 0 : i32
    %dma_wait3A_676 = tpu.memref_slice %arg4[%dma_wait3A_667, %dma_wait3A_668, %dma_wait3A_669, %dma_wait3A_675] : memref<200x8x32x1024xf32, #tpu.memory_space<hbm>> -> memref<1x1x1x1024xf32, #tpu.memory_space<hbm>>
    %dma_wait3A_677 = tpu.memref_squeeze %dma_wait3A_676 : memref<1x1x1x1024xf32, #tpu.memory_space<hbm>> -> memref<1024xf32, #tpu.memory_space<hbm>>
    %dma_wait3A_678 = arith.constant 0 : i32
    %dma_wait3A_679 = tpu.memref_slice %arg4[%dma_wait3A_667, %dma_wait3A_668, %dma_wait3A_669, %dma_wait3A_678] : memref<200x8x32x1024xf32, #tpu.memory_space<hbm>> -> memref<1x1x1x1024xf32, #tpu.memory_space<hbm>>
    %dma_wait3A_680 = tpu.memref_squeeze %dma_wait3A_679 : memref<1x1x1x1024xf32, #tpu.memory_space<hbm>> -> memref<1024xf32, #tpu.memory_space<hbm>>
    %dma_wait3A_681 = arith.constant 0 : i32
    %dma_wait3A_682 = tpu.memref_slice %arg7[%dma_wait3A_665, %dma_wait3A_666, %dma_wait3A_681] : memref<2x2x8192xf32, #tpu.memory_space<vmem>> -> memref<1x1x8192xf32, #tpu.memory_space<vmem>>
    %dma_wait3A_683 = tpu.memref_squeeze %dma_wait3A_682 : memref<1x1x8192xf32, #tpu.memory_space<vmem>> -> memref<8192xf32, #tpu.memory_space<vmem>>
    %dma_wait3A_684 = arith.constant 5120 : i32
    %dma_wait3A_685 = tpu.memref_slice %dma_wait3A_683[%dma_wait3A_684] : memref<8192xf32, #tpu.memory_space<vmem>> -> memref<1024xf32, #tpu.memory_space<vmem>>
    tpu.wait_dma2 semaphore(%arg11 : memref<!tpu.dma_semaphore, #tpu.memory_space<semaphore_mem>>) src(%dma_wait3A_685 : memref<1024xf32, #tpu.memory_space<vmem>>) dst(%dma_wait3A_680 : memref<1024xf32, #tpu.memory_space<hbm>>)
    %dma_wait3A_686 = arith.constant 1 : i32
    %dma_wait3A_687 = arith.constant 1 : i32
    %dma_wait3A_688 = arith.constant 0 : i32
    %dma_wait3A_689 = arith.constant 0 : i32
    %dma_wait3A_690 = arith.constant 0 : i32
    %dma_wait3A_691 = arith.constant 0 : i32
    %dma_wait3A_692 = tpu.memref_slice %arg7[%dma_wait3A_686, %dma_wait3A_687, %dma_wait3A_691] : memref<2x2x8192xf32, #tpu.memory_space<vmem>> -> memref<1x1x8192xf32, #tpu.memory_space<vmem>>
    %dma_wait3A_693 = tpu.memref_squeeze %dma_wait3A_692 : memref<1x1x8192xf32, #tpu.memory_space<vmem>> -> memref<8192xf32, #tpu.memory_space<vmem>>
    %dma_wait3A_694 = arith.constant 6144 : i32
    %dma_wait3A_695 = tpu.memref_slice %dma_wait3A_693[%dma_wait3A_694] : memref<8192xf32, #tpu.memory_space<vmem>> -> memref<1024xf32, #tpu.memory_space<vmem>>
    %dma_wait3A_696 = arith.constant 0 : i32
    %dma_wait3A_697 = tpu.memref_slice %arg4[%dma_wait3A_688, %dma_wait3A_689, %dma_wait3A_690, %dma_wait3A_696] : memref<200x8x32x1024xf32, #tpu.memory_space<hbm>> -> memref<1x1x1x1024xf32, #tpu.memory_space<hbm>>
    %dma_wait3A_698 = tpu.memref_squeeze %dma_wait3A_697 : memref<1x1x1x1024xf32, #tpu.memory_space<hbm>> -> memref<1024xf32, #tpu.memory_space<hbm>>
    %dma_wait3A_699 = arith.constant 0 : i32
    %dma_wait3A_700 = tpu.memref_slice %arg4[%dma_wait3A_688, %dma_wait3A_689, %dma_wait3A_690, %dma_wait3A_699] : memref<200x8x32x1024xf32, #tpu.memory_space<hbm>> -> memref<1x1x1x1024xf32, #tpu.memory_space<hbm>>
    %dma_wait3A_701 = tpu.memref_squeeze %dma_wait3A_700 : memref<1x1x1x1024xf32, #tpu.memory_space<hbm>> -> memref<1024xf32, #tpu.memory_space<hbm>>
    %dma_wait3A_702 = arith.constant 0 : i32
    %dma_wait3A_703 = tpu.memref_slice %arg7[%dma_wait3A_686, %dma_wait3A_687, %dma_wait3A_702] : memref<2x2x8192xf32, #tpu.memory_space<vmem>> -> memref<1x1x8192xf32, #tpu.memory_space<vmem>>
    %dma_wait3A_704 = tpu.memref_squeeze %dma_wait3A_703 : memref<1x1x8192xf32, #tpu.memory_space<vmem>> -> memref<8192xf32, #tpu.memory_space<vmem>>
    %dma_wait3A_705 = arith.constant 6144 : i32
    %dma_wait3A_706 = tpu.memref_slice %dma_wait3A_704[%dma_wait3A_705] : memref<8192xf32, #tpu.memory_space<vmem>> -> memref<1024xf32, #tpu.memory_space<vmem>>
    tpu.wait_dma2 semaphore(%arg11 : memref<!tpu.dma_semaphore, #tpu.memory_space<semaphore_mem>>) src(%dma_wait3A_706 : memref<1024xf32, #tpu.memory_space<vmem>>) dst(%dma_wait3A_701 : memref<1024xf32, #tpu.memory_space<hbm>>)
    %dma_wait3A_707 = arith.constant 1 : i32
    %dma_wait3A_708 = arith.constant 1 : i32
    %dma_wait3A_709 = arith.constant 0 : i32
    %dma_wait3A_710 = arith.constant 0 : i32
    %dma_wait3A_711 = arith.constant 0 : i32
    %dma_wait3A_712 = arith.constant 0 : i32
    %dma_wait3A_713 = tpu.memref_slice %arg7[%dma_wait3A_707, %dma_wait3A_708, %dma_wait3A_712] : memref<2x2x8192xf32, #tpu.memory_space<vmem>> -> memref<1x1x8192xf32, #tpu.memory_space<vmem>>
    %dma_wait3A_714 = tpu.memref_squeeze %dma_wait3A_713 : memref<1x1x8192xf32, #tpu.memory_space<vmem>> -> memref<8192xf32, #tpu.memory_space<vmem>>
    %dma_wait3A_715 = arith.constant 7168 : i32
    %dma_wait3A_716 = tpu.memref_slice %dma_wait3A_714[%dma_wait3A_715] : memref<8192xf32, #tpu.memory_space<vmem>> -> memref<1024xf32, #tpu.memory_space<vmem>>
    %dma_wait3A_717 = arith.constant 0 : i32
    %dma_wait3A_718 = tpu.memref_slice %arg4[%dma_wait3A_709, %dma_wait3A_710, %dma_wait3A_711, %dma_wait3A_717] : memref<200x8x32x1024xf32, #tpu.memory_space<hbm>> -> memref<1x1x1x1024xf32, #tpu.memory_space<hbm>>
    %dma_wait3A_719 = tpu.memref_squeeze %dma_wait3A_718 : memref<1x1x1x1024xf32, #tpu.memory_space<hbm>> -> memref<1024xf32, #tpu.memory_space<hbm>>
    %dma_wait3A_720 = arith.constant 0 : i32
    %dma_wait3A_721 = tpu.memref_slice %arg4[%dma_wait3A_709, %dma_wait3A_710, %dma_wait3A_711, %dma_wait3A_720] : memref<200x8x32x1024xf32, #tpu.memory_space<hbm>> -> memref<1x1x1x1024xf32, #tpu.memory_space<hbm>>
    %dma_wait3A_722 = tpu.memref_squeeze %dma_wait3A_721 : memref<1x1x1x1024xf32, #tpu.memory_space<hbm>> -> memref<1024xf32, #tpu.memory_space<hbm>>
    %dma_wait3A_723 = arith.constant 0 : i32
    %dma_wait3A_724 = tpu.memref_slice %arg7[%dma_wait3A_707, %dma_wait3A_708, %dma_wait3A_723] : memref<2x2x8192xf32, #tpu.memory_space<vmem>> -> memref<1x1x8192xf32, #tpu.memory_space<vmem>>
    %dma_wait3A_725 = tpu.memref_squeeze %dma_wait3A_724 : memref<1x1x8192xf32, #tpu.memory_space<vmem>> -> memref<8192xf32, #tpu.memory_space<vmem>>
    %dma_wait3A_726 = arith.constant 7168 : i32
    %dma_wait3A_727 = tpu.memref_slice %dma_wait3A_725[%dma_wait3A_726] : memref<8192xf32, #tpu.memory_space<vmem>> -> memref<1024xf32, #tpu.memory_space<vmem>>
    tpu.wait_dma2 semaphore(%arg11 : memref<!tpu.dma_semaphore, #tpu.memory_space<semaphore_mem>>) src(%dma_wait3A_727 : memref<1024xf32, #tpu.memory_space<vmem>>) dst(%dma_wait3A_722 : memref<1024xf32, #tpu.memory_space<hbm>>)
    return
  }
}

module attributes {stable_mosaic.version = 14 : i64} {
  func.func @_tpose_body(%arg0: i32, %arg1: memref<64x1024xf32, #tpu.memory_space<vmem>>, %arg2: memref<1024x128xf32, #tpu.memory_space<vmem>>) attributes {dimension_semantics = [#tpu.dimension_semantics<arbitrary>], iteration_bounds = array<i64: 98>, scalar_prefetch = 0 : i64, scratch_operands = 0 : i64, tpu.core_type = #tpu.core_type<tc>, window_params = [{transform_indices = @transform_0, window_bounds = array<i64: 64, 1024>}, {transform_indices = @transform_1, window_bounds = array<i64: 1024, 128>}]} {
    %get3A = arith.constant 0 : index
    %get3A_0 = arith.constant 0 : index
    %get3A_1 = vector.load %arg1[%get3A, %get3A_0] : memref<64x1024xf32, #tpu.memory_space<vmem>>, vector<64x1024xf32>
    %transpose3A = tpu.transpose %get3A_1, [1, 0] : vector<64x1024xf32> -> vector<1024x64xf32>
    %concatenate3A = tpu.concatenate %transpose3A, %transpose3A in 1 : vector<1024x64xf32>, vector<1024x64xf32> -> vector<1024x128xf32>
    %swap3A = arith.constant 0 : index
    %swap3A_2 = arith.constant 0 : index
    %swap3A_3 = vector.load %arg2[%swap3A, %swap3A_2] : memref<1024x128xf32, #tpu.memory_space<vmem>>, vector<1024x128xf32>
    tpu.vector_store %arg2[%swap3A, %swap3A_2], %concatenate3A {strides = array<i32>} : memref<1024x128xf32, #tpu.memory_space<vmem>>, vector<1024x128xf32>,
    return
  }
  func.func @transform_0(%arg0: i32) -> (i32, i32) {
    %c0_i32 = arith.constant 0 : i32
    %c0_i32_0 = arith.constant 0 : i32
    return %c0_i32, %arg0 : i32, i32
  }
  func.func @transform_1(%arg0: i32) -> (i32, i32) {
    %c0_i32 = arith.constant 0 : i32
    %c0_i32_0 = arith.constant 0 : i32
    return %arg0, %c0_i32 : i32, i32
  }
}

</mosaic_0001>

<sc_bundles>
// kernel: kernel.4.cloned.1.call-start
scs
__scs_entry_jumppad:
0x0: {  	(pc) =	sbr.rel $0x88, $3  }
0x1: {  	(tag) =	ssettag $0x0;
	lr =	simm.s32 $0x1  }
0x2: {  	[smem:$0x3F9F] =	sst lr;
	_ =	strace $0xD0000000  }
0x3: {  	_ = 	snop  }
0x4: {  	_ = 	snop  }
0x5: {  	_ = 	snop  }
0x6: {  	_ = 	snop  }
0x7: {  	_ = 	snop  }
__scs_overlays_trampoline_lowered:
0x8: {  	[smem:$0x3FAE] =	sst s0  }
0x9: {  	[smem:$0x3FAF] =	sst s1  }
0xa: {  	[smem:$0x3FB0] =	sst s2  }
0xb: {  	[smem:$0x3FB1] =	sst s3  }
0xc: {  	[smem:$0x3FB2] =	sst s4  }
0xd: {  	[smem:$0x3FB3] =	sst s5  }
0xe: {  	[smem:$0x3FB4] =	sst s6  }
0xf: {  	[smem:$0x3FB5] =	sst s7  }
0x10: {  	[smem:$0x3FB6] =	sst s8  }
0x11: {  	[smem:$0x3FB7] =	sst s9;
	s0 =	simm.s32 @!p0 $0x0  }
0x12: {  	s1 =	sld [smem:$0x3F9D];
	s0 =	simm.s32 @p0 $0x1  }
0x13: {  	[smem:$0x3FB8] =	sst s0;
	s0 =	simm.s32 @!p1 $0x0  }
0x14: {  	s2 =	sld [smem:$0x3F9C];
	s0 =	simm.s32 @p1 $0x1  }
0x15: {  	[smem:$0x3FB9] =	sst s0;
	s0 =	simm.s32 @!p2 $0x0  }
0x16: {  	s3 =	sld [smem:$0x3FDB];
	s0 =	simm.s32 @p2 $0x1  }
0x17: {  	s4 =	simm.s32 $0x1BF5;
	[smem:$0x3FBB] =	sst s0  }
0x18: {  	s0 =	sld [smem:$0x3F9E];
	_ =	swait.ge [sflag:s4], $0x0  }
0x19: {  	s7 =	sld [smem:$0x3F9F]  }
0x1a: {  	s8 =	sadd.s32 $0xFFFFE003, lr  }
0x1b: {  	s9 =	sadd.s32 $0xFFFFFEF7, lr;
	s5 =	simm.s32 $0xFFFFFFFF;
	p2 =	slt.u32 s8, $0xFFFFF086  }
0x1c: {  	p1 =	slt.u32 s9, $0xF7A;
	s5 =	simm.s32 @!p2 $0x0  }
0x1d: {  	s5 =	simm.s32 @p1 $0x1;
	p0 =	seq.s32 s7, s2  }
0x1e: {  	s7 =	smul.u32 @!p0 $0xF7A, s2;
	p2 =	seq.s32 @!p0 s5, $0x0  }
0x1f: {  	s9 =	smul.u32 $0xF7A, s1;
	s8 =	simm.s32 @!p0 $0x1BF5;
	p2 =	por !p2, p0  }
0x20: {  	[sflag:s8] =	ssyncset.s32 @!p0 $0xFFFFF086;
	s6 =	sadd.s32 @!p0 s3, s7;
	s7 =	simm.s32 @!p0 $0x108  }
0x21: {  	s3 =	sadd.s32 s3, s9;
	s6 =	sadd.s32 @!p0 $0x88, s6;
	s7 =	simm.s32 @p2 $0x1082  }
0x22: {  	[simem:s7], [sflag:s8] =	dma.local @!p0 [hbm:s6], $0xF7A  }
0x23: {  	s9 =	sor.u32 $0xD0000000, s2;
	s6 =	simm.s32 $0x108;
	_ =	swait.ge @!p0 [sflag:s8], $0x0  }
0x24: {  	s3 =	sadd.s32 $0x88, s3;
	s6 =	simm.s32 @!p1 $0x1082;
	[sflag:s4] =	ssyncset.s32 $0xFFFFF086  }
0x25: {  	[simem:s6], [sflag:s4] =	dma.local [hbm:s3], $0xF7A  }
0x26: {  	[smem:$0x3F9F] =	sst s1;
	(tag) =	ssettag s2;
	_ =	strace s9  }
0x27: {  	s1 =	sld [smem:$0x3FAF]  }
0x28: {  	s2 =	sld [smem:$0x3FB0]  }
0x29: {  	s4 =	sld [smem:$0x3FB2]  }
0x2a: {  	p0 =	seq.s32 s5, $0x0;
	s5 =	sld [smem:$0x3FB3]  }
0x2b: {  	s6 =	sld [smem:$0x3FB4]  }
0x2c: {  	s7 =	sld [smem:$0x3FB5]  }
0x2d: {  	s3 =	simm.s32 $0x108;
	s8 =	sld [smem:$0x3FB6]  }
0x2e: {  	s3 =	simm.s32 @!p0 $0x1082;
	s9 =	sld [smem:$0x3FB7]  }
0x2f: {  	lr =	sadd.s32 s0, s3;
	s0 =	sld [smem:$0x3FAE]  }
0x30: {  	s3 =	sld [smem:$0x3FB1]  }
0x31: {  	[smem:$0x3FBA] =	sst s10  }
0x32: {  	s10 =	sld [smem:$0x3FB8];
	_ =	sdelay $0x3  }
0x33: {  	p0 =	seq.s32 s10, $0x1;
	s10 =	sld [smem:$0x3FBA];
	_ =	sdelay $0x3  }
0x34: {  	[smem:$0x3FBA] =	sst s10  }
0x35: {  	s10 =	sld [smem:$0x3FB9];
	_ =	sdelay $0x3  }
0x36: {  	p1 =	seq.s32 s10, $0x1;
	s10 =	sld [smem:$0x3FBA];
	_ =	sdelay $0x3  }
0x37: {  	[smem:$0x3FBA] =	sst s10  }
0x38: {  	s10 =	sld [smem:$0x3FBB]  }
0x39: {  	_ = 	snop;
	(pc) =	sbr.ind lr, $3  }
0x3a: {  	_ = 	snop  }
0x3b: {  	_ = 	snop  }
0x3c: {  	p2 =	seq.s32 s10, $0x1;
	s10 =	sld [smem:$0x3FBA]  }
0x3d: {  	_ =	shalt  }
0x3e: {  	_ =	shalt  }
0x3f: {  	_ =	shalt  }
0x40: {  	_ =	shalt  }
0x41: {  	_ =	shalt  }
0x42: {  	_ =	shalt  }
0x43: {  	_ =	shalt  }
0x44: {  	_ =	shalt  }
0x45: {  	_ =	shalt  }
0x46: {  	_ =	shalt  }
0x47: {  	_ =	shalt  }
0x48: {  	_ =	shalt  }
0x49: {  	_ =	shalt  }
0x4a: {  	_ =	shalt  }
0x4b: {  	_ =	shalt  }
0x4c: {  	_ =	shalt  }
0x4d: {  	_ =	shalt  }
0x4e: {  	_ =	shalt  }
0x4f: {  	_ =	shalt  }
0x50: {  	_ =	shalt  }
0x51: {  	_ =	shalt  }
0x52: {  	_ =	shalt  }
0x53: {  	_ =	shalt  }
0x54: {  	_ =	shalt  }
0x55: {  	_ =	shalt  }
0x56: {  	_ =	shalt  }
0x57: {  	_ =	shalt  }
0x58: {  	_ =	shalt  }
0x59: {  	_ =	shalt  }
0x5a: {  	_ =	shalt  }
0x5b: {  	_ =	shalt  }
0x5c: {  	_ =	shalt  }
0x5d: {  	_ =	shalt  }
0x5e: {  	_ =	shalt  }
0x5f: {  	_ =	shalt  }
0x60: {  	_ =	shalt  }
0x61: {  	_ =	shalt  }
0x62: {  	_ =	shalt  }
0x63: {  	_ =	shalt  }
0x64: {  	_ =	shalt  }
0x65: {  	_ =	shalt  }
0x66: {  	_ =	shalt  }
0x67: {  	_ =	shalt  }
0x68: {  	_ =	shalt  }
0x69: {  	_ =	shalt  }
0x6a: {  	_ =	shalt  }
0x6b: {  	_ =	shalt  }
0x6c: {  	_ =	shalt  }
0x6d: {  	_ =	shalt  }
0x6e: {  	_ =	shalt  }
0x6f: {  	_ =	shalt  }
0x70: {  	_ =	shalt  }
0x71: {  	_ =	shalt  }
0x72: {  	_ =	shalt  }
0x73: {  	_ =	shalt  }
0x74: {  	_ =	shalt  }
0x75: {  	_ =	shalt  }
0x76: {  	_ =	shalt  }
0x77: {  	_ =	shalt  }
0x78: {  	_ =	shalt  }
0x79: {  	_ =	shalt  }
0x7a: {  	_ =	shalt  }
0x7b: {  	_ =	shalt  }
0x7c: {  	_ =	shalt  }
0x7d: {  	_ =	shalt  }
0x7e: {  	_ =	shalt  }
0x7f: {  	_ =	shalt  }
0x80: {  	_ =	shalt  }
0x81: {  	_ =	shalt  }
0x82: {  	_ =	shalt  }
0x83: {  	_ =	shalt  }
0x84: {  	_ =	shalt  }
0x85: {  	_ =	shalt  }
0x86: {  	_ =	shalt  }
0x87: {  	_ =	shalt  }
.Lfunc_end0:
.L_simem_size_0:
called_computation_lowered:
.L_overlay_start_0:
0x88: {  	s2 =	sld [smem:$0x3FD9]  }
0x89: {  	s3 =	sld [smem:$0x3FFE];
	_ =	sdelay $0x1  }
0x8a: {  	s1 =	srdreg.scid  }
0x8b: {  	s0 =	sand.u32 $0x1, s1  }
0x8c: {  	s17 =	sshll.u32 s0, $0xA;
	s2 =	sadd.s32 s3, s2  }
0x8d: {  	s2 =	sadd.s32 s2, s17  }
0x8e: {  	[smem:$0x3FC6] =	sst s2  }
0x8f: {  	_ = 	snop  }
0x90: {  	s2 =	sld [smem:$0x3FD0];
	(tm) =	ssettm $0x1  }
0x91: {  	s18 =	sld [smem:$0x3FFB];
	_ =	sdelay $0x3  }
0x92: {  	_ =	strace s18  }
0x93: {  	s3 =	sld [smem:$0x3FFC];
	_ =	sdelay $0x3  }
0x94: {  	_ =	strace s3  }
0x95: {  	s3 =	sld [smem:$0x3FFD];
	_ =	sdelay $0x3  }
0x96: {  	_ =	strace s3  }
0x97: {  	_ =	strace $0x8FFFFFFF  }
0x98: {  	s19 =	sld [smem:$0x3FDB];
	_ =	sdelay $0x1  }
0x99: {  	s4 =	simm.s32 $_scs_section_size  }
0x9a: {  	s5 =	simm.s32 $_size__tile_overlayer_lowered;
	s6 =	simm.s32 $_tile_overlayer_lowered  }
0x9b: {  	s22 =	simm.s32 $0x1BFF;
	s21 =	sshll.u32 s6, $0x1;
	s3 =	sadd.s32 s4, s19  }
0x9c: {  	s7 =	simm.s32 $0x0;
	s20 =	sshll.u32 s5, $0x1;
	s5 =	sadd.s32 s21, s3  }
0x9d: {  	[timem:s7], [sflag:s22] =	dma.local [hbm:s5], s20  }
0x9e: {  	_ =	swait.ge [sflag:s22], s20  }
0x9f: {  	s4 =	ssub.s32 $0x0, s20;
	[sflag:s22] =	ssyncset.done $0x0  }
0xa0: {  	[sflag:s22] =	ssyncadd.s32 s4;
	_ =	sdelay $0x1  }
0xa1: {  	s23 =	simm.s32 $0x1B8B  }
0xa2: {  	_ =	swait.ge [sflag:s23], $0x1  }
0xa3: {  	[sflag:s23] =	ssyncset.done $0x0  }
0xa4: {  	s25 =	simm.s32 $0x1B8E;
	s24 =	sld [smem:$0x3FFE];
	[sflag:s23] =	ssyncadd.s32 $0xFFFFFFFF  }
0xa5: {  	s26 =	simm.s32 $execute0_lowered;
	[smem:$0x3FD2] =	sst s25  }
0xa6: {  	s5 =	sshll.u32 s26, $0x1;
	_ =	strace $0x80000046;
	[dreg:$0x1] =	wrdreg $0xFFFFFFFF  }
0xa7: {  	s28 =	simm.s32 $_size_execute0_lowered;
	s3 =	sadd.s32 s3, s5;
	[dreg:$0x0] =	wrdreg $0x0  }
0xa8: {  	s5 =	sshll.u32 s28, $0x1;
	[dreg:$0x2] =	wrdreg s3  }
0xa9: {  	[dreg:$0x3] =	wrdreg s5  }
0xaa: {  	[dreg:$0x4] =	wrdreg $0xC0  }
0xab: {  	_ =	task [dreg:s7], $0x5FFFF  }
0xac: {  	[dreg:$0x1] =	wrdreg $0xFFFFFFFF  }
0xad: {  	[dreg:$0x0] =	wrdreg $0x60  }
0xae: {  	[dreg:$0x2] =	wrdreg s24  }
0xaf: {  	[dreg:$0x3] =	wrdreg s2  }
0xb0: {  	[dreg:$0x4] =	wrdreg $0x9  }
0xb1: {  	_ =	task.clear_ibuf [dreg:s7], $0x5FFFF;
	_ =	strace $0x90000046  }
0xb2: {  	s29 =	simm.s32 $0x9;
	_ =	strace $0x80000048  }
0xb3: {  	_ =	swait.ge [sflag:s29], $0x1  }
0xb4: {  	[sflag:s29] =	ssyncadd.s32 $0xFFFFFFFF  }
0xb5: {  	_ =	strace $0x90000048  }
0xb6: {  	_ =	sfence  }
0xb7: {  	s30 =	sld [smem:$0x0];
	_ =	sdelay $0x2  }
0xb8: {  	s31 =	sshll.u32 s1, $0xD;
	s1 =	sshrl.u32 s1, $0x2  }
0xb9: {  	s3 =	sand.u32 $0x4000, s31;
	s1 =	sadd.s32 s1, s30  }
0xba: {  	s0 =	sor.u32 s3, s0;
	s1 =	sshll.u32 s1, $0x11  }
0xbb: {  	s0 =	sor.u32 s1, s0  }
0xbc: {  	s0 =	sadd.s32 $0x8F2B, s0  }
0xbd: {  	[sflag:s0] =	ssyncadd.remote.s32 $0x1  }
0xbe: {  	_ =	sfence.sel $0xFFFF  }
0xbf: {  	[dreg:$0x0] =	wrdreg $0xFFFFFFFF;
	(pc) =	sbr.abs _section_cstart, $3  }
0xc0: {  	[dreg:$0x1] =	wrdreg $0xFFFFFFFF  }
0xc1: {  	_ =	task.clear_ibuf [dreg:s7], $0x2FFFF;
	_ =	strace $0x9FFFFFFF  }
0xc2: {  	(tm) =	ssettm $0x7FFFFFFF  }
0xc3: {  	_ =	shalt  }
tec
execute0_lowered:
.L_overlay_start_1:
0x0: {  	(tag) =	ssettag $0x1  }
0x1: {  	s0 =	rddreg [dreg:$0x0]  }
0x2: {  	s21 =	rddreg [dreg:$0x1]  }
0x3: {  	s1 =	srdreg.scid;
	s2 =	stileid.u32;
	s3 =	simm.s32 $0x0  }
0x4: {  	s23 =	simm.s32 $0x80;
	s28 =	simm.s32 $0x8400;
	s29 =	simm.s32 $0xA400  }
0x5: {  	s30 =	simm.s32 $0xC400;
	s31 =	simm.s32 $0x1;
	s22 =	simm.s32 $0x2  }
0x6: {  	s1 =	sand.u32 $0x1, s1;
	s2 =	sshll.u32 s2, $0x1;
	[smem:$0x7FF] =	sst s3  }
0x7: {  	s4 =	sadd.s32 $0x19400, s0;
	s7 =	sadd.s32 $0x1000, s21;
	s8 =	sadd.s32 $0x2000, s21  }
0x8: {  	s9 =	sadd.s32 $0x3000, s21;
	s10 =	sadd.s32 $0x4000, s21;
	s11 =	sadd.s32 $0x5000, s21  }
0x9: {  	v0 =	vlaneseq.u32;
	s12 =	sadd.s32 $0x6000, s21;
	s13 =	sadd.s32 $0x7000, s21;
	s14 =	sadd.s32 $0x8000, s21  }
0xa: {  	s15 =	sadd.s32 $0x9000, s21;
	s16 =	sadd.s32 $0xA000, s21;
	s17 =	sadd.s32 $0xB000, s21;
	v3 =	vmul.u32 $0x40, v0  }
0xb: {  	s18 =	sadd.s32 $0xC000, s21;
	s19 =	sadd.s32 $0xD000, s21;
	s2 =	sor.u32 s1, s2  }
0xc: {  	s20 =	sadd.s32 $0xE000, s21;
	s1 =	ssub.s32 $0x2, s1;
	s5 =	sshll.u32 s2, $0x4;
	v1 =	vor.u32 $0x1C00, v3  }
0xd: {  	_ =	strace $0x80000047;
	s25 =	sshrl.u32 s1, $0x1;
	v0 =	vor.u32 $0x1800, v3;
	s0 =	sadd.s32 s5, s0;
	[tilespmem:$0x1FFC0] =	vst v1  }
0xe: {  	s21 =	sadd.s32 $0xF000, s21;
	v7 =	vor.u32 $0x1400, v3;
	s1 =	ssub.s32 s1, s25;
	[tilespmem:$0x1FFD0] =	vst v0;
	s0 =	sadd.s32 $0x400, s0  }
0xf: {  	s6 =	sshll.u32 s2, $0xA;
	v5 =	vor.u32 $0xC00, v3;
	[tilespmem:$0x1FFE0] =	vst v7;
	s26 =	smax.u32 s1, $0x1;
	[dreg:$0x3] =	wrdreg s0  }
0x10: {  	v2 =	vor.u32 $0x400, v3;
	v4 =	vor.u32 $0x800, v3;
	v6 =	vor.u32 $0x1000, v3;
	s2 =	simm.s32 $0x0;
	[tilespmem:$0x1FFF0] =	vst v5;
	[dreg:$0x4] =	wrdreg s26;
	s26 =	simm.s32 $0x6400  }
.LBB2_1:
0x11: {  	[dreg:$0x5] =	wrdreg s2  }
0x12: {  	s0 =	rddreg [dreg:$0x3];
	s1 =	simm.s32 $0x1000;
	s25 =	simm.s32 $0x5  }
0x13: {  	[tilespmem:s3], [sflag:$0x5] =	stream.strided.gather [hbm4b:s0+s23], $0x6400, s1, s23, $0x38;
	[tilespmem:$0x16400] =	vst v63  }
0x14: {  	_ =	swait.ge [sflag:s25], $0x6400  }
0x15: {  	[sflag:s25] =	ssyncset.done $0x0  }
0x16: {  	[sflag:s25] =	ssyncadd.s32 $0xFFFF9C00  }
0x17: {  	[tilespmem:s26], [sflag:$0x1] =	stream.indirect.gather [hbm4b:s4+s23], $0x40, s3, s23, $0xb8;
	[tilespmem:$0x16400] =	vst v63  }
0x18: {  	s24 =	simm.s32 $0x0  }
0x19: {  	[tilespmem:s28], [sflag:$0x1] =	stream.indirect.gather [hbm4b:s4+s23], $0x40, s23, s23, $0xb8;
	[tilespmem:$0x16400] =	vst v63  }
.LBB2_2:
0x1a: {  	s5 =	sshllo.u32 s24, $0x1  }
0x1b: {  	s0 =	sshll.u32 s5, $0x8  }
0x1c: {  	s0 =	sand.u32 $0x3FFFFF00, s0  }
0x1d: {  	[tilespmem:s29], [sflag:$0x2] =	stream.indirect.gather [hbm4b:s4+s23], $0x40, s0, s23, $0xb8;
	[tilespmem:$0x16400] =	vst v63  }
0x1e: {  	s0 =	sor.u32 $0x80, s0  }
0x1f: {  	[tilespmem:s30], [sflag:$0x2] =	stream.indirect.gather [hbm4b:s4+s23], $0x40, s0, s23, $0xb8;
	[tilespmem:$0x16400] =	vst v63  }
0x20: {  	_ =	swait.ge [sflag:s31], $0x2000  }
0x21: {  	[sflag:s31] =	ssyncset.done $0x0  }
0x22: {  	[sflag:s31] =	ssyncadd.s32 $0xFFFFE000  }
0x23: {  	_ =	swait.ge [sflag:s31], $0x2000  }
0x24: {  	p0 =	seq.s32 s24, $0x0;
	[sflag:s31] =	ssyncset.done $0x0  }
0x25: {  	s0 =	simm.s32 @!p0 $0x3;
	[sflag:s31] =	ssyncadd.s32 $0xFFFFE000  }
0x26: {  	_ =	swait.ge @!p0 [sflag:s0], $0x400  }
0x27: {  	[sflag:s0] =	ssyncset.done @!p0 $0x0  }
0x28: {  	[sflag:s0] =	ssyncadd.s32 @!p0 $0xFFFFFC00  }
0x29: {  	_ =	swait.ge @!p0 [sflag:s0], $0x400  }
0x2a: {  	[sflag:s0] =	ssyncset.done @!p0 $0x0  }
0x2b: {  	[sflag:s0] =	ssyncadd.s32 @!p0 $0xFFFFFC00  }
0x2c: {  	_ =	swait.ge @!p0 [sflag:s0], $0x400  }
0x2d: {  	[sflag:s0] =	ssyncset.done @!p0 $0x0  }
0x2e: {  	[sflag:s0] =	ssyncadd.s32 @!p0 $0xFFFFFC00  }
0x2f: {  	_ =	swait.ge @!p0 [sflag:s0], $0x400  }
0x30: {  	[sflag:s0] =	ssyncset.done @!p0 $0x0  }
0x31: {  	[sflag:s0] =	ssyncadd.s32 @!p0 $0xFFFFFC00  }
0x32: {  	_ =	swait.ge @!p0 [sflag:s0], $0x400  }
0x33: {  	[sflag:s0] =	ssyncset.done @!p0 $0x0  }
0x34: {  	[sflag:s0] =	ssyncadd.s32 @!p0 $0xFFFFFC00  }
0x35: {  	_ =	swait.ge @!p0 [sflag:s0], $0x400  }
0x36: {  	[sflag:s0] =	ssyncset.done @!p0 $0x0  }
0x37: {  	[sflag:s0] =	ssyncadd.s32 @!p0 $0xFFFFFC00  }
0x38: {  	_ =	swait.ge @!p0 [sflag:s0], $0x400  }
0x39: {  	[sflag:s0] =	ssyncset.done @!p0 $0x0  }
0x3a: {  	[sflag:s0] =	ssyncadd.s32 @!p0 $0xFFFFFC00  }
0x3b: {  	_ =	swait.ge @!p0 [sflag:s0], $0x400  }
0x3c: {  	[sflag:s0] =	ssyncset.done @!p0 $0x0  }
0x3d: {  	[sflag:s0] =	ssyncadd.s32 @!p0 $0xFFFFFC00  }
0x3e: {  	_ =	swait.ge @!p0 [sflag:s0], $0x400  }
0x3f: {  	[sflag:s0] =	ssyncset.done @!p0 $0x0  }
0x40: {  	[sflag:s0] =	ssyncadd.s32 @!p0 $0xFFFFFC00  }
0x41: {  	_ =	swait.ge @!p0 [sflag:s0], $0x400  }
0x42: {  	[sflag:s0] =	ssyncset.done @!p0 $0x0  }
0x43: {  	[sflag:s0] =	ssyncadd.s32 @!p0 $0xFFFFFC00  }
0x44: {  	_ =	swait.ge @!p0 [sflag:s0], $0x400  }
0x45: {  	[sflag:s0] =	ssyncset.done @!p0 $0x0  }
0x46: {  	[sflag:s0] =	ssyncadd.s32 @!p0 $0xFFFFFC00  }
0x47: {  	_ =	swait.ge @!p0 [sflag:s0], $0x400  }
0x48: {  	[sflag:s0] =	ssyncset.done @!p0 $0x0  }
0x49: {  	[sflag:s0] =	ssyncadd.s32 @!p0 $0xFFFFFC00  }
0x4a: {  	_ =	swait.ge @!p0 [sflag:s0], $0x400  }
0x4b: {  	[sflag:s0] =	ssyncset.done @!p0 $0x0  }
0x4c: {  	s1 =	simm.s32 $0x3;
	[sflag:s0] =	ssyncadd.s32 @!p0 $0xFFFFFC00  }
0x4d: {  	s25 =	simm.s32 $0x1;
	v8 =	vmov s1;
	_ =	swait.ge @!p0 [sflag:s0], $0x400  }
0x4e: {  	v9 =	vmov s25;
	s25 =	simm.s32 $0x2;
	v8 =	vand.u32 $0x3F, v8;
	[sflag:s0] =	ssyncset.done @!p0 $0x0  }
0x4f: {  	s2 =	simm.s32 $0x0;
	v9 =	vand.u32 $0x3D, v9;
	v11 =	vmov s25;
	v8 =	vbroadcast v8, $0x0;
	[sflag:s0] =	ssyncadd.s32 @!p0 $0xFFFFFC00  }
0x50: {  	v10 =	vmov s2;
	v9 =	vbroadcast v9, $0x0;
	v11 =	vand.u32 $0x3E, v11;
	_ =	swait.ge @!p0 [sflag:s0], $0x400  }
0x51: {  	v10 =	vand.u32 $0x3C, v10;
	v24 =	vbroadcast v11, $0x0;
	v32 =	vor.u32 v3, v8;
	[sflag:s0] =	ssyncset.done @!p0 $0x0  }
0x52: {  	v10 =	vbroadcast v10, $0x0;
	v36 =	vor.u32 v3, v9;
	[sflag:s0] =	ssyncadd.s32 @!p0 $0xFFFFFC00  }
0x53: {  	v37 =	vor.u32 v3, v24;
	_ =	swait.ge @!p0 [sflag:s0], $0x400  }
0x54: {  	v38 =	vor.u32 v3, v10;
	[sflag:s0] =	ssyncset.done @!p0 $0x0  }
0x55: {  	[sflag:s0] =	ssyncadd.s32 @!p0 $0xFFFFFC00  }
0x56: {  	v12 =	vld.idx.msk [tilespmem:v32+s26+$0x0], $0xffff  }
0x57: {  	v11 =	vor.u32 v2, v8;
	v13 =	vld.idx.msk [tilespmem:v36+s26+$0x0], $0xffff  }
0x58: {  	v30 =	vor.u32 v2, v9;
	v14 =	vld.idx.msk [tilespmem:v37+s26+$0x0], $0xffff  }
0x59: {  	v31 =	vor.u32 v2, v24;
	v15 =	vld.idx.msk [tilespmem:v38+s26+$0x0], $0xffff  }
0x5a: {  	v28 =	vor.u32 v2, v10;
	s0 =	simm.s32 $0x10400  }
0x5b: {  	[tilespmem:s0+$0xFFFFE180] =	vst v12  }
0x5c: {  	[tilespmem:s0+$0xFFFFE080] =	vst v13;
	v12 =	vld.idx.msk [tilespmem:v11+s26+$0x0], $0xffff  }
0x5d: {  	v23 =	vor.u32 v4, v8;
	[tilespmem:s0+$0xFFFFE100] =	vst v14;
	v13 =	vld.idx.msk [tilespmem:v30+s26+$0x0], $0xffff  }
0x5e: {  	v21 =	vor.u32 v4, v9;
	[tilespmem:s0+$0xFFFFE000] =	vst v15;
	v14 =	vld.idx.msk [tilespmem:v31+s26+$0x0], $0xffff  }
0x5f: {  	v19 =	vor.u32 v4, v24;
	v15 =	vld.idx.msk [tilespmem:v28+s26+$0x0], $0xffff  }
0x60: {  	v16 =	vor.u32 v4, v10  }
0x61: {  	[tilespmem:s0+$0xFFFFE190] =	vst v12  }
0x62: {  	[tilespmem:s0+$0xFFFFE090] =	vst v13;
	v18 =	vld.idx.msk [tilespmem:v23+s26+$0x0], $0xffff  }
0x63: {  	v22 =	vor.u32 v5, v8;
	[tilespmem:s0+$0xFFFFE110] =	vst v14;
	v13 =	vld.idx.msk [tilespmem:v21+s26+$0x0], $0xffff  }
0x64: {  	v17 =	vor.u32 v5, v9;
	[tilespmem:s0+$0xFFFFE010] =	vst v15;
	v14 =	vld.idx.msk [tilespmem:v19+s26+$0x0], $0xffff  }
0x65: {  	v15 =	vor.u32 v5, v24;
	v25 =	vld.idx.msk [tilespmem:v16+s26+$0x0], $0xffff  }
0x66: {  	v12 =	vor.u32 v5, v10  }
0x67: {  	[tilespmem:s0+$0xFFFFE1A0] =	vst v18  }
0x68: {  	[tilespmem:s0+$0xFFFFE0A0] =	vst v13;
	v18 =	vld.idx.msk [tilespmem:v22+s26+$0x0], $0xffff  }
0x69: {  	v20 =	vor.u32 v6, v8;
	[tilespmem:s0+$0xFFFFE120] =	vst v14;
	v26 =	vld.idx.msk [tilespmem:v17+s26+$0x0], $0xffff  }
0x6a: {  	[tilespmem:s0+$0xFFFFE020] =	vst v25;
	v13 =	vor.u32 v6, v9;
	v25 =	vld.idx.msk [tilespmem:v15+s26+$0x0], $0xffff  }
0x6b: {  	v14 =	vor.u32 v6, v24;
	v27 =	vld.idx.msk [tilespmem:v12+s26+$0x0], $0xffff  }
0x6c: {  	v49 =	vor.u32 v6, v10  }
0x6d: {  	[tilespmem:s0+$0xFFFFE1B0] =	vst v18  }
0x6e: {  	[tilespmem:s0+$0xFFFFE0B0] =	vst v26;
	v29 =	vld.idx.msk [tilespmem:v20+s26+$0x0], $0xffff  }
0x6f: {  	[tilespmem:s0+$0xFFFFE130] =	vst v25;
	v26 =	vld.idx.msk [tilespmem:v13+s26+$0x0], $0xffff  }
0x70: {  	v18 =	vor.u32 v7, v8;
	[tilespmem:s0+$0xFFFFE030] =	vst v27;
	v25 =	vld.idx.msk [tilespmem:v14+s26+$0x0], $0xffff  }
0x71: {  	v44 =	vor.u32 v7, v9;
	v27 =	vld.idx.msk [tilespmem:v49+s26+$0x0], $0xffff  }
0x72: {  	v53 =	vor.u32 v7, v24  }
0x73: {  	v54 =	vor.u32 v7, v10;
	[tilespmem:s0+$0xFFFFE1C0] =	vst v29  }
0x74: {  	[tilespmem:s0+$0xFFFFE0C0] =	vst v26  }
0x75: {  	[tilespmem:s0+$0xFFFFE140] =	vst v25;
	v29 =	vld.idx.msk [tilespmem:v18+s26+$0x0], $0xffff  }
0x76: {  	v34 =	vor.u32 v0, v8;
	v39 =	vor.u32 v0, v9;
	[tilespmem:s0+$0xFFFFE040] =	vst v27;
	v33 =	vld.idx.msk [tilespmem:v44+s26+$0x0], $0xffff  }
0x77: {  	v25 =	vld.idx.msk [tilespmem:v53+s26+$0x0], $0xffff;
	[tilespmem:$0x1FFA0] =	vst v39  }
0x78: {  	v35 =	vor.u32 v0, v24;
	v27 =	vld.idx.msk [tilespmem:v54+s26+$0x0], $0xffff  }
0x79: {  	s2 =	simm.s32 $0x4;
	v26 =	vor.u32 v0, v10;
	[tilespmem:$0x1FFB0] =	vst v35  }
0x7a: {  	v52 =	vor.u32 v1, v8;
	v8 =	vmov s2;
	[tilespmem:s0+$0xFFFFE1D0] =	vst v29  }
0x7b: {  	s2 =	simm.s32 $0x6;
	v8 =	vand.u32 $0x3C, v8;
	[tilespmem:s0+$0xFFFFE0D0] =	vst v33;
	v29 =	vld.idx.msk [tilespmem:v34+s26+$0x0], $0xffff  }
0x7c: {  	s25 =	simm.s32 $0x5;
	[tilespmem:s0+$0xFFFFE150] =	vst v25;
	v25 =	vor.u32 v1, v24;
	v24 =	vor.u32 v1, v10;
	v10 =	vmov s2;
	v33 =	vld.idx.msk [tilespmem:v39+s26+$0x0], $0xffff  }
0x7d: {  	[tilespmem:s0+$0xFFFFE050] =	vst v27;
	v62 =	vld.idx.msk [tilespmem:v35+s26+$0x0], $0xffff;
	v27 =	vor.u32 v1, v9;
	v9 =	vmov s25;
	v10 =	vand.u32 $0x3E, v10  }
0x7e: {  	v55 =	vbroadcast v8, $0x0;
	v8 =	vld.idx.msk [tilespmem:v26+s26+$0x0], $0xffff;
	v9 =	vand.u32 $0x3D, v9;
	v56 =	vbroadcast v10, $0x0  }
0x7f: {  	v50 =	vbroadcast v9, $0x0  }
0x80: {  	v39 =	vor.u32 v3, v56;
	[tilespmem:s0+$0xFFFFE1E0] =	vst v29  }
0x81: {  	[tilespmem:s0+$0xFFFFE0E0] =	vst v33;
	v33 =	vor.u32 v3, v50;
	v9 =	vld.idx.msk [tilespmem:v52+s26+$0x0], $0xffff  }
0x82: {  	[tilespmem:s0+$0xFFFFE160] =	vst v62;
	v40 =	vld.idx.msk [tilespmem:v27+s26+$0x0], $0xffff  }
0x83: {  	[tilespmem:s0+$0xFFFFE060] =	vst v8;
	v8 =	vld.idx.msk [tilespmem:v25+s26+$0x0], $0xffff  }
0x84: {  	v10 =	vld.idx.msk [tilespmem:v24+s26+$0x0], $0xffff  }
0x85: {  	v51 =	vld.idx.msk [tilespmem:v39+s26+$0x0], $0xffff  }
0x86: {  	s25 =	simm.s32 $0x7;
	v29 =	vor.u32 v3, v55;
	v48 =	vld.idx.msk [tilespmem:v33+s26+$0x0], $0xffff;
	[tilespmem:s0+$0xFFFFE1F0] =	vst v9  }
0x87: {  	v63 =	vmov s25;
	[tilespmem:s0+$0xFFFFE0F0] =	vst v40;
	v40 =	vor.u32 v2, v50;
	v32 =	vld.idx.msk [tilespmem:v32+s28+$0x0], $0xffff  }
0x88: {  	v9 =	vand.u32 $0x3F, v63;
	[tilespmem:s0+$0xFFFFE170] =	vst v8;
	v36 =	vld.idx.msk [tilespmem:v36+s28+$0x0], $0xffff  }
0x89: {  	s25 =	simm.s32 $0x9;
	v57 =	vbroadcast v9, $0x0;
	[tilespmem:s0+$0xFFFFE070] =	vst v10;
	v37 =	vld.idx.msk [tilespmem:v37+s28+$0x0], $0xffff  }
0x8a: {  	v10 =	vmov s25;
	s25 =	simm.s32 $0x10600;
	v38 =	vld.idx.msk [tilespmem:v38+s28+$0x0], $0xffff  }
0x8b: {  	v42 =	vld.idx.msk [tilespmem:v29+s26+$0x0], $0xffff;
	v45 =	vor.u32 v3, v57;
	[tilespmem:s25+$0xFFFFE080] =	vst v48  }
0x8c: {  	v47 =	vld.idx.msk [tilespmem:v40+s26+$0x0], $0xffff;
	[tilespmem:s0+$0x180] =	vst v32  }
0x8d: {  	[tilespmem:s0+$0x80] =	vst v36;
	v36 =	vor.u32 v2, v56;
	v32 =	vld.idx.msk [tilespmem:v11+s28+$0x0], $0xffff  }
0x8e: {  	[tilespmem:s0+$0x100] =	vst v37;
	v37 =	vld.idx.msk [tilespmem:v30+s28+$0x0], $0xffff;
	v30 =	vor.u32 v2, v55  }
0x8f: {  	[tilespmem:s0+$0x0] =	vst v38;
	v38 =	vld.idx.msk [tilespmem:v31+s28+$0x0], $0xffff  }
0x90: {  	[tilespmem:s25+$0xFFFFE100] =	vst v51;
	v58 =	vld.idx.msk [tilespmem:v45+s26+$0x0], $0xffff  }
0x91: {  	[tilespmem:s25+$0xFFFFE000] =	vst v42;
	v59 =	vld.idx.msk [tilespmem:v28+s28+$0x0], $0xffff  }
0x92: {  	v31 =	vor.u32 v4, v50;
	[tilespmem:s25+$0xFFFFE090] =	vst v47;
	v51 =	vld.idx.msk [tilespmem:v36+s26+$0x0], $0xffff  }
0x93: {  	v41 =	vor.u32 v2, v57;
	[tilespmem:s0+$0x190] =	vst v32;
	v60 =	vld.idx.msk [tilespmem:v30+s26+$0x0], $0xffff  }
0x94: {  	[tilespmem:s0+$0x90] =	vst v37;
	v32 =	vld.idx.msk [tilespmem:v23+s28+$0x0], $0xffff  }
0x95: {  	v28 =	vor.u32 v4, v56;
	[tilespmem:s0+$0x110] =	vst v38;
	v37 =	vld.idx.msk [tilespmem:v21+s28+$0x0], $0xffff  }
0x96: {  	[tilespmem:s25+$0xFFFFE180] =	vst v58;
	v23 =	vor.u32 v4, v55;
	v61 =	vld.idx.msk [tilespmem:v19+s28+$0x0], $0xffff  }
0x97: {  	v58 =	vld.idx.msk [tilespmem:v31+s26+$0x0], $0xffff;
	[tilespmem:s0+$0x10] =	vst v59  }
0x98: {  	v35 =	vld.idx.msk [tilespmem:v41+s26+$0x0], $0xffff;
	[tilespmem:s25+$0xFFFFE110] =	vst v51  }
0x99: {  	v59 =	vld.idx.msk [tilespmem:v16+s28+$0x0], $0xffff;
	[tilespmem:s25+$0xFFFFE010] =	vst v60  }
0x9a: {  	v42 =	vor.u32 v4, v57;
	v51 =	vld.idx.msk [tilespmem:v28+s26+$0x0], $0xffff;
	[tilespmem:s0+$0x1A0] =	vst v32  }
0x9b: {  	v21 =	vor.u32 v5, v56;
	v60 =	vld.idx.msk [tilespmem:v23+s26+$0x0], $0xffff;
	[tilespmem:s0+$0xA0] =	vst v37  }
0x9c: {  	[tilespmem:s25+$0xFFFFE0A0] =	vst v58;
	v32 =	vld.idx.msk [tilespmem:v22+s28+$0x0], $0xffff;
	v22 =	vor.u32 v5, v50  }
0x9d: {  	v19 =	vor.u32 v5, v55;
	[tilespmem:s0+$0x120] =	vst v61;
	v62 =	vld.idx.msk [tilespmem:v17+s28+$0x0], $0xffff  }
0x9e: {  	[tilespmem:s25+$0xFFFFE190] =	vst v35;
	v15 =	vld.idx.msk [tilespmem:v15+s28+$0x0], $0xffff  }
0x9f: {  	v48 =	vld.idx.msk [tilespmem:v42+s26+$0x0], $0xffff;
	[tilespmem:s25+$0xFFFFE120] =	vst v51  }
0xa0: {  	v38 =	vor.u32 v5, v57;
	[tilespmem:s0+$0x20] =	vst v59;
	v51 =	vld.idx.msk [tilespmem:v21+s26+$0x0], $0xffff  }
0xa1: {  	[tilespmem:s25+$0xFFFFE020] =	vst v60;
	v58 =	vld.idx.msk [tilespmem:v22+s26+$0x0], $0xffff  }
0xa2: {  	v16 =	vor.u32 v6, v56;
	[tilespmem:s0+$0x1B0] =	vst v32;
	v60 =	vld.idx.msk [tilespmem:v19+s26+$0x0], $0xffff  }
0xa3: {  	[tilespmem:s0+$0xB0] =	vst v62;
	v32 =	vld.idx.msk [tilespmem:v20+s28+$0x0], $0xffff;
	v20 =	vor.u32 v6, v50  }
0xa4: {  	v17 =	vor.u32 v6, v55;
	[tilespmem:s25+$0xFFFFE1A0] =	vst v48  }
0xa5: {  	[tilespmem:s0+$0x130] =	vst v15;
	v48 =	vld.idx.msk [tilespmem:v38+s26+$0x0], $0xffff  }
0xa6: {  	v37 =	vor.u32 v6, v57;
	v59 =	vld.idx.msk [tilespmem:v12+s28+$0x0], $0xffff;
	[tilespmem:s25+$0xFFFFE130] =	vst v51  }
0xa7: {  	[tilespmem:s25+$0xFFFFE0B0] =	vst v58;
	v51 =	vld.idx.msk [tilespmem:v16+s26+$0x0], $0xffff  }
0xa8: {  	[tilespmem:s25+$0xFFFFE030] =	vst v60;
	v47 =	vld.idx.msk [tilespmem:v20+s26+$0x0], $0xffff  }
0xa9: {  	v12 =	vor.u32 v7, v56;
	[tilespmem:s0+$0x1C0] =	vst v32;
	v60 =	vld.idx.msk [tilespmem:v17+s26+$0x0], $0xffff  }
0xaa: {  	[tilespmem:s25+$0xFFFFE1B0] =	vst v48;
	v48 =	vld.idx.msk [tilespmem:v18+s28+$0x0], $0xffff;
	v18 =	vor.u32 v7, v50  }
0xab: {  	[tilespmem:s0+$0x30] =	vst v59;
	v58 =	vld.idx.msk [tilespmem:v37+s26+$0x0], $0xffff  }
0xac: {  	v62 =	vld.idx.msk [tilespmem:v13+s28+$0x0], $0xffff;
	v13 =	vor.u32 v7, v55;
	[tilespmem:s25+$0xFFFFE140] =	vst v51  }
0xad: {  	v63 =	vld.idx.msk [tilespmem:v14+s28+$0x0], $0xffff;
	v32 =	vor.u32 v7, v57;
	[tilespmem:s25+$0xFFFFE0C0] =	vst v47  }
0xae: {  	[tilespmem:s25+$0xFFFFE040] =	vst v60;
	v60 =	vld.idx.msk [tilespmem:v12+s26+$0x0], $0xffff  }
0xaf: {  	[tilespmem:s0+$0x1D0] =	vst v48;
	v47 =	vld.idx.msk [tilespmem:v18+s26+$0x0], $0xffff  }
0xb0: {  	v15 =	vor.u32 v0, v56;
	[tilespmem:s25+$0xFFFFE1C0] =	vst v58;
	v58 =	vld.idx.msk [tilespmem:v34+s28+$0x0], $0xffff  }
0xb1: {  	[tilespmem:s0+$0xC0] =	vst v62;
	v35 =	vld.idx.msk [tilespmem:v13+s26+$0x0], $0xffff  }
0xb2: {  	v14 =	vor.u32 v0, v50;
	[tilespmem:s0+$0x140] =	vst v63;
	v61 =	vld.idx.msk [tilespmem:v32+s26+$0x0], $0xffff  }
0xb3: {  	v49 =	vld.idx.msk [tilespmem:v49+s28+$0x0], $0xffff;
	v48 =	vor.u32 v0, v55;
	[tilespmem:s25+$0xFFFFE150] =	vst v60  }
0xb4: {  	v62 =	vld.idx.msk [tilespmem:v44+s28+$0x0], $0xffff;
	v34 =	vor.u32 v0, v57;
	[tilespmem:s25+$0xFFFFE0D0] =	vst v47  }
0xb5: {  	s2 =	simm.s32 $0x8;
	v60 =	vld.idx.msk [tilespmem:v15+s26+$0x0], $0xffff;
	[tilespmem:s0+$0x1E0] =	vst v58  }
0xb6: {  	v8 =	vmov s2;
	s2 =	simm.s32 $0xA;
	[tilespmem:s25+$0xFFFFE050] =	vst v35;
	v58 =	vld.idx.msk [tilespmem:v52+s28+$0x0], $0xffff  }
0xb7: {  	v59 =	vmov s2;
	[tilespmem:s25+$0xFFFFE1D0] =	vst v61;
	v61 =	vld.idx.msk [tilespmem:v14+s26+$0x0], $0xffff  }
0xb8: {  	v59 =	vand.u32 $0x3E, v59;
	[tilespmem:s0+$0x40] =	vst v49;
	v52 =	vld.idx.msk [tilespmem:v48+s26+$0x0], $0xffff  }
0xb9: {  	v44 =	vbroadcast v59, $0x0;
	[tilespmem:s0+$0xD0] =	vst v62;
	v59 =	vld.idx.msk [tilespmem:v34+s26+$0x0], $0xffff  }
0xba: {  	[tilespmem:s25+$0xFFFFE160] =	vst v60  }
0xbb: {  	[tilespmem:s0+$0x1F0] =	vst v58  }
0xbc: {  	[tilespmem:s25+$0xFFFFE0E0] =	vst v61  }
0xbd: {  	[tilespmem:s25+$0xFFFFE060] =	vst v52  }
0xbe: {  	[tilespmem:s25+$0xFFFFE1E0] =	vst v59  }
0xbf: {  	v0 =	vld [tilespmem:$0x1FFA0];
	_ =	sdelay $0x1  }
0xc0: {  	v8 =	vand.u32 $0x3C, v8;
	v63 =	vld.idx.msk [tilespmem:v53+s28+$0x0], $0xffff  }
0xc1: {  	v9 =	vbroadcast v8, $0x0;
	v8 =	vand.u32 $0x3D, v10;
	v49 =	vor.u32 v1, v55;
	v55 =	vld.idx.msk [tilespmem:v54+s28+$0x0], $0xffff  }
0xc2: {  	v10 =	vbroadcast v8, $0x0  }
0xc3: {  	v8 =	vor.u32 v3, v9  }
0xc4: {  	v11 =	vor.u32 v3, v10  }
0xc5: {  	v51 =	vor.u32 v3, v44;
	[tilespmem:s0+$0x150] =	vst v63  }
0xc6: {  	v50 =	vor.u32 v1, v50;
	[tilespmem:s0+$0x50] =	vst v55;
	v53 =	vld.idx.msk [tilespmem:v0+s28+$0x0], $0xffff  }
0xc7: {  	v47 =	vor.u32 v1, v56;
	v0 =	vld [tilespmem:$0x1FFB0]  }
0xc8: {  	v43 =	vld.idx.msk [tilespmem:v8+s26+$0x0], $0xffff;
	v35 =	vor.u32 v1, v57  }
0xc9: {  	v46 =	vld.idx.msk [tilespmem:v11+s26+$0x0], $0xffff  }
0xca: {  	v54 =	vld.idx.msk [tilespmem:v51+s26+$0x0], $0xffff  }
0xcb: {  	v57 =	vld.idx.msk [tilespmem:v50+s26+$0x0], $0xffff  }
0xcc: {  	v58 =	vld.idx.msk [tilespmem:v47+s26+$0x0], $0xffff  }
0xcd: {  	v59 =	vld.idx.msk [tilespmem:v35+s26+$0x0], $0xffff  }
0xce: {  	v56 =	vld.idx.msk [tilespmem:v49+s26+$0x0], $0xffff  }
0xcf: {  	s1 =	simm.s32 $0xC;
	s2 =	simm.s32 $0xB;
	v55 =	vld.idx.msk [tilespmem:v0+s28+$0x0], $0xffff  }
.LBB2_3:
0xd0: {  	[tilespmem:s25+$0xFFFFE0F0] =	vst v57  }
0xd1: {  	v63 =	vld.idx.msk [tilespmem:v26+s28+$0x0], $0xffff;
	[tilespmem:s25+$0xFFFFE170] =	vst v58  }
0xd2: {  	[tilespmem:s25+$0xFFFFE1F0] =	vst v59;
	v62 =	vld.idx.msk [tilespmem:v33+s28+$0x0], $0xffff  }
0xd3: {  	v52 =	vmov s2;
	[tilespmem:s25+$0xFFFFE070] =	vst v56;
	v56 =	vld.idx.msk [tilespmem:v39+s28+$0x0], $0xffff  }
0xd4: {  	v60 =	vand.u32 $0x3F, v52;
	v39 =	vmov v51;
	[tilespmem:s0+$0xE0] =	vst v53;
	v51 =	vld.idx.msk [tilespmem:v29+s28+$0x0], $0xffff  }
0xd5: {  	s2 =	sadd.s32 $0x1, s1;
	v52 =	vbroadcast v60, $0x0;
	v33 =	vmov v11;
	v11 =	vmov s1;
	[tilespmem:s0+$0x160] =	vst v55;
	v61 =	vld.idx.msk [tilespmem:v45+s28+$0x0], $0xffff  }
0xd6: {  	v29 =	vmov v8;
	v8 =	vand.u32 $0x3C, v11;
	v11 =	vmov s2;
	v58 =	vld.idx.msk [tilespmem:v27+s28+$0x0], $0xffff;
	[tilespmem:s0+$0x60] =	vst v63  }
0xd7: {  	v45 =	vor.u32 v3, v52;
	v63 =	vld.idx.msk [tilespmem:v25+s28+$0x0], $0xffff;
	v53 =	vbroadcast v8, $0x0;
	v8 =	vand.u32 $0x3D, v11;
	[tilespmem:s25+$0x80] =	vst v62  }
0xd8: {  	v25 =	vmov v47;
	v60 =	vld.idx.msk [tilespmem:v24+s28+$0x0], $0xffff;
	v47 =	vbroadcast v8, $0x0;
	[tilespmem:s25+$0x100] =	vst v56  }
0xd9: {  	v8 =	vor.u32 v3, v53;
	[tilespmem:s25+$0x0] =	vst v51;
	v51 =	vld.idx.msk [tilespmem:v40+s28+$0x0], $0xffff  }
0xda: {  	v11 =	vor.u32 v3, v47;
	[tilespmem:s25+$0x180] =	vst v61;
	v56 =	vld.idx.msk [tilespmem:v36+s28+$0x0], $0xffff  }
0xdb: {  	v61 =	vld.idx.msk [tilespmem:v41+s28+$0x0], $0xffff  }
0xdc: {  	[tilespmem:s0+$0xF0] =	vst v58;
	v40 =	vor.u32 v2, v10;
	v62 =	vld.idx.msk [tilespmem:v45+s26+$0x0], $0xffff  }
0xdd: {  	[tilespmem:s0+$0x170] =	vst v63;
	v36 =	vor.u32 v2, v44;
	v57 =	vld.idx.msk [tilespmem:v30+s28+$0x0], $0xffff  }
0xde: {  	v27 =	vmov v50;
	v50 =	vld.idx.msk [tilespmem:v8+s26+$0x0], $0xffff;
	[tilespmem:s0+$0x70] =	vst v60;
	s0 =	smov.u32 s25;
	s25 =	sadd.s32 $0x200, s25  }
0xdf: {  	v41 =	vor.u32 v2, v52;
	v55 =	vld.idx.msk [tilespmem:v11+s26+$0x0], $0xffff;
	[tilespmem:s25+$0xFFFFE080] =	vst v46  }
0xe0: {  	v30 =	vor.u32 v2, v9;
	[tilespmem:s25+$0xFFFFE100] =	vst v54  }
0xe1: {  	v58 =	vld.idx.msk [tilespmem:v40+s26+$0x0], $0xffff;
	[tilespmem:s0+$0x190] =	vst v61  }
0xe2: {  	v54 =	vld.idx.msk [tilespmem:v36+s26+$0x0], $0xffff;
	[tilespmem:s25+$0xFFFFE180] =	vst v62  }
0xe3: {  	v26 =	vmov v48;
	v60 =	vor.u32 v4, v10;
	[tilespmem:s25+$0xFFFFE000] =	vst v43;
	v48 =	vld.idx.msk [tilespmem:v42+s28+$0x0], $0xffff  }
0xe4: {  	v24 =	vmov v49;
	v63 =	vor.u32 v4, v44;
	[tilespmem:s0+$0x90] =	vst v51;
	v49 =	vld.idx.msk [tilespmem:v41+s26+$0x0], $0xffff  }
0xe5: {  	[tilespmem:s0+$0x110] =	vst v56;
	v59 =	vld.idx.msk [tilespmem:v30+s26+$0x0], $0xffff  }
0xe6: {  	v51 =	vld.idx.msk [tilespmem:v31+s28+$0x0], $0xffff;
	v42 =	vor.u32 v4, v52;
	[tilespmem:s25+$0xFFFFE090] =	vst v58  }
0xe7: {  	v56 =	vld.idx.msk [tilespmem:v28+s28+$0x0], $0xffff;
	v46 =	vmov v55;
	v55 =	vor.u32 v4, v9;
	[tilespmem:s25+$0xFFFFE110] =	vst v54  }
0xe8: {  	v58 =	vld.idx.msk [tilespmem:v60+s26+$0x0], $0xffff;
	[tilespmem:s0+$0x1A0] =	vst v48  }
0xe9: {  	v43 =	vmov v50;
	v50 =	vld.idx.msk [tilespmem:v63+s26+$0x0], $0xffff;
	[tilespmem:s25+$0xFFFFE190] =	vst v49  }
0xea: {  	v48 =	vld.idx.msk [tilespmem:v38+s28+$0x0], $0xffff  }
0xeb: {  	[tilespmem:s25+$0xFFFFE010] =	vst v59;
	v59 =	vor.u32 v5, v10;
	v49 =	vld.idx.msk [tilespmem:v42+s26+$0x0], $0xffff  }
0xec: {  	v54 =	vld.idx.msk [tilespmem:v55+s26+$0x0], $0xffff;
	[tilespmem:s0+$0x10] =	vst v57  }
0xed: {  	v31 =	vmov v60;
	[tilespmem:s0+$0xA0] =	vst v51;
	v38 =	vor.u32 v5, v52;
	v60 =	vld.idx.msk [tilespmem:v23+s28+$0x0], $0xffff  }
0xee: {  	v57 =	vor.u32 v5, v44;
	v23 =	vmov v55;
	v55 =	vld.idx.msk [tilespmem:v22+s28+$0x0], $0xffff;
	[tilespmem:s25+$0xFFFFE0A0] =	vst v58  }
0xef: {  	v51 =	vor.u32 v5, v9;
	[tilespmem:s0+$0x1B0] =	vst v48  }
0xf0: {  	v58 =	vld.idx.msk [tilespmem:v59+s26+$0x0], $0xffff;
	[tilespmem:s25+$0xFFFFE1A0] =	vst v49  }
0xf1: {  	v48 =	vld.idx.msk [tilespmem:v37+s28+$0x0], $0xffff  }
0xf2: {  	v22 =	vmov v59;
	[tilespmem:s25+$0xFFFFE120] =	vst v50;
	v59 =	vor.u32 v6, v10;
	v49 =	vld.idx.msk [tilespmem:v38+s26+$0x0], $0xffff  }
0xf3: {  	[tilespmem:s25+$0xFFFFE020] =	vst v54;
	v50 =	vld.idx.msk [tilespmem:v57+s26+$0x0], $0xffff  }
0xf4: {  	[tilespmem:s0+$0x120] =	vst v56;
	v54 =	vld.idx.msk [tilespmem:v51+s26+$0x0], $0xffff  }
0xf5: {  	[tilespmem:s0+$0x20] =	vst v60;
	v60 =	vld.idx.msk [tilespmem:v21+s28+$0x0], $0xffff  }
0xf6: {  	v37 =	vor.u32 v6, v52;
	v61 =	vld.idx.msk [tilespmem:v19+s28+$0x0], $0xffff;
	[tilespmem:s25+$0xFFFFE0B0] =	vst v58  }
0xf7: {  	v21 =	vmov v57;
	v57 =	vor.u32 v6, v9;
	v19 =	vmov v51;
	v51 =	vld.idx.msk [tilespmem:v59+s26+$0x0], $0xffff;
	[tilespmem:s0+$0xB0] =	vst v55  }
0xf8: {  	v1 =	vld [tilespmem:$0x1FFD0];
	v56 =	vor.u32 v6, v44;
	[tilespmem:s0+$0x1C0] =	vst v48  }
0xf9: {  	[tilespmem:s25+$0xFFFFE1B0] =	vst v49;
	v62 =	vld.idx.msk [tilespmem:v20+s28+$0x0], $0xffff  }
0xfa: {  	v58 =	vor.u32 v7, v10;
	v48 =	vld.idx.msk [tilespmem:v32+s28+$0x0], $0xffff  }
0xfb: {  	v49 =	vld.idx.msk [tilespmem:v37+s26+$0x0], $0xffff;
	[tilespmem:s25+$0xFFFFE030] =	vst v54  }
0xfc: {  	[tilespmem:s25+$0xFFFFE130] =	vst v50;
	v54 =	vld.idx.msk [tilespmem:v57+s26+$0x0], $0xffff  }
0xfd: {  	v20 =	vmov v59;
	v59 =	vor.u32 v7, v9;
	v50 =	vld.idx.msk [tilespmem:v56+s26+$0x0], $0xffff;
	[tilespmem:s0+$0x130] =	vst v60  }
0xfe: {  	v60 =	vld.idx.msk [tilespmem:v16+s28+$0x0], $0xffff;
	[tilespmem:s25+$0xFFFFE0C0] =	vst v51  }
0xff: {  	v32 =	vor.u32 v7, v52;
	v16 =	vmov v56;
	v56 =	vld.idx.msk [tilespmem:v58+s26+$0x0], $0xffff;
	[tilespmem:s0+$0xC0] =	vst v62  }
0x100: {  	v55 =	vor.u32 v7, v44;
	[tilespmem:s0+$0x1D0] =	vst v48  }
0x101: {  	v62 =	vld.idx.msk [tilespmem:v18+s28+$0x0], $0xffff;
	[tilespmem:s25+$0xFFFFE040] =	vst v54  }
0x102: {  	[tilespmem:s25+$0xFFFFE1C0] =	vst v49;
	v54 =	vld.idx.msk [tilespmem:v59+s26+$0x0], $0xffff  }
0x103: {  	v49 =	vld.idx.msk [tilespmem:v34+s28+$0x0], $0xffff  }
0x104: {  	v28 =	vmov v63;
	v63 =	vor.u32 v1, v10;
	[tilespmem:s25+$0xFFFFE140] =	vst v50;
	v51 =	vld.idx.msk [tilespmem:v32+s26+$0x0], $0xffff  }
0x105: {  	v50 =	vld.idx.msk [tilespmem:v55+s26+$0x0], $0xffff;
	[tilespmem:s0+$0x30] =	vst v61  }
0x106: {  	s2 =	sadd.s32 $0x2, s1;
	v34 =	vor.u32 v1, v52;
	v0 =	vld.idx.msk [tilespmem:v17+s28+$0x0], $0xffff;
	[tilespmem:s25+$0xFFFFE0D0] =	vst v56  }
0x107: {  	v48 =	vmov s2;
	v61 =	vor.u32 v1, v44;
	[tilespmem:s25+$0xFFFFE050] =	vst v54;
	v54 =	vld [tilespmem:$0x1FFC0]  }
0x108: {  	v17 =	vmov v57;
	v57 =	vand.u32 $0x3E, v48;
	v48 =	vor.u32 v1, v9;
	[tilespmem:s0+$0x1E0] =	vst v49  }
0x109: {  	v18 =	vmov v58;
	v58 =	vld.idx.msk [tilespmem:v63+s26+$0x0], $0xffff;
	v49 =	vbroadcast v57, $0x0;
	[tilespmem:s25+$0xFFFFE1D0] =	vst v51  }
0x10a: {  	v57 =	vld.idx.msk [tilespmem:v35+s28+$0x0], $0xffff  }
0x10b: {  	[tilespmem:s25+$0xFFFFE150] =	vst v50;
	v56 =	vld.idx.msk [tilespmem:v34+s26+$0x0], $0xffff;
	v51 =	vor.u32 v3, v49  }
0x10c: {  	v1 =	vld.idx.msk [tilespmem:v61+s26+$0x0], $0xffff;
	v35 =	vor.u32 v54, v52  }
0x10d: {  	[tilespmem:s0+$0x140] =	vst v60;
	v52 =	vld.idx.msk [tilespmem:v48+s26+$0x0], $0xffff;
	v50 =	vor.u32 v54, v10  }
0x10e: {  	v10 =	vmov v47;
	v47 =	vor.u32 v54, v44;
	[tilespmem:s0+$0x40] =	vst v0;
	v0 =	vld.idx.msk [tilespmem:v12+s28+$0x0], $0xffff  }
0x10f: {  	v44 =	vmov v49;
	v49 =	vor.u32 v54, v9;
	[tilespmem:s0+$0x1F0] =	vst v57;
	v60 =	vld.idx.msk [tilespmem:v13+s28+$0x0], $0xffff  }
0x110: {  	[tilespmem:s25+$0xFFFFE1E0] =	vst v56;
	v54 =	vld.idx.msk [tilespmem:v51+s26+$0x0], $0xffff  }
0x111: {  	p1 =	slt.u32 s1, $0x3C;
	[tilespmem:s25+$0xFFFFE0E0] =	vst v58;
	v13 =	vmov v59;
	v59 =	vld.idx.msk [tilespmem:v35+s26+$0x0], $0xffff  }
.Ltmp0:
0x112: {  	[tilespmem:s25+$0xFFFFE160] =	vst v1;
	v57 =	vld.idx.msk [tilespmem:v50+s26+$0x0], $0xffff;
	(pc) =	sbr.rel @p1 .LBB2_3-.Ltmp0, $4  }
0x113: {  	[tilespmem:s25+$0xFFFFE060] =	vst v52;
	v58 =	vld.idx.msk [tilespmem:v47+s26+$0x0], $0xffff  }
0x114: {  	[tilespmem:s0+$0xD0] =	vst v62;
	v56 =	vld.idx.msk [tilespmem:v49+s26+$0x0], $0xffff  }
0x115: {  	v9 =	vmov v53;
	[tilespmem:s0+$0x150] =	vst v0;
	v53 =	vld.idx.msk [tilespmem:v14+s28+$0x0], $0xffff  }
0x116: {  	s2 =	sadd.s32 $0x3, s1;
	s1 =	sadd.s32 $0x4, s1;
	v12 =	vmov v55;
	v14 =	vmov v63;
	[tilespmem:s0+$0x50] =	vst v60;
	v55 =	vld.idx.msk [tilespmem:v15+s28+$0x0], $0xffff;
	v15 =	vmov v61  }
0x117: {  	v0 =	vmov s2  }
0x118: {  	[tilespmem:s25+$0xFFFFE1F0] =	vst v59;
	v0 =	vand.u32 $0x3F, v0  }
0x119: {  	[tilespmem:s25+$0xFFFFE0F0] =	vst v57;
	v0 =	vbroadcast v0, $0x0  }
0x11a: {  	s1 =	sadd.s32 $0x200, s25;
	[tilespmem:s25+$0xFFFFE170] =	vst v58  }
0x11b: {  	v1 =	vld.idx.msk [tilespmem:v26+s28+$0x0], $0xffff;
	[tilespmem:s1+$0xFFFFE080] =	vst v46;
	v26 =	vor.u32 v3, v0  }
0x11c: {  	v45 =	vld.idx.msk [tilespmem:v45+s28+$0x0], $0xffff;
	[tilespmem:s1+$0xFFFFE100] =	vst v54  }
0x11d: {  	v33 =	vld.idx.msk [tilespmem:v33+s28+$0x0], $0xffff;
	[tilespmem:s1+$0xFFFFE000] =	vst v43  }
0x11e: {  	[tilespmem:s25+$0xFFFFE070] =	vst v56;
	v39 =	vld.idx.msk [tilespmem:v39+s28+$0x0], $0xffff  }
0x11f: {  	[tilespmem:s0+$0xE0] =	vst v53;
	v52 =	vld.idx.msk [tilespmem:v29+s28+$0x0], $0xffff  }
0x120: {  	v29 =	vor.u32 v2, v10;
	[tilespmem:s0+$0x60] =	vst v1;
	v1 =	vld.idx.msk [tilespmem:v26+s26+$0x0], $0xffff  }
0x121: {  	[tilespmem:s0+$0x160] =	vst v55;
	v53 =	vld.idx.msk [tilespmem:v27+s28+$0x0], $0xffff;
	v27 =	vor.u32 v2, v0  }
0x122: {  	[tilespmem:s25+$0x80] =	vst v33;
	v33 =	vor.u32 v2, v44  }
0x123: {  	v58 =	vld.idx.msk [tilespmem:v25+s28+$0x0], $0xffff;
	[tilespmem:s25+$0x180] =	vst v45  }
0x124: {  	v25 =	vor.u32 v2, v9;
	v24 =	vld.idx.msk [tilespmem:v24+s28+$0x0], $0xffff;
	[tilespmem:s25+$0x100] =	vst v39  }
0x125: {  	v59 =	vld.idx.msk [tilespmem:v29+s26+$0x0], $0xffff;
	[tilespmem:s1+$0xFFFFE180] =	vst v1  }
0x126: {  	[tilespmem:s25+$0x0] =	vst v52;
	v52 =	vor.u32 v4, v10;
	v1 =	vld.idx.msk [tilespmem:v27+s26+$0x0], $0xffff  }
0x127: {  	v46 =	vor.u32 v4, v0;
	[tilespmem:s0+$0xF0] =	vst v53;
	v56 =	vld.idx.msk [tilespmem:v33+s26+$0x0], $0xffff  }
0x128: {  	v62 =	vor.u32 v4, v44;
	v41 =	vld.idx.msk [tilespmem:v41+s28+$0x0], $0xffff;
	[tilespmem:s0+$0x170] =	vst v58  }
0x129: {  	v57 =	vld.idx.msk [tilespmem:v25+s26+$0x0], $0xffff;
	[tilespmem:s0+$0x70] =	vst v24  }
0x12a: {  	v40 =	vld.idx.msk [tilespmem:v40+s28+$0x0], $0xffff;
	v24 =	vor.u32 v4, v9;
	[tilespmem:s1+$0xFFFFE090] =	vst v59  }
0x12b: {  	v45 =	vld.idx.msk [tilespmem:v52+s26+$0x0], $0xffff;
	[tilespmem:s1+$0xFFFFE190] =	vst v1  }
0x12c: {  	v54 =	vor.u32 v5, v10;
	[tilespmem:s1+$0xFFFFE110] =	vst v56;
	v1 =	vld.idx.msk [tilespmem:v46+s26+$0x0], $0xffff  }
0x12d: {  	v43 =	vor.u32 v5, v0;
	[tilespmem:s25+$0x190] =	vst v41;
	v58 =	vld.idx.msk [tilespmem:v62+s26+$0x0], $0xffff  }
0x12e: {  	v55 =	vor.u32 v5, v44;
	v36 =	vld.idx.msk [tilespmem:v36+s28+$0x0], $0xffff;
	[tilespmem:s1+$0xFFFFE010] =	vst v57  }
0x12f: {  	[tilespmem:s25+$0x90] =	vst v40;
	v59 =	vld.idx.msk [tilespmem:v24+s26+$0x0], $0xffff  }
0x130: {  	v40 =	vor.u32 v5, v9;
	v42 =	vld.idx.msk [tilespmem:v42+s28+$0x0], $0xffff;
	[tilespmem:s1+$0xFFFFE0A0] =	vst v45  }
0x131: {  	v45 =	vld.idx.msk [tilespmem:v54+s26+$0x0], $0xffff;
	[tilespmem:s1+$0xFFFFE1A0] =	vst v1  }
0x132: {  	v56 =	vor.u32 v6, v10;
	[tilespmem:s1+$0xFFFFE120] =	vst v58;
	v1 =	vld.idx.msk [tilespmem:v43+s26+$0x0], $0xffff  }
0x133: {  	v39 =	vor.u32 v6, v0;
	[tilespmem:s25+$0x110] =	vst v36;
	v60 =	vld.idx.msk [tilespmem:v55+s26+$0x0], $0xffff  }
0x134: {  	v30 =	vld.idx.msk [tilespmem:v30+s28+$0x0], $0xffff;
	v57 =	vor.u32 v6, v44;
	[tilespmem:s1+$0xFFFFE020] =	vst v59  }
0x135: {  	[tilespmem:s25+$0x1A0] =	vst v42;
	v61 =	vld.idx.msk [tilespmem:v40+s26+$0x0], $0xffff  }
0x136: {  	v31 =	vld.idx.msk [tilespmem:v31+s28+$0x0], $0xffff;
	v42 =	vor.u32 v6, v9;
	[tilespmem:s1+$0xFFFFE0B0] =	vst v45  }
0x137: {  	v45 =	vld.idx.msk [tilespmem:v56+s26+$0x0], $0xffff;
	[tilespmem:s1+$0xFFFFE1B0] =	vst v1  }
0x138: {  	v58 =	vor.u32 v7, v10;
	[tilespmem:s1+$0xFFFFE130] =	vst v60;
	v1 =	vld.idx.msk [tilespmem:v39+s26+$0x0], $0xffff  }
0x139: {  	v41 =	vor.u32 v7, v0;
	[tilespmem:s25+$0x10] =	vst v30;
	v63 =	vld.idx.msk [tilespmem:v57+s26+$0x0], $0xffff  }
0x13a: {  	v28 =	vld.idx.msk [tilespmem:v28+s28+$0x0], $0xffff;
	[tilespmem:s1+$0xFFFFE030] =	vst v61  }
0x13b: {  	[tilespmem:s25+$0xA0] =	vst v31;
	v59 =	vor.u32 v7, v44;
	v30 =	vld.idx.msk [tilespmem:v42+s26+$0x0], $0xffff  }
0x13c: {  	v38 =	vld.idx.msk [tilespmem:v38+s28+$0x0], $0xffff;
	[tilespmem:s1+$0xFFFFE0C0] =	vst v45  }
0x13d: {  	v45 =	vld.idx.msk [tilespmem:v58+s26+$0x0], $0xffff;
	[tilespmem:s1+$0xFFFFE1C0] =	vst v1  }
0x13e: {  	[tilespmem:s1+$0xFFFFE140] =	vst v63;
	v1 =	vld.idx.msk [tilespmem:v41+s26+$0x0], $0xffff  }
0x13f: {  	v63 =	vld [tilespmem:$0x1FFD0]  }
0x140: {  	[tilespmem:s1+$0xFFFFE040] =	vst v30;
	v30 =	vld.idx.msk [tilespmem:v59+s26+$0x0], $0xffff  }
0x141: {  	[tilespmem:s25+$0x1B0] =	vst v38  }
0x142: {  	v31 =	vor.u32 v7, v9;
	[tilespmem:s25+$0x120] =	vst v28  }
0x143: {  	[tilespmem:s1+$0xFFFFE0D0] =	vst v45  }
0x144: {  	[tilespmem:s1+$0xFFFFE1D0] =	vst v1  }
0x145: {  	v36 =	vor.u32 v63, v0;
	[tilespmem:s1+$0xFFFFE150] =	vst v30  }
0x146: {  	v60 =	vor.u32 v63, v10;
	v53 =	vld [tilespmem:$0x1FFC0]  }
0x147: {  	v38 =	vld.idx.msk [tilespmem:v31+s26+$0x0], $0xffff;
	v61 =	vor.u32 v63, v44  }
0x148: {  	v23 =	vld.idx.msk [tilespmem:v23+s28+$0x0], $0xffff;
	v28 =	vor.u32 v63, v9  }
0x149: {  	v37 =	vld.idx.msk [tilespmem:v37+s28+$0x0], $0xffff  }
0x14a: {  	v1 =	vld.idx.msk [tilespmem:v36+s26+$0x0], $0xffff  }
0x14b: {  	v45 =	vld.idx.msk [tilespmem:v60+s26+$0x0], $0xffff;
	v0 =	vor.u32 v53, v0  }
0x14c: {  	[tilespmem:s1+$0xFFFFE050] =	vst v38;
	v30 =	vld.idx.msk [tilespmem:v61+s26+$0x0], $0xffff;
	v10 =	vor.u32 v53, v10  }
0x14d: {  	[tilespmem:s25+$0x20] =	vst v23;
	v23 =	vld.idx.msk [tilespmem:v28+s26+$0x0], $0xffff;
	v44 =	vor.u32 v53, v44  }
0x14e: {  	v22 =	vld.idx.msk [tilespmem:v22+s28+$0x0], $0xffff;
	[tilespmem:s25+$0x1C0] =	vst v37;
	v9 =	vor.u32 v53, v9  }
0x14f: {  	v21 =	vld.idx.msk [tilespmem:v21+s28+$0x0], $0xffff;
	[tilespmem:s1+$0xFFFFE1E0] =	vst v1  }
0x150: {  	[tilespmem:s1+$0xFFFFE0E0] =	vst v45;
	v1 =	vld.idx.msk [tilespmem:v0+s26+$0x0], $0xffff  }
0x151: {  	[tilespmem:s1+$0xFFFFE160] =	vst v30;
	v45 =	vld.idx.msk [tilespmem:v10+s26+$0x0], $0xffff  }
0x152: {  	[tilespmem:s1+$0xFFFFE060] =	vst v23;
	v23 =	vld.idx.msk [tilespmem:v44+s26+$0x0], $0xffff  }
0x153: {  	[tilespmem:s25+$0xB0] =	vst v22;
	v22 =	vld.idx.msk [tilespmem:v9+s26+$0x0], $0xffff  }
0x154: {  	[tilespmem:s25+$0x130] =	vst v21;
	v19 =	vld.idx.msk [tilespmem:v19+s28+$0x0], $0xffff  }
0x155: {  	v20 =	vld.idx.msk [tilespmem:v20+s28+$0x0], $0xffff;
	[tilespmem:s1+$0xFFFFE1F0] =	vst v1  }
0x156: {  	[tilespmem:s1+$0xFFFFE0F0] =	vst v45;
	v1 =	vld.idx.msk [tilespmem:v26+s28+$0x0], $0xffff  }
0x157: {  	[tilespmem:s1+$0xFFFFE170] =	vst v23;
	v11 =	vld.idx.msk [tilespmem:v11+s28+$0x0], $0xffff  }
0x158: {  	[tilespmem:s1+$0xFFFFE070] =	vst v22;
	v21 =	vld.idx.msk [tilespmem:v51+s28+$0x0], $0xffff  }
0x159: {  	[tilespmem:s25+$0x30] =	vst v19;
	v8 =	vld.idx.msk [tilespmem:v8+s28+$0x0], $0xffff  }
0x15a: {  	v16 =	vld.idx.msk [tilespmem:v16+s28+$0x0], $0xffff;
	[tilespmem:s25+$0xC0] =	vst v20  }
0x15b: {  	v17 =	vld.idx.msk [tilespmem:v17+s28+$0x0], $0xffff;
	[tilespmem:s1+$0x180] =	vst v1  }
0x15c: {  	[tilespmem:s1+$0x80] =	vst v11;
	v1 =	vld.idx.msk [tilespmem:v27+s28+$0x0], $0xffff  }
0x15d: {  	[tilespmem:s1+$0x100] =	vst v21;
	v11 =	vld.idx.msk [tilespmem:v29+s28+$0x0], $0xffff  }
0x15e: {  	[tilespmem:s1+$0x0] =	vst v8;
	v8 =	vld.idx.msk [tilespmem:v33+s28+$0x0], $0xffff  }
0x15f: {  	[tilespmem:s25+$0x140] =	vst v16;
	v20 =	vld.idx.msk [tilespmem:v25+s28+$0x0], $0xffff  }
0x160: {  	v12 =	vld.idx.msk [tilespmem:v12+s28+$0x0], $0xffff;
	[tilespmem:s25+$0x40] =	vst v17  }
0x161: {  	v30 =	vld.idx.msk [tilespmem:v32+s28+$0x0], $0xffff;
	[tilespmem:s1+$0x190] =	vst v1  }
0x162: {  	[tilespmem:s1+$0x90] =	vst v11;
	v1 =	vld.idx.msk [tilespmem:v46+s28+$0x0], $0xffff  }
0x163: {  	[tilespmem:s1+$0x110] =	vst v8;
	v11 =	vld.idx.msk [tilespmem:v52+s28+$0x0], $0xffff  }
0x164: {  	[tilespmem:s1+$0x10] =	vst v20;
	v8 =	vld.idx.msk [tilespmem:v62+s28+$0x0], $0xffff  }
0x165: {  	[tilespmem:s25+$0x150] =	vst v12;
	v16 =	vld.idx.msk [tilespmem:v24+s28+$0x0], $0xffff  }
0x166: {  	v17 =	vld.idx.msk [tilespmem:v18+s28+$0x0], $0xffff;
	[tilespmem:s25+$0x1D0] =	vst v30  }
0x167: {  	v13 =	vld.idx.msk [tilespmem:v13+s28+$0x0], $0xffff;
	[tilespmem:s1+$0x1A0] =	vst v1  }
0x168: {  	[tilespmem:s1+$0xA0] =	vst v11;
	v1 =	vld.idx.msk [tilespmem:v43+s28+$0x0], $0xffff  }
0x169: {  	[tilespmem:s1+$0x120] =	vst v8;
	v11 =	vld.idx.msk [tilespmem:v54+s28+$0x0], $0xffff  }
0x16a: {  	[tilespmem:s1+$0x20] =	vst v16;
	v8 =	vld.idx.msk [tilespmem:v55+s28+$0x0], $0xffff  }
0x16b: {  	[tilespmem:s25+$0xD0] =	vst v17;
	v16 =	vld.idx.msk [tilespmem:v40+s28+$0x0], $0xffff  }
0x16c: {  	v19 =	vld.idx.msk [tilespmem:v34+s28+$0x0], $0xffff;
	[tilespmem:s25+$0x50] =	vst v13  }
0x16d: {  	v14 =	vld.idx.msk [tilespmem:v14+s28+$0x0], $0xffff;
	[tilespmem:s1+$0x1B0] =	vst v1  }
0x16e: {  	[tilespmem:s1+$0xB0] =	vst v11;
	v1 =	vld.idx.msk [tilespmem:v39+s28+$0x0], $0xffff  }
0x16f: {  	[tilespmem:s1+$0x130] =	vst v8;
	v11 =	vld.idx.msk [tilespmem:v56+s28+$0x0], $0xffff  }
0x170: {  	[tilespmem:s1+$0x30] =	vst v16;
	v8 =	vld.idx.msk [tilespmem:v57+s28+$0x0], $0xffff  }
0x171: {  	[tilespmem:s25+$0x1E0] =	vst v19;
	v12 =	vld.idx.msk [tilespmem:v42+s28+$0x0], $0xffff  }
0x172: {  	v13 =	vld.idx.msk [tilespmem:v15+s28+$0x0], $0xffff;
	[tilespmem:s25+$0xE0] =	vst v14  }
0x173: {  	v19 =	vld.idx.msk [tilespmem:v35+s28+$0x0], $0xffff;
	[tilespmem:s1+$0x1C0] =	vst v1  }
0x174: {  	[tilespmem:s1+$0xC0] =	vst v11;
	v1 =	vld.idx.msk [tilespmem:v41+s28+$0x0], $0xffff  }
0x175: {  	[tilespmem:s1+$0x140] =	vst v8;
	v11 =	vld.idx.msk [tilespmem:v58+s28+$0x0], $0xffff  }
0x176: {  	[tilespmem:s1+$0x40] =	vst v12;
	v8 =	vld.idx.msk [tilespmem:v59+s28+$0x0], $0xffff  }
0x177: {  	[tilespmem:s25+$0x160] =	vst v13;
	v12 =	vld.idx.msk [tilespmem:v31+s28+$0x0], $0xffff  }
0x178: {  	v14 =	vld.idx.msk [tilespmem:v48+s28+$0x0], $0xffff;
	[tilespmem:s25+$0x1F0] =	vst v19  }
0x179: {  	v13 =	vld.idx.msk [tilespmem:v50+s28+$0x0], $0xffff;
	[tilespmem:s1+$0x1D0] =	vst v1  }
0x17a: {  	[tilespmem:s1+$0xD0] =	vst v11;
	v1 =	vld.idx.msk [tilespmem:v36+s28+$0x0], $0xffff  }
0x17b: {  	[tilespmem:s1+$0x150] =	vst v8;
	v11 =	vld.idx.msk [tilespmem:v60+s28+$0x0], $0xffff  }
0x17c: {  	[tilespmem:s1+$0x50] =	vst v12;
	v8 =	vld.idx.msk [tilespmem:v61+s28+$0x0], $0xffff  }
0x17d: {  	[tilespmem:s25+$0x60] =	vst v14;
	v12 =	vld.idx.msk [tilespmem:v28+s28+$0x0], $0xffff  }
0x17e: {  	v14 =	vld.idx.msk [tilespmem:v47+s28+$0x0], $0xffff;
	[tilespmem:s25+$0xF0] =	vst v13  }
0x17f: {  	v13 =	vld.idx.msk [tilespmem:v49+s28+$0x0], $0xffff;
	[tilespmem:s1+$0x1E0] =	vst v1  }
0x180: {  	[tilespmem:s1+$0xE0] =	vst v11;
	v0 =	vld.idx.msk [tilespmem:v0+s28+$0x0], $0xffff  }
0x181: {  	[tilespmem:s1+$0x160] =	vst v8;
	v1 =	vld.idx.msk [tilespmem:v10+s28+$0x0], $0xffff  }
0x182: {  	[tilespmem:s1+$0x60] =	vst v12;
	v8 =	vld.idx.msk [tilespmem:v44+s28+$0x0], $0xffff  }
0x183: {  	[tilespmem:s25+$0x170] =	vst v14;
	v9 =	vld.idx.msk [tilespmem:v9+s28+$0x0], $0xffff  }
0x184: {  	[tilespmem:s25+$0x70] =	vst v13  }
0x185: {  	s25 =	sshll.u32 s24, $0x14;
	[tilespmem:s1+$0x1F0] =	vst v0  }
0x186: {  	s0 =	sor.u32 s6, s25;
	[tilespmem:s1+$0xF0] =	vst v1  }
0x187: {  	s2 =	rddreg [dreg:$0x1];
	s0 =	sshrl.u32 s0, $0x3;
	[tilespmem:s1+$0x170] =	vst v8  }
0x188: {  	s25 =	simm.s32 $0xE400;
	[tilespmem:s1+$0x70] =	vst v9;
	s1 =	sadd.s32 s2, s0  }
0x189: {  	[hbm4b:s1+s3] =	stream.linear.scatter [tilespmem:s25], [sflag:$0x3], $0x400, $0x38;
	[tilespmem:$0x16400] =	vst v63  }
0x18a: {  	s2 =	sadd.s32 s0, s7;
	s25 =	simm.s32 $0xE800  }
0x18b: {  	[hbm4b:s2+s3] =	stream.linear.scatter [tilespmem:s25], [sflag:$0x3], $0x400, $0x38;
	[tilespmem:$0x16400] =	vst v63  }
0x18c: {  	s2 =	sadd.s32 s0, s8;
	s25 =	simm.s32 $0xEC00  }
0x18d: {  	[hbm4b:s2+s3] =	stream.linear.scatter [tilespmem:s25], [sflag:$0x3], $0x400, $0x38;
	[tilespmem:$0x16400] =	vst v63  }
0x18e: {  	s2 =	sadd.s32 s0, s9;
	s25 =	simm.s32 $0xF000  }
0x18f: {  	[hbm4b:s2+s3] =	stream.linear.scatter [tilespmem:s25], [sflag:$0x3], $0x400, $0x38;
	[tilespmem:$0x16400] =	vst v63  }
0x190: {  	s2 =	sadd.s32 s0, s10;
	s25 =	simm.s32 $0xF400  }
0x191: {  	[hbm4b:s2+s3] =	stream.linear.scatter [tilespmem:s25], [sflag:$0x3], $0x400, $0x38;
	[tilespmem:$0x16400] =	vst v63  }
0x192: {  	s2 =	sadd.s32 s0, s11;
	s25 =	simm.s32 $0xF800  }
0x193: {  	[hbm4b:s2+s3] =	stream.linear.scatter [tilespmem:s25], [sflag:$0x3], $0x400, $0x38;
	[tilespmem:$0x16400] =	vst v63  }
0x194: {  	s2 =	sadd.s32 s0, s12;
	s25 =	simm.s32 $0xFC00  }
0x195: {  	[hbm4b:s2+s3] =	stream.linear.scatter [tilespmem:s25], [sflag:$0x3], $0x400, $0x38;
	[tilespmem:$0x16400] =	vst v63  }
0x196: {  	s2 =	sadd.s32 s0, s13;
	s25 =	simm.s32 $0x10000  }
0x197: {  	[hbm4b:s2+s3] =	stream.linear.scatter [tilespmem:s25], [sflag:$0x3], $0x400, $0x38;
	[tilespmem:$0x16400] =	vst v63  }
0x198: {  	s2 =	sadd.s32 s0, s14;
	s25 =	simm.s32 $0x10400  }
0x199: {  	[hbm4b:s2+s3] =	stream.linear.scatter [tilespmem:s25], [sflag:$0x3], $0x400, $0x38;
	[tilespmem:$0x16400] =	vst v63  }
0x19a: {  	s2 =	sadd.s32 s0, s15;
	s25 =	simm.s32 $0x10800  }
0x19b: {  	[hbm4b:s2+s3] =	stream.linear.scatter [tilespmem:s25], [sflag:$0x3], $0x400, $0x38;
	[tilespmem:$0x16400] =	vst v63  }
0x19c: {  	s2 =	sadd.s32 s0, s16;
	s25 =	simm.s32 $0x10C00  }
0x19d: {  	[hbm4b:s2+s3] =	stream.linear.scatter [tilespmem:s25], [sflag:$0x3], $0x400, $0x38;
	[tilespmem:$0x16400] =	vst v63  }
0x19e: {  	s2 =	sadd.s32 s0, s17;
	s25 =	simm.s32 $0x11000  }
0x19f: {  	[hbm4b:s2+s3] =	stream.linear.scatter [tilespmem:s25], [sflag:$0x3], $0x400, $0x38;
	[tilespmem:$0x16400] =	vst v63  }
0x1a0: {  	s2 =	sadd.s32 s0, s18;
	s25 =	simm.s32 $0x11400  }
0x1a1: {  	[hbm4b:s2+s3] =	stream.linear.scatter [tilespmem:s25], [sflag:$0x3], $0x400, $0x38;
	[tilespmem:$0x16400] =	vst v63  }
0x1a2: {  	s2 =	sadd.s32 s0, s19;
	s25 =	simm.s32 $0x11800  }
0x1a3: {  	[hbm4b:s2+s3] =	stream.linear.scatter [tilespmem:s25], [sflag:$0x3], $0x400, $0x38;
	[tilespmem:$0x16400] =	vst v63  }
0x1a4: {  	s2 =	sadd.s32 s0, s20;
	s25 =	simm.s32 $0x11C00  }
0x1a5: {  	[hbm4b:s2+s3] =	stream.linear.scatter [tilespmem:s25], [sflag:$0x3], $0x400, $0x38;
	[tilespmem:$0x16400] =	vst v63  }
0x1a6: {  	p1 =	seq.s32 s24, $0x31;
	s0 =	sadd.s32 s0, s21;
	s25 =	simm.s32 $0x12000  }
0x1a7: {  	[hbm4b:s0+s3] =	stream.linear.scatter [tilespmem:s25], [sflag:$0x3], $0x400, $0x38;
	[tilespmem:$0x16400] =	vst v63  }
0x1a8: {  	s0 =	sshll.u32 @!p1 s24, $0x9  }
0x1a9: {  	s0 =	sand.u32 @!p1 $0x3FFFFE00, s0  }
0x1aa: {  	s2 =	simm.s32 @!p1 $0x80;
	s25 =	simm.s32 @!p1 $0x6400;
	s1 =	sadd.s32 @!p1 $0x200, s0  }
0x1ab: {  	[tilespmem:s25], [sflag:$0x1] =	stream.indirect.gather @!p1 [hbm4b:s4+s2], $0x40, s1, s2, $0xb8;
	[tilespmem:$0x16400] =	vst v63  }
0x1ac: {  	s0 =	sadd.s32 @!p1 $0x280, s0;
	s1 =	simm.s32 @!p1 $0x8400  }
0x1ad: {  	[tilespmem:s1], [sflag:$0x1] =	stream.indirect.gather @!p1 [hbm4b:s4+s2], $0x40, s0, s2, $0xb8;
	[tilespmem:$0x16400] =	vst v63  }
0x1ae: {  	_ =	swait.ge [sflag:s22], $0x2000  }
0x1af: {  	[sflag:s22] =	ssyncset.done $0x0  }
0x1b0: {  	[sflag:s22] =	ssyncadd.s32 $0xFFFFE000  }
0x1b1: {  	_ =	swait.ge [sflag:s22], $0x2000  }
0x1b2: {  	[sflag:s22] =	ssyncset.done $0x0  }
0x1b3: {  	s0 =	simm.s32 @!p0 $0x4;
	[sflag:s22] =	ssyncadd.s32 $0xFFFFE000  }
0x1b4: {  	_ =	swait.ge @!p0 [sflag:s0], $0x400  }
0x1b5: {  	[sflag:s0] =	ssyncset.done @!p0 $0x0  }
0x1b6: {  	[sflag:s0] =	ssyncadd.s32 @!p0 $0xFFFFFC00  }
0x1b7: {  	_ =	swait.ge @!p0 [sflag:s0], $0x400  }
0x1b8: {  	[sflag:s0] =	ssyncset.done @!p0 $0x0  }
0x1b9: {  	[sflag:s0] =	ssyncadd.s32 @!p0 $0xFFFFFC00  }
0x1ba: {  	_ =	swait.ge @!p0 [sflag:s0], $0x400  }
0x1bb: {  	[sflag:s0] =	ssyncset.done @!p0 $0x0  }
0x1bc: {  	[sflag:s0] =	ssyncadd.s32 @!p0 $0xFFFFFC00  }
0x1bd: {  	_ =	swait.ge @!p0 [sflag:s0], $0x400  }
0x1be: {  	[sflag:s0] =	ssyncset.done @!p0 $0x0  }
0x1bf: {  	[sflag:s0] =	ssyncadd.s32 @!p0 $0xFFFFFC00  }
0x1c0: {  	_ =	swait.ge @!p0 [sflag:s0], $0x400  }
0x1c1: {  	[sflag:s0] =	ssyncset.done @!p0 $0x0  }
0x1c2: {  	[sflag:s0] =	ssyncadd.s32 @!p0 $0xFFFFFC00  }
0x1c3: {  	_ =	swait.ge @!p0 [sflag:s0], $0x400  }
0x1c4: {  	[sflag:s0] =	ssyncset.done @!p0 $0x0  }
0x1c5: {  	[sflag:s0] =	ssyncadd.s32 @!p0 $0xFFFFFC00  }
0x1c6: {  	_ =	swait.ge @!p0 [sflag:s0], $0x400  }
0x1c7: {  	[sflag:s0] =	ssyncset.done @!p0 $0x0  }
0x1c8: {  	[sflag:s0] =	ssyncadd.s32 @!p0 $0xFFFFFC00  }
0x1c9: {  	_ =	swait.ge @!p0 [sflag:s0], $0x400  }
0x1ca: {  	[sflag:s0] =	ssyncset.done @!p0 $0x0  }
0x1cb: {  	[sflag:s0] =	ssyncadd.s32 @!p0 $0xFFFFFC00  }
0x1cc: {  	_ =	swait.ge @!p0 [sflag:s0], $0x400  }
0x1cd: {  	[sflag:s0] =	ssyncset.done @!p0 $0x0  }
0x1ce: {  	[sflag:s0] =	ssyncadd.s32 @!p0 $0xFFFFFC00  }
0x1cf: {  	_ =	swait.ge @!p0 [sflag:s0], $0x400  }
0x1d0: {  	[sflag:s0] =	ssyncset.done @!p0 $0x0  }
0x1d1: {  	[sflag:s0] =	ssyncadd.s32 @!p0 $0xFFFFFC00  }
0x1d2: {  	_ =	swait.ge @!p0 [sflag:s0], $0x400  }
0x1d3: {  	[sflag:s0] =	ssyncset.done @!p0 $0x0  }
0x1d4: {  	[sflag:s0] =	ssyncadd.s32 @!p0 $0xFFFFFC00  }
0x1d5: {  	_ =	swait.ge @!p0 [sflag:s0], $0x400  }
0x1d6: {  	[sflag:s0] =	ssyncset.done @!p0 $0x0  }
0x1d7: {  	[sflag:s0] =	ssyncadd.s32 @!p0 $0xFFFFFC00  }
0x1d8: {  	_ =	swait.ge @!p0 [sflag:s0], $0x400  }
0x1d9: {  	[sflag:s0] =	ssyncset.done @!p0 $0x0  }
0x1da: {  	s2 =	simm.s32 $0x3;
	[sflag:s0] =	ssyncadd.s32 @!p0 $0xFFFFFC00  }
0x1db: {  	s25 =	simm.s32 $0x1;
	v0 =	vmov s2;
	_ =	swait.ge @!p0 [sflag:s0], $0x400  }
0x1dc: {  	v1 =	vmov s25;
	s25 =	simm.s32 $0x2;
	v0 =	vand.u32 $0x3F, v0;
	[sflag:s0] =	ssyncset.done @!p0 $0x0  }
0x1dd: {  	v1 =	vand.u32 $0x3D, v1;
	v9 =	vmov s25;
	s2 =	simm.s32 $0x0;
	v0 =	vbroadcast v0, $0x0;
	[sflag:s0] =	ssyncadd.s32 @!p0 $0xFFFFFC00  }
0x1de: {  	v1 =	vbroadcast v1, $0x0;
	v9 =	vand.u32 $0x3E, v9;
	v8 =	vmov s2;
	_ =	swait.ge @!p0 [sflag:s0], $0x400  }
0x1df: {  	v9 =	vbroadcast v9, $0x0;
	v8 =	vand.u32 $0x3C, v8;
	v10 =	vor.u32 v3, v0;
	[sflag:s0] =	ssyncset.done @!p0 $0x0  }
0x1e0: {  	v32 =	vor.u32 v3, v1;
	v8 =	vbroadcast v8, $0x0;
	[sflag:s0] =	ssyncadd.s32 @!p0 $0xFFFFFC00  }
0x1e1: {  	v37 =	vor.u32 v3, v9;
	_ =	swait.ge @!p0 [sflag:s0], $0x400  }
0x1e2: {  	v38 =	vor.u32 v3, v8;
	[sflag:s0] =	ssyncset.done @!p0 $0x0  }
0x1e3: {  	[sflag:s0] =	ssyncadd.s32 @!p0 $0xFFFFFC00  }
0x1e4: {  	v12 =	vld.idx.msk [tilespmem:v10+s29+$0x0], $0xffff  }
0x1e5: {  	v11 =	vor.u32 v2, v0;
	v13 =	vld.idx.msk [tilespmem:v32+s29+$0x0], $0xffff  }
0x1e6: {  	v30 =	vor.u32 v2, v1;
	v14 =	vld.idx.msk [tilespmem:v37+s29+$0x0], $0xffff  }
0x1e7: {  	v31 =	vor.u32 v2, v9;
	v15 =	vld.idx.msk [tilespmem:v38+s29+$0x0], $0xffff  }
0x1e8: {  	v26 =	vor.u32 v2, v8;
	s0 =	simm.s32 $0x145F0  }
0x1e9: {  	[tilespmem:s0+$0xFFFFDF90] =	vst v12  }
0x1ea: {  	[tilespmem:s0+$0xFFFFDE90] =	vst v13;
	v12 =	vld.idx.msk [tilespmem:v11+s29+$0x0], $0xffff  }
0x1eb: {  	v23 =	vor.u32 v4, v0;
	[tilespmem:s0+$0xFFFFDF10] =	vst v14;
	v13 =	vld.idx.msk [tilespmem:v30+s29+$0x0], $0xffff  }
0x1ec: {  	v21 =	vor.u32 v4, v1;
	[tilespmem:s0+$0xFFFFDE10] =	vst v15;
	v14 =	vld.idx.msk [tilespmem:v31+s29+$0x0], $0xffff  }
0x1ed: {  	v19 =	vor.u32 v4, v9;
	v15 =	vld.idx.msk [tilespmem:v26+s29+$0x0], $0xffff  }
0x1ee: {  	v16 =	vor.u32 v4, v8  }
0x1ef: {  	[tilespmem:s0+$0xFFFFDFA0] =	vst v12  }
0x1f0: {  	[tilespmem:s0+$0xFFFFDEA0] =	vst v13;
	v18 =	vld.idx.msk [tilespmem:v23+s29+$0x0], $0xffff  }
0x1f1: {  	v22 =	vor.u32 v5, v0;
	[tilespmem:s0+$0xFFFFDF20] =	vst v14;
	v13 =	vld.idx.msk [tilespmem:v21+s29+$0x0], $0xffff  }
0x1f2: {  	v17 =	vor.u32 v5, v1;
	[tilespmem:s0+$0xFFFFDE20] =	vst v15;
	v14 =	vld.idx.msk [tilespmem:v19+s29+$0x0], $0xffff  }
0x1f3: {  	v15 =	vor.u32 v5, v9;
	v24 =	vld.idx.msk [tilespmem:v16+s29+$0x0], $0xffff  }
0x1f4: {  	v12 =	vor.u32 v5, v8  }
0x1f5: {  	[tilespmem:s0+$0xFFFFDFB0] =	vst v18  }
0x1f6: {  	[tilespmem:s0+$0xFFFFDEB0] =	vst v13;
	v18 =	vld.idx.msk [tilespmem:v22+s29+$0x0], $0xffff  }
0x1f7: {  	v20 =	vor.u32 v6, v0;
	[tilespmem:s0+$0xFFFFDF30] =	vst v14;
	v25 =	vld.idx.msk [tilespmem:v17+s29+$0x0], $0xffff  }
0x1f8: {  	[tilespmem:s0+$0xFFFFDE30] =	vst v24;
	v13 =	vor.u32 v6, v1;
	v24 =	vld.idx.msk [tilespmem:v15+s29+$0x0], $0xffff  }
0x1f9: {  	v14 =	vor.u32 v6, v9;
	v27 =	vld.idx.msk [tilespmem:v12+s29+$0x0], $0xffff  }
0x1fa: {  	v36 =	vor.u32 v6, v8  }
0x1fb: {  	[tilespmem:s0+$0xFFFFDFC0] =	vst v18  }
0x1fc: {  	[tilespmem:s0+$0xFFFFDEC0] =	vst v25;
	v28 =	vld.idx.msk [tilespmem:v20+s29+$0x0], $0xffff  }
0x1fd: {  	[tilespmem:s0+$0xFFFFDF40] =	vst v24;
	v25 =	vld.idx.msk [tilespmem:v13+s29+$0x0], $0xffff  }
0x1fe: {  	v18 =	vor.u32 v7, v0;
	[tilespmem:s0+$0xFFFFDE40] =	vst v27;
	v24 =	vld.idx.msk [tilespmem:v14+s29+$0x0], $0xffff  }
0x1ff: {  	v44 =	vor.u32 v7, v1;
	v27 =	vld.idx.msk [tilespmem:v36+s29+$0x0], $0xffff  }
0x200: {  	v49 =	vor.u32 v7, v9  }
0x201: {  	v54 =	vor.u32 v7, v8;
	[tilespmem:s0+$0xFFFFDFD0] =	vst v28  }
0x202: {  	[tilespmem:s0+$0xFFFFDED0] =	vst v25  }
0x203: {  	[tilespmem:s0+$0xFFFFDF50] =	vst v24;
	v28 =	vld.idx.msk [tilespmem:v18+s29+$0x0], $0xffff  }
0x204: {  	v57 =	vor.u32 v63, v1;
	v35 =	vor.u32 v63, v0;
	[tilespmem:s0+$0xFFFFDE50] =	vst v27;
	v29 =	vld.idx.msk [tilespmem:v44+s29+$0x0], $0xffff  }
0x205: {  	v24 =	vld.idx.msk [tilespmem:v49+s29+$0x0], $0xffff;
	[tilespmem:$0x1FF80] =	vst v57  }
0x206: {  	v58 =	vor.u32 v63, v9;
	v27 =	vld.idx.msk [tilespmem:v54+s29+$0x0], $0xffff  }
0x207: {  	v25 =	vor.u32 v63, v8;
	[tilespmem:$0x1FF90] =	vst v58  }
0x208: {  	[tilespmem:s0+$0xFFFFDFE0] =	vst v28  }
0x209: {  	s2 =	simm.s32 $0x4;
	[tilespmem:s0+$0xFFFFDEE0] =	vst v29;
	v59 =	vld.idx.msk [tilespmem:v35+s29+$0x0], $0xffff  }
0x20a: {  	v47 =	vor.u32 v53, v0;
	v0 =	vmov s2;
	[tilespmem:s0+$0xFFFFDF60] =	vst v24;
	v34 =	vld.idx.msk [tilespmem:v57+s29+$0x0], $0xffff  }
0x20b: {  	v0 =	vand.u32 $0x3C, v0;
	[tilespmem:s0+$0xFFFFDE60] =	vst v27;
	v60 =	vld.idx.msk [tilespmem:v58+s29+$0x0], $0xffff;
	v27 =	vor.u32 v53, v1  }
0x20c: {  	s25 =	simm.s32 $0x5;
	v55 =	vbroadcast v0, $0x0;
	v28 =	vor.u32 v53, v9;
	v0 =	vld.idx.msk [tilespmem:v25+s29+$0x0], $0xffff  }
0x20d: {  	v29 =	vor.u32 v53, v8;
	v1 =	vmov s25  }
0x20e: {  	v1 =	vand.u32 $0x3D, v1;
	[tilespmem:s0+$0xFFFFDFF0] =	vst v59  }
0x20f: {  	s2 =	simm.s32 $0x6;
	v50 =	vbroadcast v1, $0x0;
	[tilespmem:s0+$0xFFFFDEF0] =	vst v34;
	v1 =	vld.idx.msk [tilespmem:v47+s29+$0x0], $0xffff  }
0x210: {  	v8 =	vmov s2;
	[tilespmem:s0+$0xFFFFDF70] =	vst v60;
	v9 =	vld.idx.msk [tilespmem:v27+s29+$0x0], $0xffff  }
0x211: {  	v8 =	vand.u32 $0x3E, v8;
	[tilespmem:s0+$0xFFFFDE70] =	vst v0;
	v0 =	vld.idx.msk [tilespmem:v28+s29+$0x0], $0xffff  }
0x212: {  	v56 =	vbroadcast v8, $0x0;
	v8 =	vld.idx.msk [tilespmem:v29+s29+$0x0], $0xffff;
	_ =	sdelay $0x1  }
0x213: {  	v34 =	vor.u32 v3, v50;
	[tilespmem:s0+$0xFFFFE000] =	vst v1  }
0x214: {  	v24 =	vor.u32 v3, v55;
	[tilespmem:s0+$0xFFFFDF00] =	vst v9;
	v52 =	vld.idx.msk [tilespmem:v10+s30+$0x0], $0xffff  }
0x215: {  	s25 =	simm.s32 $0x7;
	v33 =	vor.u32 v3, v56;
	[tilespmem:s0+$0xFFFFDF80] =	vst v0;
	v32 =	vld.idx.msk [tilespmem:v32+s30+$0x0], $0xffff  }
0x216: {  	v61 =	vmov s25;
	[tilespmem:s0+$0xFFFFDE80] =	vst v8;
	v37 =	vld.idx.msk [tilespmem:v37+s30+$0x0], $0xffff  }
0x217: {  	s2 =	simm.s32 $0x8;
	v1 =	vand.u32 $0x3F, v61;
	v38 =	vld.idx.msk [tilespmem:v38+s30+$0x0], $0xffff  }
0x218: {  	s25 =	simm.s32 $0x9;
	v0 =	vmov s2;
	v57 =	vbroadcast v1, $0x0;
	v1 =	vld.idx.msk [tilespmem:v34+s29+$0x0], $0xffff  }
0x219: {  	v62 =	vld.idx.msk [tilespmem:v24+s29+$0x0], $0xffff;
	v40 =	vor.u32 v2, v50;
	v0 =	vand.u32 $0x3C, v0;
	v8 =	vmov s25;
	[tilespmem:s0+$0xFFFFFF90] =	vst v52  }
0x21a: {  	v58 =	vld.idx.msk [tilespmem:v33+s29+$0x0], $0xffff;
	v9 =	vbroadcast v0, $0x0;
	v0 =	vand.u32 $0x3D, v8;
	v45 =	vor.u32 v3, v57;
	[tilespmem:s0+$0xFFFFFE90] =	vst v32  }
0x21b: {  	v10 =	vbroadcast v0, $0x0;
	[tilespmem:s0+$0xFFFFFF10] =	vst v37;
	v0 =	vld.idx.msk [tilespmem:v11+s30+$0x0], $0xffff  }
0x21c: {  	s25 =	simm.s32 $0x147F0;
	v37 =	vld.idx.msk [tilespmem:v30+s30+$0x0], $0xffff;
	[tilespmem:s0+$0xFFFFFE10] =	vst v38;
	v38 =	vor.u32 v2, v56  }
0x21d: {  	[tilespmem:s25+$0xFFFFDE90] =	vst v1;
	v48 =	vld.idx.msk [tilespmem:v31+s30+$0x0], $0xffff;
	v30 =	vor.u32 v2, v55  }
0x21e: {  	v60 =	vld.idx.msk [tilespmem:v40+s29+$0x0], $0xffff  }
0x21f: {  	[tilespmem:s25+$0xFFFFDF10] =	vst v58;
	v59 =	vld.idx.msk [tilespmem:v45+s29+$0x0], $0xffff  }
0x220: {  	[tilespmem:s25+$0xFFFFDE10] =	vst v62;
	v51 =	vld.idx.msk [tilespmem:v26+s30+$0x0], $0xffff  }
0x221: {  	v31 =	vor.u32 v4, v50;
	[tilespmem:s0+$0xFFFFFFA0] =	vst v0;
	v61 =	vld.idx.msk [tilespmem:v38+s29+$0x0], $0xffff  }
0x222: {  	v41 =	vor.u32 v2, v57;
	v62 =	vld.idx.msk [tilespmem:v30+s29+$0x0], $0xffff;
	[tilespmem:s0+$0xFFFFFEA0] =	vst v37  }
0x223: {  	[tilespmem:s0+$0xFFFFFF20] =	vst v48;
	v0 =	vld.idx.msk [tilespmem:v23+s30+$0x0], $0xffff  }
0x224: {  	v26 =	vor.u32 v4, v56;
	[tilespmem:s25+$0xFFFFDEA0] =	vst v60;
	v37 =	vld.idx.msk [tilespmem:v21+s30+$0x0], $0xffff  }
0x225: {  	[tilespmem:s25+$0xFFFFDF90] =	vst v59;
	v23 =	vor.u32 v4, v55;
	v48 =	vld.idx.msk [tilespmem:v19+s30+$0x0], $0xffff  }
0x226: {  	v32 =	vld.idx.msk [tilespmem:v31+s29+$0x0], $0xffff;
	[tilespmem:s0+$0xFFFFFE20] =	vst v51  }
0x227: {  	v1 =	vld.idx.msk [tilespmem:v41+s29+$0x0], $0xffff;
	[tilespmem:s25+$0xFFFFDF20] =	vst v61  }
0x228: {  	v51 =	vld.idx.msk [tilespmem:v16+s30+$0x0], $0xffff;
	[tilespmem:s25+$0xFFFFDE20] =	vst v62  }
0x229: {  	v42 =	vor.u32 v4, v57;
	[tilespmem:s0+$0xFFFFFFB0] =	vst v0;
	v58 =	vld.idx.msk [tilespmem:v26+s29+$0x0], $0xffff  }
0x22a: {  	v59 =	vld.idx.msk [tilespmem:v23+s29+$0x0], $0xffff;
	[tilespmem:s0+$0xFFFFFEB0] =	vst v37  }
0x22b: {  	[tilespmem:s25+$0xFFFFDEB0] =	vst v32;
	v0 =	vld.idx.msk [tilespmem:v22+s30+$0x0], $0xffff;
	v22 =	vor.u32 v5, v50  }
0x22c: {  	v21 =	vor.u32 v5, v56;
	[tilespmem:s0+$0xFFFFFF30] =	vst v48;
	v60 =	vld.idx.msk [tilespmem:v17+s30+$0x0], $0xffff  }
0x22d: {  	[tilespmem:s25+$0xFFFFDFA0] =	vst v1;
	v15 =	vld.idx.msk [tilespmem:v15+s30+$0x0], $0xffff  }
0x22e: {  	v19 =	vor.u32 v5, v55;
	[tilespmem:s0+$0xFFFFFE30] =	vst v51;
	v1 =	vld.idx.msk [tilespmem:v42+s29+$0x0], $0xffff  }
0x22f: {  	v48 =	vld.idx.msk [tilespmem:v12+s30+$0x0], $0xffff;
	[tilespmem:s25+$0xFFFFDF30] =	vst v58  }
0x230: {  	[tilespmem:s25+$0xFFFFDE30] =	vst v59;
	v32 =	vld.idx.msk [tilespmem:v22+s29+$0x0], $0xffff  }
0x231: {  	v39 =	vor.u32 v5, v57;
	[tilespmem:s0+$0xFFFFFFC0] =	vst v0;
	v58 =	vld.idx.msk [tilespmem:v21+s29+$0x0], $0xffff  }
0x232: {  	[tilespmem:s0+$0xFFFFFEC0] =	vst v60;
	v0 =	vld.idx.msk [tilespmem:v20+s30+$0x0], $0xffff;
	v20 =	vor.u32 v6, v50  }
0x233: {  	v16 =	vor.u32 v6, v56;
	v59 =	vld.idx.msk [tilespmem:v19+s29+$0x0], $0xffff;
	[tilespmem:s0+$0xFFFFFF40] =	vst v15  }
0x234: {  	[tilespmem:s25+$0xFFFFDFB0] =	vst v1;
	v60 =	vld.idx.msk [tilespmem:v13+s30+$0x0], $0xffff  }
0x235: {  	v17 =	vor.u32 v6, v55;
	v61 =	vld.idx.msk [tilespmem:v14+s30+$0x0], $0xffff;
	[tilespmem:s0+$0xFFFFFE40] =	vst v48  }
0x236: {  	v1 =	vld.idx.msk [tilespmem:v39+s29+$0x0], $0xffff;
	[tilespmem:s25+$0xFFFFDEC0] =	vst v32  }
0x237: {  	v37 =	vor.u32 v6, v57;
	[tilespmem:s25+$0xFFFFDF40] =	vst v58;
	v51 =	vld.idx.msk [tilespmem:v20+s29+$0x0], $0xffff  }
0x238: {  	[tilespmem:s0+$0xFFFFFFD0] =	vst v0;
	v58 =	vld.idx.msk [tilespmem:v16+s29+$0x0], $0xffff  }
0x239: {  	[tilespmem:s25+$0xFFFFDE40] =	vst v59;
	v0 =	vld.idx.msk [tilespmem:v18+s30+$0x0], $0xffff;
	v18 =	vor.u32 v7, v50  }
0x23a: {  	v12 =	vor.u32 v7, v56;
	v59 =	vld.idx.msk [tilespmem:v17+s29+$0x0], $0xffff;
	[tilespmem:s0+$0xFFFFFED0] =	vst v60  }
0x23b: {  	v13 =	vor.u32 v7, v55;
	[tilespmem:s25+$0xFFFFDFC0] =	vst v1  }
0x23c: {  	[tilespmem:s0+$0xFFFFFF50] =	vst v61;
	v1 =	vld.idx.msk [tilespmem:v37+s29+$0x0], $0xffff  }
0x23d: {  	v62 =	vld.idx.msk [tilespmem:v36+s30+$0x0], $0xffff;
	v32 =	vor.u32 v7, v57;
	[tilespmem:s25+$0xFFFFDED0] =	vst v51  }
0x23e: {  	[tilespmem:s25+$0xFFFFDF50] =	vst v58;
	v51 =	vld.idx.msk [tilespmem:v18+s29+$0x0], $0xffff  }
0x23f: {  	v14 =	vor.u32 v63, v50;
	[tilespmem:s25+$0xFFFFDE50] =	vst v59;
	v58 =	vld.idx.msk [tilespmem:v12+s29+$0x0], $0xffff  }
0x240: {  	v15 =	vor.u32 v63, v56;
	[tilespmem:s0+$0xFFFFFFE0] =	vst v0;
	v59 =	vld.idx.msk [tilespmem:v13+s29+$0x0], $0xffff  }
0x241: {  	v48 =	vor.u32 v63, v55;
	[tilespmem:s25+$0xFFFFDFD0] =	vst v1;
	v0 =	vld.idx.msk [tilespmem:v35+s30+$0x0], $0xffff  }
0x242: {  	[tilespmem:s0+$0xFFFFFE50] =	vst v62;
	v1 =	vld.idx.msk [tilespmem:v32+s29+$0x0], $0xffff  }
0x243: {  	v60 =	vld.idx.msk [tilespmem:v44+s30+$0x0], $0xffff;
	v35 =	vor.u32 v63, v57;
	[tilespmem:s25+$0xFFFFDEE0] =	vst v51  }
0x244: {  	s2 =	simm.s32 $0xA;
	[tilespmem:s25+$0xFFFFDF60] =	vst v58;
	v63 =	vld.idx.msk [tilespmem:v14+s29+$0x0], $0xffff  }
0x245: {  	v52 =	vmov s2;
	[tilespmem:s25+$0xFFFFDE60] =	vst v59;
	v58 =	vld.idx.msk [tilespmem:v15+s29+$0x0], $0xffff  }
0x246: {  	v52 =	vand.u32 $0x3E, v52;
	[tilespmem:s0+$0xFFFFFFF0] =	vst v0;
	v0 =	vld.idx.msk [tilespmem:v48+s29+$0x0], $0xffff  }
0x247: {  	v44 =	vbroadcast v52, $0x0;
	[tilespmem:s25+$0xFFFFDFE0] =	vst v1;
	v52 =	vld.idx.msk [tilespmem:v47+s30+$0x0], $0xffff  }
0x248: {  	[tilespmem:s0+$0xFFFFFEE0] =	vst v60;
	v1 =	vld.idx.msk [tilespmem:v35+s29+$0x0], $0xffff  }
0x249: {  	[tilespmem:s25+$0xFFFFDEF0] =	vst v63  }
0x24a: {  	[tilespmem:s25+$0xFFFFDF70] =	vst v58  }
0x24b: {  	[tilespmem:s25+$0xFFFFDE70] =	vst v0  }
0x24c: {  	[tilespmem:s0+$0x0] =	vst v52  }
0x24d: {  	[tilespmem:s25+$0xFFFFDFF0] =	vst v1  }
0x24e: {  	v0 =	vld [tilespmem:$0x1FF80];
	_ =	sdelay $0x1  }
0x24f: {  	v47 =	vor.u32 v53, v56;
	v56 =	vld.idx.msk [tilespmem:v49+s30+$0x0], $0xffff  }
0x250: {  	v61 =	vld.idx.msk [tilespmem:v54+s30+$0x0], $0xffff;
	_ =	sdelay $0x1  }
0x251: {  	v8 =	vor.u32 v3, v9  }
0x252: {  	v11 =	vor.u32 v3, v10  }
0x253: {  	v36 =	vor.u32 v53, v57;
	v51 =	vor.u32 v3, v44;
	[tilespmem:s0+$0xFFFFFF60] =	vst v56  }
0x254: {  	v50 =	vor.u32 v53, v50;
	v49 =	vor.u32 v53, v55;
	[tilespmem:s0+$0xFFFFFE60] =	vst v61;
	v53 =	vld.idx.msk [tilespmem:v0+s30+$0x0], $0xffff  }
0x255: {  	v0 =	vld [tilespmem:$0x1FF90]  }
0x256: {  	v43 =	vld.idx.msk [tilespmem:v8+s29+$0x0], $0xffff  }
0x257: {  	v46 =	vld.idx.msk [tilespmem:v11+s29+$0x0], $0xffff  }
0x258: {  	v54 =	vld.idx.msk [tilespmem:v51+s29+$0x0], $0xffff  }
0x259: {  	v57 =	vld.idx.msk [tilespmem:v50+s29+$0x0], $0xffff  }
0x25a: {  	v58 =	vld.idx.msk [tilespmem:v47+s29+$0x0], $0xffff  }
0x25b: {  	v55 =	vld.idx.msk [tilespmem:v49+s29+$0x0], $0xffff  }
0x25c: {  	v59 =	vld.idx.msk [tilespmem:v36+s29+$0x0], $0xffff  }
0x25d: {  	s1 =	simm.s32 $0xC;
	s2 =	simm.s32 $0xB;
	v5 =	vmov v2;
	v7 =	vmov v6;
	v6 =	vmov v4;
	v56 =	vld.idx.msk [tilespmem:v0+s30+$0x0], $0xffff  }
.LBB2_5:
0x25e: {  	v0 =	vmov s2  }
0x25f: {  	v1 =	vld.idx.msk [tilespmem:v25+s30+$0x0], $0xffff;
	v0 =	vand.u32 $0x3F, v0;
	[tilespmem:s25+$0xFFFFDF00] =	vst v57  }
0x260: {  	v52 =	vbroadcast v0, $0x0;
	[tilespmem:s25+$0xFFFFDF80] =	vst v58;
	v0 =	vld.idx.msk [tilespmem:v34+s30+$0x0], $0xffff  }
0x261: {  	[tilespmem:s25+$0xFFFFE000] =	vst v59;
	v63 =	vld.idx.msk [tilespmem:v33+s30+$0x0], $0xffff  }
0x262: {  	[tilespmem:s25+$0xFFFFDE80] =	vst v55;
	v62 =	vld.idx.msk [tilespmem:v45+s30+$0x0], $0xffff  }
0x263: {  	s2 =	sadd.s32 $0x1, s1;
	v34 =	vmov v11;
	v11 =	vmov s1;
	[tilespmem:s0+$0xFFFFFEF0] =	vst v53;
	v60 =	vld.idx.msk [tilespmem:v24+s30+$0x0], $0xffff  }
0x264: {  	[tilespmem:s0+$0xFFFFFF70] =	vst v56;
	v24 =	vmov v8;
	v8 =	vand.u32 $0x3C, v11;
	v11 =	vmov s2;
	v57 =	vld.idx.msk [tilespmem:v27+s30+$0x0], $0xffff  }
0x265: {  	v45 =	vor.u32 v3, v52;
	[tilespmem:s0+$0xFFFFFE70] =	vst v1;
	v1 =	vld.idx.msk [tilespmem:v28+s30+$0x0], $0xffff;
	v53 =	vbroadcast v8, $0x0;
	v8 =	vand.u32 $0x3D, v11  }
0x266: {  	v28 =	vmov v47;
	v61 =	vld.idx.msk [tilespmem:v29+s30+$0x0], $0xffff;
	v47 =	vbroadcast v8, $0x0;
	[tilespmem:s25+$0xFFFFFE90] =	vst v0  }
0x267: {  	v27 =	vmov v50;
	v8 =	vor.u32 v3, v53;
	[tilespmem:s25+$0xFFFFFF10] =	vst v63;
	v50 =	vld.idx.msk [tilespmem:v40+s30+$0x0], $0xffff  }
0x268: {  	v33 =	vmov v51;
	v11 =	vor.u32 v3, v47;
	[tilespmem:s25+$0xFFFFFF90] =	vst v62;
	v51 =	vld.idx.msk [tilespmem:v38+s30+$0x0], $0xffff  }
0x269: {  	[tilespmem:s25+$0xFFFFFE10] =	vst v60;
	v40 =	vor.u32 v5, v10;
	v0 =	vld.idx.msk [tilespmem:v41+s30+$0x0], $0xffff  }
0x26a: {  	[tilespmem:s0+$0xFFFFFF00] =	vst v57;
	v62 =	vld.idx.msk [tilespmem:v45+s29+$0x0], $0xffff  }
0x26b: {  	[tilespmem:s0+$0xFFFFFF80] =	vst v1;
	v55 =	vld.idx.msk [tilespmem:v30+s30+$0x0], $0xffff  }
0x26c: {  	v1 =	vld.idx.msk [tilespmem:v8+s29+$0x0], $0xffff;
	[tilespmem:s0+$0xFFFFFE80] =	vst v61;
	s0 =	smov.u32 s25;
	s25 =	sadd.s32 $0x200, s25  }
0x26d: {  	v41 =	vor.u32 v5, v52;
	v63 =	vld.idx.msk [tilespmem:v11+s29+$0x0], $0xffff;
	[tilespmem:s25+$0xFFFFDE90] =	vst v46  }
0x26e: {  	v38 =	vor.u32 v5, v44;
	v60 =	vld.idx.msk [tilespmem:v40+s29+$0x0], $0xffff;
	[tilespmem:s0+$0xFFFFFEA0] =	vst v50  }
0x26f: {  	v2 =	vld [tilespmem:$0x1FFF0];
	v30 =	vor.u32 v5, v9;
	[tilespmem:s0+$0xFFFFFFA0] =	vst v0  }
0x270: {  	[tilespmem:s25+$0xFFFFDF90] =	vst v62;
	v62 =	vor.u32 v6, v10;
	v50 =	vld.idx.msk [tilespmem:v31+s30+$0x0], $0xffff  }
0x271: {  	[tilespmem:s25+$0xFFFFDF10] =	vst v54;
	v0 =	vld.idx.msk [tilespmem:v42+s30+$0x0], $0xffff  }
0x272: {  	v29 =	vmov v49;
	[tilespmem:s25+$0xFFFFDE10] =	vst v43;
	v49 =	vld.idx.msk [tilespmem:v41+s29+$0x0], $0xffff  }
0x273: {  	v54 =	vld.idx.msk [tilespmem:v38+s29+$0x0], $0xffff;
	[tilespmem:s0+$0xFFFFFF20] =	vst v51  }
0x274: {  	v61 =	vld.idx.msk [tilespmem:v30+s29+$0x0], $0xffff;
	v42 =	vor.u32 v6, v52;
	[tilespmem:s25+$0xFFFFDEA0] =	vst v60  }
0x275: {  	v43 =	vmov v1;
	v1 =	vor.u32 v6, v44;
	v56 =	vld.idx.msk [tilespmem:v62+s29+$0x0], $0xffff;
	[tilespmem:s0+$0xFFFFFEB0] =	vst v50  }
0x276: {  	v51 =	vld.idx.msk [tilespmem:v26+s30+$0x0], $0xffff;
	v46 =	vmov v63;
	v63 =	vor.u32 v6, v9;
	[tilespmem:s0+$0xFFFFFFB0] =	vst v0  }
0x277: {  	[tilespmem:s25+$0xFFFFDFA0] =	vst v49;
	v50 =	vld.idx.msk [tilespmem:v22+s30+$0x0], $0xffff  }
0x278: {  	v0 =	vld.idx.msk [tilespmem:v39+s30+$0x0], $0xffff  }
0x279: {  	[tilespmem:s25+$0xFFFFDF20] =	vst v54;
	v60 =	vor.u32 v2, v10;
	v49 =	vld.idx.msk [tilespmem:v42+s29+$0x0], $0xffff  }
0x27a: {  	v26 =	vmov v1;
	[tilespmem:s25+$0xFFFFDE20] =	vst v61;
	v1 =	vld.idx.msk [tilespmem:v1+s29+$0x0], $0xffff  }
0x27b: {  	v39 =	vor.u32 v2, v52;
	v54 =	vld.idx.msk [tilespmem:v63+s29+$0x0], $0xffff;
	[tilespmem:s0+$0xFFFFFE20] =	vst v55  }
0x27c: {  	v31 =	vmov v62;
	v61 =	vor.u32 v2, v44;
	v62 =	vld.idx.msk [tilespmem:v23+s30+$0x0], $0xffff;
	[tilespmem:s25+$0xFFFFDEB0] =	vst v56  }
0x27d: {  	v23 =	vmov v63;
	v63 =	vor.u32 v2, v9;
	v2 =	vld [tilespmem:$0x1FFE0];
	[tilespmem:s0+$0xFFFFFFC0] =	vst v0  }
0x27e: {  	v56 =	vld.idx.msk [tilespmem:v60+s29+$0x0], $0xffff;
	[tilespmem:s25+$0xFFFFDFB0] =	vst v49  }
0x27f: {  	[tilespmem:s25+$0xFFFFDF30] =	vst v1;
	v0 =	vld.idx.msk [tilespmem:v37+s30+$0x0], $0xffff  }
0x280: {  	v57 =	vor.u32 v7, v10;
	v49 =	vld.idx.msk [tilespmem:v39+s29+$0x0], $0xffff;
	[tilespmem:s25+$0xFFFFDE30] =	vst v54  }
0x281: {  	v1 =	vld.idx.msk [tilespmem:v61+s29+$0x0], $0xffff;
	[tilespmem:s0+$0xFFFFFF30] =	vst v51  }
0x282: {  	v37 =	vor.u32 v7, v52;
	v54 =	vld.idx.msk [tilespmem:v63+s29+$0x0], $0xffff;
	[tilespmem:s0+$0xFFFFFE30] =	vst v62  }
0x283: {  	v51 =	vor.u32 v7, v44;
	v58 =	vld.idx.msk [tilespmem:v21+s30+$0x0], $0xffff;
	[tilespmem:s25+$0xFFFFDEC0] =	vst v56  }
0x284: {  	v59 =	vld.idx.msk [tilespmem:v19+s30+$0x0], $0xffff;
	[tilespmem:s0+$0xFFFFFFD0] =	vst v0  }
0x285: {  	[tilespmem:s25+$0xFFFFDFC0] =	vst v49;
	v49 =	vld.idx.msk [tilespmem:v57+s29+$0x0], $0xffff  }
0x286: {  	v55 =	vor.u32 v7, v9;
	v0 =	vld.idx.msk [tilespmem:v32+s30+$0x0], $0xffff  }
0x287: {  	v25 =	vmov v48;
	[tilespmem:s25+$0xFFFFDF40] =	vst v1;
	v48 =	vld.idx.msk [tilespmem:v37+s29+$0x0], $0xffff  }
0x288: {  	v56 =	vor.u32 v2, v10;
	[tilespmem:s0+$0xFFFFFEC0] =	vst v50;
	v1 =	vld.idx.msk [tilespmem:v51+s29+$0x0], $0xffff  }
0x289: {  	[tilespmem:s25+$0xFFFFDE40] =	vst v54;
	v32 =	vor.u32 v2, v52;
	v50 =	vld.idx.msk [tilespmem:v20+s30+$0x0], $0xffff  }
0x28a: {  	v22 =	vmovc v60;
	v60 =	vor.u32 v2, v44;
	[tilespmem:s0+$0xFFFFFF40] =	vst v58;
	v20 =	vmov v57;
	v57 =	vor.u32 v2, v9;
	v2 =	vld [tilespmem:$0x1FFD0]  }
0x28b: {  	v54 =	vld.idx.msk [tilespmem:v55+s29+$0x0], $0xffff;
	[tilespmem:s25+$0xFFFFDED0] =	vst v49  }
0x28c: {  	v58 =	vld.idx.msk [tilespmem:v16+s30+$0x0], $0xffff;
	[tilespmem:s0+$0xFFFFFFE0] =	vst v0  }
0x28d: {  	v16 =	vmov v51;
	[tilespmem:s25+$0xFFFFDFD0] =	vst v48;
	v51 =	vld.idx.msk [tilespmem:v56+s29+$0x0], $0xffff  }
0x28e: {  	v49 =	vld.idx.msk [tilespmem:v32+s29+$0x0], $0xffff  }
0x28f: {  	[tilespmem:s25+$0xFFFFDF50] =	vst v1;
	v0 =	vld.idx.msk [tilespmem:v35+s30+$0x0], $0xffff  }
0x290: {  	v21 =	vmov v61;
	v61 =	vor.u32 v2, v10;
	[tilespmem:s0+$0xFFFFFED0] =	vst v50;
	v1 =	vld.idx.msk [tilespmem:v60+s29+$0x0], $0xffff  }
0x291: {  	v19 =	vmov v63;
	[tilespmem:s25+$0xFFFFDE50] =	vst v54;
	v63 =	vld.idx.msk [tilespmem:v18+s30+$0x0], $0xffff  }
0x292: {  	s2 =	sadd.s32 $0x2, s1;
	v35 =	vor.u32 v2, v52;
	v54 =	vld.idx.msk [tilespmem:v57+s29+$0x0], $0xffff;
	[tilespmem:s0+$0xFFFFFE40] =	vst v59  }
0x293: {  	v48 =	vmov s2;
	v62 =	vor.u32 v2, v44;
	[tilespmem:s25+$0xFFFFDFE0] =	vst v49;
	v49 =	vld [tilespmem:$0x1FFC0]  }
0x294: {  	v59 =	vld.idx.msk [tilespmem:v17+s30+$0x0], $0xffff;
	v17 =	vmov v55;
	v55 =	vand.u32 $0x3E, v48;
	[tilespmem:s25+$0xFFFFDEE0] =	vst v51  }
0x295: {  	v48 =	vor.u32 v2, v9;
	[tilespmem:s0+$0xFFFFFFF0] =	vst v0;
	v0 =	vbroadcast v55, $0x0;
	v2 =	vld.idx.msk [tilespmem:v61+s29+$0x0], $0xffff  }
0x296: {  	v55 =	vld.idx.msk [tilespmem:v36+s30+$0x0], $0xffff  }
0x297: {  	v18 =	vmov v56;
	[tilespmem:s25+$0xFFFFDF60] =	vst v1;
	v56 =	vld.idx.msk [tilespmem:v35+s29+$0x0], $0xffff;
	v51 =	vor.u32 v3, v0  }
0x298: {  	v1 =	vld.idx.msk [tilespmem:v62+s29+$0x0], $0xffff;
	[tilespmem:s0+$0xFFFFFF50] =	vst v58;
	v36 =	vor.u32 v49, v52  }
0x299: {  	v4 =	vmov v3;
	[tilespmem:s25+$0xFFFFDE60] =	vst v54;
	v3 =	vld.idx.msk [tilespmem:v12+s30+$0x0], $0xffff;
	v50 =	vor.u32 v49, v10  }
0x29a: {  	v52 =	vld.idx.msk [tilespmem:v48+s29+$0x0], $0xffff;
	v10 =	vmov v47;
	v47 =	vor.u32 v49, v44;
	[tilespmem:s0+$0xFFFFFE50] =	vst v59  }
0x29b: {  	v44 =	vmov v0;
	v49 =	vor.u32 v49, v9;
	v0 =	vld.idx.msk [tilespmem:v13+s30+$0x0], $0xffff;
	[tilespmem:s0+$0x0] =	vst v55  }
0x29c: {  	[tilespmem:s25+$0xFFFFDFF0] =	vst v56;
	v54 =	vld.idx.msk [tilespmem:v51+s29+$0x0], $0xffff  }
0x29d: {  	p0 =	slt.u32 s1, $0x3C;
	[tilespmem:s25+$0xFFFFDEF0] =	vst v2;
	v59 =	vld.idx.msk [tilespmem:v36+s29+$0x0], $0xffff  }
.Ltmp1:
0x29e: {  	v13 =	vmov v57;
	[tilespmem:s25+$0xFFFFDF70] =	vst v1;
	v57 =	vld.idx.msk [tilespmem:v50+s29+$0x0], $0xffff;
	(pc) =	sbr.rel @p0 .LBB2_5-.Ltmp1, $4  }
0x29f: {  	[tilespmem:s25+$0xFFFFDE70] =	vst v52;
	v58 =	vld.idx.msk [tilespmem:v47+s29+$0x0], $0xffff  }
0x2a0: {  	[tilespmem:s0+$0xFFFFFEE0] =	vst v63;
	v55 =	vld.idx.msk [tilespmem:v49+s29+$0x0], $0xffff  }
0x2a1: {  	v9 =	vmov v53;
	[tilespmem:s0+$0xFFFFFF60] =	vst v3;
	v53 =	vld.idx.msk [tilespmem:v14+s30+$0x0], $0xffff  }
0x2a2: {  	s2 =	sadd.s32 $0x3, s1;
	s1 =	sadd.s32 $0x4, s1;
	v12 =	vmovc v60;
	v3 =	vmov v4;
	v14 =	vmov v61;
	[tilespmem:s0+$0xFFFFFE60] =	vst v0;
	v56 =	vld.idx.msk [tilespmem:v15+s30+$0x0], $0xffff;
	v15 =	vmov v62  }
0x2a3: {  	_ =	sdelay $0x1  }
0x2a4: {  	v0 =	vmov s2;
	[tilespmem:s25+$0xFFFFE000] =	vst v59  }
0x2a5: {  	[tilespmem:s25+$0xFFFFDF00] =	vst v57;
	v0 =	vand.u32 $0x3F, v0  }
0x2a6: {  	v1 =	vld.idx.msk [tilespmem:v25+s30+$0x0], $0xffff;
	s2 =	sadd.s32 $0x200, s25;
	[tilespmem:s25+$0xFFFFDF80] =	vst v58;
	v0 =	vbroadcast v0, $0x0  }
0x2a7: {  	[tilespmem:s2+$0xFFFFDE90] =	vst v46  }
0x2a8: {  	v2 =	vld.idx.msk [tilespmem:v45+s30+$0x0], $0xffff;
	[tilespmem:s2+$0xFFFFDF10] =	vst v54;
	v25 =	vor.u32 v3, v0  }
0x2a9: {  	[tilespmem:s0+$0xFFFFFEF0] =	vst v53;
	v3 =	vld.idx.msk [tilespmem:v34+s30+$0x0], $0xffff  }
0x2aa: {  	v52 =	vld.idx.msk [tilespmem:v27+s30+$0x0], $0xffff;
	[tilespmem:s0+$0xFFFFFF70] =	vst v56  }
0x2ab: {  	[tilespmem:s0+$0xFFFFFE70] =	vst v1;
	v1 =	vld.idx.msk [tilespmem:v28+s30+$0x0], $0xffff  }
0x2ac: {  	[tilespmem:s2+$0xFFFFDE10] =	vst v43;
	v28 =	vor.u32 v5, v10;
	v53 =	vld.idx.msk [tilespmem:v29+s30+$0x0], $0xffff  }
0x2ad: {  	[tilespmem:s25+$0xFFFFFF90] =	vst v2;
	v29 =	vor.u32 v5, v44;
	v2 =	vld.idx.msk [tilespmem:v25+s29+$0x0], $0xffff  }
0x2ae: {  	[tilespmem:s25+$0xFFFFDE80] =	vst v55;
	v27 =	vor.u32 v5, v0  }
0x2af: {  	[tilespmem:s25+$0xFFFFFE90] =	vst v3;
	v3 =	vld.idx.msk [tilespmem:v24+s30+$0x0], $0xffff  }
0x2b0: {  	[tilespmem:s0+$0xFFFFFF80] =	vst v1;
	v1 =	vld.idx.msk [tilespmem:v33+s30+$0x0], $0xffff  }
0x2b1: {  	[tilespmem:s0+$0xFFFFFF00] =	vst v52;
	v55 =	vld.idx.msk [tilespmem:v28+s29+$0x0], $0xffff  }
0x2b2: {  	v56 =	vld.idx.msk [tilespmem:v29+s29+$0x0], $0xffff;
	[tilespmem:s2+$0xFFFFDF90] =	vst v2  }
0x2b3: {  	[tilespmem:s0+$0xFFFFFE80] =	vst v53;
	v2 =	vld.idx.msk [tilespmem:v27+s29+$0x0], $0xffff  }
0x2b4: {  	[tilespmem:s25+$0xFFFFFE10] =	vst v3  }
0x2b5: {  	v33 =	vor.u32 v5, v9;
	[tilespmem:s25+$0xFFFFFF10] =	vst v1  }
0x2b6: {  	[tilespmem:s2+$0xFFFFDEA0] =	vst v55  }
0x2b7: {  	[tilespmem:s2+$0xFFFFDF20] =	vst v56  }
0x2b8: {  	v34 =	vor.u32 v6, v0;
	[tilespmem:s2+$0xFFFFDFA0] =	vst v2  }
0x2b9: {  	v45 =	vor.u32 v6, v10;
	v63 =	vld [tilespmem:$0x1FFF0]  }
0x2ba: {  	v46 =	vor.u32 v6, v44;
	v1 =	vld.idx.msk [tilespmem:v33+s29+$0x0], $0xffff  }
0x2bb: {  	v41 =	vld.idx.msk [tilespmem:v41+s30+$0x0], $0xffff  }
0x2bc: {  	v40 =	vld.idx.msk [tilespmem:v40+s30+$0x0], $0xffff;
	v3 =	vor.u32 v6, v9  }
0x2bd: {  	v2 =	vld.idx.msk [tilespmem:v34+s29+$0x0], $0xffff  }
0x2be: {  	v24 =	vld.idx.msk [tilespmem:v45+s29+$0x0], $0xffff;
	v43 =	vor.u32 v63, v0  }
0x2bf: {  	[tilespmem:s2+$0xFFFFDE20] =	vst v1;
	v1 =	vld.idx.msk [tilespmem:v46+s29+$0x0], $0xffff;
	v52 =	vor.u32 v63, v10  }
0x2c0: {  	v38 =	vld.idx.msk [tilespmem:v38+s30+$0x0], $0xffff;
	[tilespmem:s25+$0xFFFFFFA0] =	vst v41;
	v53 =	vor.u32 v63, v44  }
0x2c1: {  	[tilespmem:s25+$0xFFFFFEA0] =	vst v40;
	v57 =	vld.idx.msk [tilespmem:v3+s29+$0x0], $0xffff  }
0x2c2: {  	v42 =	vld.idx.msk [tilespmem:v42+s30+$0x0], $0xffff;
	[tilespmem:s2+$0xFFFFDFB0] =	vst v2  }
0x2c3: {  	[tilespmem:s2+$0xFFFFDEB0] =	vst v24;
	v2 =	vld.idx.msk [tilespmem:v43+s29+$0x0], $0xffff  }
0x2c4: {  	v40 =	vor.u32 v63, v9;
	[tilespmem:s2+$0xFFFFDF30] =	vst v1;
	v24 =	vld.idx.msk [tilespmem:v52+s29+$0x0], $0xffff  }
0x2c5: {  	[tilespmem:s25+$0xFFFFFF20] =	vst v38;
	v58 =	vld.idx.msk [tilespmem:v53+s29+$0x0], $0xffff  }
0x2c6: {  	[tilespmem:s2+$0xFFFFDE30] =	vst v57  }
0x2c7: {  	v1 =	vor.u32 v7, v0;
	[tilespmem:s25+$0xFFFFFFB0] =	vst v42  }
0x2c8: {  	v54 =	vor.u32 v7, v10;
	v30 =	vld.idx.msk [tilespmem:v30+s30+$0x0], $0xffff;
	[tilespmem:s2+$0xFFFFDFC0] =	vst v2  }
0x2c9: {  	v55 =	vor.u32 v7, v44;
	v59 =	vld.idx.msk [tilespmem:v40+s29+$0x0], $0xffff;
	[tilespmem:s2+$0xFFFFDEC0] =	vst v24  }
0x2ca: {  	v31 =	vld.idx.msk [tilespmem:v31+s30+$0x0], $0xffff;
	[tilespmem:s2+$0xFFFFDF40] =	vst v58  }
0x2cb: {  	v62 =	vld [tilespmem:$0x1FFE0]  }
0x2cc: {  	v2 =	vld.idx.msk [tilespmem:v1+s29+$0x0], $0xffff  }
0x2cd: {  	v42 =	vor.u32 v7, v9;
	v24 =	vld.idx.msk [tilespmem:v54+s29+$0x0], $0xffff  }
0x2ce: {  	[tilespmem:s2+$0xFFFFDE40] =	vst v59;
	v61 =	vld.idx.msk [tilespmem:v55+s29+$0x0], $0xffff  }
0x2cf: {  	[tilespmem:s25+$0xFFFFFE20] =	vst v30  }
0x2d0: {  	[tilespmem:s25+$0xFFFFFEB0] =	vst v31;
	v41 =	vor.u32 v62, v0  }
0x2d1: {  	v26 =	vld.idx.msk [tilespmem:v26+s30+$0x0], $0xffff;
	v56 =	vor.u32 v62, v10;
	[tilespmem:s2+$0xFFFFDFD0] =	vst v2  }
0x2d2: {  	v30 =	vld.idx.msk [tilespmem:v42+s29+$0x0], $0xffff;
	v57 =	vor.u32 v62, v44;
	[tilespmem:s2+$0xFFFFDED0] =	vst v24  }
0x2d3: {  	v39 =	vld.idx.msk [tilespmem:v39+s30+$0x0], $0xffff;
	[tilespmem:s2+$0xFFFFDF50] =	vst v61  }
0x2d4: {  	v61 =	vld [tilespmem:$0x1FFD0]  }
0x2d5: {  	v2 =	vld.idx.msk [tilespmem:v41+s29+$0x0], $0xffff  }
0x2d6: {  	v24 =	vld.idx.msk [tilespmem:v56+s29+$0x0], $0xffff  }
0x2d7: {  	[tilespmem:s2+$0xFFFFDE50] =	vst v30;
	v60 =	vld.idx.msk [tilespmem:v57+s29+$0x0], $0xffff  }
0x2d8: {  	[tilespmem:s25+$0xFFFFFFC0] =	vst v39  }
0x2d9: {  	v31 =	vor.u32 v62, v9;
	[tilespmem:s25+$0xFFFFFF30] =	vst v26  }
0x2da: {  	[tilespmem:s2+$0xFFFFDFE0] =	vst v2  }
0x2db: {  	[tilespmem:s2+$0xFFFFDEE0] =	vst v24  }
0x2dc: {  	v38 =	vor.u32 v61, v0;
	[tilespmem:s2+$0xFFFFDF60] =	vst v60  }
0x2dd: {  	v58 =	vor.u32 v61, v10;
	v60 =	vld [tilespmem:$0x1FFC0]  }
0x2de: {  	v39 =	vld.idx.msk [tilespmem:v31+s29+$0x0], $0xffff;
	v59 =	vor.u32 v61, v44  }
0x2df: {  	v23 =	vld.idx.msk [tilespmem:v23+s30+$0x0], $0xffff;
	v26 =	vor.u32 v61, v9  }
0x2e0: {  	v2 =	vld.idx.msk [tilespmem:v37+s30+$0x0], $0xffff  }
0x2e1: {  	v24 =	vld.idx.msk [tilespmem:v38+s29+$0x0], $0xffff  }
0x2e2: {  	v30 =	vld.idx.msk [tilespmem:v58+s29+$0x0], $0xffff;
	v0 =	vor.u32 v60, v0  }
0x2e3: {  	[tilespmem:s2+$0xFFFFDE60] =	vst v39;
	v37 =	vld.idx.msk [tilespmem:v59+s29+$0x0], $0xffff;
	v10 =	vor.u32 v60, v10  }
0x2e4: {  	[tilespmem:s25+$0xFFFFFE30] =	vst v23;
	v23 =	vld.idx.msk [tilespmem:v26+s29+$0x0], $0xffff;
	v39 =	vor.u32 v60, v44  }
0x2e5: {  	[tilespmem:s25+$0xFFFFFFD0] =	vst v2;
	v2 =	vld.idx.msk [tilespmem:v22+s30+$0x0], $0xffff;
	v9 =	vor.u32 v60, v9  }
0x2e6: {  	v21 =	vld.idx.msk [tilespmem:v21+s30+$0x0], $0xffff;
	[tilespmem:s2+$0xFFFFDFF0] =	vst v24  }
0x2e7: {  	[tilespmem:s2+$0xFFFFDEF0] =	vst v30;
	v22 =	vld.idx.msk [tilespmem:v0+s29+$0x0], $0xffff  }
0x2e8: {  	[tilespmem:s2+$0xFFFFDF70] =	vst v37;
	v44 =	vld.idx.msk [tilespmem:v10+s29+$0x0], $0xffff  }
0x2e9: {  	[tilespmem:s2+$0xFFFFDE70] =	vst v23;
	v30 =	vld.idx.msk [tilespmem:v39+s29+$0x0], $0xffff  }
0x2ea: {  	[tilespmem:s25+$0xFFFFFEC0] =	vst v2;
	v2 =	vld.idx.msk [tilespmem:v9+s29+$0x0], $0xffff  }
0x2eb: {  	[tilespmem:s25+$0xFFFFFF40] =	vst v21;
	v19 =	vld.idx.msk [tilespmem:v19+s30+$0x0], $0xffff  }
0x2ec: {  	v16 =	vld.idx.msk [tilespmem:v16+s30+$0x0], $0xffff;
	[tilespmem:s2+$0xFFFFE000] =	vst v22  }
0x2ed: {  	[tilespmem:s2+$0xFFFFDF00] =	vst v44;
	v22 =	vld.idx.msk [tilespmem:v25+s30+$0x0], $0xffff  }
0x2ee: {  	[tilespmem:s2+$0xFFFFDF80] =	vst v30;
	v11 =	vld.idx.msk [tilespmem:v11+s30+$0x0], $0xffff  }
0x2ef: {  	[tilespmem:s2+$0xFFFFDE80] =	vst v2;
	v2 =	vld.idx.msk [tilespmem:v51+s30+$0x0], $0xffff  }
0x2f0: {  	[tilespmem:s25+$0xFFFFFE40] =	vst v19;
	v8 =	vld.idx.msk [tilespmem:v8+s30+$0x0], $0xffff  }
0x2f1: {  	v32 =	vld.idx.msk [tilespmem:v32+s30+$0x0], $0xffff;
	[tilespmem:s25+$0xFFFFFF50] =	vst v16  }
0x2f2: {  	v17 =	vld.idx.msk [tilespmem:v17+s30+$0x0], $0xffff;
	[tilespmem:s2+$0xFFFFFF90] =	vst v22  }
0x2f3: {  	[tilespmem:s2+$0xFFFFFE90] =	vst v11;
	v37 =	vld.idx.msk [tilespmem:v27+s30+$0x0], $0xffff  }
0x2f4: {  	[tilespmem:s2+$0xFFFFFF10] =	vst v2;
	v2 =	vld.idx.msk [tilespmem:v28+s30+$0x0], $0xffff  }
0x2f5: {  	[tilespmem:s2+$0xFFFFFE10] =	vst v8;
	v8 =	vld.idx.msk [tilespmem:v29+s30+$0x0], $0xffff  }
0x2f6: {  	[tilespmem:s25+$0xFFFFFFE0] =	vst v32;
	v44 =	vld.idx.msk [tilespmem:v33+s30+$0x0], $0xffff  }
0x2f7: {  	v12 =	vld.idx.msk [tilespmem:v12+s30+$0x0], $0xffff;
	[tilespmem:s25+$0xFFFFFE50] =	vst v17  }
0x2f8: {  	v20 =	vld.idx.msk [tilespmem:v20+s30+$0x0], $0xffff;
	[tilespmem:s2+$0xFFFFFFA0] =	vst v37  }
0x2f9: {  	[tilespmem:s2+$0xFFFFFEA0] =	vst v2;
	v11 =	vld.idx.msk [tilespmem:v34+s30+$0x0], $0xffff  }
0x2fa: {  	[tilespmem:s2+$0xFFFFFF20] =	vst v8;
	v2 =	vld.idx.msk [tilespmem:v45+s30+$0x0], $0xffff  }
0x2fb: {  	[tilespmem:s2+$0xFFFFFE20] =	vst v44;
	v8 =	vld.idx.msk [tilespmem:v46+s30+$0x0], $0xffff  }
0x2fc: {  	[tilespmem:s25+$0xFFFFFF60] =	vst v12;
	v3 =	vld.idx.msk [tilespmem:v3+s30+$0x0], $0xffff  }
0x2fd: {  	v35 =	vld.idx.msk [tilespmem:v35+s30+$0x0], $0xffff;
	[tilespmem:s25+$0xFFFFFED0] =	vst v20  }
0x2fe: {  	v13 =	vld.idx.msk [tilespmem:v13+s30+$0x0], $0xffff;
	[tilespmem:s2+$0xFFFFFFB0] =	vst v11  }
0x2ff: {  	[tilespmem:s2+$0xFFFFFEB0] =	vst v2;
	v11 =	vld.idx.msk [tilespmem:v43+s30+$0x0], $0xffff  }
0x300: {  	[tilespmem:s2+$0xFFFFFF30] =	vst v8;
	v2 =	vld.idx.msk [tilespmem:v52+s30+$0x0], $0xffff  }
0x301: {  	[tilespmem:s2+$0xFFFFFE30] =	vst v3;
	v3 =	vld.idx.msk [tilespmem:v53+s30+$0x0], $0xffff  }
0x302: {  	[tilespmem:s25+$0xFFFFFFF0] =	vst v35;
	v8 =	vld.idx.msk [tilespmem:v40+s30+$0x0], $0xffff  }
0x303: {  	v12 =	vld.idx.msk [tilespmem:v15+s30+$0x0], $0xffff;
	[tilespmem:s25+$0xFFFFFE60] =	vst v13  }
0x304: {  	v51 =	vld.idx.msk [tilespmem:v18+s30+$0x0], $0xffff;
	[tilespmem:s2+$0xFFFFFFC0] =	vst v11  }
0x305: {  	[tilespmem:s2+$0xFFFFFEC0] =	vst v2;
	v1 =	vld.idx.msk [tilespmem:v1+s30+$0x0], $0xffff  }
0x306: {  	[tilespmem:s2+$0xFFFFFF40] =	vst v3;
	v2 =	vld.idx.msk [tilespmem:v54+s30+$0x0], $0xffff  }
0x307: {  	[tilespmem:s2+$0xFFFFFE40] =	vst v8;
	v3 =	vld.idx.msk [tilespmem:v55+s30+$0x0], $0xffff  }
0x308: {  	[tilespmem:s25+$0xFFFFFF70] =	vst v12;
	v8 =	vld.idx.msk [tilespmem:v42+s30+$0x0], $0xffff  }
0x309: {  	[tilespmem:s25+$0xFFFFFEE0] =	vst v51;
	v46 =	vld.idx.msk [tilespmem:v36+s30+$0x0], $0xffff  }
0x30a: {  	v55 =	vld.idx.msk [tilespmem:v14+s30+$0x0], $0xffff;
	[tilespmem:s2+$0xFFFFFFD0] =	vst v1  }
0x30b: {  	[tilespmem:s2+$0xFFFFFED0] =	vst v2;
	v1 =	vld.idx.msk [tilespmem:v41+s30+$0x0], $0xffff  }
0x30c: {  	[tilespmem:s2+$0xFFFFFF50] =	vst v3;
	v2 =	vld.idx.msk [tilespmem:v56+s30+$0x0], $0xffff  }
0x30d: {  	[tilespmem:s2+$0xFFFFFE50] =	vst v8;
	v3 =	vld.idx.msk [tilespmem:v57+s30+$0x0], $0xffff  }
0x30e: {  	[tilespmem:s25+$0x0] =	vst v46;
	v8 =	vld.idx.msk [tilespmem:v31+s30+$0x0], $0xffff  }
0x30f: {  	[tilespmem:s25+$0xFFFFFEF0] =	vst v55;
	v56 =	vld.idx.msk [tilespmem:v48+s30+$0x0], $0xffff  }
0x310: {  	v57 =	vld.idx.msk [tilespmem:v50+s30+$0x0], $0xffff;
	[tilespmem:s2+$0xFFFFFFE0] =	vst v1  }
0x311: {  	[tilespmem:s2+$0xFFFFFEE0] =	vst v2;
	v1 =	vld.idx.msk [tilespmem:v38+s30+$0x0], $0xffff  }
0x312: {  	[tilespmem:s2+$0xFFFFFF60] =	vst v3;
	v2 =	vld.idx.msk [tilespmem:v58+s30+$0x0], $0xffff  }
0x313: {  	[tilespmem:s2+$0xFFFFFE60] =	vst v8;
	v3 =	vld.idx.msk [tilespmem:v59+s30+$0x0], $0xffff  }
0x314: {  	[tilespmem:s25+$0xFFFFFE70] =	vst v56;
	v8 =	vld.idx.msk [tilespmem:v26+s30+$0x0], $0xffff  }
0x315: {  	[tilespmem:s25+$0xFFFFFF00] =	vst v57;
	v58 =	vld.idx.msk [tilespmem:v47+s30+$0x0], $0xffff  }
0x316: {  	v59 =	vld.idx.msk [tilespmem:v49+s30+$0x0], $0xffff;
	[tilespmem:s2+$0xFFFFFFF0] =	vst v1  }
0x317: {  	[tilespmem:s2+$0xFFFFFEF0] =	vst v2;
	v0 =	vld.idx.msk [tilespmem:v0+s30+$0x0], $0xffff  }
0x318: {  	[tilespmem:s2+$0xFFFFFF70] =	vst v3;
	v1 =	vld.idx.msk [tilespmem:v10+s30+$0x0], $0xffff  }
0x319: {  	[tilespmem:s2+$0xFFFFFE70] =	vst v8;
	v2 =	vld.idx.msk [tilespmem:v39+s30+$0x0], $0xffff  }
0x31a: {  	[tilespmem:s25+$0xFFFFFF80] =	vst v58;
	v3 =	vld.idx.msk [tilespmem:v9+s30+$0x0], $0xffff  }
0x31b: {  	[tilespmem:s25+$0xFFFFFE80] =	vst v59  }
0x31c: {  	s1 =	sshll.u32 s5, $0x13;
	[tilespmem:s2+$0x0] =	vst v0  }
0x31d: {  	s1 =	sor.u32 s6, s1;
	[tilespmem:s2+$0xFFFFFF00] =	vst v1  }
0x31e: {  	s5 =	rddreg [dreg:$0x1];
	s1 =	sshrl.u32 s1, $0x3;
	[tilespmem:s2+$0xFFFFFF80] =	vst v2  }
0x31f: {  	s0 =	sadd.s32 s5, s1;
	s25 =	simm.s32 $0x12400;
	[tilespmem:s2+$0xFFFFFE80] =	vst v3  }
0x320: {  	[hbm4b:s0+s3] =	stream.linear.scatter [tilespmem:s25], [sflag:$0x4], $0x400, $0x38;
	[tilespmem:$0x16400] =	vst v63  }
0x321: {  	s5 =	sadd.s32 s1, s7;
	s25 =	simm.s32 $0x12800  }
0x322: {  	[hbm4b:s5+s3] =	stream.linear.scatter [tilespmem:s25], [sflag:$0x4], $0x400, $0x38;
	[tilespmem:$0x16400] =	vst v63  }
0x323: {  	s5 =	sadd.s32 s1, s8;
	s25 =	simm.s32 $0x12C00  }
0x324: {  	[hbm4b:s5+s3] =	stream.linear.scatter [tilespmem:s25], [sflag:$0x4], $0x400, $0x38;
	[tilespmem:$0x16400] =	vst v63  }
0x325: {  	s5 =	sadd.s32 s1, s9;
	s25 =	simm.s32 $0x13000  }
0x326: {  	[hbm4b:s5+s3] =	stream.linear.scatter [tilespmem:s25], [sflag:$0x4], $0x400, $0x38;
	[tilespmem:$0x16400] =	vst v63  }
0x327: {  	s5 =	sadd.s32 s1, s10;
	s25 =	simm.s32 $0x13400  }
0x328: {  	[hbm4b:s5+s3] =	stream.linear.scatter [tilespmem:s25], [sflag:$0x4], $0x400, $0x38;
	[tilespmem:$0x16400] =	vst v63  }
0x329: {  	s5 =	sadd.s32 s1, s11;
	s25 =	simm.s32 $0x13800  }
0x32a: {  	[hbm4b:s5+s3] =	stream.linear.scatter [tilespmem:s25], [sflag:$0x4], $0x400, $0x38;
	[tilespmem:$0x16400] =	vst v63  }
0x32b: {  	s5 =	sadd.s32 s1, s12;
	s25 =	simm.s32 $0x13C00  }
0x32c: {  	[hbm4b:s5+s3] =	stream.linear.scatter [tilespmem:s25], [sflag:$0x4], $0x400, $0x38;
	[tilespmem:$0x16400] =	vst v63  }
0x32d: {  	s5 =	sadd.s32 s1, s13;
	s25 =	simm.s32 $0x14000  }
0x32e: {  	[hbm4b:s5+s3] =	stream.linear.scatter [tilespmem:s25], [sflag:$0x4], $0x400, $0x38;
	[tilespmem:$0x16400] =	vst v63  }
0x32f: {  	s5 =	sadd.s32 s1, s14;
	s25 =	simm.s32 $0x14400  }
0x330: {  	[hbm4b:s5+s3] =	stream.linear.scatter [tilespmem:s25], [sflag:$0x4], $0x400, $0x38;
	[tilespmem:$0x16400] =	vst v63  }
0x331: {  	s5 =	sadd.s32 s1, s15;
	s25 =	simm.s32 $0x14800  }
0x332: {  	[hbm4b:s5+s3] =	stream.linear.scatter [tilespmem:s25], [sflag:$0x4], $0x400, $0x38;
	[tilespmem:$0x16400] =	vst v63  }
0x333: {  	s5 =	sadd.s32 s1, s16;
	s25 =	simm.s32 $0x14C00  }
0x334: {  	[hbm4b:s5+s3] =	stream.linear.scatter [tilespmem:s25], [sflag:$0x4], $0x400, $0x38;
	[tilespmem:$0x16400] =	vst v63  }
0x335: {  	s5 =	sadd.s32 s1, s17;
	s25 =	simm.s32 $0x15000  }
0x336: {  	[hbm4b:s5+s3] =	stream.linear.scatter [tilespmem:s25], [sflag:$0x4], $0x400, $0x38;
	[tilespmem:$0x16400] =	vst v63  }
0x337: {  	s24 =	sadd.s32 $0x1, s24;
	s5 =	sadd.s32 s1, s18;
	s25 =	simm.s32 $0x15400  }
0x338: {  	[hbm4b:s5+s3] =	stream.linear.scatter [tilespmem:s25], [sflag:$0x4], $0x400, $0x38;
	[tilespmem:$0x16400] =	vst v63  }
0x339: {  	p0 =	sne.s32 s24, $0x32;
	s5 =	sadd.s32 s1, s19;
	s25 =	simm.s32 $0x15800  }
0x33a: {  	[hbm4b:s5+s3] =	stream.linear.scatter [tilespmem:s25], [sflag:$0x4], $0x400, $0x38;
	[tilespmem:$0x16400] =	vst v63  }
.Ltmp2:
0x33b: {  	_ = 	snop;
	(pc) =	sbr.rel @p0 .LBB2_2-.Ltmp2, $4  }
0x33c: {  	s5 =	sadd.s32 s1, s20;
	s25 =	simm.s32 $0x15C00  }
0x33d: {  	[hbm4b:s5+s3] =	stream.linear.scatter [tilespmem:s25], [sflag:$0x4], $0x400, $0x38;
	[tilespmem:$0x16400] =	vst v63  }
0x33e: {  	v3 =	vmov v4;
	v2 =	vmov v5;
	v4 =	vmov v6;
	s5 =	sadd.s32 s1, s21;
	s25 =	simm.s32 $0x16000  }
0x33f: {  	v5 =	vmovc v63;
	v6 =	vmovc v7;
	v7 =	vmov v62;
	v0 =	vmov v61;
	v1 =	vmov v60;
	[hbm4b:s5+s3] =	stream.linear.scatter [tilespmem:s25], [sflag:$0x4], $0x400, $0x38;
	[tilespmem:$0x16400] =	vst v63  }
0x340: {  	s0 =	simm.s32 $0x3  }
0x341: {  	_ =	swait.ge [sflag:s0], $0x400  }
0x342: {  	[sflag:s0] =	ssyncset.done $0x0  }
0x343: {  	[sflag:s0] =	ssyncadd.s32 $0xFFFFFC00  }
0x344: {  	_ =	swait.ge [sflag:s0], $0x400  }
0x345: {  	[sflag:s0] =	ssyncset.done $0x0  }
0x346: {  	[sflag:s0] =	ssyncadd.s32 $0xFFFFFC00  }
0x347: {  	_ =	swait.ge [sflag:s0], $0x400  }
0x348: {  	[sflag:s0] =	ssyncset.done $0x0  }
0x349: {  	[sflag:s0] =	ssyncadd.s32 $0xFFFFFC00  }
0x34a: {  	_ =	swait.ge [sflag:s0], $0x400  }
0x34b: {  	[sflag:s0] =	ssyncset.done $0x0  }
0x34c: {  	[sflag:s0] =	ssyncadd.s32 $0xFFFFFC00  }
0x34d: {  	_ =	swait.ge [sflag:s0], $0x400  }
0x34e: {  	[sflag:s0] =	ssyncset.done $0x0  }
0x34f: {  	[sflag:s0] =	ssyncadd.s32 $0xFFFFFC00  }
0x350: {  	_ =	swait.ge [sflag:s0], $0x400  }
0x351: {  	[sflag:s0] =	ssyncset.done $0x0  }
0x352: {  	[sflag:s0] =	ssyncadd.s32 $0xFFFFFC00  }
0x353: {  	_ =	swait.ge [sflag:s0], $0x400  }
0x354: {  	[sflag:s0] =	ssyncset.done $0x0  }
0x355: {  	[sflag:s0] =	ssyncadd.s32 $0xFFFFFC00  }
0x356: {  	_ =	swait.ge [sflag:s0], $0x400  }
0x357: {  	[sflag:s0] =	ssyncset.done $0x0  }
0x358: {  	[sflag:s0] =	ssyncadd.s32 $0xFFFFFC00  }
0x359: {  	_ =	swait.ge [sflag:s0], $0x400  }
0x35a: {  	[sflag:s0] =	ssyncset.done $0x0  }
0x35b: {  	[sflag:s0] =	ssyncadd.s32 $0xFFFFFC00  }
0x35c: {  	_ =	swait.ge [sflag:s0], $0x400  }
0x35d: {  	[sflag:s0] =	ssyncset.done $0x0  }
0x35e: {  	[sflag:s0] =	ssyncadd.s32 $0xFFFFFC00  }
0x35f: {  	_ =	swait.ge [sflag:s0], $0x400  }
0x360: {  	[sflag:s0] =	ssyncset.done $0x0  }
0x361: {  	[sflag:s0] =	ssyncadd.s32 $0xFFFFFC00  }
0x362: {  	_ =	swait.ge [sflag:s0], $0x400  }
0x363: {  	[sflag:s0] =	ssyncset.done $0x0  }
0x364: {  	[sflag:s0] =	ssyncadd.s32 $0xFFFFFC00  }
0x365: {  	_ =	swait.ge [sflag:s0], $0x400  }
0x366: {  	[sflag:s0] =	ssyncset.done $0x0  }
0x367: {  	[sflag:s0] =	ssyncadd.s32 $0xFFFFFC00  }
0x368: {  	_ =	swait.ge [sflag:s0], $0x400  }
0x369: {  	[sflag:s0] =	ssyncset.done $0x0  }
0x36a: {  	[sflag:s0] =	ssyncadd.s32 $0xFFFFFC00  }
0x36b: {  	_ =	swait.ge [sflag:s0], $0x400  }
0x36c: {  	[sflag:s0] =	ssyncset.done $0x0  }
0x36d: {  	[sflag:s0] =	ssyncadd.s32 $0xFFFFFC00  }
0x36e: {  	_ =	swait.ge [sflag:s0], $0x400  }
0x36f: {  	[sflag:s0] =	ssyncset.done $0x0  }
0x370: {  	s1 =	simm.s32 $0x4;
	[sflag:s0] =	ssyncadd.s32 $0xFFFFFC00  }
0x371: {  	_ =	swait.ge [sflag:s1], $0x400  }
0x372: {  	[sflag:s1] =	ssyncset.done $0x0  }
0x373: {  	[sflag:s1] =	ssyncadd.s32 $0xFFFFFC00  }
0x374: {  	_ =	swait.ge [sflag:s1], $0x400  }
0x375: {  	[sflag:s1] =	ssyncset.done $0x0  }
0x376: {  	[sflag:s1] =	ssyncadd.s32 $0xFFFFFC00  }
0x377: {  	_ =	swait.ge [sflag:s1], $0x400  }
0x378: {  	[sflag:s1] =	ssyncset.done $0x0  }
0x379: {  	[sflag:s1] =	ssyncadd.s32 $0xFFFFFC00  }
0x37a: {  	_ =	swait.ge [sflag:s1], $0x400  }
0x37b: {  	[sflag:s1] =	ssyncset.done $0x0  }
0x37c: {  	[sflag:s1] =	ssyncadd.s32 $0xFFFFFC00  }
0x37d: {  	_ =	swait.ge [sflag:s1], $0x400  }
0x37e: {  	[sflag:s1] =	ssyncset.done $0x0  }
0x37f: {  	[sflag:s1] =	ssyncadd.s32 $0xFFFFFC00  }
0x380: {  	_ =	swait.ge [sflag:s1], $0x400  }
0x381: {  	[sflag:s1] =	ssyncset.done $0x0  }
0x382: {  	[sflag:s1] =	ssyncadd.s32 $0xFFFFFC00  }
0x383: {  	_ =	swait.ge [sflag:s1], $0x400  }
0x384: {  	[sflag:s1] =	ssyncset.done $0x0  }
0x385: {  	[sflag:s1] =	ssyncadd.s32 $0xFFFFFC00  }
0x386: {  	_ =	swait.ge [sflag:s1], $0x400  }
0x387: {  	[sflag:s1] =	ssyncset.done $0x0  }
0x388: {  	[sflag:s1] =	ssyncadd.s32 $0xFFFFFC00  }
0x389: {  	_ =	swait.ge [sflag:s1], $0x400  }
0x38a: {  	[sflag:s1] =	ssyncset.done $0x0  }
0x38b: {  	[sflag:s1] =	ssyncadd.s32 $0xFFFFFC00  }
0x38c: {  	_ =	swait.ge [sflag:s1], $0x400  }
0x38d: {  	[sflag:s1] =	ssyncset.done $0x0  }
0x38e: {  	[sflag:s1] =	ssyncadd.s32 $0xFFFFFC00  }
0x38f: {  	_ =	swait.ge [sflag:s1], $0x400  }
0x390: {  	[sflag:s1] =	ssyncset.done $0x0  }
0x391: {  	[sflag:s1] =	ssyncadd.s32 $0xFFFFFC00  }
0x392: {  	_ =	swait.ge [sflag:s1], $0x400  }
0x393: {  	[sflag:s1] =	ssyncset.done $0x0  }
0x394: {  	[sflag:s1] =	ssyncadd.s32 $0xFFFFFC00  }
0x395: {  	_ =	swait.ge [sflag:s1], $0x400  }
0x396: {  	[sflag:s1] =	ssyncset.done $0x0  }
0x397: {  	[sflag:s1] =	ssyncadd.s32 $0xFFFFFC00  }
0x398: {  	_ =	swait.ge [sflag:s1], $0x400  }
0x399: {  	[sflag:s1] =	ssyncset.done $0x0  }
0x39a: {  	[sflag:s1] =	ssyncadd.s32 $0xFFFFFC00  }
0x39b: {  	_ =	swait.ge [sflag:s1], $0x400  }
0x39c: {  	[sflag:s1] =	ssyncset.done $0x0  }
0x39d: {  	[sflag:s1] =	ssyncadd.s32 $0xFFFFFC00  }
0x39e: {  	_ =	swait.ge [sflag:s1], $0x400  }
0x39f: {  	s2 =	rddreg [dreg:$0x5]  }
0x3a0: {  	s25 =	rddreg [dreg:$0x4];
	s2 =	sadd.s32 $0x1, s2  }
0x3a1: {  	p0 =	sne.s32 s2, s25  }
.Ltmp3:
0x3a2: {  	_ = 	snop;
	(pc) =	sbr.rel @p0 .LBB2_1-.Ltmp3, $3  }
0x3a3: {  	_ =	sdelay $0x1  }
0x3a4: {  	[sflag:s1] =	ssyncset.done $0x0  }
0x3a5: {  	[sflag:s1] =	ssyncadd.s32 $0xFFFFFC00  }
0x3a6: {  	_ =	sfence.sel $0x180000  }
0x3a7: {  	[bflag:$0x0] =	sbarrier.arrive $0xFFFF  }
0x3a8: {  	_ =	strace $0x90000047  }
0x3a9: {  	s0 =	stileid.u32;
	[bflag:$0x2] =	sbarrier.arrive $0xFFFF  }
0x3aa: {  	p0 =	sne.s32 s0, $0x0;
	s0 =	rddreg [dreg:$0x2]  }
0x3ab: {  	s0 =	sadd.s32 @!p0 $0x100000, s0  }
0x3ac: {  	[sflag:s0] =	ssyncadd.tile.s32 @!p0 $0x1;
	_ =	shalt  }
.Lfunc_end2:
_tile_overlayer_lowered:
.L_overlay_start_2:
0x3ad: {  	(tag) =	ssettag $0x2  }
0x3ae: {  	s0 =	rddreg [dreg:$0x0];
	s2 =	stileid.u32  }
0x3af: {  	s1 =	rddreg [dreg:$0x1];
	p0 =	sne.s32 s2, $0x0  }
0x3b0: {  	s3 =	rddreg [dreg:$0x2];
	[bflag:$0x3] =	sbarrier.arrive $0xFFFF;
	s2 =	simm.s32 @!p0 $0x1C05  }
0x3b1: {  	[timem:s3], [sflag:s2] =	dma.local @!p0 [hbm:s0], s1  }
0x3b2: {  	s0 =	simm.s32 @!p0 $0x5  }
0x3b3: {  	_ =	swait.ge @!p0 [sflag:s0], s1  }
0x3b4: {  	s1 =	ssub.s32 @!p0 $0x0, s1;
	[sflag:s0] =	ssyncset.done @!p0 $0x0  }
0x3b5: {  	[sflag:s0] =	ssyncadd.s32 @!p0 s1  }
0x3b6: {  	[bflag:$0x3] =	sbarrier.arrive $0xFFFF  }
0x3b7: {  	_ =	shalt  }

</sc_bundles>
